<compile_context>
chip_gen: v7x
topology: tpu7x:2x2x1
jax: 0.10.2.dev20260603
libtpu: 0.0.44.dev20260713+nightly
codegen_flags: <defaults>
</compile_context>

<pallas_src>
import functools

import jax
import jax.numpy as jnp
from jax import lax
from jax.experimental import pallas as pl
from jax.experimental.pallas import tpu as pltpu
from jax.experimental.pallas import tpu_sc as plsc

B = 16384
INPUT_DIM = 39
NUM_CAT = 26
VOCAB = 100000
EMB = 32
NUM_NUM = 13
HALF = NUM_CAT // 2

NC = 2
NS = 16
NW = NC * NS
SAMPLES_PER_TILE = B // NW
CHUNK = 128
NUM_CHUNKS = SAMPLES_PER_TILE // CHUNK
GROUPS = CHUNK // 16

CBLK = 8192
NBLK = (VOCAB + CBLK - 1) // CBLK


def _project_body(w_ref, t_ref, p_ref):
    p_ref[...] = jax.lax.dot_general(
        w_ref[...],
        t_ref[...],
        dimension_numbers=(((1,), (0,)), ((), ())),
        precision=jax.lax.Precision.DEFAULT,
        preferred_element_type=jnp.float32,
    )


def _gather_body(first, xt_hbm, p_hbm, pin_hbm, wb_hbm, out_hbm,
                 xv, idxv, gv, wv, outv, sem):
    wid = lax.axis_index("s") * NC + lax.axis_index("c")
    tile_base = pl.multiple_of(wid * SAMPLES_PER_TILE, SAMPLES_PER_TILE)
    col0 = NUM_NUM if first else NUM_NUM + HALF

    pltpu.sync_copy(wb_hbm, wv)

    def chunk_body(c, carry):
        base = pl.multiple_of(tile_base + c * CHUNK, CHUNK)

        pltpu.sync_copy(xt_hbm.at[:, pl.ds(base, CHUNK)], xv)
        if not first:
            pltpu.sync_copy(pin_hbm.at[pl.ds(base, CHUNK)], outv)

        def idx_body(f, carry):
            for g in range(GROUPS):
                v = xv[col0 + f, pl.ds(g * 16, 16)].astype(jnp.int32)
                idxv[f, pl.ds(g * 16, 16)] = v + f * VOCAB
            return carry

        lax.fori_loop(0, HALF, idx_body, 0)

        copies = [
            pltpu.async_copy(p_hbm.at[idxv.at[f]], gv.at[f], sem)
            for f in range(HALF)
        ]
        for cp in copies:
            cp.wait()

        wtail = wv[pl.ds(0, 16)]
        for g in range(GROUPS):
            acc = jnp.zeros((16,), jnp.float32)
            for f in range(HALF):
                acc = acc + gv[f, pl.ds(g * 16, 16)]
            if first:
                for i in range(NUM_NUM):
                    acc = acc + xv[i, pl.ds(g * 16, 16)] * wtail[i]
                outv[pl.ds(g * 16, 16)] = acc + wtail[NUM_NUM]
            else:
                outv[pl.ds(g * 16, 16)] = outv[pl.ds(g * 16, 16)] + acc

        pltpu.sync_copy(outv, out_hbm.at[pl.ds(base, CHUNK)])
        return carry

    lax.fori_loop(0, NUM_CHUNKS, chunk_body, 0)


def _make_gather(first):
    mesh = plsc.VectorSubcoreMesh(
        core_axis_name="c", subcore_axis_name="s", num_cores=NC, num_subcores=NS
    )
    return pl.kernel(
        functools.partial(_gather_body, first),
        out_type=jax.ShapeDtypeStruct((B,), jnp.float32),
        mesh=mesh,
        compiler_params=pltpu.CompilerParams(
            needs_layout_passes=False, use_tc_tiling_on_sc=False
        ),
        scratch_types=[
            pltpu.VMEM((INPUT_DIM, CHUNK), jnp.float32),
            pltpu.VMEM((HALF, CHUNK), jnp.int32),
            pltpu.VMEM((HALF, CHUNK), jnp.float32),
            pltpu.VMEM((16,), jnp.float32),
            pltpu.VMEM((CHUNK,), jnp.float32),
            pltpu.SemaphoreType.DMA,
        ],
    )


def _block_diag_weights(wseg):
    return (
        jnp.eye(HALF, dtype=jnp.float32)[:, :, None] * wseg[None]
    ).reshape(HALF, HALF * EMB)


@jax.jit
def kernel(x, tables, W, b):
    w = W[0]
    wcat = w[: NUM_CAT * EMB].reshape(NUM_CAT, EMB)
    wb = jnp.concatenate([w[NUM_CAT * EMB :], b, jnp.zeros((2,), jnp.float32)])
    xt = x.T

    tablesT = tables.transpose(0, 2, 1).reshape(NUM_CAT * EMB, VOCAB)

    halves = []
    for h in range(2):
        f0 = h * HALF
        proj = pl.pallas_call(
            _project_body,
            grid=(NBLK,),
            in_specs=[
                pl.BlockSpec((HALF, HALF * EMB), lambda i: (0, 0)),
                pl.BlockSpec((HALF * EMB, CBLK), lambda i, h=h: (h, i)),
            ],
            out_specs=pl.BlockSpec((HALF, CBLK), lambda i: (0, i)),
            out_shape=jax.ShapeDtypeStruct((HALF, VOCAB), jnp.float32),
        )
        p_flat = proj(_block_diag_weights(wcat[f0 : f0 + HALF]), tablesT)
        halves.append(p_flat.reshape(HALF * VOCAB))

    zero = jnp.zeros((B,), jnp.float32)
    partial = _make_gather(True)(xt, halves[0], zero, wb)
    out = _make_gather(False)(xt, halves[1], partial, wb)
    return out.reshape(B, 1)

# --- scband reference (transcript-rebuilt; emitter-appended) ---
"""Pipeline reference for scband-base-pytorch-embedding-model-70600672412154 (READ-ONLY COPY).

The authoritative reference and input builder live on the scoring server;
editing this copy changes nothing except your own understanding.
"""

import jax, jax.numpy as jnp
import numpy as np

B = 16384
INPUT_DIM = 39
NUM_CAT = 26
VOCAB = 100000
EMB = 32
CAT_IDCS = list(range(13, 39))
NUM_IDCS = list(range(0, 13))  # numerical indices = set(range(39)) - cat idcs, sorted
EXPANDED_DIM = len(NUM_IDCS) + NUM_CAT * EMB  # 13 + 832 = 845
OUTPUT_DIM = 1


def setup_inputs(seed: int = 0) -> dict:
    key = jax.random.key(seed)
    k1, k2, k3 = jax.random.split(key, 3)
    # x is float32 but categorical columns are cast to int inside forward; fill with
    # random non-negative integers < VOCAB so every column is a valid index.
    x = jax.random.randint(k1, (B, INPUT_DIM), 0, VOCAB).astype(jnp.float32)
    # 26 embedding tables, all [VOCAB, EMB], stacked: [26, VOCAB, EMB]
    tables = jax.random.normal(k2, (NUM_CAT, VOCAB, EMB), dtype=jnp.float32) * 0.01
    # final Linear(expanded_dim -> output_dim)
    W = jax.random.normal(k3, (OUTPUT_DIM, EXPANDED_DIM), dtype=jnp.float32) * 0.02
    b = jnp.zeros((OUTPUT_DIM,), dtype=jnp.float32)
    return {"x": x, "tables": tables, "W": W, "b": b}


def reference(x, tables, W, b):
    # forward_embeddings: per-field gather from each embedding table
    cat_idx = x[:, jnp.array(CAT_IDCS)].astype(jnp.int32)  # [B, 26]
    embs = [jnp.take(tables[i], cat_idx[:, i], axis=0) for i in range(NUM_CAT)]
    x_cat = jnp.concatenate(embs, axis=1)          # [B, 26*EMB]
    x_num = x[:, jnp.array(NUM_IDCS)]              # [B, 13]
    h = jnp.concatenate([x_cat, x_num], axis=1)    # [B, 845]
    # model: single Linear layer
    return h @ W.T + b

if __name__ == "__main__":
    import jax
    _d = setup_inputs()
    print(jax.jit(kernel)(*tuple(_d.values())))

</pallas_src>

<mosaic_0001>
#map = affine_map<(d0, d1) -> (0, 0)>
#map1 = affine_map<(d0, d1) -> (0)>
module attributes {stable_mosaic.version = 14 : i64} {
  func.func @_gather_body(%arg0: i32, %arg1: i32, %arg2: memref<39x16384xf32, #tpu.memory_space<hbm>>, %arg3: memref<1300000xf32, #tpu.memory_space<hbm>>, %arg4: memref<16384xf32, #tpu.memory_space<hbm>>, %arg5: memref<16xf32, #tpu.memory_space<hbm>>, %arg6: memref<16384xf32, #tpu.memory_space<hbm>>, %arg7: memref<39x128xf32, #tpu.memory_space<vmem>>, %arg8: memref<13x128xi32, #tpu.memory_space<vmem>>, %arg9: memref<13x128xf32, #tpu.memory_space<vmem>>, %arg10: memref<16xf32, #tpu.memory_space<vmem>>, %arg11: memref<128xf32, #tpu.memory_space<vmem>>, %arg12: memref<!tpu.dma_semaphore, #tpu.memory_space<semaphore_mem>>) attributes {dimension_semantics = [#tpu.dimension_semantics<core_parallel>, #tpu.dimension_semantics<subcore_parallel>], iteration_bounds = array<i64: 2, 16>, scalar_prefetch = 0 : i64, scratch_operands = 6 : i64, tpu.core_type = #tpu.core_type<sc_vector_subcore>, window_params = [{transform_indices = #map}, {transform_indices = #map1}, {transform_indices = #map1}, {transform_indices = #map1}, {transform_indices = #map1}]} {
    %mul3A = arith.constant 2 : i32
    %mul3A_0 = arith.muli %arg1, %mul3A : i32
    %add3A = arith.addi %mul3A_0, %arg0 : i32
    %mul3A_1 = arith.constant 512 : i32
    %mul3A_2 = arith.muli %add3A, %mul3A_1 : i32
    %multiple_of3A = tpu.assume_multiple %mul3A_2, 512 : i32
    "tpu.region"() ({
      %run_scoped3A = tpu.sem_alloc : memref<!tpu.dma_semaphore, #tpu.memory_space<semaphore_mem>>
      tpu.enqueue_dma source(%arg5 : memref<16xf32, #tpu.memory_space<hbm>>) target(%arg10 : memref<16xf32, #tpu.memory_space<vmem>>) target_semaphore(%run_scoped3A : memref<!tpu.dma_semaphore, #tpu.memory_space<semaphore_mem>>)
      tpu.wait_dma2 semaphore(%run_scoped3A : memref<!tpu.dma_semaphore, #tpu.memory_space<semaphore_mem>>) src(%arg5 : memref<16xf32, #tpu.memory_space<hbm>>) dst(%arg10 : memref<16xf32, #tpu.memory_space<vmem>>)
      tpu.yield
    }) : () -> ()
    %scan3A = arith.constant 0 : i32
    %scan3A_3 = arith.constant 0 : i32
    %scan3A_4 = arith.constant 4 : i32
    %scan3A_5 = arith.addi %scan3A_3, %scan3A_4 : i32
    %scan3A_6 = arith.constant 1 : i32
    scf.for %scan3A_8 = %scan3A_3 to %scan3A_5 step %scan3A_6  : i32 {
      %mul3A_9 = arith.constant 128 : i32
      %mul3A_10 = arith.muli %scan3A_8, %mul3A_9 : i32
      %add3A_11 = arith.addi %multiple_of3A, %mul3A_10 : i32
      %multiple_of3A_12 = tpu.assume_multiple %add3A_11, 128 : i32
      "tpu.region"() ({
        %run_scoped3A = tpu.sem_alloc : memref<!tpu.dma_semaphore, #tpu.memory_space<semaphore_mem>>
        %dma_start3A_1794 = arith.constant 0 : i32
        %dma_start3A_1795 = tpu.memref_slice %arg2[%dma_start3A_1794, %multiple_of3A_12] : memref<39x16384xf32, #tpu.memory_space<hbm>> -> memref<39x128xf32, #tpu.memory_space<hbm>>
        %dma_start3A_1796 = arith.constant 0 : i32
        %dma_start3A_1797 = tpu.memref_slice %arg2[%dma_start3A_1796, %multiple_of3A_12] : memref<39x16384xf32, #tpu.memory_space<hbm>> -> memref<39x128xf32, #tpu.memory_space<hbm>>
        tpu.enqueue_dma source(%dma_start3A_1797 : memref<39x128xf32, #tpu.memory_space<hbm>>) target(%arg7 : memref<39x128xf32, #tpu.memory_space<vmem>>) target_semaphore(%run_scoped3A : memref<!tpu.dma_semaphore, #tpu.memory_space<semaphore_mem>>)
        %dma_wait3A_1798 = arith.constant 0 : i32
        %dma_wait3A_1799 = tpu.memref_slice %arg2[%dma_wait3A_1798, %multiple_of3A_12] : memref<39x16384xf32, #tpu.memory_space<hbm>> -> memref<39x128xf32, #tpu.memory_space<hbm>>
        %dma_wait3A_1800 = arith.constant 0 : i32
        %dma_wait3A_1801 = tpu.memref_slice %arg2[%dma_wait3A_1800, %multiple_of3A_12] : memref<39x16384xf32, #tpu.memory_space<hbm>> -> memref<39x128xf32, #tpu.memory_space<hbm>>
        tpu.wait_dma2 semaphore(%run_scoped3A : memref<!tpu.dma_semaphore, #tpu.memory_space<semaphore_mem>>) src(%dma_wait3A_1801 : memref<39x128xf32, #tpu.memory_space<hbm>>) dst(%arg7 : memref<39x128xf32, #tpu.memory_space<vmem>>)
        tpu.yield
      }) : () -> ()
      %scan3A_13 = arith.constant 0 : i32
      %scan3A_14 = arith.constant 0 : i32
      %scan3A_15 = arith.constant 13 : i32
      %scan3A_16 = arith.addi %scan3A_14, %scan3A_15 : i32
      %scan3A_17 = arith.constant 1 : i32
      scf.for %scan3A_1794 = %scan3A_14 to %scan3A_16 step %scan3A_17  : i32 {
        %add3A_1795 = arith.constant 13 : i32
        %add3A_1796 = arith.addi %add3A_1795, %scan3A_1794 : i32
        %get3A_1797 = arith.index_cast %add3A_1796 : i32 to index
        %get3A_1798 = arith.constant 0 : index
        %get3A_1799 = tpu.vector_load %arg7[%get3A_1797, %get3A_1798] {strides = array<i32>} : memref<39x128xf32, #tpu.memory_space<vmem>>, vector<16xf32>,
        %convert_element_type3A = arith.fptosi %get3A_1799 : vector<16xf32> to vector<16xi32>
        %mul3A_1800 = arith.constant 100000 : i32
        %mul3A_1801 = arith.muli %scan3A_1794, %mul3A_1800 : i32
        %add3A_1802 = vector.broadcast %mul3A_1801 : i32 to vector<16xi32>
        %add3A_1803 = arith.addi %convert_element_type3A, %add3A_1802 : vector<16xi32>
        %swap3A_1804 = arith.index_cast %scan3A_1794 : i32 to index
        %swap3A_1805 = arith.constant 0 : index
        %swap3A_1806 = tpu.vector_load %arg8[%swap3A_1804, %swap3A_1805] {strides = array<i32>} : memref<13x128xi32, #tpu.memory_space<vmem>>, vector<16xi32>,
        tpu.vector_store %arg8[%swap3A_1804, %swap3A_1805], %add3A_1803 {strides = array<i32>} : memref<13x128xi32, #tpu.memory_space<vmem>>, vector<16xi32>,
        %add3A_1807 = arith.constant 13 : i32
        %add3A_1808 = arith.addi %add3A_1807, %scan3A_1794 : i32
        %get3A_1809 = arith.index_cast %add3A_1808 : i32 to index
        %get3A_1810 = arith.constant 16 : index
        %get3A_1811 = tpu.vector_load %arg7[%get3A_1809, %get3A_1810] {strides = array<i32>} : memref<39x128xf32, #tpu.memory_space<vmem>>, vector<16xf32>,
        %convert_element_type3A_1812 = arith.fptosi %get3A_1811 : vector<16xf32> to vector<16xi32>
        %mul3A_1813 = arith.constant 100000 : i32
        %mul3A_1814 = arith.muli %scan3A_1794, %mul3A_1813 : i32
        %add3A_1815 = vector.broadcast %mul3A_1814 : i32 to vector<16xi32>
        %add3A_1816 = arith.addi %convert_element_type3A_1812, %add3A_1815 : vector<16xi32>
        %swap3A_1817 = arith.index_cast %scan3A_1794 : i32 to index
        %swap3A_1818 = arith.constant 16 : index
        %swap3A_1819 = tpu.vector_load %arg8[%swap3A_1817, %swap3A_1818] {strides = array<i32>} : memref<13x128xi32, #tpu.memory_space<vmem>>, vector<16xi32>,
        tpu.vector_store %arg8[%swap3A_1817, %swap3A_1818], %add3A_1816 {strides = array<i32>} : memref<13x128xi32, #tpu.memory_space<vmem>>, vector<16xi32>,
        %add3A_1820 = arith.constant 13 : i32
        %add3A_1821 = arith.addi %add3A_1820, %scan3A_1794 : i32
        %get3A_1822 = arith.index_cast %add3A_1821 : i32 to index
        %get3A_1823 = arith.constant 32 : index
        %get3A_1824 = tpu.vector_load %arg7[%get3A_1822, %get3A_1823] {strides = array<i32>} : memref<39x128xf32, #tpu.memory_space<vmem>>, vector<16xf32>,
        %convert_element_type3A_1825 = arith.fptosi %get3A_1824 : vector<16xf32> to vector<16xi32>
        %mul3A_1826 = arith.constant 100000 : i32
        %mul3A_1827 = arith.muli %scan3A_1794, %mul3A_1826 : i32
        %add3A_1828 = vector.broadcast %mul3A_1827 : i32 to vector<16xi32>
        %add3A_1829 = arith.addi %convert_element_type3A_1825, %add3A_1828 : vector<16xi32>
        %swap3A_1830 = arith.index_cast %scan3A_1794 : i32 to index
        %swap3A_1831 = arith.constant 32 : index
        %swap3A_1832 = tpu.vector_load %arg8[%swap3A_1830, %swap3A_1831] {strides = array<i32>} : memref<13x128xi32, #tpu.memory_space<vmem>>, vector<16xi32>,
        tpu.vector_store %arg8[%swap3A_1830, %swap3A_1831], %add3A_1829 {strides = array<i32>} : memref<13x128xi32, #tpu.memory_space<vmem>>, vector<16xi32>,
        %add3A_1833 = arith.constant 13 : i32
        %add3A_1834 = arith.addi %add3A_1833, %scan3A_1794 : i32
        %get3A_1835 = arith.index_cast %add3A_1834 : i32 to index
        %get3A_1836 = arith.constant 48 : index
        %get3A_1837 = tpu.vector_load %arg7[%get3A_1835, %get3A_1836] {strides = array<i32>} : memref<39x128xf32, #tpu.memory_space<vmem>>, vector<16xf32>,
        %convert_element_type3A_1838 = arith.fptosi %get3A_1837 : vector<16xf32> to vector<16xi32>
        %mul3A_1839 = arith.constant 100000 : i32
        %mul3A_1840 = arith.muli %scan3A_1794, %mul3A_1839 : i32
        %add3A_1841 = vector.broadcast %mul3A_1840 : i32 to vector<16xi32>
        %add3A_1842 = arith.addi %convert_element_type3A_1838, %add3A_1841 : vector<16xi32>
        %swap3A_1843 = arith.index_cast %scan3A_1794 : i32 to index
        %swap3A_1844 = arith.constant 48 : index
        %swap3A_1845 = tpu.vector_load %arg8[%swap3A_1843, %swap3A_1844] {strides = array<i32>} : memref<13x128xi32, #tpu.memory_space<vmem>>, vector<16xi32>,
        tpu.vector_store %arg8[%swap3A_1843, %swap3A_1844], %add3A_1842 {strides = array<i32>} : memref<13x128xi32, #tpu.memory_space<vmem>>, vector<16xi32>,
        %add3A_1846 = arith.constant 13 : i32
        %add3A_1847 = arith.addi %add3A_1846, %scan3A_1794 : i32
        %get3A_1848 = arith.index_cast %add3A_1847 : i32 to index
        %get3A_1849 = arith.constant 64 : index
        %get3A_1850 = tpu.vector_load %arg7[%get3A_1848, %get3A_1849] {strides = array<i32>} : memref<39x128xf32, #tpu.memory_space<vmem>>, vector<16xf32>,
        %convert_element_type3A_1851 = arith.fptosi %get3A_1850 : vector<16xf32> to vector<16xi32>
        %mul3A_1852 = arith.constant 100000 : i32
        %mul3A_1853 = arith.muli %scan3A_1794, %mul3A_1852 : i32
        %add3A_1854 = vector.broadcast %mul3A_1853 : i32 to vector<16xi32>
        %add3A_1855 = arith.addi %convert_element_type3A_1851, %add3A_1854 : vector<16xi32>
        %swap3A_1856 = arith.index_cast %scan3A_1794 : i32 to index
        %swap3A_1857 = arith.constant 64 : index
        %swap3A_1858 = tpu.vector_load %arg8[%swap3A_1856, %swap3A_1857] {strides = array<i32>} : memref<13x128xi32, #tpu.memory_space<vmem>>, vector<16xi32>,
        tpu.vector_store %arg8[%swap3A_1856, %swap3A_1857], %add3A_1855 {strides = array<i32>} : memref<13x128xi32, #tpu.memory_space<vmem>>, vector<16xi32>,
        %add3A_1859 = arith.constant 13 : i32
        %add3A_1860 = arith.addi %add3A_1859, %scan3A_1794 : i32
        %get3A_1861 = arith.index_cast %add3A_1860 : i32 to index
        %get3A_1862 = arith.constant 80 : index
        %get3A_1863 = tpu.vector_load %arg7[%get3A_1861, %get3A_1862] {strides = array<i32>} : memref<39x128xf32, #tpu.memory_space<vmem>>, vector<16xf32>,
        %convert_element_type3A_1864 = arith.fptosi %get3A_1863 : vector<16xf32> to vector<16xi32>
        %mul3A_1865 = arith.constant 100000 : i32
        %mul3A_1866 = arith.muli %scan3A_1794, %mul3A_1865 : i32
        %add3A_1867 = vector.broadcast %mul3A_1866 : i32 to vector<16xi32>
        %add3A_1868 = arith.addi %convert_element_type3A_1864, %add3A_1867 : vector<16xi32>
        %swap3A_1869 = arith.index_cast %scan3A_1794 : i32 to index
        %swap3A_1870 = arith.constant 80 : index
        %swap3A_1871 = tpu.vector_load %arg8[%swap3A_1869, %swap3A_1870] {strides = array<i32>} : memref<13x128xi32, #tpu.memory_space<vmem>>, vector<16xi32>,
        tpu.vector_store %arg8[%swap3A_1869, %swap3A_1870], %add3A_1868 {strides = array<i32>} : memref<13x128xi32, #tpu.memory_space<vmem>>, vector<16xi32>,
        %add3A_1872 = arith.constant 13 : i32
        %add3A_1873 = arith.addi %add3A_1872, %scan3A_1794 : i32
        %get3A_1874 = arith.index_cast %add3A_1873 : i32 to index
        %get3A_1875 = arith.constant 96 : index
        %get3A_1876 = tpu.vector_load %arg7[%get3A_1874, %get3A_1875] {strides = array<i32>} : memref<39x128xf32, #tpu.memory_space<vmem>>, vector<16xf32>,
        %convert_element_type3A_1877 = arith.fptosi %get3A_1876 : vector<16xf32> to vector<16xi32>
        %mul3A_1878 = arith.constant 100000 : i32
        %mul3A_1879 = arith.muli %scan3A_1794, %mul3A_1878 : i32
        %add3A_1880 = vector.broadcast %mul3A_1879 : i32 to vector<16xi32>
        %add3A_1881 = arith.addi %convert_element_type3A_1877, %add3A_1880 : vector<16xi32>
        %swap3A_1882 = arith.index_cast %scan3A_1794 : i32 to index
        %swap3A_1883 = arith.constant 96 : index
        %swap3A_1884 = tpu.vector_load %arg8[%swap3A_1882, %swap3A_1883] {strides = array<i32>} : memref<13x128xi32, #tpu.memory_space<vmem>>, vector<16xi32>,
        tpu.vector_store %arg8[%swap3A_1882, %swap3A_1883], %add3A_1881 {strides = array<i32>} : memref<13x128xi32, #tpu.memory_space<vmem>>, vector<16xi32>,
        %add3A_1885 = arith.constant 13 : i32
        %add3A_1886 = arith.addi %add3A_1885, %scan3A_1794 : i32
        %get3A_1887 = arith.index_cast %add3A_1886 : i32 to index
        %get3A_1888 = arith.constant 112 : index
        %get3A_1889 = tpu.vector_load %arg7[%get3A_1887, %get3A_1888] {strides = array<i32>} : memref<39x128xf32, #tpu.memory_space<vmem>>, vector<16xf32>,
        %convert_element_type3A_1890 = arith.fptosi %get3A_1889 : vector<16xf32> to vector<16xi32>
        %mul3A_1891 = arith.constant 100000 : i32
        %mul3A_1892 = arith.muli %scan3A_1794, %mul3A_1891 : i32
        %add3A_1893 = vector.broadcast %mul3A_1892 : i32 to vector<16xi32>
        %add3A_1894 = arith.addi %convert_element_type3A_1890, %add3A_1893 : vector<16xi32>
        %swap3A_1895 = arith.index_cast %scan3A_1794 : i32 to index
        %swap3A_1896 = arith.constant 112 : index
        %swap3A_1897 = tpu.vector_load %arg8[%swap3A_1895, %swap3A_1896] {strides = array<i32>} : memref<13x128xi32, #tpu.memory_space<vmem>>, vector<16xi32>,
        tpu.vector_store %arg8[%swap3A_1895, %swap3A_1896], %add3A_1894 {strides = array<i32>} : memref<13x128xi32, #tpu.memory_space<vmem>>, vector<16xi32>,
      }
      %scan3A_18 = arith.constant 13 : i32
      %dma_start3A = arith.constant 0 : i32
      %dma_start3A_19 = arith.constant 0 : i32
      %dma_start3A_20 = arith.constant 0 : i32
      %dma_start3A_21 = tpu.memref_slice %arg9[%dma_start3A_19, %dma_start3A_20] : memref<13x128xf32, #tpu.memory_space<vmem>> -> memref<1x128xf32, #tpu.memory_space<vmem>>
      %dma_start3A_22 = tpu.memref_squeeze %dma_start3A_21 : memref<1x128xf32, #tpu.memory_space<vmem>> -> memref<128xf32, #tpu.memory_space<vmem>>
      %dma_start3A_23 = arith.constant 0 : i32
      %dma_start3A_24 = tpu.memref_slice %arg8[%dma_start3A, %dma_start3A_23] : memref<13x128xi32, #tpu.memory_space<vmem>> -> memref<1x128xi32, #tpu.memory_space<vmem>>
      %dma_start3A_25 = tpu.memref_squeeze %dma_start3A_24 : memref<1x128xi32, #tpu.memory_space<vmem>> -> memref<128xi32, #tpu.memory_space<vmem>>
      %dma_start3A_26 = arith.constant 0 : i32
      %dma_start3A_27 = tpu.memref_slice %arg3[%dma_start3A_26] : memref<1300000xf32, #tpu.memory_space<hbm>> -> memref<1300000xf32, #tpu.memory_space<hbm>>
      tpu.enqueue_indirect_dma source(%dma_start3A_27 : memref<1300000xf32, #tpu.memory_space<hbm>>) target(%dma_start3A_22 : memref<128xf32, #tpu.memory_space<vmem>>) offsets(%dma_start3A_25 : memref<128xi32, #tpu.memory_space<vmem>>) semaphore(%arg12 : memref<!tpu.dma_semaphore, #tpu.memory_space<semaphore_mem>>)
      %dma_start3A_28 = arith.constant 1 : i32
      %dma_start3A_29 = arith.constant 1 : i32
      %dma_start3A_30 = arith.constant 0 : i32
      %dma_start3A_31 = tpu.memref_slice %arg9[%dma_start3A_29, %dma_start3A_30] : memref<13x128xf32, #tpu.memory_space<vmem>> -> memref<1x128xf32, #tpu.memory_space<vmem>>
      %dma_start3A_32 = tpu.memref_squeeze %dma_start3A_31 : memref<1x128xf32, #tpu.memory_space<vmem>> -> memref<128xf32, #tpu.memory_space<vmem>>
      %dma_start3A_33 = arith.constant 0 : i32
      %dma_start3A_34 = tpu.memref_slice %arg8[%dma_start3A_28, %dma_start3A_33] : memref<13x128xi32, #tpu.memory_space<vmem>> -> memref<1x128xi32, #tpu.memory_space<vmem>>
      %dma_start3A_35 = tpu.memref_squeeze %dma_start3A_34 : memref<1x128xi32, #tpu.memory_space<vmem>> -> memref<128xi32, #tpu.memory_space<vmem>>
      %dma_start3A_36 = arith.constant 0 : i32
      %dma_start3A_37 = tpu.memref_slice %arg3[%dma_start3A_36] : memref<1300000xf32, #tpu.memory_space<hbm>> -> memref<1300000xf32, #tpu.memory_space<hbm>>
      tpu.enqueue_indirect_dma source(%dma_start3A_37 : memref<1300000xf32, #tpu.memory_space<hbm>>) target(%dma_start3A_32 : memref<128xf32, #tpu.memory_space<vmem>>) offsets(%dma_start3A_35 : memref<128xi32, #tpu.memory_space<vmem>>) semaphore(%arg12 : memref<!tpu.dma_semaphore, #tpu.memory_space<semaphore_mem>>)
      %dma_start3A_38 = arith.constant 2 : i32
      %dma_start3A_39 = arith.constant 2 : i32
      %dma_start3A_40 = arith.constant 0 : i32
      %dma_start3A_41 = tpu.memref_slice %arg9[%dma_start3A_39, %dma_start3A_40] : memref<13x128xf32, #tpu.memory_space<vmem>> -> memref<1x128xf32, #tpu.memory_space<vmem>>
      %dma_start3A_42 = tpu.memref_squeeze %dma_start3A_41 : memref<1x128xf32, #tpu.memory_space<vmem>> -> memref<128xf32, #tpu.memory_space<vmem>>
      %dma_start3A_43 = arith.constant 0 : i32
      %dma_start3A_44 = tpu.memref_slice %arg8[%dma_start3A_38, %dma_start3A_43] : memref<13x128xi32, #tpu.memory_space<vmem>> -> memref<1x128xi32, #tpu.memory_space<vmem>>
      %dma_start3A_45 = tpu.memref_squeeze %dma_start3A_44 : memref<1x128xi32, #tpu.memory_space<vmem>> -> memref<128xi32, #tpu.memory_space<vmem>>
      %dma_start3A_46 = arith.constant 0 : i32
      %dma_start3A_47 = tpu.memref_slice %arg3[%dma_start3A_46] : memref<1300000xf32, #tpu.memory_space<hbm>> -> memref<1300000xf32, #tpu.memory_space<hbm>>
      tpu.enqueue_indirect_dma source(%dma_start3A_47 : memref<1300000xf32, #tpu.memory_space<hbm>>) target(%dma_start3A_42 : memref<128xf32, #tpu.memory_space<vmem>>) offsets(%dma_start3A_45 : memref<128xi32, #tpu.memory_space<vmem>>) semaphore(%arg12 : memref<!tpu.dma_semaphore, #tpu.memory_space<semaphore_mem>>)
      %dma_start3A_48 = arith.constant 3 : i32
      %dma_start3A_49 = arith.constant 3 : i32
      %dma_start3A_50 = arith.constant 0 : i32
      %dma_start3A_51 = tpu.memref_slice %arg9[%dma_start3A_49, %dma_start3A_50] : memref<13x128xf32, #tpu.memory_space<vmem>> -> memref<1x128xf32, #tpu.memory_space<vmem>>
      %dma_start3A_52 = tpu.memref_squeeze %dma_start3A_51 : memref<1x128xf32, #tpu.memory_space<vmem>> -> memref<128xf32, #tpu.memory_space<vmem>>
      %dma_start3A_53 = arith.constant 0 : i32
      %dma_start3A_54 = tpu.memref_slice %arg8[%dma_start3A_48, %dma_start3A_53] : memref<13x128xi32, #tpu.memory_space<vmem>> -> memref<1x128xi32, #tpu.memory_space<vmem>>
      %dma_start3A_55 = tpu.memref_squeeze %dma_start3A_54 : memref<1x128xi32, #tpu.memory_space<vmem>> -> memref<128xi32, #tpu.memory_space<vmem>>
      %dma_start3A_56 = arith.constant 0 : i32
      %dma_start3A_57 = tpu.memref_slice %arg3[%dma_start3A_56] : memref<1300000xf32, #tpu.memory_space<hbm>> -> memref<1300000xf32, #tpu.memory_space<hbm>>
      tpu.enqueue_indirect_dma source(%dma_start3A_57 : memref<1300000xf32, #tpu.memory_space<hbm>>) target(%dma_start3A_52 : memref<128xf32, #tpu.memory_space<vmem>>) offsets(%dma_start3A_55 : memref<128xi32, #tpu.memory_space<vmem>>) semaphore(%arg12 : memref<!tpu.dma_semaphore, #tpu.memory_space<semaphore_mem>>)
      %dma_start3A_58 = arith.constant 4 : i32
      %dma_start3A_59 = arith.constant 4 : i32
      %dma_start3A_60 = arith.constant 0 : i32
      %dma_start3A_61 = tpu.memref_slice %arg9[%dma_start3A_59, %dma_start3A_60] : memref<13x128xf32, #tpu.memory_space<vmem>> -> memref<1x128xf32, #tpu.memory_space<vmem>>
      %dma_start3A_62 = tpu.memref_squeeze %dma_start3A_61 : memref<1x128xf32, #tpu.memory_space<vmem>> -> memref<128xf32, #tpu.memory_space<vmem>>
      %dma_start3A_63 = arith.constant 0 : i32
      %dma_start3A_64 = tpu.memref_slice %arg8[%dma_start3A_58, %dma_start3A_63] : memref<13x128xi32, #tpu.memory_space<vmem>> -> memref<1x128xi32, #tpu.memory_space<vmem>>
      %dma_start3A_65 = tpu.memref_squeeze %dma_start3A_64 : memref<1x128xi32, #tpu.memory_space<vmem>> -> memref<128xi32, #tpu.memory_space<vmem>>
      %dma_start3A_66 = arith.constant 0 : i32
      %dma_start3A_67 = tpu.memref_slice %arg3[%dma_start3A_66] : memref<1300000xf32, #tpu.memory_space<hbm>> -> memref<1300000xf32, #tpu.memory_space<hbm>>
      tpu.enqueue_indirect_dma source(%dma_start3A_67 : memref<1300000xf32, #tpu.memory_space<hbm>>) target(%dma_start3A_62 : memref<128xf32, #tpu.memory_space<vmem>>) offsets(%dma_start3A_65 : memref<128xi32, #tpu.memory_space<vmem>>) semaphore(%arg12 : memref<!tpu.dma_semaphore, #tpu.memory_space<semaphore_mem>>)
      %dma_start3A_68 = arith.constant 5 : i32
      %dma_start3A_69 = arith.constant 5 : i32
      %dma_start3A_70 = arith.constant 0 : i32
      %dma_start3A_71 = tpu.memref_slice %arg9[%dma_start3A_69, %dma_start3A_70] : memref<13x128xf32, #tpu.memory_space<vmem>> -> memref<1x128xf32, #tpu.memory_space<vmem>>
      %dma_start3A_72 = tpu.memref_squeeze %dma_start3A_71 : memref<1x128xf32, #tpu.memory_space<vmem>> -> memref<128xf32, #tpu.memory_space<vmem>>
      %dma_start3A_73 = arith.constant 0 : i32
      %dma_start3A_74 = tpu.memref_slice %arg8[%dma_start3A_68, %dma_start3A_73] : memref<13x128xi32, #tpu.memory_space<vmem>> -> memref<1x128xi32, #tpu.memory_space<vmem>>
      %dma_start3A_75 = tpu.memref_squeeze %dma_start3A_74 : memref<1x128xi32, #tpu.memory_space<vmem>> -> memref<128xi32, #tpu.memory_space<vmem>>
      %dma_start3A_76 = arith.constant 0 : i32
      %dma_start3A_77 = tpu.memref_slice %arg3[%dma_start3A_76] : memref<1300000xf32, #tpu.memory_space<hbm>> -> memref<1300000xf32, #tpu.memory_space<hbm>>
      tpu.enqueue_indirect_dma source(%dma_start3A_77 : memref<1300000xf32, #tpu.memory_space<hbm>>) target(%dma_start3A_72 : memref<128xf32, #tpu.memory_space<vmem>>) offsets(%dma_start3A_75 : memref<128xi32, #tpu.memory_space<vmem>>) semaphore(%arg12 : memref<!tpu.dma_semaphore, #tpu.memory_space<semaphore_mem>>)
      %dma_start3A_78 = arith.constant 6 : i32
      %dma_start3A_79 = arith.constant 6 : i32
      %dma_start3A_80 = arith.constant 0 : i32
      %dma_start3A_81 = tpu.memref_slice %arg9[%dma_start3A_79, %dma_start3A_80] : memref<13x128xf32, #tpu.memory_space<vmem>> -> memref<1x128xf32, #tpu.memory_space<vmem>>
      %dma_start3A_82 = tpu.memref_squeeze %dma_start3A_81 : memref<1x128xf32, #tpu.memory_space<vmem>> -> memref<128xf32, #tpu.memory_space<vmem>>
      %dma_start3A_83 = arith.constant 0 : i32
      %dma_start3A_84 = tpu.memref_slice %arg8[%dma_start3A_78, %dma_start3A_83] : memref<13x128xi32, #tpu.memory_space<vmem>> -> memref<1x128xi32, #tpu.memory_space<vmem>>
      %dma_start3A_85 = tpu.memref_squeeze %dma_start3A_84 : memref<1x128xi32, #tpu.memory_space<vmem>> -> memref<128xi32, #tpu.memory_space<vmem>>
      %dma_start3A_86 = arith.constant 0 : i32
      %dma_start3A_87 = tpu.memref_slice %arg3[%dma_start3A_86] : memref<1300000xf32, #tpu.memory_space<hbm>> -> memref<1300000xf32, #tpu.memory_space<hbm>>
      tpu.enqueue_indirect_dma source(%dma_start3A_87 : memref<1300000xf32, #tpu.memory_space<hbm>>) target(%dma_start3A_82 : memref<128xf32, #tpu.memory_space<vmem>>) offsets(%dma_start3A_85 : memref<128xi32, #tpu.memory_space<vmem>>) semaphore(%arg12 : memref<!tpu.dma_semaphore, #tpu.memory_space<semaphore_mem>>)
      %dma_start3A_88 = arith.constant 7 : i32
      %dma_start3A_89 = arith.constant 7 : i32
      %dma_start3A_90 = arith.constant 0 : i32
      %dma_start3A_91 = tpu.memref_slice %arg9[%dma_start3A_89, %dma_start3A_90] : memref<13x128xf32, #tpu.memory_space<vmem>> -> memref<1x128xf32, #tpu.memory_space<vmem>>
      %dma_start3A_92 = tpu.memref_squeeze %dma_start3A_91 : memref<1x128xf32, #tpu.memory_space<vmem>> -> memref<128xf32, #tpu.memory_space<vmem>>
      %dma_start3A_93 = arith.constant 0 : i32
      %dma_start3A_94 = tpu.memref_slice %arg8[%dma_start3A_88, %dma_start3A_93] : memref<13x128xi32, #tpu.memory_space<vmem>> -> memref<1x128xi32, #tpu.memory_space<vmem>>
      %dma_start3A_95 = tpu.memref_squeeze %dma_start3A_94 : memref<1x128xi32, #tpu.memory_space<vmem>> -> memref<128xi32, #tpu.memory_space<vmem>>
      %dma_start3A_96 = arith.constant 0 : i32
      %dma_start3A_97 = tpu.memref_slice %arg3[%dma_start3A_96] : memref<1300000xf32, #tpu.memory_space<hbm>> -> memref<1300000xf32, #tpu.memory_space<hbm>>
      tpu.enqueue_indirect_dma source(%dma_start3A_97 : memref<1300000xf32, #tpu.memory_space<hbm>>) target(%dma_start3A_92 : memref<128xf32, #tpu.memory_space<vmem>>) offsets(%dma_start3A_95 : memref<128xi32, #tpu.memory_space<vmem>>) semaphore(%arg12 : memref<!tpu.dma_semaphore, #tpu.memory_space<semaphore_mem>>)
      %dma_start3A_98 = arith.constant 8 : i32
      %dma_start3A_99 = arith.constant 8 : i32
      %dma_start3A_100 = arith.constant 0 : i32
      %dma_start3A_101 = tpu.memref_slice %arg9[%dma_start3A_99, %dma_start3A_100] : memref<13x128xf32, #tpu.memory_space<vmem>> -> memref<1x128xf32, #tpu.memory_space<vmem>>
      %dma_start3A_102 = tpu.memref_squeeze %dma_start3A_101 : memref<1x128xf32, #tpu.memory_space<vmem>> -> memref<128xf32, #tpu.memory_space<vmem>>
      %dma_start3A_103 = arith.constant 0 : i32
      %dma_start3A_104 = tpu.memref_slice %arg8[%dma_start3A_98, %dma_start3A_103] : memref<13x128xi32, #tpu.memory_space<vmem>> -> memref<1x128xi32, #tpu.memory_space<vmem>>
      %dma_start3A_105 = tpu.memref_squeeze %dma_start3A_104 : memref<1x128xi32, #tpu.memory_space<vmem>> -> memref<128xi32, #tpu.memory_space<vmem>>
      %dma_start3A_106 = arith.constant 0 : i32
      %dma_start3A_107 = tpu.memref_slice %arg3[%dma_start3A_106] : memref<1300000xf32, #tpu.memory_space<hbm>> -> memref<1300000xf32, #tpu.memory_space<hbm>>
      tpu.enqueue_indirect_dma source(%dma_start3A_107 : memref<1300000xf32, #tpu.memory_space<hbm>>) target(%dma_start3A_102 : memref<128xf32, #tpu.memory_space<vmem>>) offsets(%dma_start3A_105 : memref<128xi32, #tpu.memory_space<vmem>>) semaphore(%arg12 : memref<!tpu.dma_semaphore, #tpu.memory_space<semaphore_mem>>)
      %dma_start3A_108 = arith.constant 9 : i32
      %dma_start3A_109 = arith.constant 9 : i32
      %dma_start3A_110 = arith.constant 0 : i32
      %dma_start3A_111 = tpu.memref_slice %arg9[%dma_start3A_109, %dma_start3A_110] : memref<13x128xf32, #tpu.memory_space<vmem>> -> memref<1x128xf32, #tpu.memory_space<vmem>>
      %dma_start3A_112 = tpu.memref_squeeze %dma_start3A_111 : memref<1x128xf32, #tpu.memory_space<vmem>> -> memref<128xf32, #tpu.memory_space<vmem>>
      %dma_start3A_113 = arith.constant 0 : i32
      %dma_start3A_114 = tpu.memref_slice %arg8[%dma_start3A_108, %dma_start3A_113] : memref<13x128xi32, #tpu.memory_space<vmem>> -> memref<1x128xi32, #tpu.memory_space<vmem>>
      %dma_start3A_115 = tpu.memref_squeeze %dma_start3A_114 : memref<1x128xi32, #tpu.memory_space<vmem>> -> memref<128xi32, #tpu.memory_space<vmem>>
      %dma_start3A_116 = arith.constant 0 : i32
      %dma_start3A_117 = tpu.memref_slice %arg3[%dma_start3A_116] : memref<1300000xf32, #tpu.memory_space<hbm>> -> memref<1300000xf32, #tpu.memory_space<hbm>>
      tpu.enqueue_indirect_dma source(%dma_start3A_117 : memref<1300000xf32, #tpu.memory_space<hbm>>) target(%dma_start3A_112 : memref<128xf32, #tpu.memory_space<vmem>>) offsets(%dma_start3A_115 : memref<128xi32, #tpu.memory_space<vmem>>) semaphore(%arg12 : memref<!tpu.dma_semaphore, #tpu.memory_space<semaphore_mem>>)
      %dma_start3A_118 = arith.constant 10 : i32
      %dma_start3A_119 = arith.constant 10 : i32
      %dma_start3A_120 = arith.constant 0 : i32
      %dma_start3A_121 = tpu.memref_slice %arg9[%dma_start3A_119, %dma_start3A_120] : memref<13x128xf32, #tpu.memory_space<vmem>> -> memref<1x128xf32, #tpu.memory_space<vmem>>
      %dma_start3A_122 = tpu.memref_squeeze %dma_start3A_121 : memref<1x128xf32, #tpu.memory_space<vmem>> -> memref<128xf32, #tpu.memory_space<vmem>>
      %dma_start3A_123 = arith.constant 0 : i32
      %dma_start3A_124 = tpu.memref_slice %arg8[%dma_start3A_118, %dma_start3A_123] : memref<13x128xi32, #tpu.memory_space<vmem>> -> memref<1x128xi32, #tpu.memory_space<vmem>>
      %dma_start3A_125 = tpu.memref_squeeze %dma_start3A_124 : memref<1x128xi32, #tpu.memory_space<vmem>> -> memref<128xi32, #tpu.memory_space<vmem>>
      %dma_start3A_126 = arith.constant 0 : i32
      %dma_start3A_127 = tpu.memref_slice %arg3[%dma_start3A_126] : memref<1300000xf32, #tpu.memory_space<hbm>> -> memref<1300000xf32, #tpu.memory_space<hbm>>
      tpu.enqueue_indirect_dma source(%dma_start3A_127 : memref<1300000xf32, #tpu.memory_space<hbm>>) target(%dma_start3A_122 : memref<128xf32, #tpu.memory_space<vmem>>) offsets(%dma_start3A_125 : memref<128xi32, #tpu.memory_space<vmem>>) semaphore(%arg12 : memref<!tpu.dma_semaphore, #tpu.memory_space<semaphore_mem>>)
      %dma_start3A_128 = arith.constant 11 : i32
      %dma_start3A_129 = arith.constant 11 : i32
      %dma_start3A_130 = arith.constant 0 : i32
      %dma_start3A_131 = tpu.memref_slice %arg9[%dma_start3A_129, %dma_start3A_130] : memref<13x128xf32, #tpu.memory_space<vmem>> -> memref<1x128xf32, #tpu.memory_space<vmem>>
      %dma_start3A_132 = tpu.memref_squeeze %dma_start3A_131 : memref<1x128xf32, #tpu.memory_space<vmem>> -> memref<128xf32, #tpu.memory_space<vmem>>
      %dma_start3A_133 = arith.constant 0 : i32
      %dma_start3A_134 = tpu.memref_slice %arg8[%dma_start3A_128, %dma_start3A_133] : memref<13x128xi32, #tpu.memory_space<vmem>> -> memref<1x128xi32, #tpu.memory_space<vmem>>
      %dma_start3A_135 = tpu.memref_squeeze %dma_start3A_134 : memref<1x128xi32, #tpu.memory_space<vmem>> -> memref<128xi32, #tpu.memory_space<vmem>>
      %dma_start3A_136 = arith.constant 0 : i32
      %dma_start3A_137 = tpu.memref_slice %arg3[%dma_start3A_136] : memref<1300000xf32, #tpu.memory_space<hbm>> -> memref<1300000xf32, #tpu.memory_space<hbm>>
      tpu.enqueue_indirect_dma source(%dma_start3A_137 : memref<1300000xf32, #tpu.memory_space<hbm>>) target(%dma_start3A_132 : memref<128xf32, #tpu.memory_space<vmem>>) offsets(%dma_start3A_135 : memref<128xi32, #tpu.memory_space<vmem>>) semaphore(%arg12 : memref<!tpu.dma_semaphore, #tpu.memory_space<semaphore_mem>>)
      %dma_start3A_138 = arith.constant 12 : i32
      %dma_start3A_139 = arith.constant 12 : i32
      %dma_start3A_140 = arith.constant 0 : i32
      %dma_start3A_141 = tpu.memref_slice %arg9[%dma_start3A_139, %dma_start3A_140] : memref<13x128xf32, #tpu.memory_space<vmem>> -> memref<1x128xf32, #tpu.memory_space<vmem>>
      %dma_start3A_142 = tpu.memref_squeeze %dma_start3A_141 : memref<1x128xf32, #tpu.memory_space<vmem>> -> memref<128xf32, #tpu.memory_space<vmem>>
      %dma_start3A_143 = arith.constant 0 : i32
      %dma_start3A_144 = tpu.memref_slice %arg8[%dma_start3A_138, %dma_start3A_143] : memref<13x128xi32, #tpu.memory_space<vmem>> -> memref<1x128xi32, #tpu.memory_space<vmem>>
      %dma_start3A_145 = tpu.memref_squeeze %dma_start3A_144 : memref<1x128xi32, #tpu.memory_space<vmem>> -> memref<128xi32, #tpu.memory_space<vmem>>
      %dma_start3A_146 = arith.constant 0 : i32
      %dma_start3A_147 = tpu.memref_slice %arg3[%dma_start3A_146] : memref<1300000xf32, #tpu.memory_space<hbm>> -> memref<1300000xf32, #tpu.memory_space<hbm>>
      tpu.enqueue_indirect_dma source(%dma_start3A_147 : memref<1300000xf32, #tpu.memory_space<hbm>>) target(%dma_start3A_142 : memref<128xf32, #tpu.memory_space<vmem>>) offsets(%dma_start3A_145 : memref<128xi32, #tpu.memory_space<vmem>>) semaphore(%arg12 : memref<!tpu.dma_semaphore, #tpu.memory_space<semaphore_mem>>)
      %dma_wait3A = arith.constant 0 : i32
      %dma_wait3A_148 = arith.constant 0 : i32
      %dma_wait3A_149 = arith.constant 0 : i32
      %dma_wait3A_150 = tpu.memref_slice %arg9[%dma_wait3A_148, %dma_wait3A_149] : memref<13x128xf32, #tpu.memory_space<vmem>> -> memref<1x128xf32, #tpu.memory_space<vmem>>
      %dma_wait3A_151 = tpu.memref_squeeze %dma_wait3A_150 : memref<1x128xf32, #tpu.memory_space<vmem>> -> memref<128xf32, #tpu.memory_space<vmem>>
      %dma_wait3A_152 = arith.constant 0 : i32
      %dma_wait3A_153 = tpu.memref_slice %arg8[%dma_wait3A, %dma_wait3A_152] : memref<13x128xi32, #tpu.memory_space<vmem>> -> memref<1x128xi32, #tpu.memory_space<vmem>>
      %dma_wait3A_154 = tpu.memref_squeeze %dma_wait3A_153 : memref<1x128xi32, #tpu.memory_space<vmem>> -> memref<128xi32, #tpu.memory_space<vmem>>
      %dma_wait3A_155 = arith.constant 0 : i32
      %dma_wait3A_156 = tpu.memref_slice %arg3[%dma_wait3A_155] : memref<1300000xf32, #tpu.memory_space<hbm>> -> memref<1300000xf32, #tpu.memory_space<hbm>>
      tpu.wait_indirect_dma semaphore(%arg12 : memref<!tpu.dma_semaphore, #tpu.memory_space<semaphore_mem>>) src(%dma_wait3A_156 : memref<1300000xf32, #tpu.memory_space<hbm>>) dst(%dma_wait3A_151 : memref<128xf32, #tpu.memory_space<vmem>>)
      %dma_wait3A_157 = arith.constant 1 : i32
      %dma_wait3A_158 = arith.constant 1 : i32
      %dma_wait3A_159 = arith.constant 0 : i32
      %dma_wait3A_160 = tpu.memref_slice %arg9[%dma_wait3A_158, %dma_wait3A_159] : memref<13x128xf32, #tpu.memory_space<vmem>> -> memref<1x128xf32, #tpu.memory_space<vmem>>
      %dma_wait3A_161 = tpu.memref_squeeze %dma_wait3A_160 : memref<1x128xf32, #tpu.memory_space<vmem>> -> memref<128xf32, #tpu.memory_space<vmem>>
      %dma_wait3A_162 = arith.constant 0 : i32
      %dma_wait3A_163 = tpu.memref_slice %arg8[%dma_wait3A_157, %dma_wait3A_162] : memref<13x128xi32, #tpu.memory_space<vmem>> -> memref<1x128xi32, #tpu.memory_space<vmem>>
      %dma_wait3A_164 = tpu.memref_squeeze %dma_wait3A_163 : memref<1x128xi32, #tpu.memory_space<vmem>> -> memref<128xi32, #tpu.memory_space<vmem>>
      %dma_wait3A_165 = arith.constant 0 : i32
      %dma_wait3A_166 = tpu.memref_slice %arg3[%dma_wait3A_165] : memref<1300000xf32, #tpu.memory_space<hbm>> -> memref<1300000xf32, #tpu.memory_space<hbm>>
      tpu.wait_indirect_dma semaphore(%arg12 : memref<!tpu.dma_semaphore, #tpu.memory_space<semaphore_mem>>) src(%dma_wait3A_166 : memref<1300000xf32, #tpu.memory_space<hbm>>) dst(%dma_wait3A_161 : memref<128xf32, #tpu.memory_space<vmem>>)
      %dma_wait3A_167 = arith.constant 2 : i32
      %dma_wait3A_168 = arith.constant 2 : i32
      %dma_wait3A_169 = arith.constant 0 : i32
      %dma_wait3A_170 = tpu.memref_slice %arg9[%dma_wait3A_168, %dma_wait3A_169] : memref<13x128xf32, #tpu.memory_space<vmem>> -> memref<1x128xf32, #tpu.memory_space<vmem>>
      %dma_wait3A_171 = tpu.memref_squeeze %dma_wait3A_170 : memref<1x128xf32, #tpu.memory_space<vmem>> -> memref<128xf32, #tpu.memory_space<vmem>>
      %dma_wait3A_172 = arith.constant 0 : i32
      %dma_wait3A_173 = tpu.memref_slice %arg8[%dma_wait3A_167, %dma_wait3A_172] : memref<13x128xi32, #tpu.memory_space<vmem>> -> memref<1x128xi32, #tpu.memory_space<vmem>>
      %dma_wait3A_174 = tpu.memref_squeeze %dma_wait3A_173 : memref<1x128xi32, #tpu.memory_space<vmem>> -> memref<128xi32, #tpu.memory_space<vmem>>
      %dma_wait3A_175 = arith.constant 0 : i32
      %dma_wait3A_176 = tpu.memref_slice %arg3[%dma_wait3A_175] : memref<1300000xf32, #tpu.memory_space<hbm>> -> memref<1300000xf32, #tpu.memory_space<hbm>>
      tpu.wait_indirect_dma semaphore(%arg12 : memref<!tpu.dma_semaphore, #tpu.memory_space<semaphore_mem>>) src(%dma_wait3A_176 : memref<1300000xf32, #tpu.memory_space<hbm>>) dst(%dma_wait3A_171 : memref<128xf32, #tpu.memory_space<vmem>>)
      %dma_wait3A_177 = arith.constant 3 : i32
      %dma_wait3A_178 = arith.constant 3 : i32
      %dma_wait3A_179 = arith.constant 0 : i32
      %dma_wait3A_180 = tpu.memref_slice %arg9[%dma_wait3A_178, %dma_wait3A_179] : memref<13x128xf32, #tpu.memory_space<vmem>> -> memref<1x128xf32, #tpu.memory_space<vmem>>
      %dma_wait3A_181 = tpu.memref_squeeze %dma_wait3A_180 : memref<1x128xf32, #tpu.memory_space<vmem>> -> memref<128xf32, #tpu.memory_space<vmem>>
      %dma_wait3A_182 = arith.constant 0 : i32
      %dma_wait3A_183 = tpu.memref_slice %arg8[%dma_wait3A_177, %dma_wait3A_182] : memref<13x128xi32, #tpu.memory_space<vmem>> -> memref<1x128xi32, #tpu.memory_space<vmem>>
      %dma_wait3A_184 = tpu.memref_squeeze %dma_wait3A_183 : memref<1x128xi32, #tpu.memory_space<vmem>> -> memref<128xi32, #tpu.memory_space<vmem>>
      %dma_wait3A_185 = arith.constant 0 : i32
      %dma_wait3A_186 = tpu.memref_slice %arg3[%dma_wait3A_185] : memref<1300000xf32, #tpu.memory_space<hbm>> -> memref<1300000xf32, #tpu.memory_space<hbm>>
      tpu.wait_indirect_dma semaphore(%arg12 : memref<!tpu.dma_semaphore, #tpu.memory_space<semaphore_mem>>) src(%dma_wait3A_186 : memref<1300000xf32, #tpu.memory_space<hbm>>) dst(%dma_wait3A_181 : memref<128xf32, #tpu.memory_space<vmem>>)
      %dma_wait3A_187 = arith.constant 4 : i32
      %dma_wait3A_188 = arith.constant 4 : i32
      %dma_wait3A_189 = arith.constant 0 : i32
      %dma_wait3A_190 = tpu.memref_slice %arg9[%dma_wait3A_188, %dma_wait3A_189] : memref<13x128xf32, #tpu.memory_space<vmem>> -> memref<1x128xf32, #tpu.memory_space<vmem>>
      %dma_wait3A_191 = tpu.memref_squeeze %dma_wait3A_190 : memref<1x128xf32, #tpu.memory_space<vmem>> -> memref<128xf32, #tpu.memory_space<vmem>>
      %dma_wait3A_192 = arith.constant 0 : i32
      %dma_wait3A_193 = tpu.memref_slice %arg8[%dma_wait3A_187, %dma_wait3A_192] : memref<13x128xi32, #tpu.memory_space<vmem>> -> memref<1x128xi32, #tpu.memory_space<vmem>>
      %dma_wait3A_194 = tpu.memref_squeeze %dma_wait3A_193 : memref<1x128xi32, #tpu.memory_space<vmem>> -> memref<128xi32, #tpu.memory_space<vmem>>
      %dma_wait3A_195 = arith.constant 0 : i32
      %dma_wait3A_196 = tpu.memref_slice %arg3[%dma_wait3A_195] : memref<1300000xf32, #tpu.memory_space<hbm>> -> memref<1300000xf32, #tpu.memory_space<hbm>>
      tpu.wait_indirect_dma semaphore(%arg12 : memref<!tpu.dma_semaphore, #tpu.memory_space<semaphore_mem>>) src(%dma_wait3A_196 : memref<1300000xf32, #tpu.memory_space<hbm>>) dst(%dma_wait3A_191 : memref<128xf32, #tpu.memory_space<vmem>>)
      %dma_wait3A_197 = arith.constant 5 : i32
      %dma_wait3A_198 = arith.constant 5 : i32
      %dma_wait3A_199 = arith.constant 0 : i32
      %dma_wait3A_200 = tpu.memref_slice %arg9[%dma_wait3A_198, %dma_wait3A_199] : memref<13x128xf32, #tpu.memory_space<vmem>> -> memref<1x128xf32, #tpu.memory_space<vmem>>
      %dma_wait3A_201 = tpu.memref_squeeze %dma_wait3A_200 : memref<1x128xf32, #tpu.memory_space<vmem>> -> memref<128xf32, #tpu.memory_space<vmem>>
      %dma_wait3A_202 = arith.constant 0 : i32
      %dma_wait3A_203 = tpu.memref_slice %arg8[%dma_wait3A_197, %dma_wait3A_202] : memref<13x128xi32, #tpu.memory_space<vmem>> -> memref<1x128xi32, #tpu.memory_space<vmem>>
      %dma_wait3A_204 = tpu.memref_squeeze %dma_wait3A_203 : memref<1x128xi32, #tpu.memory_space<vmem>> -> memref<128xi32, #tpu.memory_space<vmem>>
      %dma_wait3A_205 = arith.constant 0 : i32
      %dma_wait3A_206 = tpu.memref_slice %arg3[%dma_wait3A_205] : memref<1300000xf32, #tpu.memory_space<hbm>> -> memref<1300000xf32, #tpu.memory_space<hbm>>
      tpu.wait_indirect_dma semaphore(%arg12 : memref<!tpu.dma_semaphore, #tpu.memory_space<semaphore_mem>>) src(%dma_wait3A_206 : memref<1300000xf32, #tpu.memory_space<hbm>>) dst(%dma_wait3A_201 : memref<128xf32, #tpu.memory_space<vmem>>)
      %dma_wait3A_207 = arith.constant 6 : i32
      %dma_wait3A_208 = arith.constant 6 : i32
      %dma_wait3A_209 = arith.constant 0 : i32
      %dma_wait3A_210 = tpu.memref_slice %arg9[%dma_wait3A_208, %dma_wait3A_209] : memref<13x128xf32, #tpu.memory_space<vmem>> -> memref<1x128xf32, #tpu.memory_space<vmem>>
      %dma_wait3A_211 = tpu.memref_squeeze %dma_wait3A_210 : memref<1x128xf32, #tpu.memory_space<vmem>> -> memref<128xf32, #tpu.memory_space<vmem>>
      %dma_wait3A_212 = arith.constant 0 : i32
      %dma_wait3A_213 = tpu.memref_slice %arg8[%dma_wait3A_207, %dma_wait3A_212] : memref<13x128xi32, #tpu.memory_space<vmem>> -> memref<1x128xi32, #tpu.memory_space<vmem>>
      %dma_wait3A_214 = tpu.memref_squeeze %dma_wait3A_213 : memref<1x128xi32, #tpu.memory_space<vmem>> -> memref<128xi32, #tpu.memory_space<vmem>>
      %dma_wait3A_215 = arith.constant 0 : i32
      %dma_wait3A_216 = tpu.memref_slice %arg3[%dma_wait3A_215] : memref<1300000xf32, #tpu.memory_space<hbm>> -> memref<1300000xf32, #tpu.memory_space<hbm>>
      tpu.wait_indirect_dma semaphore(%arg12 : memref<!tpu.dma_semaphore, #tpu.memory_space<semaphore_mem>>) src(%dma_wait3A_216 : memref<1300000xf32, #tpu.memory_space<hbm>>) dst(%dma_wait3A_211 : memref<128xf32, #tpu.memory_space<vmem>>)
      %dma_wait3A_217 = arith.constant 7 : i32
      %dma_wait3A_218 = arith.constant 7 : i32
      %dma_wait3A_219 = arith.constant 0 : i32
      %dma_wait3A_220 = tpu.memref_slice %arg9[%dma_wait3A_218, %dma_wait3A_219] : memref<13x128xf32, #tpu.memory_space<vmem>> -> memref<1x128xf32, #tpu.memory_space<vmem>>
      %dma_wait3A_221 = tpu.memref_squeeze %dma_wait3A_220 : memref<1x128xf32, #tpu.memory_space<vmem>> -> memref<128xf32, #tpu.memory_space<vmem>>
      %dma_wait3A_222 = arith.constant 0 : i32
      %dma_wait3A_223 = tpu.memref_slice %arg8[%dma_wait3A_217, %dma_wait3A_222] : memref<13x128xi32, #tpu.memory_space<vmem>> -> memref<1x128xi32, #tpu.memory_space<vmem>>
      %dma_wait3A_224 = tpu.memref_squeeze %dma_wait3A_223 : memref<1x128xi32, #tpu.memory_space<vmem>> -> memref<128xi32, #tpu.memory_space<vmem>>
      %dma_wait3A_225 = arith.constant 0 : i32
      %dma_wait3A_226 = tpu.memref_slice %arg3[%dma_wait3A_225] : memref<1300000xf32, #tpu.memory_space<hbm>> -> memref<1300000xf32, #tpu.memory_space<hbm>>
      tpu.wait_indirect_dma semaphore(%arg12 : memref<!tpu.dma_semaphore, #tpu.memory_space<semaphore_mem>>) src(%dma_wait3A_226 : memref<1300000xf32, #tpu.memory_space<hbm>>) dst(%dma_wait3A_221 : memref<128xf32, #tpu.memory_space<vmem>>)
      %dma_wait3A_227 = arith.constant 8 : i32
      %dma_wait3A_228 = arith.constant 8 : i32
      %dma_wait3A_229 = arith.constant 0 : i32
      %dma_wait3A_230 = tpu.memref_slice %arg9[%dma_wait3A_228, %dma_wait3A_229] : memref<13x128xf32, #tpu.memory_space<vmem>> -> memref<1x128xf32, #tpu.memory_space<vmem>>
      %dma_wait3A_231 = tpu.memref_squeeze %dma_wait3A_230 : memref<1x128xf32, #tpu.memory_space<vmem>> -> memref<128xf32, #tpu.memory_space<vmem>>
      %dma_wait3A_232 = arith.constant 0 : i32
      %dma_wait3A_233 = tpu.memref_slice %arg8[%dma_wait3A_227, %dma_wait3A_232] : memref<13x128xi32, #tpu.memory_space<vmem>> -> memref<1x128xi32, #tpu.memory_space<vmem>>
      %dma_wait3A_234 = tpu.memref_squeeze %dma_wait3A_233 : memref<1x128xi32, #tpu.memory_space<vmem>> -> memref<128xi32, #tpu.memory_space<vmem>>
      %dma_wait3A_235 = arith.constant 0 : i32
      %dma_wait3A_236 = tpu.memref_slice %arg3[%dma_wait3A_235] : memref<1300000xf32, #tpu.memory_space<hbm>> -> memref<1300000xf32, #tpu.memory_space<hbm>>
      tpu.wait_indirect_dma semaphore(%arg12 : memref<!tpu.dma_semaphore, #tpu.memory_space<semaphore_mem>>) src(%dma_wait3A_236 : memref<1300000xf32, #tpu.memory_space<hbm>>) dst(%dma_wait3A_231 : memref<128xf32, #tpu.memory_space<vmem>>)
      %dma_wait3A_237 = arith.constant 9 : i32
      %dma_wait3A_238 = arith.constant 9 : i32
      %dma_wait3A_239 = arith.constant 0 : i32
      %dma_wait3A_240 = tpu.memref_slice %arg9[%dma_wait3A_238, %dma_wait3A_239] : memref<13x128xf32, #tpu.memory_space<vmem>> -> memref<1x128xf32, #tpu.memory_space<vmem>>
      %dma_wait3A_241 = tpu.memref_squeeze %dma_wait3A_240 : memref<1x128xf32, #tpu.memory_space<vmem>> -> memref<128xf32, #tpu.memory_space<vmem>>
      %dma_wait3A_242 = arith.constant 0 : i32
      %dma_wait3A_243 = tpu.memref_slice %arg8[%dma_wait3A_237, %dma_wait3A_242] : memref<13x128xi32, #tpu.memory_space<vmem>> -> memref<1x128xi32, #tpu.memory_space<vmem>>
      %dma_wait3A_244 = tpu.memref_squeeze %dma_wait3A_243 : memref<1x128xi32, #tpu.memory_space<vmem>> -> memref<128xi32, #tpu.memory_space<vmem>>
      %dma_wait3A_245 = arith.constant 0 : i32
      %dma_wait3A_246 = tpu.memref_slice %arg3[%dma_wait3A_245] : memref<1300000xf32, #tpu.memory_space<hbm>> -> memref<1300000xf32, #tpu.memory_space<hbm>>
      tpu.wait_indirect_dma semaphore(%arg12 : memref<!tpu.dma_semaphore, #tpu.memory_space<semaphore_mem>>) src(%dma_wait3A_246 : memref<1300000xf32, #tpu.memory_space<hbm>>) dst(%dma_wait3A_241 : memref<128xf32, #tpu.memory_space<vmem>>)
      %dma_wait3A_247 = arith.constant 10 : i32
      %dma_wait3A_248 = arith.constant 10 : i32
      %dma_wait3A_249 = arith.constant 0 : i32
      %dma_wait3A_250 = tpu.memref_slice %arg9[%dma_wait3A_248, %dma_wait3A_249] : memref<13x128xf32, #tpu.memory_space<vmem>> -> memref<1x128xf32, #tpu.memory_space<vmem>>
      %dma_wait3A_251 = tpu.memref_squeeze %dma_wait3A_250 : memref<1x128xf32, #tpu.memory_space<vmem>> -> memref<128xf32, #tpu.memory_space<vmem>>
      %dma_wait3A_252 = arith.constant 0 : i32
      %dma_wait3A_253 = tpu.memref_slice %arg8[%dma_wait3A_247, %dma_wait3A_252] : memref<13x128xi32, #tpu.memory_space<vmem>> -> memref<1x128xi32, #tpu.memory_space<vmem>>
      %dma_wait3A_254 = tpu.memref_squeeze %dma_wait3A_253 : memref<1x128xi32, #tpu.memory_space<vmem>> -> memref<128xi32, #tpu.memory_space<vmem>>
      %dma_wait3A_255 = arith.constant 0 : i32
      %dma_wait3A_256 = tpu.memref_slice %arg3[%dma_wait3A_255] : memref<1300000xf32, #tpu.memory_space<hbm>> -> memref<1300000xf32, #tpu.memory_space<hbm>>
      tpu.wait_indirect_dma semaphore(%arg12 : memref<!tpu.dma_semaphore, #tpu.memory_space<semaphore_mem>>) src(%dma_wait3A_256 : memref<1300000xf32, #tpu.memory_space<hbm>>) dst(%dma_wait3A_251 : memref<128xf32, #tpu.memory_space<vmem>>)
      %dma_wait3A_257 = arith.constant 11 : i32
      %dma_wait3A_258 = arith.constant 11 : i32
      %dma_wait3A_259 = arith.constant 0 : i32
      %dma_wait3A_260 = tpu.memref_slice %arg9[%dma_wait3A_258, %dma_wait3A_259] : memref<13x128xf32, #tpu.memory_space<vmem>> -> memref<1x128xf32, #tpu.memory_space<vmem>>
      %dma_wait3A_261 = tpu.memref_squeeze %dma_wait3A_260 : memref<1x128xf32, #tpu.memory_space<vmem>> -> memref<128xf32, #tpu.memory_space<vmem>>
      %dma_wait3A_262 = arith.constant 0 : i32
      %dma_wait3A_263 = tpu.memref_slice %arg8[%dma_wait3A_257, %dma_wait3A_262] : memref<13x128xi32, #tpu.memory_space<vmem>> -> memref<1x128xi32, #tpu.memory_space<vmem>>
      %dma_wait3A_264 = tpu.memref_squeeze %dma_wait3A_263 : memref<1x128xi32, #tpu.memory_space<vmem>> -> memref<128xi32, #tpu.memory_space<vmem>>
      %dma_wait3A_265 = arith.constant 0 : i32
      %dma_wait3A_266 = tpu.memref_slice %arg3[%dma_wait3A_265] : memref<1300000xf32, #tpu.memory_space<hbm>> -> memref<1300000xf32, #tpu.memory_space<hbm>>
      tpu.wait_indirect_dma semaphore(%arg12 : memref<!tpu.dma_semaphore, #tpu.memory_space<semaphore_mem>>) src(%dma_wait3A_266 : memref<1300000xf32, #tpu.memory_space<hbm>>) dst(%dma_wait3A_261 : memref<128xf32, #tpu.memory_space<vmem>>)
      %dma_wait3A_267 = arith.constant 12 : i32
      %dma_wait3A_268 = arith.constant 12 : i32
      %dma_wait3A_269 = arith.constant 0 : i32
      %dma_wait3A_270 = tpu.memref_slice %arg9[%dma_wait3A_268, %dma_wait3A_269] : memref<13x128xf32, #tpu.memory_space<vmem>> -> memref<1x128xf32, #tpu.memory_space<vmem>>
      %dma_wait3A_271 = tpu.memref_squeeze %dma_wait3A_270 : memref<1x128xf32, #tpu.memory_space<vmem>> -> memref<128xf32, #tpu.memory_space<vmem>>
      %dma_wait3A_272 = arith.constant 0 : i32
      %dma_wait3A_273 = tpu.memref_slice %arg8[%dma_wait3A_267, %dma_wait3A_272] : memref<13x128xi32, #tpu.memory_space<vmem>> -> memref<1x128xi32, #tpu.memory_space<vmem>>
      %dma_wait3A_274 = tpu.memref_squeeze %dma_wait3A_273 : memref<1x128xi32, #tpu.memory_space<vmem>> -> memref<128xi32, #tpu.memory_space<vmem>>
      %dma_wait3A_275 = arith.constant 0 : i32
      %dma_wait3A_276 = tpu.memref_slice %arg3[%dma_wait3A_275] : memref<1300000xf32, #tpu.memory_space<hbm>> -> memref<1300000xf32, #tpu.memory_space<hbm>>
      tpu.wait_indirect_dma semaphore(%arg12 : memref<!tpu.dma_semaphore, #tpu.memory_space<semaphore_mem>>) src(%dma_wait3A_276 : memref<1300000xf32, #tpu.memory_space<hbm>>) dst(%dma_wait3A_271 : memref<128xf32, #tpu.memory_space<vmem>>)
      %get3A = arith.constant 0 : index
      %get3A_277 = tpu.vector_load %arg10[%get3A] {strides = array<i32>} : memref<16xf32, #tpu.memory_space<vmem>>, vector<16xf32>,
      %broadcast_in_dim3A = arith.constant 0.000000e+00 : f32
      %broadcast_in_dim3A_278 = vector.broadcast %broadcast_in_dim3A : f32 to vector<16xf32>
      %get3A_279 = arith.constant 0 : i32
      %get3A_280 = arith.index_cast %get3A_279 : i32 to index
      %get3A_281 = arith.constant 0 : index
      %get3A_282 = tpu.vector_load %arg9[%get3A_280, %get3A_281] {strides = array<i32>} : memref<13x128xf32, #tpu.memory_space<vmem>>, vector<16xf32>,
      %add3A_283 = arith.addf %broadcast_in_dim3A_278, %get3A_282 : vector<16xf32>
      %get3A_284 = arith.constant 1 : i32
      %get3A_285 = arith.index_cast %get3A_284 : i32 to index
      %get3A_286 = arith.constant 0 : index
      %get3A_287 = tpu.vector_load %arg9[%get3A_285, %get3A_286] {strides = array<i32>} : memref<13x128xf32, #tpu.memory_space<vmem>>, vector<16xf32>,
      %add3A_288 = arith.addf %add3A_283, %get3A_287 : vector<16xf32>
      %get3A_289 = arith.constant 2 : i32
      %get3A_290 = arith.index_cast %get3A_289 : i32 to index
      %get3A_291 = arith.constant 0 : index
      %get3A_292 = tpu.vector_load %arg9[%get3A_290, %get3A_291] {strides = array<i32>} : memref<13x128xf32, #tpu.memory_space<vmem>>, vector<16xf32>,
      %add3A_293 = arith.addf %add3A_288, %get3A_292 : vector<16xf32>
      %get3A_294 = arith.constant 3 : i32
      %get3A_295 = arith.index_cast %get3A_294 : i32 to index
      %get3A_296 = arith.constant 0 : index
      %get3A_297 = tpu.vector_load %arg9[%get3A_295, %get3A_296] {strides = array<i32>} : memref<13x128xf32, #tpu.memory_space<vmem>>, vector<16xf32>,
      %add3A_298 = arith.addf %add3A_293, %get3A_297 : vector<16xf32>
      %get3A_299 = arith.constant 4 : i32
      %get3A_300 = arith.index_cast %get3A_299 : i32 to index
      %get3A_301 = arith.constant 0 : index
      %get3A_302 = tpu.vector_load %arg9[%get3A_300, %get3A_301] {strides = array<i32>} : memref<13x128xf32, #tpu.memory_space<vmem>>, vector<16xf32>,
      %add3A_303 = arith.addf %add3A_298, %get3A_302 : vector<16xf32>
      %get3A_304 = arith.constant 5 : i32
      %get3A_305 = arith.index_cast %get3A_304 : i32 to index
      %get3A_306 = arith.constant 0 : index
      %get3A_307 = tpu.vector_load %arg9[%get3A_305, %get3A_306] {strides = array<i32>} : memref<13x128xf32, #tpu.memory_space<vmem>>, vector<16xf32>,
      %add3A_308 = arith.addf %add3A_303, %get3A_307 : vector<16xf32>
      %get3A_309 = arith.constant 6 : i32
      %get3A_310 = arith.index_cast %get3A_309 : i32 to index
      %get3A_311 = arith.constant 0 : index
      %get3A_312 = tpu.vector_load %arg9[%get3A_310, %get3A_311] {strides = array<i32>} : memref<13x128xf32, #tpu.memory_space<vmem>>, vector<16xf32>,
      %add3A_313 = arith.addf %add3A_308, %get3A_312 : vector<16xf32>
      %get3A_314 = arith.constant 7 : i32
      %get3A_315 = arith.index_cast %get3A_314 : i32 to index
      %get3A_316 = arith.constant 0 : index
      %get3A_317 = tpu.vector_load %arg9[%get3A_315, %get3A_316] {strides = array<i32>} : memref<13x128xf32, #tpu.memory_space<vmem>>, vector<16xf32>,
      %add3A_318 = arith.addf %add3A_313, %get3A_317 : vector<16xf32>
      %get3A_319 = arith.constant 8 : i32
      %get3A_320 = arith.index_cast %get3A_319 : i32 to index
      %get3A_321 = arith.constant 0 : index
      %get3A_322 = tpu.vector_load %arg9[%get3A_320, %get3A_321] {strides = array<i32>} : memref<13x128xf32, #tpu.memory_space<vmem>>, vector<16xf32>,
      %add3A_323 = arith.addf %add3A_318, %get3A_322 : vector<16xf32>
      %get3A_324 = arith.constant 9 : i32
      %get3A_325 = arith.index_cast %get3A_324 : i32 to index
      %get3A_326 = arith.constant 0 : index
      %get3A_327 = tpu.vector_load %arg9[%get3A_325, %get3A_326] {strides = array<i32>} : memref<13x128xf32, #tpu.memory_space<vmem>>, vector<16xf32>,
      %add3A_328 = arith.addf %add3A_323, %get3A_327 : vector<16xf32>
      %get3A_329 = arith.constant 10 : i32
      %get3A_330 = arith.index_cast %get3A_329 : i32 to index
      %get3A_331 = arith.constant 0 : index
      %get3A_332 = tpu.vector_load %arg9[%get3A_330, %get3A_331] {strides = array<i32>} : memref<13x128xf32, #tpu.memory_space<vmem>>, vector<16xf32>,
      %add3A_333 = arith.addf %add3A_328, %get3A_332 : vector<16xf32>
      %get3A_334 = arith.constant 11 : i32
      %get3A_335 = arith.index_cast %get3A_334 : i32 to index
      %get3A_336 = arith.constant 0 : index
      %get3A_337 = tpu.vector_load %arg9[%get3A_335, %get3A_336] {strides = array<i32>} : memref<13x128xf32, #tpu.memory_space<vmem>>, vector<16xf32>,
      %add3A_338 = arith.addf %add3A_333, %get3A_337 : vector<16xf32>
      %get3A_339 = arith.constant 12 : i32
      %get3A_340 = arith.index_cast %get3A_339 : i32 to index
      %get3A_341 = arith.constant 0 : index
      %get3A_342 = tpu.vector_load %arg9[%get3A_340, %get3A_341] {strides = array<i32>} : memref<13x128xf32, #tpu.memory_space<vmem>>, vector<16xf32>,
      %add3A_343 = arith.addf %add3A_338, %get3A_342 : vector<16xf32>
      %get3A_344 = arith.constant 0 : i32
      %get3A_345 = arith.index_cast %get3A_344 : i32 to index
      %get3A_346 = arith.constant 0 : index
      %get3A_347 = tpu.vector_load %arg7[%get3A_345, %get3A_346] {strides = array<i32>} : memref<39x128xf32, #tpu.memory_space<vmem>>, vector<16xf32>,
      %slice3A = vector.extract_strided_slice %get3A_277 {offsets = [0], sizes = [1], strides = [1]} : vector<16xf32> to vector<1xf32>
      %squeeze3A = vector.extract %slice3A[0] : f32 from vector<1xf32>
      %mul3A_348 = vector.broadcast %squeeze3A : f32 to vector<16xf32>
      %mul3A_349 = arith.mulf %get3A_347, %mul3A_348 : vector<16xf32>
      %add3A_350 = arith.addf %add3A_343, %mul3A_349 : vector<16xf32>
      %get3A_351 = arith.constant 1 : i32
      %get3A_352 = arith.index_cast %get3A_351 : i32 to index
      %get3A_353 = arith.constant 0 : index
      %get3A_354 = tpu.vector_load %arg7[%get3A_352, %get3A_353] {strides = array<i32>} : memref<39x128xf32, #tpu.memory_space<vmem>>, vector<16xf32>,
      %slice3A_355 = vector.extract_strided_slice %get3A_277 {offsets = [1], sizes = [1], strides = [1]} : vector<16xf32> to vector<1xf32>
      %squeeze3A_356 = vector.extract %slice3A_355[0] : f32 from vector<1xf32>
      %mul3A_357 = vector.broadcast %squeeze3A_356 : f32 to vector<16xf32>
      %mul3A_358 = arith.mulf %get3A_354, %mul3A_357 : vector<16xf32>
      %add3A_359 = arith.addf %add3A_350, %mul3A_358 : vector<16xf32>
      %get3A_360 = arith.constant 2 : i32
      %get3A_361 = arith.index_cast %get3A_360 : i32 to index
      %get3A_362 = arith.constant 0 : index
      %get3A_363 = tpu.vector_load %arg7[%get3A_361, %get3A_362] {strides = array<i32>} : memref<39x128xf32, #tpu.memory_space<vmem>>, vector<16xf32>,
      %slice3A_364 = vector.extract_strided_slice %get3A_277 {offsets = [2], sizes = [1], strides = [1]} : vector<16xf32> to vector<1xf32>
      %squeeze3A_365 = vector.extract %slice3A_364[0] : f32 from vector<1xf32>
      %mul3A_366 = vector.broadcast %squeeze3A_365 : f32 to vector<16xf32>
      %mul3A_367 = arith.mulf %get3A_363, %mul3A_366 : vector<16xf32>
      %add3A_368 = arith.addf %add3A_359, %mul3A_367 : vector<16xf32>
      %get3A_369 = arith.constant 3 : i32
      %get3A_370 = arith.index_cast %get3A_369 : i32 to index
      %get3A_371 = arith.constant 0 : index
      %get3A_372 = tpu.vector_load %arg7[%get3A_370, %get3A_371] {strides = array<i32>} : memref<39x128xf32, #tpu.memory_space<vmem>>, vector<16xf32>,
      %slice3A_373 = vector.extract_strided_slice %get3A_277 {offsets = [3], sizes = [1], strides = [1]} : vector<16xf32> to vector<1xf32>
      %squeeze3A_374 = vector.extract %slice3A_373[0] : f32 from vector<1xf32>
      %mul3A_375 = vector.broadcast %squeeze3A_374 : f32 to vector<16xf32>
      %mul3A_376 = arith.mulf %get3A_372, %mul3A_375 : vector<16xf32>
      %add3A_377 = arith.addf %add3A_368, %mul3A_376 : vector<16xf32>
      %get3A_378 = arith.constant 4 : i32
      %get3A_379 = arith.index_cast %get3A_378 : i32 to index
      %get3A_380 = arith.constant 0 : index
      %get3A_381 = tpu.vector_load %arg7[%get3A_379, %get3A_380] {strides = array<i32>} : memref<39x128xf32, #tpu.memory_space<vmem>>, vector<16xf32>,
      %slice3A_382 = vector.extract_strided_slice %get3A_277 {offsets = [4], sizes = [1], strides = [1]} : vector<16xf32> to vector<1xf32>
      %squeeze3A_383 = vector.extract %slice3A_382[0] : f32 from vector<1xf32>
      %mul3A_384 = vector.broadcast %squeeze3A_383 : f32 to vector<16xf32>
      %mul3A_385 = arith.mulf %get3A_381, %mul3A_384 : vector<16xf32>
      %add3A_386 = arith.addf %add3A_377, %mul3A_385 : vector<16xf32>
      %get3A_387 = arith.constant 5 : i32
      %get3A_388 = arith.index_cast %get3A_387 : i32 to index
      %get3A_389 = arith.constant 0 : index
      %get3A_390 = tpu.vector_load %arg7[%get3A_388, %get3A_389] {strides = array<i32>} : memref<39x128xf32, #tpu.memory_space<vmem>>, vector<16xf32>,
      %slice3A_391 = vector.extract_strided_slice %get3A_277 {offsets = [5], sizes = [1], strides = [1]} : vector<16xf32> to vector<1xf32>
      %squeeze3A_392 = vector.extract %slice3A_391[0] : f32 from vector<1xf32>
      %mul3A_393 = vector.broadcast %squeeze3A_392 : f32 to vector<16xf32>
      %mul3A_394 = arith.mulf %get3A_390, %mul3A_393 : vector<16xf32>
      %add3A_395 = arith.addf %add3A_386, %mul3A_394 : vector<16xf32>
      %get3A_396 = arith.constant 6 : i32
      %get3A_397 = arith.index_cast %get3A_396 : i32 to index
      %get3A_398 = arith.constant 0 : index
      %get3A_399 = tpu.vector_load %arg7[%get3A_397, %get3A_398] {strides = array<i32>} : memref<39x128xf32, #tpu.memory_space<vmem>>, vector<16xf32>,
      %slice3A_400 = vector.extract_strided_slice %get3A_277 {offsets = [6], sizes = [1], strides = [1]} : vector<16xf32> to vector<1xf32>
      %squeeze3A_401 = vector.extract %slice3A_400[0] : f32 from vector<1xf32>
      %mul3A_402 = vector.broadcast %squeeze3A_401 : f32 to vector<16xf32>
      %mul3A_403 = arith.mulf %get3A_399, %mul3A_402 : vector<16xf32>
      %add3A_404 = arith.addf %add3A_395, %mul3A_403 : vector<16xf32>
      %get3A_405 = arith.constant 7 : i32
      %get3A_406 = arith.index_cast %get3A_405 : i32 to index
      %get3A_407 = arith.constant 0 : index
      %get3A_408 = tpu.vector_load %arg7[%get3A_406, %get3A_407] {strides = array<i32>} : memref<39x128xf32, #tpu.memory_space<vmem>>, vector<16xf32>,
      %slice3A_409 = vector.extract_strided_slice %get3A_277 {offsets = [7], sizes = [1], strides = [1]} : vector<16xf32> to vector<1xf32>
      %squeeze3A_410 = vector.extract %slice3A_409[0] : f32 from vector<1xf32>
      %mul3A_411 = vector.broadcast %squeeze3A_410 : f32 to vector<16xf32>
      %mul3A_412 = arith.mulf %get3A_408, %mul3A_411 : vector<16xf32>
      %add3A_413 = arith.addf %add3A_404, %mul3A_412 : vector<16xf32>
      %get3A_414 = arith.constant 8 : i32
      %get3A_415 = arith.index_cast %get3A_414 : i32 to index
      %get3A_416 = arith.constant 0 : index
      %get3A_417 = tpu.vector_load %arg7[%get3A_415, %get3A_416] {strides = array<i32>} : memref<39x128xf32, #tpu.memory_space<vmem>>, vector<16xf32>,
      %slice3A_418 = vector.extract_strided_slice %get3A_277 {offsets = [8], sizes = [1], strides = [1]} : vector<16xf32> to vector<1xf32>
      %squeeze3A_419 = vector.extract %slice3A_418[0] : f32 from vector<1xf32>
      %mul3A_420 = vector.broadcast %squeeze3A_419 : f32 to vector<16xf32>
      %mul3A_421 = arith.mulf %get3A_417, %mul3A_420 : vector<16xf32>
      %add3A_422 = arith.addf %add3A_413, %mul3A_421 : vector<16xf32>
      %get3A_423 = arith.constant 9 : i32
      %get3A_424 = arith.index_cast %get3A_423 : i32 to index
      %get3A_425 = arith.constant 0 : index
      %get3A_426 = tpu.vector_load %arg7[%get3A_424, %get3A_425] {strides = array<i32>} : memref<39x128xf32, #tpu.memory_space<vmem>>, vector<16xf32>,
      %slice3A_427 = vector.extract_strided_slice %get3A_277 {offsets = [9], sizes = [1], strides = [1]} : vector<16xf32> to vector<1xf32>
      %squeeze3A_428 = vector.extract %slice3A_427[0] : f32 from vector<1xf32>
      %mul3A_429 = vector.broadcast %squeeze3A_428 : f32 to vector<16xf32>
      %mul3A_430 = arith.mulf %get3A_426, %mul3A_429 : vector<16xf32>
      %add3A_431 = arith.addf %add3A_422, %mul3A_430 : vector<16xf32>
      %get3A_432 = arith.constant 10 : i32
      %get3A_433 = arith.index_cast %get3A_432 : i32 to index
      %get3A_434 = arith.constant 0 : index
      %get3A_435 = tpu.vector_load %arg7[%get3A_433, %get3A_434] {strides = array<i32>} : memref<39x128xf32, #tpu.memory_space<vmem>>, vector<16xf32>,
      %slice3A_436 = vector.extract_strided_slice %get3A_277 {offsets = [10], sizes = [1], strides = [1]} : vector<16xf32> to vector<1xf32>
      %squeeze3A_437 = vector.extract %slice3A_436[0] : f32 from vector<1xf32>
      %mul3A_438 = vector.broadcast %squeeze3A_437 : f32 to vector<16xf32>
      %mul3A_439 = arith.mulf %get3A_435, %mul3A_438 : vector<16xf32>
      %add3A_440 = arith.addf %add3A_431, %mul3A_439 : vector<16xf32>
      %get3A_441 = arith.constant 11 : i32
      %get3A_442 = arith.index_cast %get3A_441 : i32 to index
      %get3A_443 = arith.constant 0 : index
      %get3A_444 = tpu.vector_load %arg7[%get3A_442, %get3A_443] {strides = array<i32>} : memref<39x128xf32, #tpu.memory_space<vmem>>, vector<16xf32>,
      %slice3A_445 = vector.extract_strided_slice %get3A_277 {offsets = [11], sizes = [1], strides = [1]} : vector<16xf32> to vector<1xf32>
      %squeeze3A_446 = vector.extract %slice3A_445[0] : f32 from vector<1xf32>
      %mul3A_447 = vector.broadcast %squeeze3A_446 : f32 to vector<16xf32>
      %mul3A_448 = arith.mulf %get3A_444, %mul3A_447 : vector<16xf32>
      %add3A_449 = arith.addf %add3A_440, %mul3A_448 : vector<16xf32>
      %get3A_450 = arith.constant 12 : i32
      %get3A_451 = arith.index_cast %get3A_450 : i32 to index
      %get3A_452 = arith.constant 0 : index
      %get3A_453 = tpu.vector_load %arg7[%get3A_451, %get3A_452] {strides = array<i32>} : memref<39x128xf32, #tpu.memory_space<vmem>>, vector<16xf32>,
      %slice3A_454 = vector.extract_strided_slice %get3A_277 {offsets = [12], sizes = [1], strides = [1]} : vector<16xf32> to vector<1xf32>
      %squeeze3A_455 = vector.extract %slice3A_454[0] : f32 from vector<1xf32>
      %mul3A_456 = vector.broadcast %squeeze3A_455 : f32 to vector<16xf32>
      %mul3A_457 = arith.mulf %get3A_453, %mul3A_456 : vector<16xf32>
      %add3A_458 = arith.addf %add3A_449, %mul3A_457 : vector<16xf32>
      %slice3A_459 = vector.extract_strided_slice %get3A_277 {offsets = [13], sizes = [1], strides = [1]} : vector<16xf32> to vector<1xf32>
      %squeeze3A_460 = vector.extract %slice3A_459[0] : f32 from vector<1xf32>
      %add3A_461 = vector.broadcast %squeeze3A_460 : f32 to vector<16xf32>
      %add3A_462 = arith.addf %add3A_458, %add3A_461 : vector<16xf32>
      %swap3A = arith.constant 0 : index
      %swap3A_463 = tpu.vector_load %arg11[%swap3A] {strides = array<i32>} : memref<128xf32, #tpu.memory_space<vmem>>, vector<16xf32>,
      tpu.vector_store %arg11[%swap3A], %add3A_462 {strides = array<i32>} : memref<128xf32, #tpu.memory_space<vmem>>, vector<16xf32>,
      %broadcast_in_dim3A_464 = arith.constant 0.000000e+00 : f32
      %broadcast_in_dim3A_465 = vector.broadcast %broadcast_in_dim3A_464 : f32 to vector<16xf32>
      %get3A_466 = arith.constant 0 : i32
      %get3A_467 = arith.index_cast %get3A_466 : i32 to index
      %get3A_468 = arith.constant 16 : index
      %get3A_469 = tpu.vector_load %arg9[%get3A_467, %get3A_468] {strides = array<i32>} : memref<13x128xf32, #tpu.memory_space<vmem>>, vector<16xf32>,
      %add3A_470 = arith.addf %broadcast_in_dim3A_465, %get3A_469 : vector<16xf32>
      %get3A_471 = arith.constant 1 : i32
      %get3A_472 = arith.index_cast %get3A_471 : i32 to index
      %get3A_473 = arith.constant 16 : index
      %get3A_474 = tpu.vector_load %arg9[%get3A_472, %get3A_473] {strides = array<i32>} : memref<13x128xf32, #tpu.memory_space<vmem>>, vector<16xf32>,
      %add3A_475 = arith.addf %add3A_470, %get3A_474 : vector<16xf32>
      %get3A_476 = arith.constant 2 : i32
      %get3A_477 = arith.index_cast %get3A_476 : i32 to index
      %get3A_478 = arith.constant 16 : index
      %get3A_479 = tpu.vector_load %arg9[%get3A_477, %get3A_478] {strides = array<i32>} : memref<13x128xf32, #tpu.memory_space<vmem>>, vector<16xf32>,
      %add3A_480 = arith.addf %add3A_475, %get3A_479 : vector<16xf32>
      %get3A_481 = arith.constant 3 : i32
      %get3A_482 = arith.index_cast %get3A_481 : i32 to index
      %get3A_483 = arith.constant 16 : index
      %get3A_484 = tpu.vector_load %arg9[%get3A_482, %get3A_483] {strides = array<i32>} : memref<13x128xf32, #tpu.memory_space<vmem>>, vector<16xf32>,
      %add3A_485 = arith.addf %add3A_480, %get3A_484 : vector<16xf32>
      %get3A_486 = arith.constant 4 : i32
      %get3A_487 = arith.index_cast %get3A_486 : i32 to index
      %get3A_488 = arith.constant 16 : index
      %get3A_489 = tpu.vector_load %arg9[%get3A_487, %get3A_488] {strides = array<i32>} : memref<13x128xf32, #tpu.memory_space<vmem>>, vector<16xf32>,
      %add3A_490 = arith.addf %add3A_485, %get3A_489 : vector<16xf32>
      %get3A_491 = arith.constant 5 : i32
      %get3A_492 = arith.index_cast %get3A_491 : i32 to index
      %get3A_493 = arith.constant 16 : index
      %get3A_494 = tpu.vector_load %arg9[%get3A_492, %get3A_493] {strides = array<i32>} : memref<13x128xf32, #tpu.memory_space<vmem>>, vector<16xf32>,
      %add3A_495 = arith.addf %add3A_490, %get3A_494 : vector<16xf32>
      %get3A_496 = arith.constant 6 : i32
      %get3A_497 = arith.index_cast %get3A_496 : i32 to index
      %get3A_498 = arith.constant 16 : index
      %get3A_499 = tpu.vector_load %arg9[%get3A_497, %get3A_498] {strides = array<i32>} : memref<13x128xf32, #tpu.memory_space<vmem>>, vector<16xf32>,
      %add3A_500 = arith.addf %add3A_495, %get3A_499 : vector<16xf32>
      %get3A_501 = arith.constant 7 : i32
      %get3A_502 = arith.index_cast %get3A_501 : i32 to index
      %get3A_503 = arith.constant 16 : index
      %get3A_504 = tpu.vector_load %arg9[%get3A_502, %get3A_503] {strides = array<i32>} : memref<13x128xf32, #tpu.memory_space<vmem>>, vector<16xf32>,
      %add3A_505 = arith.addf %add3A_500, %get3A_504 : vector<16xf32>
      %get3A_506 = arith.constant 8 : i32
      %get3A_507 = arith.index_cast %get3A_506 : i32 to index
      %get3A_508 = arith.constant 16 : index
      %get3A_509 = tpu.vector_load %arg9[%get3A_507, %get3A_508] {strides = array<i32>} : memref<13x128xf32, #tpu.memory_space<vmem>>, vector<16xf32>,
      %add3A_510 = arith.addf %add3A_505, %get3A_509 : vector<16xf32>
      %get3A_511 = arith.constant 9 : i32
      %get3A_512 = arith.index_cast %get3A_511 : i32 to index
      %get3A_513 = arith.constant 16 : index
      %get3A_514 = tpu.vector_load %arg9[%get3A_512, %get3A_513] {strides = array<i32>} : memref<13x128xf32, #tpu.memory_space<vmem>>, vector<16xf32>,
      %add3A_515 = arith.addf %add3A_510, %get3A_514 : vector<16xf32>
      %get3A_516 = arith.constant 10 : i32
      %get3A_517 = arith.index_cast %get3A_516 : i32 to index
      %get3A_518 = arith.constant 16 : index
      %get3A_519 = tpu.vector_load %arg9[%get3A_517, %get3A_518] {strides = array<i32>} : memref<13x128xf32, #tpu.memory_space<vmem>>, vector<16xf32>,
      %add3A_520 = arith.addf %add3A_515, %get3A_519 : vector<16xf32>
      %get3A_521 = arith.constant 11 : i32
      %get3A_522 = arith.index_cast %get3A_521 : i32 to index
      %get3A_523 = arith.constant 16 : index
      %get3A_524 = tpu.vector_load %arg9[%get3A_522, %get3A_523] {strides = array<i32>} : memref<13x128xf32, #tpu.memory_space<vmem>>, vector<16xf32>,
      %add3A_525 = arith.addf %add3A_520, %get3A_524 : vector<16xf32>
      %get3A_526 = arith.constant 12 : i32
      %get3A_527 = arith.index_cast %get3A_526 : i32 to index
      %get3A_528 = arith.constant 16 : index
      %get3A_529 = tpu.vector_load %arg9[%get3A_527, %get3A_528] {strides = array<i32>} : memref<13x128xf32, #tpu.memory_space<vmem>>, vector<16xf32>,
      %add3A_530 = arith.addf %add3A_525, %get3A_529 : vector<16xf32>
      %get3A_531 = arith.constant 0 : i32
      %get3A_532 = arith.index_cast %get3A_531 : i32 to index
      %get3A_533 = arith.constant 16 : index
      %get3A_534 = tpu.vector_load %arg7[%get3A_532, %get3A_533] {strides = array<i32>} : memref<39x128xf32, #tpu.memory_space<vmem>>, vector<16xf32>,
      %slice3A_535 = vector.extract_strided_slice %get3A_277 {offsets = [0], sizes = [1], strides = [1]} : vector<16xf32> to vector<1xf32>
      %squeeze3A_536 = vector.extract %slice3A_535[0] : f32 from vector<1xf32>
      %mul3A_537 = vector.broadcast %squeeze3A_536 : f32 to vector<16xf32>
      %mul3A_538 = arith.mulf %get3A_534, %mul3A_537 : vector<16xf32>
      %add3A_539 = arith.addf %add3A_530, %mul3A_538 : vector<16xf32>
      %get3A_540 = arith.constant 1 : i32
      %get3A_541 = arith.index_cast %get3A_540 : i32 to index
      %get3A_542 = arith.constant 16 : index
      %get3A_543 = tpu.vector_load %arg7[%get3A_541, %get3A_542] {strides = array<i32>} : memref<39x128xf32, #tpu.memory_space<vmem>>, vector<16xf32>,
      %slice3A_544 = vector.extract_strided_slice %get3A_277 {offsets = [1], sizes = [1], strides = [1]} : vector<16xf32> to vector<1xf32>
      %squeeze3A_545 = vector.extract %slice3A_544[0] : f32 from vector<1xf32>
      %mul3A_546 = vector.broadcast %squeeze3A_545 : f32 to vector<16xf32>
      %mul3A_547 = arith.mulf %get3A_543, %mul3A_546 : vector<16xf32>
      %add3A_548 = arith.addf %add3A_539, %mul3A_547 : vector<16xf32>
      %get3A_549 = arith.constant 2 : i32
      %get3A_550 = arith.index_cast %get3A_549 : i32 to index
      %get3A_551 = arith.constant 16 : index
      %get3A_552 = tpu.vector_load %arg7[%get3A_550, %get3A_551] {strides = array<i32>} : memref<39x128xf32, #tpu.memory_space<vmem>>, vector<16xf32>,
      %slice3A_553 = vector.extract_strided_slice %get3A_277 {offsets = [2], sizes = [1], strides = [1]} : vector<16xf32> to vector<1xf32>
      %squeeze3A_554 = vector.extract %slice3A_553[0] : f32 from vector<1xf32>
      %mul3A_555 = vector.broadcast %squeeze3A_554 : f32 to vector<16xf32>
      %mul3A_556 = arith.mulf %get3A_552, %mul3A_555 : vector<16xf32>
      %add3A_557 = arith.addf %add3A_548, %mul3A_556 : vector<16xf32>
      %get3A_558 = arith.constant 3 : i32
      %get3A_559 = arith.index_cast %get3A_558 : i32 to index
      %get3A_560 = arith.constant 16 : index
      %get3A_561 = tpu.vector_load %arg7[%get3A_559, %get3A_560] {strides = array<i32>} : memref<39x128xf32, #tpu.memory_space<vmem>>, vector<16xf32>,
      %slice3A_562 = vector.extract_strided_slice %get3A_277 {offsets = [3], sizes = [1], strides = [1]} : vector<16xf32> to vector<1xf32>
      %squeeze3A_563 = vector.extract %slice3A_562[0] : f32 from vector<1xf32>
      %mul3A_564 = vector.broadcast %squeeze3A_563 : f32 to vector<16xf32>
      %mul3A_565 = arith.mulf %get3A_561, %mul3A_564 : vector<16xf32>
      %add3A_566 = arith.addf %add3A_557, %mul3A_565 : vector<16xf32>
      %get3A_567 = arith.constant 4 : i32
      %get3A_568 = arith.index_cast %get3A_567 : i32 to index
      %get3A_569 = arith.constant 16 : index
      %get3A_570 = tpu.vector_load %arg7[%get3A_568, %get3A_569] {strides = array<i32>} : memref<39x128xf32, #tpu.memory_space<vmem>>, vector<16xf32>,
      %slice3A_571 = vector.extract_strided_slice %get3A_277 {offsets = [4], sizes = [1], strides = [1]} : vector<16xf32> to vector<1xf32>
      %squeeze3A_572 = vector.extract %slice3A_571[0] : f32 from vector<1xf32>
      %mul3A_573 = vector.broadcast %squeeze3A_572 : f32 to vector<16xf32>
      %mul3A_574 = arith.mulf %get3A_570, %mul3A_573 : vector<16xf32>
      %add3A_575 = arith.addf %add3A_566, %mul3A_574 : vector<16xf32>
      %get3A_576 = arith.constant 5 : i32
      %get3A_577 = arith.index_cast %get3A_576 : i32 to index
      %get3A_578 = arith.constant 16 : index
      %get3A_579 = tpu.vector_load %arg7[%get3A_577, %get3A_578] {strides = array<i32>} : memref<39x128xf32, #tpu.memory_space<vmem>>, vector<16xf32>,
      %slice3A_580 = vector.extract_strided_slice %get3A_277 {offsets = [5], sizes = [1], strides = [1]} : vector<16xf32> to vector<1xf32>
      %squeeze3A_581 = vector.extract %slice3A_580[0] : f32 from vector<1xf32>
      %mul3A_582 = vector.broadcast %squeeze3A_581 : f32 to vector<16xf32>
      %mul3A_583 = arith.mulf %get3A_579, %mul3A_582 : vector<16xf32>
      %add3A_584 = arith.addf %add3A_575, %mul3A_583 : vector<16xf32>
      %get3A_585 = arith.constant 6 : i32
      %get3A_586 = arith.index_cast %get3A_585 : i32 to index
      %get3A_587 = arith.constant 16 : index
      %get3A_588 = tpu.vector_load %arg7[%get3A_586, %get3A_587] {strides = array<i32>} : memref<39x128xf32, #tpu.memory_space<vmem>>, vector<16xf32>,
      %slice3A_589 = vector.extract_strided_slice %get3A_277 {offsets = [6], sizes = [1], strides = [1]} : vector<16xf32> to vector<1xf32>
      %squeeze3A_590 = vector.extract %slice3A_589[0] : f32 from vector<1xf32>
      %mul3A_591 = vector.broadcast %squeeze3A_590 : f32 to vector<16xf32>
      %mul3A_592 = arith.mulf %get3A_588, %mul3A_591 : vector<16xf32>
      %add3A_593 = arith.addf %add3A_584, %mul3A_592 : vector<16xf32>
      %get3A_594 = arith.constant 7 : i32
      %get3A_595 = arith.index_cast %get3A_594 : i32 to index
      %get3A_596 = arith.constant 16 : index
      %get3A_597 = tpu.vector_load %arg7[%get3A_595, %get3A_596] {strides = array<i32>} : memref<39x128xf32, #tpu.memory_space<vmem>>, vector<16xf32>,
      %slice3A_598 = vector.extract_strided_slice %get3A_277 {offsets = [7], sizes = [1], strides = [1]} : vector<16xf32> to vector<1xf32>
      %squeeze3A_599 = vector.extract %slice3A_598[0] : f32 from vector<1xf32>
      %mul3A_600 = vector.broadcast %squeeze3A_599 : f32 to vector<16xf32>
      %mul3A_601 = arith.mulf %get3A_597, %mul3A_600 : vector<16xf32>
      %add3A_602 = arith.addf %add3A_593, %mul3A_601 : vector<16xf32>
      %get3A_603 = arith.constant 8 : i32
      %get3A_604 = arith.index_cast %get3A_603 : i32 to index
      %get3A_605 = arith.constant 16 : index
      %get3A_606 = tpu.vector_load %arg7[%get3A_604, %get3A_605] {strides = array<i32>} : memref<39x128xf32, #tpu.memory_space<vmem>>, vector<16xf32>,
      %slice3A_607 = vector.extract_strided_slice %get3A_277 {offsets = [8], sizes = [1], strides = [1]} : vector<16xf32> to vector<1xf32>
      %squeeze3A_608 = vector.extract %slice3A_607[0] : f32 from vector<1xf32>
      %mul3A_609 = vector.broadcast %squeeze3A_608 : f32 to vector<16xf32>
      %mul3A_610 = arith.mulf %get3A_606, %mul3A_609 : vector<16xf32>
      %add3A_611 = arith.addf %add3A_602, %mul3A_610 : vector<16xf32>
      %get3A_612 = arith.constant 9 : i32
      %get3A_613 = arith.index_cast %get3A_612 : i32 to index
      %get3A_614 = arith.constant 16 : index
      %get3A_615 = tpu.vector_load %arg7[%get3A_613, %get3A_614] {strides = array<i32>} : memref<39x128xf32, #tpu.memory_space<vmem>>, vector<16xf32>,
      %slice3A_616 = vector.extract_strided_slice %get3A_277 {offsets = [9], sizes = [1], strides = [1]} : vector<16xf32> to vector<1xf32>
      %squeeze3A_617 = vector.extract %slice3A_616[0] : f32 from vector<1xf32>
      %mul3A_618 = vector.broadcast %squeeze3A_617 : f32 to vector<16xf32>
      %mul3A_619 = arith.mulf %get3A_615, %mul3A_618 : vector<16xf32>
      %add3A_620 = arith.addf %add3A_611, %mul3A_619 : vector<16xf32>
      %get3A_621 = arith.constant 10 : i32
      %get3A_622 = arith.index_cast %get3A_621 : i32 to index
      %get3A_623 = arith.constant 16 : index
      %get3A_624 = tpu.vector_load %arg7[%get3A_622, %get3A_623] {strides = array<i32>} : memref<39x128xf32, #tpu.memory_space<vmem>>, vector<16xf32>,
      %slice3A_625 = vector.extract_strided_slice %get3A_277 {offsets = [10], sizes = [1], strides = [1]} : vector<16xf32> to vector<1xf32>
      %squeeze3A_626 = vector.extract %slice3A_625[0] : f32 from vector<1xf32>
      %mul3A_627 = vector.broadcast %squeeze3A_626 : f32 to vector<16xf32>
      %mul3A_628 = arith.mulf %get3A_624, %mul3A_627 : vector<16xf32>
      %add3A_629 = arith.addf %add3A_620, %mul3A_628 : vector<16xf32>
      %get3A_630 = arith.constant 11 : i32
      %get3A_631 = arith.index_cast %get3A_630 : i32 to index
      %get3A_632 = arith.constant 16 : index
      %get3A_633 = tpu.vector_load %arg7[%get3A_631, %get3A_632] {strides = array<i32>} : memref<39x128xf32, #tpu.memory_space<vmem>>, vector<16xf32>,
      %slice3A_634 = vector.extract_strided_slice %get3A_277 {offsets = [11], sizes = [1], strides = [1]} : vector<16xf32> to vector<1xf32>
      %squeeze3A_635 = vector.extract %slice3A_634[0] : f32 from vector<1xf32>
      %mul3A_636 = vector.broadcast %squeeze3A_635 : f32 to vector<16xf32>
      %mul3A_637 = arith.mulf %get3A_633, %mul3A_636 : vector<16xf32>
      %add3A_638 = arith.addf %add3A_629, %mul3A_637 : vector<16xf32>
      %get3A_639 = arith.constant 12 : i32
      %get3A_640 = arith.index_cast %get3A_639 : i32 to index
      %get3A_641 = arith.constant 16 : index
      %get3A_642 = tpu.vector_load %arg7[%get3A_640, %get3A_641] {strides = array<i32>} : memref<39x128xf32, #tpu.memory_space<vmem>>, vector<16xf32>,
      %slice3A_643 = vector.extract_strided_slice %get3A_277 {offsets = [12], sizes = [1], strides = [1]} : vector<16xf32> to vector<1xf32>
      %squeeze3A_644 = vector.extract %slice3A_643[0] : f32 from vector<1xf32>
      %mul3A_645 = vector.broadcast %squeeze3A_644 : f32 to vector<16xf32>
      %mul3A_646 = arith.mulf %get3A_642, %mul3A_645 : vector<16xf32>
      %add3A_647 = arith.addf %add3A_638, %mul3A_646 : vector<16xf32>
      %slice3A_648 = vector.extract_strided_slice %get3A_277 {offsets = [13], sizes = [1], strides = [1]} : vector<16xf32> to vector<1xf32>
      %squeeze3A_649 = vector.extract %slice3A_648[0] : f32 from vector<1xf32>
      %add3A_650 = vector.broadcast %squeeze3A_649 : f32 to vector<16xf32>
      %add3A_651 = arith.addf %add3A_647, %add3A_650 : vector<16xf32>
      %swap3A_652 = arith.constant 16 : index
      %swap3A_653 = tpu.vector_load %arg11[%swap3A_652] {strides = array<i32>} : memref<128xf32, #tpu.memory_space<vmem>>, vector<16xf32>,
      tpu.vector_store %arg11[%swap3A_652], %add3A_651 {strides = array<i32>} : memref<128xf32, #tpu.memory_space<vmem>>, vector<16xf32>,
      %broadcast_in_dim3A_654 = arith.constant 0.000000e+00 : f32
      %broadcast_in_dim3A_655 = vector.broadcast %broadcast_in_dim3A_654 : f32 to vector<16xf32>
      %get3A_656 = arith.constant 0 : i32
      %get3A_657 = arith.index_cast %get3A_656 : i32 to index
      %get3A_658 = arith.constant 32 : index
      %get3A_659 = tpu.vector_load %arg9[%get3A_657, %get3A_658] {strides = array<i32>} : memref<13x128xf32, #tpu.memory_space<vmem>>, vector<16xf32>,
      %add3A_660 = arith.addf %broadcast_in_dim3A_655, %get3A_659 : vector<16xf32>
      %get3A_661 = arith.constant 1 : i32
      %get3A_662 = arith.index_cast %get3A_661 : i32 to index
      %get3A_663 = arith.constant 32 : index
      %get3A_664 = tpu.vector_load %arg9[%get3A_662, %get3A_663] {strides = array<i32>} : memref<13x128xf32, #tpu.memory_space<vmem>>, vector<16xf32>,
      %add3A_665 = arith.addf %add3A_660, %get3A_664 : vector<16xf32>
      %get3A_666 = arith.constant 2 : i32
      %get3A_667 = arith.index_cast %get3A_666 : i32 to index
      %get3A_668 = arith.constant 32 : index
      %get3A_669 = tpu.vector_load %arg9[%get3A_667, %get3A_668] {strides = array<i32>} : memref<13x128xf32, #tpu.memory_space<vmem>>, vector<16xf32>,
      %add3A_670 = arith.addf %add3A_665, %get3A_669 : vector<16xf32>
      %get3A_671 = arith.constant 3 : i32
      %get3A_672 = arith.index_cast %get3A_671 : i32 to index
      %get3A_673 = arith.constant 32 : index
      %get3A_674 = tpu.vector_load %arg9[%get3A_672, %get3A_673] {strides = array<i32>} : memref<13x128xf32, #tpu.memory_space<vmem>>, vector<16xf32>,
      %add3A_675 = arith.addf %add3A_670, %get3A_674 : vector<16xf32>
      %get3A_676 = arith.constant 4 : i32
      %get3A_677 = arith.index_cast %get3A_676 : i32 to index
      %get3A_678 = arith.constant 32 : index
      %get3A_679 = tpu.vector_load %arg9[%get3A_677, %get3A_678] {strides = array<i32>} : memref<13x128xf32, #tpu.memory_space<vmem>>, vector<16xf32>,
      %add3A_680 = arith.addf %add3A_675, %get3A_679 : vector<16xf32>
      %get3A_681 = arith.constant 5 : i32
      %get3A_682 = arith.index_cast %get3A_681 : i32 to index
      %get3A_683 = arith.constant 32 : index
      %get3A_684 = tpu.vector_load %arg9[%get3A_682, %get3A_683] {strides = array<i32>} : memref<13x128xf32, #tpu.memory_space<vmem>>, vector<16xf32>,
      %add3A_685 = arith.addf %add3A_680, %get3A_684 : vector<16xf32>
      %get3A_686 = arith.constant 6 : i32
      %get3A_687 = arith.index_cast %get3A_686 : i32 to index
      %get3A_688 = arith.constant 32 : index
      %get3A_689 = tpu.vector_load %arg9[%get3A_687, %get3A_688] {strides = array<i32>} : memref<13x128xf32, #tpu.memory_space<vmem>>, vector<16xf32>,
      %add3A_690 = arith.addf %add3A_685, %get3A_689 : vector<16xf32>
      %get3A_691 = arith.constant 7 : i32
      %get3A_692 = arith.index_cast %get3A_691 : i32 to index
      %get3A_693 = arith.constant 32 : index
      %get3A_694 = tpu.vector_load %arg9[%get3A_692, %get3A_693] {strides = array<i32>} : memref<13x128xf32, #tpu.memory_space<vmem>>, vector<16xf32>,
      %add3A_695 = arith.addf %add3A_690, %get3A_694 : vector<16xf32>
      %get3A_696 = arith.constant 8 : i32
      %get3A_697 = arith.index_cast %get3A_696 : i32 to index
      %get3A_698 = arith.constant 32 : index
      %get3A_699 = tpu.vector_load %arg9[%get3A_697, %get3A_698] {strides = array<i32>} : memref<13x128xf32, #tpu.memory_space<vmem>>, vector<16xf32>,
      %add3A_700 = arith.addf %add3A_695, %get3A_699 : vector<16xf32>
      %get3A_701 = arith.constant 9 : i32
      %get3A_702 = arith.index_cast %get3A_701 : i32 to index
      %get3A_703 = arith.constant 32 : index
      %get3A_704 = tpu.vector_load %arg9[%get3A_702, %get3A_703] {strides = array<i32>} : memref<13x128xf32, #tpu.memory_space<vmem>>, vector<16xf32>,
      %add3A_705 = arith.addf %add3A_700, %get3A_704 : vector<16xf32>
      %get3A_706 = arith.constant 10 : i32
      %get3A_707 = arith.index_cast %get3A_706 : i32 to index
      %get3A_708 = arith.constant 32 : index
      %get3A_709 = tpu.vector_load %arg9[%get3A_707, %get3A_708] {strides = array<i32>} : memref<13x128xf32, #tpu.memory_space<vmem>>, vector<16xf32>,
      %add3A_710 = arith.addf %add3A_705, %get3A_709 : vector<16xf32>
      %get3A_711 = arith.constant 11 : i32
      %get3A_712 = arith.index_cast %get3A_711 : i32 to index
      %get3A_713 = arith.constant 32 : index
      %get3A_714 = tpu.vector_load %arg9[%get3A_712, %get3A_713] {strides = array<i32>} : memref<13x128xf32, #tpu.memory_space<vmem>>, vector<16xf32>,
      %add3A_715 = arith.addf %add3A_710, %get3A_714 : vector<16xf32>
      %get3A_716 = arith.constant 12 : i32
      %get3A_717 = arith.index_cast %get3A_716 : i32 to index
      %get3A_718 = arith.constant 32 : index
      %get3A_719 = tpu.vector_load %arg9[%get3A_717, %get3A_718] {strides = array<i32>} : memref<13x128xf32, #tpu.memory_space<vmem>>, vector<16xf32>,
      %add3A_720 = arith.addf %add3A_715, %get3A_719 : vector<16xf32>
      %get3A_721 = arith.constant 0 : i32
      %get3A_722 = arith.index_cast %get3A_721 : i32 to index
      %get3A_723 = arith.constant 32 : index
      %get3A_724 = tpu.vector_load %arg7[%get3A_722, %get3A_723] {strides = array<i32>} : memref<39x128xf32, #tpu.memory_space<vmem>>, vector<16xf32>,
      %slice3A_725 = vector.extract_strided_slice %get3A_277 {offsets = [0], sizes = [1], strides = [1]} : vector<16xf32> to vector<1xf32>
      %squeeze3A_726 = vector.extract %slice3A_725[0] : f32 from vector<1xf32>
      %mul3A_727 = vector.broadcast %squeeze3A_726 : f32 to vector<16xf32>
      %mul3A_728 = arith.mulf %get3A_724, %mul3A_727 : vector<16xf32>
      %add3A_729 = arith.addf %add3A_720, %mul3A_728 : vector<16xf32>
      %get3A_730 = arith.constant 1 : i32
      %get3A_731 = arith.index_cast %get3A_730 : i32 to index
      %get3A_732 = arith.constant 32 : index
      %get3A_733 = tpu.vector_load %arg7[%get3A_731, %get3A_732] {strides = array<i32>} : memref<39x128xf32, #tpu.memory_space<vmem>>, vector<16xf32>,
      %slice3A_734 = vector.extract_strided_slice %get3A_277 {offsets = [1], sizes = [1], strides = [1]} : vector<16xf32> to vector<1xf32>
      %squeeze3A_735 = vector.extract %slice3A_734[0] : f32 from vector<1xf32>
      %mul3A_736 = vector.broadcast %squeeze3A_735 : f32 to vector<16xf32>
      %mul3A_737 = arith.mulf %get3A_733, %mul3A_736 : vector<16xf32>
      %add3A_738 = arith.addf %add3A_729, %mul3A_737 : vector<16xf32>
      %get3A_739 = arith.constant 2 : i32
      %get3A_740 = arith.index_cast %get3A_739 : i32 to index
      %get3A_741 = arith.constant 32 : index
      %get3A_742 = tpu.vector_load %arg7[%get3A_740, %get3A_741] {strides = array<i32>} : memref<39x128xf32, #tpu.memory_space<vmem>>, vector<16xf32>,
      %slice3A_743 = vector.extract_strided_slice %get3A_277 {offsets = [2], sizes = [1], strides = [1]} : vector<16xf32> to vector<1xf32>
      %squeeze3A_744 = vector.extract %slice3A_743[0] : f32 from vector<1xf32>
      %mul3A_745 = vector.broadcast %squeeze3A_744 : f32 to vector<16xf32>
      %mul3A_746 = arith.mulf %get3A_742, %mul3A_745 : vector<16xf32>
      %add3A_747 = arith.addf %add3A_738, %mul3A_746 : vector<16xf32>
      %get3A_748 = arith.constant 3 : i32
      %get3A_749 = arith.index_cast %get3A_748 : i32 to index
      %get3A_750 = arith.constant 32 : index
      %get3A_751 = tpu.vector_load %arg7[%get3A_749, %get3A_750] {strides = array<i32>} : memref<39x128xf32, #tpu.memory_space<vmem>>, vector<16xf32>,
      %slice3A_752 = vector.extract_strided_slice %get3A_277 {offsets = [3], sizes = [1], strides = [1]} : vector<16xf32> to vector<1xf32>
      %squeeze3A_753 = vector.extract %slice3A_752[0] : f32 from vector<1xf32>
      %mul3A_754 = vector.broadcast %squeeze3A_753 : f32 to vector<16xf32>
      %mul3A_755 = arith.mulf %get3A_751, %mul3A_754 : vector<16xf32>
      %add3A_756 = arith.addf %add3A_747, %mul3A_755 : vector<16xf32>
      %get3A_757 = arith.constant 4 : i32
      %get3A_758 = arith.index_cast %get3A_757 : i32 to index
      %get3A_759 = arith.constant 32 : index
      %get3A_760 = tpu.vector_load %arg7[%get3A_758, %get3A_759] {strides = array<i32>} : memref<39x128xf32, #tpu.memory_space<vmem>>, vector<16xf32>,
      %slice3A_761 = vector.extract_strided_slice %get3A_277 {offsets = [4], sizes = [1], strides = [1]} : vector<16xf32> to vector<1xf32>
      %squeeze3A_762 = vector.extract %slice3A_761[0] : f32 from vector<1xf32>
      %mul3A_763 = vector.broadcast %squeeze3A_762 : f32 to vector<16xf32>
      %mul3A_764 = arith.mulf %get3A_760, %mul3A_763 : vector<16xf32>
      %add3A_765 = arith.addf %add3A_756, %mul3A_764 : vector<16xf32>
      %get3A_766 = arith.constant 5 : i32
      %get3A_767 = arith.index_cast %get3A_766 : i32 to index
      %get3A_768 = arith.constant 32 : index
      %get3A_769 = tpu.vector_load %arg7[%get3A_767, %get3A_768] {strides = array<i32>} : memref<39x128xf32, #tpu.memory_space<vmem>>, vector<16xf32>,
      %slice3A_770 = vector.extract_strided_slice %get3A_277 {offsets = [5], sizes = [1], strides = [1]} : vector<16xf32> to vector<1xf32>
      %squeeze3A_771 = vector.extract %slice3A_770[0] : f32 from vector<1xf32>
      %mul3A_772 = vector.broadcast %squeeze3A_771 : f32 to vector<16xf32>
      %mul3A_773 = arith.mulf %get3A_769, %mul3A_772 : vector<16xf32>
      %add3A_774 = arith.addf %add3A_765, %mul3A_773 : vector<16xf32>
      %get3A_775 = arith.constant 6 : i32
      %get3A_776 = arith.index_cast %get3A_775 : i32 to index
      %get3A_777 = arith.constant 32 : index
      %get3A_778 = tpu.vector_load %arg7[%get3A_776, %get3A_777] {strides = array<i32>} : memref<39x128xf32, #tpu.memory_space<vmem>>, vector<16xf32>,
      %slice3A_779 = vector.extract_strided_slice %get3A_277 {offsets = [6], sizes = [1], strides = [1]} : vector<16xf32> to vector<1xf32>
      %squeeze3A_780 = vector.extract %slice3A_779[0] : f32 from vector<1xf32>
      %mul3A_781 = vector.broadcast %squeeze3A_780 : f32 to vector<16xf32>
      %mul3A_782 = arith.mulf %get3A_778, %mul3A_781 : vector<16xf32>
      %add3A_783 = arith.addf %add3A_774, %mul3A_782 : vector<16xf32>
      %get3A_784 = arith.constant 7 : i32
      %get3A_785 = arith.index_cast %get3A_784 : i32 to index
      %get3A_786 = arith.constant 32 : index
      %get3A_787 = tpu.vector_load %arg7[%get3A_785, %get3A_786] {strides = array<i32>} : memref<39x128xf32, #tpu.memory_space<vmem>>, vector<16xf32>,
      %slice3A_788 = vector.extract_strided_slice %get3A_277 {offsets = [7], sizes = [1], strides = [1]} : vector<16xf32> to vector<1xf32>
      %squeeze3A_789 = vector.extract %slice3A_788[0] : f32 from vector<1xf32>
      %mul3A_790 = vector.broadcast %squeeze3A_789 : f32 to vector<16xf32>
      %mul3A_791 = arith.mulf %get3A_787, %mul3A_790 : vector<16xf32>
      %add3A_792 = arith.addf %add3A_783, %mul3A_791 : vector<16xf32>
      %get3A_793 = arith.constant 8 : i32
      %get3A_794 = arith.index_cast %get3A_793 : i32 to index
      %get3A_795 = arith.constant 32 : index
      %get3A_796 = tpu.vector_load %arg7[%get3A_794, %get3A_795] {strides = array<i32>} : memref<39x128xf32, #tpu.memory_space<vmem>>, vector<16xf32>,
      %slice3A_797 = vector.extract_strided_slice %get3A_277 {offsets = [8], sizes = [1], strides = [1]} : vector<16xf32> to vector<1xf32>
      %squeeze3A_798 = vector.extract %slice3A_797[0] : f32 from vector<1xf32>
      %mul3A_799 = vector.broadcast %squeeze3A_798 : f32 to vector<16xf32>
      %mul3A_800 = arith.mulf %get3A_796, %mul3A_799 : vector<16xf32>
      %add3A_801 = arith.addf %add3A_792, %mul3A_800 : vector<16xf32>
      %get3A_802 = arith.constant 9 : i32
      %get3A_803 = arith.index_cast %get3A_802 : i32 to index
      %get3A_804 = arith.constant 32 : index
      %get3A_805 = tpu.vector_load %arg7[%get3A_803, %get3A_804] {strides = array<i32>} : memref<39x128xf32, #tpu.memory_space<vmem>>, vector<16xf32>,
      %slice3A_806 = vector.extract_strided_slice %get3A_277 {offsets = [9], sizes = [1], strides = [1]} : vector<16xf32> to vector<1xf32>
      %squeeze3A_807 = vector.extract %slice3A_806[0] : f32 from vector<1xf32>
      %mul3A_808 = vector.broadcast %squeeze3A_807 : f32 to vector<16xf32>
      %mul3A_809 = arith.mulf %get3A_805, %mul3A_808 : vector<16xf32>
      %add3A_810 = arith.addf %add3A_801, %mul3A_809 : vector<16xf32>
      %get3A_811 = arith.constant 10 : i32
      %get3A_812 = arith.index_cast %get3A_811 : i32 to index
      %get3A_813 = arith.constant 32 : index
      %get3A_814 = tpu.vector_load %arg7[%get3A_812, %get3A_813] {strides = array<i32>} : memref<39x128xf32, #tpu.memory_space<vmem>>, vector<16xf32>,
      %slice3A_815 = vector.extract_strided_slice %get3A_277 {offsets = [10], sizes = [1], strides = [1]} : vector<16xf32> to vector<1xf32>
      %squeeze3A_816 = vector.extract %slice3A_815[0] : f32 from vector<1xf32>
      %mul3A_817 = vector.broadcast %squeeze3A_816 : f32 to vector<16xf32>
      %mul3A_818 = arith.mulf %get3A_814, %mul3A_817 : vector<16xf32>
      %add3A_819 = arith.addf %add3A_810, %mul3A_818 : vector<16xf32>
      %get3A_820 = arith.constant 11 : i32
      %get3A_821 = arith.index_cast %get3A_820 : i32 to index
      %get3A_822 = arith.constant 32 : index
      %get3A_823 = tpu.vector_load %arg7[%get3A_821, %get3A_822] {strides = array<i32>} : memref<39x128xf32, #tpu.memory_space<vmem>>, vector<16xf32>,
      %slice3A_824 = vector.extract_strided_slice %get3A_277 {offsets = [11], sizes = [1], strides = [1]} : vector<16xf32> to vector<1xf32>
      %squeeze3A_825 = vector.extract %slice3A_824[0] : f32 from vector<1xf32>
      %mul3A_826 = vector.broadcast %squeeze3A_825 : f32 to vector<16xf32>
      %mul3A_827 = arith.mulf %get3A_823, %mul3A_826 : vector<16xf32>
      %add3A_828 = arith.addf %add3A_819, %mul3A_827 : vector<16xf32>
      %get3A_829 = arith.constant 12 : i32
      %get3A_830 = arith.index_cast %get3A_829 : i32 to index
      %get3A_831 = arith.constant 32 : index
      %get3A_832 = tpu.vector_load %arg7[%get3A_830, %get3A_831] {strides = array<i32>} : memref<39x128xf32, #tpu.memory_space<vmem>>, vector<16xf32>,
      %slice3A_833 = vector.extract_strided_slice %get3A_277 {offsets = [12], sizes = [1], strides = [1]} : vector<16xf32> to vector<1xf32>
      %squeeze3A_834 = vector.extract %slice3A_833[0] : f32 from vector<1xf32>
      %mul3A_835 = vector.broadcast %squeeze3A_834 : f32 to vector<16xf32>
      %mul3A_836 = arith.mulf %get3A_832, %mul3A_835 : vector<16xf32>
      %add3A_837 = arith.addf %add3A_828, %mul3A_836 : vector<16xf32>
      %slice3A_838 = vector.extract_strided_slice %get3A_277 {offsets = [13], sizes = [1], strides = [1]} : vector<16xf32> to vector<1xf32>
      %squeeze3A_839 = vector.extract %slice3A_838[0] : f32 from vector<1xf32>
      %add3A_840 = vector.broadcast %squeeze3A_839 : f32 to vector<16xf32>
      %add3A_841 = arith.addf %add3A_837, %add3A_840 : vector<16xf32>
      %swap3A_842 = arith.constant 32 : index
      %swap3A_843 = tpu.vector_load %arg11[%swap3A_842] {strides = array<i32>} : memref<128xf32, #tpu.memory_space<vmem>>, vector<16xf32>,
      tpu.vector_store %arg11[%swap3A_842], %add3A_841 {strides = array<i32>} : memref<128xf32, #tpu.memory_space<vmem>>, vector<16xf32>,
      %broadcast_in_dim3A_844 = arith.constant 0.000000e+00 : f32
      %broadcast_in_dim3A_845 = vector.broadcast %broadcast_in_dim3A_844 : f32 to vector<16xf32>
      %get3A_846 = arith.constant 0 : i32
      %get3A_847 = arith.index_cast %get3A_846 : i32 to index
      %get3A_848 = arith.constant 48 : index
      %get3A_849 = tpu.vector_load %arg9[%get3A_847, %get3A_848] {strides = array<i32>} : memref<13x128xf32, #tpu.memory_space<vmem>>, vector<16xf32>,
      %add3A_850 = arith.addf %broadcast_in_dim3A_845, %get3A_849 : vector<16xf32>
      %get3A_851 = arith.constant 1 : i32
      %get3A_852 = arith.index_cast %get3A_851 : i32 to index
      %get3A_853 = arith.constant 48 : index
      %get3A_854 = tpu.vector_load %arg9[%get3A_852, %get3A_853] {strides = array<i32>} : memref<13x128xf32, #tpu.memory_space<vmem>>, vector<16xf32>,
      %add3A_855 = arith.addf %add3A_850, %get3A_854 : vector<16xf32>
      %get3A_856 = arith.constant 2 : i32
      %get3A_857 = arith.index_cast %get3A_856 : i32 to index
      %get3A_858 = arith.constant 48 : index
      %get3A_859 = tpu.vector_load %arg9[%get3A_857, %get3A_858] {strides = array<i32>} : memref<13x128xf32, #tpu.memory_space<vmem>>, vector<16xf32>,
      %add3A_860 = arith.addf %add3A_855, %get3A_859 : vector<16xf32>
      %get3A_861 = arith.constant 3 : i32
      %get3A_862 = arith.index_cast %get3A_861 : i32 to index
      %get3A_863 = arith.constant 48 : index
      %get3A_864 = tpu.vector_load %arg9[%get3A_862, %get3A_863] {strides = array<i32>} : memref<13x128xf32, #tpu.memory_space<vmem>>, vector<16xf32>,
      %add3A_865 = arith.addf %add3A_860, %get3A_864 : vector<16xf32>
      %get3A_866 = arith.constant 4 : i32
      %get3A_867 = arith.index_cast %get3A_866 : i32 to index
      %get3A_868 = arith.constant 48 : index
      %get3A_869 = tpu.vector_load %arg9[%get3A_867, %get3A_868] {strides = array<i32>} : memref<13x128xf32, #tpu.memory_space<vmem>>, vector<16xf32>,
      %add3A_870 = arith.addf %add3A_865, %get3A_869 : vector<16xf32>
      %get3A_871 = arith.constant 5 : i32
      %get3A_872 = arith.index_cast %get3A_871 : i32 to index
      %get3A_873 = arith.constant 48 : index
      %get3A_874 = tpu.vector_load %arg9[%get3A_872, %get3A_873] {strides = array<i32>} : memref<13x128xf32, #tpu.memory_space<vmem>>, vector<16xf32>,
      %add3A_875 = arith.addf %add3A_870, %get3A_874 : vector<16xf32>
      %get3A_876 = arith.constant 6 : i32
      %get3A_877 = arith.index_cast %get3A_876 : i32 to index
      %get3A_878 = arith.constant 48 : index
      %get3A_879 = tpu.vector_load %arg9[%get3A_877, %get3A_878] {strides = array<i32>} : memref<13x128xf32, #tpu.memory_space<vmem>>, vector<16xf32>,
      %add3A_880 = arith.addf %add3A_875, %get3A_879 : vector<16xf32>
      %get3A_881 = arith.constant 7 : i32
      %get3A_882 = arith.index_cast %get3A_881 : i32 to index
      %get3A_883 = arith.constant 48 : index
      %get3A_884 = tpu.vector_load %arg9[%get3A_882, %get3A_883] {strides = array<i32>} : memref<13x128xf32, #tpu.memory_space<vmem>>, vector<16xf32>,
      %add3A_885 = arith.addf %add3A_880, %get3A_884 : vector<16xf32>
      %get3A_886 = arith.constant 8 : i32
      %get3A_887 = arith.index_cast %get3A_886 : i32 to index
      %get3A_888 = arith.constant 48 : index
      %get3A_889 = tpu.vector_load %arg9[%get3A_887, %get3A_888] {strides = array<i32>} : memref<13x128xf32, #tpu.memory_space<vmem>>, vector<16xf32>,
      %add3A_890 = arith.addf %add3A_885, %get3A_889 : vector<16xf32>
      %get3A_891 = arith.constant 9 : i32
      %get3A_892 = arith.index_cast %get3A_891 : i32 to index
      %get3A_893 = arith.constant 48 : index
      %get3A_894 = tpu.vector_load %arg9[%get3A_892, %get3A_893] {strides = array<i32>} : memref<13x128xf32, #tpu.memory_space<vmem>>, vector<16xf32>,
      %add3A_895 = arith.addf %add3A_890, %get3A_894 : vector<16xf32>
      %get3A_896 = arith.constant 10 : i32
      %get3A_897 = arith.index_cast %get3A_896 : i32 to index
      %get3A_898 = arith.constant 48 : index
      %get3A_899 = tpu.vector_load %arg9[%get3A_897, %get3A_898] {strides = array<i32>} : memref<13x128xf32, #tpu.memory_space<vmem>>, vector<16xf32>,
      %add3A_900 = arith.addf %add3A_895, %get3A_899 : vector<16xf32>
      %get3A_901 = arith.constant 11 : i32
      %get3A_902 = arith.index_cast %get3A_901 : i32 to index
      %get3A_903 = arith.constant 48 : index
      %get3A_904 = tpu.vector_load %arg9[%get3A_902, %get3A_903] {strides = array<i32>} : memref<13x128xf32, #tpu.memory_space<vmem>>, vector<16xf32>,
      %add3A_905 = arith.addf %add3A_900, %get3A_904 : vector<16xf32>
      %get3A_906 = arith.constant 12 : i32
      %get3A_907 = arith.index_cast %get3A_906 : i32 to index
      %get3A_908 = arith.constant 48 : index
      %get3A_909 = tpu.vector_load %arg9[%get3A_907, %get3A_908] {strides = array<i32>} : memref<13x128xf32, #tpu.memory_space<vmem>>, vector<16xf32>,
      %add3A_910 = arith.addf %add3A_905, %get3A_909 : vector<16xf32>
      %get3A_911 = arith.constant 0 : i32
      %get3A_912 = arith.index_cast %get3A_911 : i32 to index
      %get3A_913 = arith.constant 48 : index
      %get3A_914 = tpu.vector_load %arg7[%get3A_912, %get3A_913] {strides = array<i32>} : memref<39x128xf32, #tpu.memory_space<vmem>>, vector<16xf32>,
      %slice3A_915 = vector.extract_strided_slice %get3A_277 {offsets = [0], sizes = [1], strides = [1]} : vector<16xf32> to vector<1xf32>
      %squeeze3A_916 = vector.extract %slice3A_915[0] : f32 from vector<1xf32>
      %mul3A_917 = vector.broadcast %squeeze3A_916 : f32 to vector<16xf32>
      %mul3A_918 = arith.mulf %get3A_914, %mul3A_917 : vector<16xf32>
      %add3A_919 = arith.addf %add3A_910, %mul3A_918 : vector<16xf32>
      %get3A_920 = arith.constant 1 : i32
      %get3A_921 = arith.index_cast %get3A_920 : i32 to index
      %get3A_922 = arith.constant 48 : index
      %get3A_923 = tpu.vector_load %arg7[%get3A_921, %get3A_922] {strides = array<i32>} : memref<39x128xf32, #tpu.memory_space<vmem>>, vector<16xf32>,
      %slice3A_924 = vector.extract_strided_slice %get3A_277 {offsets = [1], sizes = [1], strides = [1]} : vector<16xf32> to vector<1xf32>
      %squeeze3A_925 = vector.extract %slice3A_924[0] : f32 from vector<1xf32>
      %mul3A_926 = vector.broadcast %squeeze3A_925 : f32 to vector<16xf32>
      %mul3A_927 = arith.mulf %get3A_923, %mul3A_926 : vector<16xf32>
      %add3A_928 = arith.addf %add3A_919, %mul3A_927 : vector<16xf32>
      %get3A_929 = arith.constant 2 : i32
      %get3A_930 = arith.index_cast %get3A_929 : i32 to index
      %get3A_931 = arith.constant 48 : index
      %get3A_932 = tpu.vector_load %arg7[%get3A_930, %get3A_931] {strides = array<i32>} : memref<39x128xf32, #tpu.memory_space<vmem>>, vector<16xf32>,
      %slice3A_933 = vector.extract_strided_slice %get3A_277 {offsets = [2], sizes = [1], strides = [1]} : vector<16xf32> to vector<1xf32>
      %squeeze3A_934 = vector.extract %slice3A_933[0] : f32 from vector<1xf32>
      %mul3A_935 = vector.broadcast %squeeze3A_934 : f32 to vector<16xf32>
      %mul3A_936 = arith.mulf %get3A_932, %mul3A_935 : vector<16xf32>
      %add3A_937 = arith.addf %add3A_928, %mul3A_936 : vector<16xf32>
      %get3A_938 = arith.constant 3 : i32
      %get3A_939 = arith.index_cast %get3A_938 : i32 to index
      %get3A_940 = arith.constant 48 : index
      %get3A_941 = tpu.vector_load %arg7[%get3A_939, %get3A_940] {strides = array<i32>} : memref<39x128xf32, #tpu.memory_space<vmem>>, vector<16xf32>,
      %slice3A_942 = vector.extract_strided_slice %get3A_277 {offsets = [3], sizes = [1], strides = [1]} : vector<16xf32> to vector<1xf32>
      %squeeze3A_943 = vector.extract %slice3A_942[0] : f32 from vector<1xf32>
      %mul3A_944 = vector.broadcast %squeeze3A_943 : f32 to vector<16xf32>
      %mul3A_945 = arith.mulf %get3A_941, %mul3A_944 : vector<16xf32>
      %add3A_946 = arith.addf %add3A_937, %mul3A_945 : vector<16xf32>
      %get3A_947 = arith.constant 4 : i32
      %get3A_948 = arith.index_cast %get3A_947 : i32 to index
      %get3A_949 = arith.constant 48 : index
      %get3A_950 = tpu.vector_load %arg7[%get3A_948, %get3A_949] {strides = array<i32>} : memref<39x128xf32, #tpu.memory_space<vmem>>, vector<16xf32>,
      %slice3A_951 = vector.extract_strided_slice %get3A_277 {offsets = [4], sizes = [1], strides = [1]} : vector<16xf32> to vector<1xf32>
      %squeeze3A_952 = vector.extract %slice3A_951[0] : f32 from vector<1xf32>
      %mul3A_953 = vector.broadcast %squeeze3A_952 : f32 to vector<16xf32>
      %mul3A_954 = arith.mulf %get3A_950, %mul3A_953 : vector<16xf32>
      %add3A_955 = arith.addf %add3A_946, %mul3A_954 : vector<16xf32>
      %get3A_956 = arith.constant 5 : i32
      %get3A_957 = arith.index_cast %get3A_956 : i32 to index
      %get3A_958 = arith.constant 48 : index
      %get3A_959 = tpu.vector_load %arg7[%get3A_957, %get3A_958] {strides = array<i32>} : memref<39x128xf32, #tpu.memory_space<vmem>>, vector<16xf32>,
      %slice3A_960 = vector.extract_strided_slice %get3A_277 {offsets = [5], sizes = [1], strides = [1]} : vector<16xf32> to vector<1xf32>
      %squeeze3A_961 = vector.extract %slice3A_960[0] : f32 from vector<1xf32>
      %mul3A_962 = vector.broadcast %squeeze3A_961 : f32 to vector<16xf32>
      %mul3A_963 = arith.mulf %get3A_959, %mul3A_962 : vector<16xf32>
      %add3A_964 = arith.addf %add3A_955, %mul3A_963 : vector<16xf32>
      %get3A_965 = arith.constant 6 : i32
      %get3A_966 = arith.index_cast %get3A_965 : i32 to index
      %get3A_967 = arith.constant 48 : index
      %get3A_968 = tpu.vector_load %arg7[%get3A_966, %get3A_967] {strides = array<i32>} : memref<39x128xf32, #tpu.memory_space<vmem>>, vector<16xf32>,
      %slice3A_969 = vector.extract_strided_slice %get3A_277 {offsets = [6], sizes = [1], strides = [1]} : vector<16xf32> to vector<1xf32>
      %squeeze3A_970 = vector.extract %slice3A_969[0] : f32 from vector<1xf32>
      %mul3A_971 = vector.broadcast %squeeze3A_970 : f32 to vector<16xf32>
      %mul3A_972 = arith.mulf %get3A_968, %mul3A_971 : vector<16xf32>
      %add3A_973 = arith.addf %add3A_964, %mul3A_972 : vector<16xf32>
      %get3A_974 = arith.constant 7 : i32
      %get3A_975 = arith.index_cast %get3A_974 : i32 to index
      %get3A_976 = arith.constant 48 : index
      %get3A_977 = tpu.vector_load %arg7[%get3A_975, %get3A_976] {strides = array<i32>} : memref<39x128xf32, #tpu.memory_space<vmem>>, vector<16xf32>,
      %slice3A_978 = vector.extract_strided_slice %get3A_277 {offsets = [7], sizes = [1], strides = [1]} : vector<16xf32> to vector<1xf32>
      %squeeze3A_979 = vector.extract %slice3A_978[0] : f32 from vector<1xf32>
      %mul3A_980 = vector.broadcast %squeeze3A_979 : f32 to vector<16xf32>
      %mul3A_981 = arith.mulf %get3A_977, %mul3A_980 : vector<16xf32>
      %add3A_982 = arith.addf %add3A_973, %mul3A_981 : vector<16xf32>
      %get3A_983 = arith.constant 8 : i32
      %get3A_984 = arith.index_cast %get3A_983 : i32 to index
      %get3A_985 = arith.constant 48 : index
      %get3A_986 = tpu.vector_load %arg7[%get3A_984, %get3A_985] {strides = array<i32>} : memref<39x128xf32, #tpu.memory_space<vmem>>, vector<16xf32>,
      %slice3A_987 = vector.extract_strided_slice %get3A_277 {offsets = [8], sizes = [1], strides = [1]} : vector<16xf32> to vector<1xf32>
      %squeeze3A_988 = vector.extract %slice3A_987[0] : f32 from vector<1xf32>
      %mul3A_989 = vector.broadcast %squeeze3A_988 : f32 to vector<16xf32>
      %mul3A_990 = arith.mulf %get3A_986, %mul3A_989 : vector<16xf32>
      %add3A_991 = arith.addf %add3A_982, %mul3A_990 : vector<16xf32>
      %get3A_992 = arith.constant 9 : i32
      %get3A_993 = arith.index_cast %get3A_992 : i32 to index
      %get3A_994 = arith.constant 48 : index
      %get3A_995 = tpu.vector_load %arg7[%get3A_993, %get3A_994] {strides = array<i32>} : memref<39x128xf32, #tpu.memory_space<vmem>>, vector<16xf32>,
      %slice3A_996 = vector.extract_strided_slice %get3A_277 {offsets = [9], sizes = [1], strides = [1]} : vector<16xf32> to vector<1xf32>
      %squeeze3A_997 = vector.extract %slice3A_996[0] : f32 from vector<1xf32>
      %mul3A_998 = vector.broadcast %squeeze3A_997 : f32 to vector<16xf32>
      %mul3A_999 = arith.mulf %get3A_995, %mul3A_998 : vector<16xf32>
      %add3A_1000 = arith.addf %add3A_991, %mul3A_999 : vector<16xf32>
      %get3A_1001 = arith.constant 10 : i32
      %get3A_1002 = arith.index_cast %get3A_1001 : i32 to index
      %get3A_1003 = arith.constant 48 : index
      %get3A_1004 = tpu.vector_load %arg7[%get3A_1002, %get3A_1003] {strides = array<i32>} : memref<39x128xf32, #tpu.memory_space<vmem>>, vector<16xf32>,
      %slice3A_1005 = vector.extract_strided_slice %get3A_277 {offsets = [10], sizes = [1], strides = [1]} : vector<16xf32> to vector<1xf32>
      %squeeze3A_1006 = vector.extract %slice3A_1005[0] : f32 from vector<1xf32>
      %mul3A_1007 = vector.broadcast %squeeze3A_1006 : f32 to vector<16xf32>
      %mul3A_1008 = arith.mulf %get3A_1004, %mul3A_1007 : vector<16xf32>
      %add3A_1009 = arith.addf %add3A_1000, %mul3A_1008 : vector<16xf32>
      %get3A_1010 = arith.constant 11 : i32
      %get3A_1011 = arith.index_cast %get3A_1010 : i32 to index
      %get3A_1012 = arith.constant 48 : index
      %get3A_1013 = tpu.vector_load %arg7[%get3A_1011, %get3A_1012] {strides = array<i32>} : memref<39x128xf32, #tpu.memory_space<vmem>>, vector<16xf32>,
      %slice3A_1014 = vector.extract_strided_slice %get3A_277 {offsets = [11], sizes = [1], strides = [1]} : vector<16xf32> to vector<1xf32>
      %squeeze3A_1015 = vector.extract %slice3A_1014[0] : f32 from vector<1xf32>
      %mul3A_1016 = vector.broadcast %squeeze3A_1015 : f32 to vector<16xf32>
      %mul3A_1017 = arith.mulf %get3A_1013, %mul3A_1016 : vector<16xf32>
      %add3A_1018 = arith.addf %add3A_1009, %mul3A_1017 : vector<16xf32>
      %get3A_1019 = arith.constant 12 : i32
      %get3A_1020 = arith.index_cast %get3A_1019 : i32 to index
      %get3A_1021 = arith.constant 48 : index
      %get3A_1022 = tpu.vector_load %arg7[%get3A_1020, %get3A_1021] {strides = array<i32>} : memref<39x128xf32, #tpu.memory_space<vmem>>, vector<16xf32>,
      %slice3A_1023 = vector.extract_strided_slice %get3A_277 {offsets = [12], sizes = [1], strides = [1]} : vector<16xf32> to vector<1xf32>
      %squeeze3A_1024 = vector.extract %slice3A_1023[0] : f32 from vector<1xf32>
      %mul3A_1025 = vector.broadcast %squeeze3A_1024 : f32 to vector<16xf32>
      %mul3A_1026 = arith.mulf %get3A_1022, %mul3A_1025 : vector<16xf32>
      %add3A_1027 = arith.addf %add3A_1018, %mul3A_1026 : vector<16xf32>
      %slice3A_1028 = vector.extract_strided_slice %get3A_277 {offsets = [13], sizes = [1], strides = [1]} : vector<16xf32> to vector<1xf32>
      %squeeze3A_1029 = vector.extract %slice3A_1028[0] : f32 from vector<1xf32>
      %add3A_1030 = vector.broadcast %squeeze3A_1029 : f32 to vector<16xf32>
      %add3A_1031 = arith.addf %add3A_1027, %add3A_1030 : vector<16xf32>
      %swap3A_1032 = arith.constant 48 : index
      %swap3A_1033 = tpu.vector_load %arg11[%swap3A_1032] {strides = array<i32>} : memref<128xf32, #tpu.memory_space<vmem>>, vector<16xf32>,
      tpu.vector_store %arg11[%swap3A_1032], %add3A_1031 {strides = array<i32>} : memref<128xf32, #tpu.memory_space<vmem>>, vector<16xf32>,
      %broadcast_in_dim3A_1034 = arith.constant 0.000000e+00 : f32
      %broadcast_in_dim3A_1035 = vector.broadcast %broadcast_in_dim3A_1034 : f32 to vector<16xf32>
      %get3A_1036 = arith.constant 0 : i32
      %get3A_1037 = arith.index_cast %get3A_1036 : i32 to index
      %get3A_1038 = arith.constant 64 : index
      %get3A_1039 = tpu.vector_load %arg9[%get3A_1037, %get3A_1038] {strides = array<i32>} : memref<13x128xf32, #tpu.memory_space<vmem>>, vector<16xf32>,
      %add3A_1040 = arith.addf %broadcast_in_dim3A_1035, %get3A_1039 : vector<16xf32>
      %get3A_1041 = arith.constant 1 : i32
      %get3A_1042 = arith.index_cast %get3A_1041 : i32 to index
      %get3A_1043 = arith.constant 64 : index
      %get3A_1044 = tpu.vector_load %arg9[%get3A_1042, %get3A_1043] {strides = array<i32>} : memref<13x128xf32, #tpu.memory_space<vmem>>, vector<16xf32>,
      %add3A_1045 = arith.addf %add3A_1040, %get3A_1044 : vector<16xf32>
      %get3A_1046 = arith.constant 2 : i32
      %get3A_1047 = arith.index_cast %get3A_1046 : i32 to index
      %get3A_1048 = arith.constant 64 : index
      %get3A_1049 = tpu.vector_load %arg9[%get3A_1047, %get3A_1048] {strides = array<i32>} : memref<13x128xf32, #tpu.memory_space<vmem>>, vector<16xf32>,
      %add3A_1050 = arith.addf %add3A_1045, %get3A_1049 : vector<16xf32>
      %get3A_1051 = arith.constant 3 : i32
      %get3A_1052 = arith.index_cast %get3A_1051 : i32 to index
      %get3A_1053 = arith.constant 64 : index
      %get3A_1054 = tpu.vector_load %arg9[%get3A_1052, %get3A_1053] {strides = array<i32>} : memref<13x128xf32, #tpu.memory_space<vmem>>, vector<16xf32>,
      %add3A_1055 = arith.addf %add3A_1050, %get3A_1054 : vector<16xf32>
      %get3A_1056 = arith.constant 4 : i32
      %get3A_1057 = arith.index_cast %get3A_1056 : i32 to index
      %get3A_1058 = arith.constant 64 : index
      %get3A_1059 = tpu.vector_load %arg9[%get3A_1057, %get3A_1058] {strides = array<i32>} : memref<13x128xf32, #tpu.memory_space<vmem>>, vector<16xf32>,
      %add3A_1060 = arith.addf %add3A_1055, %get3A_1059 : vector<16xf32>
      %get3A_1061 = arith.constant 5 : i32
      %get3A_1062 = arith.index_cast %get3A_1061 : i32 to index
      %get3A_1063 = arith.constant 64 : index
      %get3A_1064 = tpu.vector_load %arg9[%get3A_1062, %get3A_1063] {strides = array<i32>} : memref<13x128xf32, #tpu.memory_space<vmem>>, vector<16xf32>,
      %add3A_1065 = arith.addf %add3A_1060, %get3A_1064 : vector<16xf32>
      %get3A_1066 = arith.constant 6 : i32
      %get3A_1067 = arith.index_cast %get3A_1066 : i32 to index
      %get3A_1068 = arith.constant 64 : index
      %get3A_1069 = tpu.vector_load %arg9[%get3A_1067, %get3A_1068] {strides = array<i32>} : memref<13x128xf32, #tpu.memory_space<vmem>>, vector<16xf32>,
      %add3A_1070 = arith.addf %add3A_1065, %get3A_1069 : vector<16xf32>
      %get3A_1071 = arith.constant 7 : i32
      %get3A_1072 = arith.index_cast %get3A_1071 : i32 to index
      %get3A_1073 = arith.constant 64 : index
      %get3A_1074 = tpu.vector_load %arg9[%get3A_1072, %get3A_1073] {strides = array<i32>} : memref<13x128xf32, #tpu.memory_space<vmem>>, vector<16xf32>,
      %add3A_1075 = arith.addf %add3A_1070, %get3A_1074 : vector<16xf32>
      %get3A_1076 = arith.constant 8 : i32
      %get3A_1077 = arith.index_cast %get3A_1076 : i32 to index
      %get3A_1078 = arith.constant 64 : index
      %get3A_1079 = tpu.vector_load %arg9[%get3A_1077, %get3A_1078] {strides = array<i32>} : memref<13x128xf32, #tpu.memory_space<vmem>>, vector<16xf32>,
      %add3A_1080 = arith.addf %add3A_1075, %get3A_1079 : vector<16xf32>
      %get3A_1081 = arith.constant 9 : i32
      %get3A_1082 = arith.index_cast %get3A_1081 : i32 to index
      %get3A_1083 = arith.constant 64 : index
      %get3A_1084 = tpu.vector_load %arg9[%get3A_1082, %get3A_1083] {strides = array<i32>} : memref<13x128xf32, #tpu.memory_space<vmem>>, vector<16xf32>,
      %add3A_1085 = arith.addf %add3A_1080, %get3A_1084 : vector<16xf32>
      %get3A_1086 = arith.constant 10 : i32
      %get3A_1087 = arith.index_cast %get3A_1086 : i32 to index
      %get3A_1088 = arith.constant 64 : index
      %get3A_1089 = tpu.vector_load %arg9[%get3A_1087, %get3A_1088] {strides = array<i32>} : memref<13x128xf32, #tpu.memory_space<vmem>>, vector<16xf32>,
      %add3A_1090 = arith.addf %add3A_1085, %get3A_1089 : vector<16xf32>
      %get3A_1091 = arith.constant 11 : i32
      %get3A_1092 = arith.index_cast %get3A_1091 : i32 to index
      %get3A_1093 = arith.constant 64 : index
      %get3A_1094 = tpu.vector_load %arg9[%get3A_1092, %get3A_1093] {strides = array<i32>} : memref<13x128xf32, #tpu.memory_space<vmem>>, vector<16xf32>,
      %add3A_1095 = arith.addf %add3A_1090, %get3A_1094 : vector<16xf32>
      %get3A_1096 = arith.constant 12 : i32
      %get3A_1097 = arith.index_cast %get3A_1096 : i32 to index
      %get3A_1098 = arith.constant 64 : index
      %get3A_1099 = tpu.vector_load %arg9[%get3A_1097, %get3A_1098] {strides = array<i32>} : memref<13x128xf32, #tpu.memory_space<vmem>>, vector<16xf32>,
      %add3A_1100 = arith.addf %add3A_1095, %get3A_1099 : vector<16xf32>
      %get3A_1101 = arith.constant 0 : i32
      %get3A_1102 = arith.index_cast %get3A_1101 : i32 to index
      %get3A_1103 = arith.constant 64 : index
      %get3A_1104 = tpu.vector_load %arg7[%get3A_1102, %get3A_1103] {strides = array<i32>} : memref<39x128xf32, #tpu.memory_space<vmem>>, vector<16xf32>,
      %slice3A_1105 = vector.extract_strided_slice %get3A_277 {offsets = [0], sizes = [1], strides = [1]} : vector<16xf32> to vector<1xf32>
      %squeeze3A_1106 = vector.extract %slice3A_1105[0] : f32 from vector<1xf32>
      %mul3A_1107 = vector.broadcast %squeeze3A_1106 : f32 to vector<16xf32>
      %mul3A_1108 = arith.mulf %get3A_1104, %mul3A_1107 : vector<16xf32>
      %add3A_1109 = arith.addf %add3A_1100, %mul3A_1108 : vector<16xf32>
      %get3A_1110 = arith.constant 1 : i32
      %get3A_1111 = arith.index_cast %get3A_1110 : i32 to index
      %get3A_1112 = arith.constant 64 : index
      %get3A_1113 = tpu.vector_load %arg7[%get3A_1111, %get3A_1112] {strides = array<i32>} : memref<39x128xf32, #tpu.memory_space<vmem>>, vector<16xf32>,
      %slice3A_1114 = vector.extract_strided_slice %get3A_277 {offsets = [1], sizes = [1], strides = [1]} : vector<16xf32> to vector<1xf32>
      %squeeze3A_1115 = vector.extract %slice3A_1114[0] : f32 from vector<1xf32>
      %mul3A_1116 = vector.broadcast %squeeze3A_1115 : f32 to vector<16xf32>
      %mul3A_1117 = arith.mulf %get3A_1113, %mul3A_1116 : vector<16xf32>
      %add3A_1118 = arith.addf %add3A_1109, %mul3A_1117 : vector<16xf32>
      %get3A_1119 = arith.constant 2 : i32
      %get3A_1120 = arith.index_cast %get3A_1119 : i32 to index
      %get3A_1121 = arith.constant 64 : index
      %get3A_1122 = tpu.vector_load %arg7[%get3A_1120, %get3A_1121] {strides = array<i32>} : memref<39x128xf32, #tpu.memory_space<vmem>>, vector<16xf32>,
      %slice3A_1123 = vector.extract_strided_slice %get3A_277 {offsets = [2], sizes = [1], strides = [1]} : vector<16xf32> to vector<1xf32>
      %squeeze3A_1124 = vector.extract %slice3A_1123[0] : f32 from vector<1xf32>
      %mul3A_1125 = vector.broadcast %squeeze3A_1124 : f32 to vector<16xf32>
      %mul3A_1126 = arith.mulf %get3A_1122, %mul3A_1125 : vector<16xf32>
      %add3A_1127 = arith.addf %add3A_1118, %mul3A_1126 : vector<16xf32>
      %get3A_1128 = arith.constant 3 : i32
      %get3A_1129 = arith.index_cast %get3A_1128 : i32 to index
      %get3A_1130 = arith.constant 64 : index
      %get3A_1131 = tpu.vector_load %arg7[%get3A_1129, %get3A_1130] {strides = array<i32>} : memref<39x128xf32, #tpu.memory_space<vmem>>, vector<16xf32>,
      %slice3A_1132 = vector.extract_strided_slice %get3A_277 {offsets = [3], sizes = [1], strides = [1]} : vector<16xf32> to vector<1xf32>
      %squeeze3A_1133 = vector.extract %slice3A_1132[0] : f32 from vector<1xf32>
      %mul3A_1134 = vector.broadcast %squeeze3A_1133 : f32 to vector<16xf32>
      %mul3A_1135 = arith.mulf %get3A_1131, %mul3A_1134 : vector<16xf32>
      %add3A_1136 = arith.addf %add3A_1127, %mul3A_1135 : vector<16xf32>
      %get3A_1137 = arith.constant 4 : i32
      %get3A_1138 = arith.index_cast %get3A_1137 : i32 to index
      %get3A_1139 = arith.constant 64 : index
      %get3A_1140 = tpu.vector_load %arg7[%get3A_1138, %get3A_1139] {strides = array<i32>} : memref<39x128xf32, #tpu.memory_space<vmem>>, vector<16xf32>,
      %slice3A_1141 = vector.extract_strided_slice %get3A_277 {offsets = [4], sizes = [1], strides = [1]} : vector<16xf32> to vector<1xf32>
      %squeeze3A_1142 = vector.extract %slice3A_1141[0] : f32 from vector<1xf32>
      %mul3A_1143 = vector.broadcast %squeeze3A_1142 : f32 to vector<16xf32>
      %mul3A_1144 = arith.mulf %get3A_1140, %mul3A_1143 : vector<16xf32>
      %add3A_1145 = arith.addf %add3A_1136, %mul3A_1144 : vector<16xf32>
      %get3A_1146 = arith.constant 5 : i32
      %get3A_1147 = arith.index_cast %get3A_1146 : i32 to index
      %get3A_1148 = arith.constant 64 : index
      %get3A_1149 = tpu.vector_load %arg7[%get3A_1147, %get3A_1148] {strides = array<i32>} : memref<39x128xf32, #tpu.memory_space<vmem>>, vector<16xf32>,
      %slice3A_1150 = vector.extract_strided_slice %get3A_277 {offsets = [5], sizes = [1], strides = [1]} : vector<16xf32> to vector<1xf32>
      %squeeze3A_1151 = vector.extract %slice3A_1150[0] : f32 from vector<1xf32>
      %mul3A_1152 = vector.broadcast %squeeze3A_1151 : f32 to vector<16xf32>
      %mul3A_1153 = arith.mulf %get3A_1149, %mul3A_1152 : vector<16xf32>
      %add3A_1154 = arith.addf %add3A_1145, %mul3A_1153 : vector<16xf32>
      %get3A_1155 = arith.constant 6 : i32
      %get3A_1156 = arith.index_cast %get3A_1155 : i32 to index
      %get3A_1157 = arith.constant 64 : index
      %get3A_1158 = tpu.vector_load %arg7[%get3A_1156, %get3A_1157] {strides = array<i32>} : memref<39x128xf32, #tpu.memory_space<vmem>>, vector<16xf32>,
      %slice3A_1159 = vector.extract_strided_slice %get3A_277 {offsets = [6], sizes = [1], strides = [1]} : vector<16xf32> to vector<1xf32>
      %squeeze3A_1160 = vector.extract %slice3A_1159[0] : f32 from vector<1xf32>
      %mul3A_1161 = vector.broadcast %squeeze3A_1160 : f32 to vector<16xf32>
      %mul3A_1162 = arith.mulf %get3A_1158, %mul3A_1161 : vector<16xf32>
      %add3A_1163 = arith.addf %add3A_1154, %mul3A_1162 : vector<16xf32>
      %get3A_1164 = arith.constant 7 : i32
      %get3A_1165 = arith.index_cast %get3A_1164 : i32 to index
      %get3A_1166 = arith.constant 64 : index
      %get3A_1167 = tpu.vector_load %arg7[%get3A_1165, %get3A_1166] {strides = array<i32>} : memref<39x128xf32, #tpu.memory_space<vmem>>, vector<16xf32>,
      %slice3A_1168 = vector.extract_strided_slice %get3A_277 {offsets = [7], sizes = [1], strides = [1]} : vector<16xf32> to vector<1xf32>
      %squeeze3A_1169 = vector.extract %slice3A_1168[0] : f32 from vector<1xf32>
      %mul3A_1170 = vector.broadcast %squeeze3A_1169 : f32 to vector<16xf32>
      %mul3A_1171 = arith.mulf %get3A_1167, %mul3A_1170 : vector<16xf32>
      %add3A_1172 = arith.addf %add3A_1163, %mul3A_1171 : vector<16xf32>
      %get3A_1173 = arith.constant 8 : i32
      %get3A_1174 = arith.index_cast %get3A_1173 : i32 to index
      %get3A_1175 = arith.constant 64 : index
      %get3A_1176 = tpu.vector_load %arg7[%get3A_1174, %get3A_1175] {strides = array<i32>} : memref<39x128xf32, #tpu.memory_space<vmem>>, vector<16xf32>,
      %slice3A_1177 = vector.extract_strided_slice %get3A_277 {offsets = [8], sizes = [1], strides = [1]} : vector<16xf32> to vector<1xf32>
      %squeeze3A_1178 = vector.extract %slice3A_1177[0] : f32 from vector<1xf32>
      %mul3A_1179 = vector.broadcast %squeeze3A_1178 : f32 to vector<16xf32>
      %mul3A_1180 = arith.mulf %get3A_1176, %mul3A_1179 : vector<16xf32>
      %add3A_1181 = arith.addf %add3A_1172, %mul3A_1180 : vector<16xf32>
      %get3A_1182 = arith.constant 9 : i32
      %get3A_1183 = arith.index_cast %get3A_1182 : i32 to index
      %get3A_1184 = arith.constant 64 : index
      %get3A_1185 = tpu.vector_load %arg7[%get3A_1183, %get3A_1184] {strides = array<i32>} : memref<39x128xf32, #tpu.memory_space<vmem>>, vector<16xf32>,
      %slice3A_1186 = vector.extract_strided_slice %get3A_277 {offsets = [9], sizes = [1], strides = [1]} : vector<16xf32> to vector<1xf32>
      %squeeze3A_1187 = vector.extract %slice3A_1186[0] : f32 from vector<1xf32>
      %mul3A_1188 = vector.broadcast %squeeze3A_1187 : f32 to vector<16xf32>
      %mul3A_1189 = arith.mulf %get3A_1185, %mul3A_1188 : vector<16xf32>
      %add3A_1190 = arith.addf %add3A_1181, %mul3A_1189 : vector<16xf32>
      %get3A_1191 = arith.constant 10 : i32
      %get3A_1192 = arith.index_cast %get3A_1191 : i32 to index
      %get3A_1193 = arith.constant 64 : index
      %get3A_1194 = tpu.vector_load %arg7[%get3A_1192, %get3A_1193] {strides = array<i32>} : memref<39x128xf32, #tpu.memory_space<vmem>>, vector<16xf32>,
      %slice3A_1195 = vector.extract_strided_slice %get3A_277 {offsets = [10], sizes = [1], strides = [1]} : vector<16xf32> to vector<1xf32>
      %squeeze3A_1196 = vector.extract %slice3A_1195[0] : f32 from vector<1xf32>
      %mul3A_1197 = vector.broadcast %squeeze3A_1196 : f32 to vector<16xf32>
      %mul3A_1198 = arith.mulf %get3A_1194, %mul3A_1197 : vector<16xf32>
      %add3A_1199 = arith.addf %add3A_1190, %mul3A_1198 : vector<16xf32>
      %get3A_1200 = arith.constant 11 : i32
      %get3A_1201 = arith.index_cast %get3A_1200 : i32 to index
      %get3A_1202 = arith.constant 64 : index
      %get3A_1203 = tpu.vector_load %arg7[%get3A_1201, %get3A_1202] {strides = array<i32>} : memref<39x128xf32, #tpu.memory_space<vmem>>, vector<16xf32>,
      %slice3A_1204 = vector.extract_strided_slice %get3A_277 {offsets = [11], sizes = [1], strides = [1]} : vector<16xf32> to vector<1xf32>
      %squeeze3A_1205 = vector.extract %slice3A_1204[0] : f32 from vector<1xf32>
      %mul3A_1206 = vector.broadcast %squeeze3A_1205 : f32 to vector<16xf32>
      %mul3A_1207 = arith.mulf %get3A_1203, %mul3A_1206 : vector<16xf32>
      %add3A_1208 = arith.addf %add3A_1199, %mul3A_1207 : vector<16xf32>
      %get3A_1209 = arith.constant 12 : i32
      %get3A_1210 = arith.index_cast %get3A_1209 : i32 to index
      %get3A_1211 = arith.constant 64 : index
      %get3A_1212 = tpu.vector_load %arg7[%get3A_1210, %get3A_1211] {strides = array<i32>} : memref<39x128xf32, #tpu.memory_space<vmem>>, vector<16xf32>,
      %slice3A_1213 = vector.extract_strided_slice %get3A_277 {offsets = [12], sizes = [1], strides = [1]} : vector<16xf32> to vector<1xf32>
      %squeeze3A_1214 = vector.extract %slice3A_1213[0] : f32 from vector<1xf32>
      %mul3A_1215 = vector.broadcast %squeeze3A_1214 : f32 to vector<16xf32>
      %mul3A_1216 = arith.mulf %get3A_1212, %mul3A_1215 : vector<16xf32>
      %add3A_1217 = arith.addf %add3A_1208, %mul3A_1216 : vector<16xf32>
      %slice3A_1218 = vector.extract_strided_slice %get3A_277 {offsets = [13], sizes = [1], strides = [1]} : vector<16xf32> to vector<1xf32>
      %squeeze3A_1219 = vector.extract %slice3A_1218[0] : f32 from vector<1xf32>
      %add3A_1220 = vector.broadcast %squeeze3A_1219 : f32 to vector<16xf32>
      %add3A_1221 = arith.addf %add3A_1217, %add3A_1220 : vector<16xf32>
      %swap3A_1222 = arith.constant 64 : index
      %swap3A_1223 = tpu.vector_load %arg11[%swap3A_1222] {strides = array<i32>} : memref<128xf32, #tpu.memory_space<vmem>>, vector<16xf32>,
      tpu.vector_store %arg11[%swap3A_1222], %add3A_1221 {strides = array<i32>} : memref<128xf32, #tpu.memory_space<vmem>>, vector<16xf32>,
      %broadcast_in_dim3A_1224 = arith.constant 0.000000e+00 : f32
      %broadcast_in_dim3A_1225 = vector.broadcast %broadcast_in_dim3A_1224 : f32 to vector<16xf32>
      %get3A_1226 = arith.constant 0 : i32
      %get3A_1227 = arith.index_cast %get3A_1226 : i32 to index
      %get3A_1228 = arith.constant 80 : index
      %get3A_1229 = tpu.vector_load %arg9[%get3A_1227, %get3A_1228] {strides = array<i32>} : memref<13x128xf32, #tpu.memory_space<vmem>>, vector<16xf32>,
      %add3A_1230 = arith.addf %broadcast_in_dim3A_1225, %get3A_1229 : vector<16xf32>
      %get3A_1231 = arith.constant 1 : i32
      %get3A_1232 = arith.index_cast %get3A_1231 : i32 to index
      %get3A_1233 = arith.constant 80 : index
      %get3A_1234 = tpu.vector_load %arg9[%get3A_1232, %get3A_1233] {strides = array<i32>} : memref<13x128xf32, #tpu.memory_space<vmem>>, vector<16xf32>,
      %add3A_1235 = arith.addf %add3A_1230, %get3A_1234 : vector<16xf32>
      %get3A_1236 = arith.constant 2 : i32
      %get3A_1237 = arith.index_cast %get3A_1236 : i32 to index
      %get3A_1238 = arith.constant 80 : index
      %get3A_1239 = tpu.vector_load %arg9[%get3A_1237, %get3A_1238] {strides = array<i32>} : memref<13x128xf32, #tpu.memory_space<vmem>>, vector<16xf32>,
      %add3A_1240 = arith.addf %add3A_1235, %get3A_1239 : vector<16xf32>
      %get3A_1241 = arith.constant 3 : i32
      %get3A_1242 = arith.index_cast %get3A_1241 : i32 to index
      %get3A_1243 = arith.constant 80 : index
      %get3A_1244 = tpu.vector_load %arg9[%get3A_1242, %get3A_1243] {strides = array<i32>} : memref<13x128xf32, #tpu.memory_space<vmem>>, vector<16xf32>,
      %add3A_1245 = arith.addf %add3A_1240, %get3A_1244 : vector<16xf32>
      %get3A_1246 = arith.constant 4 : i32
      %get3A_1247 = arith.index_cast %get3A_1246 : i32 to index
      %get3A_1248 = arith.constant 80 : index
      %get3A_1249 = tpu.vector_load %arg9[%get3A_1247, %get3A_1248] {strides = array<i32>} : memref<13x128xf32, #tpu.memory_space<vmem>>, vector<16xf32>,
      %add3A_1250 = arith.addf %add3A_1245, %get3A_1249 : vector<16xf32>
      %get3A_1251 = arith.constant 5 : i32
      %get3A_1252 = arith.index_cast %get3A_1251 : i32 to index
      %get3A_1253 = arith.constant 80 : index
      %get3A_1254 = tpu.vector_load %arg9[%get3A_1252, %get3A_1253] {strides = array<i32>} : memref<13x128xf32, #tpu.memory_space<vmem>>, vector<16xf32>,
      %add3A_1255 = arith.addf %add3A_1250, %get3A_1254 : vector<16xf32>
      %get3A_1256 = arith.constant 6 : i32
      %get3A_1257 = arith.index_cast %get3A_1256 : i32 to index
      %get3A_1258 = arith.constant 80 : index
      %get3A_1259 = tpu.vector_load %arg9[%get3A_1257, %get3A_1258] {strides = array<i32>} : memref<13x128xf32, #tpu.memory_space<vmem>>, vector<16xf32>,
      %add3A_1260 = arith.addf %add3A_1255, %get3A_1259 : vector<16xf32>
      %get3A_1261 = arith.constant 7 : i32
      %get3A_1262 = arith.index_cast %get3A_1261 : i32 to index
      %get3A_1263 = arith.constant 80 : index
      %get3A_1264 = tpu.vector_load %arg9[%get3A_1262, %get3A_1263] {strides = array<i32>} : memref<13x128xf32, #tpu.memory_space<vmem>>, vector<16xf32>,
      %add3A_1265 = arith.addf %add3A_1260, %get3A_1264 : vector<16xf32>
      %get3A_1266 = arith.constant 8 : i32
      %get3A_1267 = arith.index_cast %get3A_1266 : i32 to index
      %get3A_1268 = arith.constant 80 : index
      %get3A_1269 = tpu.vector_load %arg9[%get3A_1267, %get3A_1268] {strides = array<i32>} : memref<13x128xf32, #tpu.memory_space<vmem>>, vector<16xf32>,
      %add3A_1270 = arith.addf %add3A_1265, %get3A_1269 : vector<16xf32>
      %get3A_1271 = arith.constant 9 : i32
      %get3A_1272 = arith.index_cast %get3A_1271 : i32 to index
      %get3A_1273 = arith.constant 80 : index
      %get3A_1274 = tpu.vector_load %arg9[%get3A_1272, %get3A_1273] {strides = array<i32>} : memref<13x128xf32, #tpu.memory_space<vmem>>, vector<16xf32>,
      %add3A_1275 = arith.addf %add3A_1270, %get3A_1274 : vector<16xf32>
      %get3A_1276 = arith.constant 10 : i32
      %get3A_1277 = arith.index_cast %get3A_1276 : i32 to index
      %get3A_1278 = arith.constant 80 : index
      %get3A_1279 = tpu.vector_load %arg9[%get3A_1277, %get3A_1278] {strides = array<i32>} : memref<13x128xf32, #tpu.memory_space<vmem>>, vector<16xf32>,
      %add3A_1280 = arith.addf %add3A_1275, %get3A_1279 : vector<16xf32>
      %get3A_1281 = arith.constant 11 : i32
      %get3A_1282 = arith.index_cast %get3A_1281 : i32 to index
      %get3A_1283 = arith.constant 80 : index
      %get3A_1284 = tpu.vector_load %arg9[%get3A_1282, %get3A_1283] {strides = array<i32>} : memref<13x128xf32, #tpu.memory_space<vmem>>, vector<16xf32>,
      %add3A_1285 = arith.addf %add3A_1280, %get3A_1284 : vector<16xf32>
      %get3A_1286 = arith.constant 12 : i32
      %get3A_1287 = arith.index_cast %get3A_1286 : i32 to index
      %get3A_1288 = arith.constant 80 : index
      %get3A_1289 = tpu.vector_load %arg9[%get3A_1287, %get3A_1288] {strides = array<i32>} : memref<13x128xf32, #tpu.memory_space<vmem>>, vector<16xf32>,
      %add3A_1290 = arith.addf %add3A_1285, %get3A_1289 : vector<16xf32>
      %get3A_1291 = arith.constant 0 : i32
      %get3A_1292 = arith.index_cast %get3A_1291 : i32 to index
      %get3A_1293 = arith.constant 80 : index
      %get3A_1294 = tpu.vector_load %arg7[%get3A_1292, %get3A_1293] {strides = array<i32>} : memref<39x128xf32, #tpu.memory_space<vmem>>, vector<16xf32>,
      %slice3A_1295 = vector.extract_strided_slice %get3A_277 {offsets = [0], sizes = [1], strides = [1]} : vector<16xf32> to vector<1xf32>
      %squeeze3A_1296 = vector.extract %slice3A_1295[0] : f32 from vector<1xf32>
      %mul3A_1297 = vector.broadcast %squeeze3A_1296 : f32 to vector<16xf32>
      %mul3A_1298 = arith.mulf %get3A_1294, %mul3A_1297 : vector<16xf32>
      %add3A_1299 = arith.addf %add3A_1290, %mul3A_1298 : vector<16xf32>
      %get3A_1300 = arith.constant 1 : i32
      %get3A_1301 = arith.index_cast %get3A_1300 : i32 to index
      %get3A_1302 = arith.constant 80 : index
      %get3A_1303 = tpu.vector_load %arg7[%get3A_1301, %get3A_1302] {strides = array<i32>} : memref<39x128xf32, #tpu.memory_space<vmem>>, vector<16xf32>,
      %slice3A_1304 = vector.extract_strided_slice %get3A_277 {offsets = [1], sizes = [1], strides = [1]} : vector<16xf32> to vector<1xf32>
      %squeeze3A_1305 = vector.extract %slice3A_1304[0] : f32 from vector<1xf32>
      %mul3A_1306 = vector.broadcast %squeeze3A_1305 : f32 to vector<16xf32>
      %mul3A_1307 = arith.mulf %get3A_1303, %mul3A_1306 : vector<16xf32>
      %add3A_1308 = arith.addf %add3A_1299, %mul3A_1307 : vector<16xf32>
      %get3A_1309 = arith.constant 2 : i32
      %get3A_1310 = arith.index_cast %get3A_1309 : i32 to index
      %get3A_1311 = arith.constant 80 : index
      %get3A_1312 = tpu.vector_load %arg7[%get3A_1310, %get3A_1311] {strides = array<i32>} : memref<39x128xf32, #tpu.memory_space<vmem>>, vector<16xf32>,
      %slice3A_1313 = vector.extract_strided_slice %get3A_277 {offsets = [2], sizes = [1], strides = [1]} : vector<16xf32> to vector<1xf32>
      %squeeze3A_1314 = vector.extract %slice3A_1313[0] : f32 from vector<1xf32>
      %mul3A_1315 = vector.broadcast %squeeze3A_1314 : f32 to vector<16xf32>
      %mul3A_1316 = arith.mulf %get3A_1312, %mul3A_1315 : vector<16xf32>
      %add3A_1317 = arith.addf %add3A_1308, %mul3A_1316 : vector<16xf32>
      %get3A_1318 = arith.constant 3 : i32
      %get3A_1319 = arith.index_cast %get3A_1318 : i32 to index
      %get3A_1320 = arith.constant 80 : index
      %get3A_1321 = tpu.vector_load %arg7[%get3A_1319, %get3A_1320] {strides = array<i32>} : memref<39x128xf32, #tpu.memory_space<vmem>>, vector<16xf32>,
      %slice3A_1322 = vector.extract_strided_slice %get3A_277 {offsets = [3], sizes = [1], strides = [1]} : vector<16xf32> to vector<1xf32>
      %squeeze3A_1323 = vector.extract %slice3A_1322[0] : f32 from vector<1xf32>
      %mul3A_1324 = vector.broadcast %squeeze3A_1323 : f32 to vector<16xf32>
      %mul3A_1325 = arith.mulf %get3A_1321, %mul3A_1324 : vector<16xf32>
      %add3A_1326 = arith.addf %add3A_1317, %mul3A_1325 : vector<16xf32>
      %get3A_1327 = arith.constant 4 : i32
      %get3A_1328 = arith.index_cast %get3A_1327 : i32 to index
      %get3A_1329 = arith.constant 80 : index
      %get3A_1330 = tpu.vector_load %arg7[%get3A_1328, %get3A_1329] {strides = array<i32>} : memref<39x128xf32, #tpu.memory_space<vmem>>, vector<16xf32>,
      %slice3A_1331 = vector.extract_strided_slice %get3A_277 {offsets = [4], sizes = [1], strides = [1]} : vector<16xf32> to vector<1xf32>
      %squeeze3A_1332 = vector.extract %slice3A_1331[0] : f32 from vector<1xf32>
      %mul3A_1333 = vector.broadcast %squeeze3A_1332 : f32 to vector<16xf32>
      %mul3A_1334 = arith.mulf %get3A_1330, %mul3A_1333 : vector<16xf32>
      %add3A_1335 = arith.addf %add3A_1326, %mul3A_1334 : vector<16xf32>
      %get3A_1336 = arith.constant 5 : i32
      %get3A_1337 = arith.index_cast %get3A_1336 : i32 to index
      %get3A_1338 = arith.constant 80 : index
      %get3A_1339 = tpu.vector_load %arg7[%get3A_1337, %get3A_1338] {strides = array<i32>} : memref<39x128xf32, #tpu.memory_space<vmem>>, vector<16xf32>,
      %slice3A_1340 = vector.extract_strided_slice %get3A_277 {offsets = [5], sizes = [1], strides = [1]} : vector<16xf32> to vector<1xf32>
      %squeeze3A_1341 = vector.extract %slice3A_1340[0] : f32 from vector<1xf32>
      %mul3A_1342 = vector.broadcast %squeeze3A_1341 : f32 to vector<16xf32>
      %mul3A_1343 = arith.mulf %get3A_1339, %mul3A_1342 : vector<16xf32>
      %add3A_1344 = arith.addf %add3A_1335, %mul3A_1343 : vector<16xf32>
      %get3A_1345 = arith.constant 6 : i32
      %get3A_1346 = arith.index_cast %get3A_1345 : i32 to index
      %get3A_1347 = arith.constant 80 : index
      %get3A_1348 = tpu.vector_load %arg7[%get3A_1346, %get3A_1347] {strides = array<i32>} : memref<39x128xf32, #tpu.memory_space<vmem>>, vector<16xf32>,
      %slice3A_1349 = vector.extract_strided_slice %get3A_277 {offsets = [6], sizes = [1], strides = [1]} : vector<16xf32> to vector<1xf32>
      %squeeze3A_1350 = vector.extract %slice3A_1349[0] : f32 from vector<1xf32>
      %mul3A_1351 = vector.broadcast %squeeze3A_1350 : f32 to vector<16xf32>
      %mul3A_1352 = arith.mulf %get3A_1348, %mul3A_1351 : vector<16xf32>
      %add3A_1353 = arith.addf %add3A_1344, %mul3A_1352 : vector<16xf32>
      %get3A_1354 = arith.constant 7 : i32
      %get3A_1355 = arith.index_cast %get3A_1354 : i32 to index
      %get3A_1356 = arith.constant 80 : index
      %get3A_1357 = tpu.vector_load %arg7[%get3A_1355, %get3A_1356] {strides = array<i32>} : memref<39x128xf32, #tpu.memory_space<vmem>>, vector<16xf32>,
      %slice3A_1358 = vector.extract_strided_slice %get3A_277 {offsets = [7], sizes = [1], strides = [1]} : vector<16xf32> to vector<1xf32>
      %squeeze3A_1359 = vector.extract %slice3A_1358[0] : f32 from vector<1xf32>
      %mul3A_1360 = vector.broadcast %squeeze3A_1359 : f32 to vector<16xf32>
      %mul3A_1361 = arith.mulf %get3A_1357, %mul3A_1360 : vector<16xf32>
      %add3A_1362 = arith.addf %add3A_1353, %mul3A_1361 : vector<16xf32>
      %get3A_1363 = arith.constant 8 : i32
      %get3A_1364 = arith.index_cast %get3A_1363 : i32 to index
      %get3A_1365 = arith.constant 80 : index
      %get3A_1366 = tpu.vector_load %arg7[%get3A_1364, %get3A_1365] {strides = array<i32>} : memref<39x128xf32, #tpu.memory_space<vmem>>, vector<16xf32>,
      %slice3A_1367 = vector.extract_strided_slice %get3A_277 {offsets = [8], sizes = [1], strides = [1]} : vector<16xf32> to vector<1xf32>
      %squeeze3A_1368 = vector.extract %slice3A_1367[0] : f32 from vector<1xf32>
      %mul3A_1369 = vector.broadcast %squeeze3A_1368 : f32 to vector<16xf32>
      %mul3A_1370 = arith.mulf %get3A_1366, %mul3A_1369 : vector<16xf32>
      %add3A_1371 = arith.addf %add3A_1362, %mul3A_1370 : vector<16xf32>
      %get3A_1372 = arith.constant 9 : i32
      %get3A_1373 = arith.index_cast %get3A_1372 : i32 to index
      %get3A_1374 = arith.constant 80 : index
      %get3A_1375 = tpu.vector_load %arg7[%get3A_1373, %get3A_1374] {strides = array<i32>} : memref<39x128xf32, #tpu.memory_space<vmem>>, vector<16xf32>,
      %slice3A_1376 = vector.extract_strided_slice %get3A_277 {offsets = [9], sizes = [1], strides = [1]} : vector<16xf32> to vector<1xf32>
      %squeeze3A_1377 = vector.extract %slice3A_1376[0] : f32 from vector<1xf32>
      %mul3A_1378 = vector.broadcast %squeeze3A_1377 : f32 to vector<16xf32>
      %mul3A_1379 = arith.mulf %get3A_1375, %mul3A_1378 : vector<16xf32>
      %add3A_1380 = arith.addf %add3A_1371, %mul3A_1379 : vector<16xf32>
      %get3A_1381 = arith.constant 10 : i32
      %get3A_1382 = arith.index_cast %get3A_1381 : i32 to index
      %get3A_1383 = arith.constant 80 : index
      %get3A_1384 = tpu.vector_load %arg7[%get3A_1382, %get3A_1383] {strides = array<i32>} : memref<39x128xf32, #tpu.memory_space<vmem>>, vector<16xf32>,
      %slice3A_1385 = vector.extract_strided_slice %get3A_277 {offsets = [10], sizes = [1], strides = [1]} : vector<16xf32> to vector<1xf32>
      %squeeze3A_1386 = vector.extract %slice3A_1385[0] : f32 from vector<1xf32>
      %mul3A_1387 = vector.broadcast %squeeze3A_1386 : f32 to vector<16xf32>
      %mul3A_1388 = arith.mulf %get3A_1384, %mul3A_1387 : vector<16xf32>
      %add3A_1389 = arith.addf %add3A_1380, %mul3A_1388 : vector<16xf32>
      %get3A_1390 = arith.constant 11 : i32
      %get3A_1391 = arith.index_cast %get3A_1390 : i32 to index
      %get3A_1392 = arith.constant 80 : index
      %get3A_1393 = tpu.vector_load %arg7[%get3A_1391, %get3A_1392] {strides = array<i32>} : memref<39x128xf32, #tpu.memory_space<vmem>>, vector<16xf32>,
      %slice3A_1394 = vector.extract_strided_slice %get3A_277 {offsets = [11], sizes = [1], strides = [1]} : vector<16xf32> to vector<1xf32>
      %squeeze3A_1395 = vector.extract %slice3A_1394[0] : f32 from vector<1xf32>
      %mul3A_1396 = vector.broadcast %squeeze3A_1395 : f32 to vector<16xf32>
      %mul3A_1397 = arith.mulf %get3A_1393, %mul3A_1396 : vector<16xf32>
      %add3A_1398 = arith.addf %add3A_1389, %mul3A_1397 : vector<16xf32>
      %get3A_1399 = arith.constant 12 : i32
      %get3A_1400 = arith.index_cast %get3A_1399 : i32 to index
      %get3A_1401 = arith.constant 80 : index
      %get3A_1402 = tpu.vector_load %arg7[%get3A_1400, %get3A_1401] {strides = array<i32>} : memref<39x128xf32, #tpu.memory_space<vmem>>, vector<16xf32>,
      %slice3A_1403 = vector.extract_strided_slice %get3A_277 {offsets = [12], sizes = [1], strides = [1]} : vector<16xf32> to vector<1xf32>
      %squeeze3A_1404 = vector.extract %slice3A_1403[0] : f32 from vector<1xf32>
      %mul3A_1405 = vector.broadcast %squeeze3A_1404 : f32 to vector<16xf32>
      %mul3A_1406 = arith.mulf %get3A_1402, %mul3A_1405 : vector<16xf32>
      %add3A_1407 = arith.addf %add3A_1398, %mul3A_1406 : vector<16xf32>
      %slice3A_1408 = vector.extract_strided_slice %get3A_277 {offsets = [13], sizes = [1], strides = [1]} : vector<16xf32> to vector<1xf32>
      %squeeze3A_1409 = vector.extract %slice3A_1408[0] : f32 from vector<1xf32>
      %add3A_1410 = vector.broadcast %squeeze3A_1409 : f32 to vector<16xf32>
      %add3A_1411 = arith.addf %add3A_1407, %add3A_1410 : vector<16xf32>
      %swap3A_1412 = arith.constant 80 : index
      %swap3A_1413 = tpu.vector_load %arg11[%swap3A_1412] {strides = array<i32>} : memref<128xf32, #tpu.memory_space<vmem>>, vector<16xf32>,
      tpu.vector_store %arg11[%swap3A_1412], %add3A_1411 {strides = array<i32>} : memref<128xf32, #tpu.memory_space<vmem>>, vector<16xf32>,
      %broadcast_in_dim3A_1414 = arith.constant 0.000000e+00 : f32
      %broadcast_in_dim3A_1415 = vector.broadcast %broadcast_in_dim3A_1414 : f32 to vector<16xf32>
      %get3A_1416 = arith.constant 0 : i32
      %get3A_1417 = arith.index_cast %get3A_1416 : i32 to index
      %get3A_1418 = arith.constant 96 : index
      %get3A_1419 = tpu.vector_load %arg9[%get3A_1417, %get3A_1418] {strides = array<i32>} : memref<13x128xf32, #tpu.memory_space<vmem>>, vector<16xf32>,
      %add3A_1420 = arith.addf %broadcast_in_dim3A_1415, %get3A_1419 : vector<16xf32>
      %get3A_1421 = arith.constant 1 : i32
      %get3A_1422 = arith.index_cast %get3A_1421 : i32 to index
      %get3A_1423 = arith.constant 96 : index
      %get3A_1424 = tpu.vector_load %arg9[%get3A_1422, %get3A_1423] {strides = array<i32>} : memref<13x128xf32, #tpu.memory_space<vmem>>, vector<16xf32>,
      %add3A_1425 = arith.addf %add3A_1420, %get3A_1424 : vector<16xf32>
      %get3A_1426 = arith.constant 2 : i32
      %get3A_1427 = arith.index_cast %get3A_1426 : i32 to index
      %get3A_1428 = arith.constant 96 : index
      %get3A_1429 = tpu.vector_load %arg9[%get3A_1427, %get3A_1428] {strides = array<i32>} : memref<13x128xf32, #tpu.memory_space<vmem>>, vector<16xf32>,
      %add3A_1430 = arith.addf %add3A_1425, %get3A_1429 : vector<16xf32>
      %get3A_1431 = arith.constant 3 : i32
      %get3A_1432 = arith.index_cast %get3A_1431 : i32 to index
      %get3A_1433 = arith.constant 96 : index
      %get3A_1434 = tpu.vector_load %arg9[%get3A_1432, %get3A_1433] {strides = array<i32>} : memref<13x128xf32, #tpu.memory_space<vmem>>, vector<16xf32>,
      %add3A_1435 = arith.addf %add3A_1430, %get3A_1434 : vector<16xf32>
      %get3A_1436 = arith.constant 4 : i32
      %get3A_1437 = arith.index_cast %get3A_1436 : i32 to index
      %get3A_1438 = arith.constant 96 : index
      %get3A_1439 = tpu.vector_load %arg9[%get3A_1437, %get3A_1438] {strides = array<i32>} : memref<13x128xf32, #tpu.memory_space<vmem>>, vector<16xf32>,
      %add3A_1440 = arith.addf %add3A_1435, %get3A_1439 : vector<16xf32>
      %get3A_1441 = arith.constant 5 : i32
      %get3A_1442 = arith.index_cast %get3A_1441 : i32 to index
      %get3A_1443 = arith.constant 96 : index
      %get3A_1444 = tpu.vector_load %arg9[%get3A_1442, %get3A_1443] {strides = array<i32>} : memref<13x128xf32, #tpu.memory_space<vmem>>, vector<16xf32>,
      %add3A_1445 = arith.addf %add3A_1440, %get3A_1444 : vector<16xf32>
      %get3A_1446 = arith.constant 6 : i32
      %get3A_1447 = arith.index_cast %get3A_1446 : i32 to index
      %get3A_1448 = arith.constant 96 : index
      %get3A_1449 = tpu.vector_load %arg9[%get3A_1447, %get3A_1448] {strides = array<i32>} : memref<13x128xf32, #tpu.memory_space<vmem>>, vector<16xf32>,
      %add3A_1450 = arith.addf %add3A_1445, %get3A_1449 : vector<16xf32>
      %get3A_1451 = arith.constant 7 : i32
      %get3A_1452 = arith.index_cast %get3A_1451 : i32 to index
      %get3A_1453 = arith.constant 96 : index
      %get3A_1454 = tpu.vector_load %arg9[%get3A_1452, %get3A_1453] {strides = array<i32>} : memref<13x128xf32, #tpu.memory_space<vmem>>, vector<16xf32>,
      %add3A_1455 = arith.addf %add3A_1450, %get3A_1454 : vector<16xf32>
      %get3A_1456 = arith.constant 8 : i32
      %get3A_1457 = arith.index_cast %get3A_1456 : i32 to index
      %get3A_1458 = arith.constant 96 : index
      %get3A_1459 = tpu.vector_load %arg9[%get3A_1457, %get3A_1458] {strides = array<i32>} : memref<13x128xf32, #tpu.memory_space<vmem>>, vector<16xf32>,
      %add3A_1460 = arith.addf %add3A_1455, %get3A_1459 : vector<16xf32>
      %get3A_1461 = arith.constant 9 : i32
      %get3A_1462 = arith.index_cast %get3A_1461 : i32 to index
      %get3A_1463 = arith.constant 96 : index
      %get3A_1464 = tpu.vector_load %arg9[%get3A_1462, %get3A_1463] {strides = array<i32>} : memref<13x128xf32, #tpu.memory_space<vmem>>, vector<16xf32>,
      %add3A_1465 = arith.addf %add3A_1460, %get3A_1464 : vector<16xf32>
      %get3A_1466 = arith.constant 10 : i32
      %get3A_1467 = arith.index_cast %get3A_1466 : i32 to index
      %get3A_1468 = arith.constant 96 : index
      %get3A_1469 = tpu.vector_load %arg9[%get3A_1467, %get3A_1468] {strides = array<i32>} : memref<13x128xf32, #tpu.memory_space<vmem>>, vector<16xf32>,
      %add3A_1470 = arith.addf %add3A_1465, %get3A_1469 : vector<16xf32>
      %get3A_1471 = arith.constant 11 : i32
      %get3A_1472 = arith.index_cast %get3A_1471 : i32 to index
      %get3A_1473 = arith.constant 96 : index
      %get3A_1474 = tpu.vector_load %arg9[%get3A_1472, %get3A_1473] {strides = array<i32>} : memref<13x128xf32, #tpu.memory_space<vmem>>, vector<16xf32>,
      %add3A_1475 = arith.addf %add3A_1470, %get3A_1474 : vector<16xf32>
      %get3A_1476 = arith.constant 12 : i32
      %get3A_1477 = arith.index_cast %get3A_1476 : i32 to index
      %get3A_1478 = arith.constant 96 : index
      %get3A_1479 = tpu.vector_load %arg9[%get3A_1477, %get3A_1478] {strides = array<i32>} : memref<13x128xf32, #tpu.memory_space<vmem>>, vector<16xf32>,
      %add3A_1480 = arith.addf %add3A_1475, %get3A_1479 : vector<16xf32>
      %get3A_1481 = arith.constant 0 : i32
      %get3A_1482 = arith.index_cast %get3A_1481 : i32 to index
      %get3A_1483 = arith.constant 96 : index
      %get3A_1484 = tpu.vector_load %arg7[%get3A_1482, %get3A_1483] {strides = array<i32>} : memref<39x128xf32, #tpu.memory_space<vmem>>, vector<16xf32>,
      %slice3A_1485 = vector.extract_strided_slice %get3A_277 {offsets = [0], sizes = [1], strides = [1]} : vector<16xf32> to vector<1xf32>
      %squeeze3A_1486 = vector.extract %slice3A_1485[0] : f32 from vector<1xf32>
      %mul3A_1487 = vector.broadcast %squeeze3A_1486 : f32 to vector<16xf32>
      %mul3A_1488 = arith.mulf %get3A_1484, %mul3A_1487 : vector<16xf32>
      %add3A_1489 = arith.addf %add3A_1480, %mul3A_1488 : vector<16xf32>
      %get3A_1490 = arith.constant 1 : i32
      %get3A_1491 = arith.index_cast %get3A_1490 : i32 to index
      %get3A_1492 = arith.constant 96 : index
      %get3A_1493 = tpu.vector_load %arg7[%get3A_1491, %get3A_1492] {strides = array<i32>} : memref<39x128xf32, #tpu.memory_space<vmem>>, vector<16xf32>,
      %slice3A_1494 = vector.extract_strided_slice %get3A_277 {offsets = [1], sizes = [1], strides = [1]} : vector<16xf32> to vector<1xf32>
      %squeeze3A_1495 = vector.extract %slice3A_1494[0] : f32 from vector<1xf32>
      %mul3A_1496 = vector.broadcast %squeeze3A_1495 : f32 to vector<16xf32>
      %mul3A_1497 = arith.mulf %get3A_1493, %mul3A_1496 : vector<16xf32>
      %add3A_1498 = arith.addf %add3A_1489, %mul3A_1497 : vector<16xf32>
      %get3A_1499 = arith.constant 2 : i32
      %get3A_1500 = arith.index_cast %get3A_1499 : i32 to index
      %get3A_1501 = arith.constant 96 : index
      %get3A_1502 = tpu.vector_load %arg7[%get3A_1500, %get3A_1501] {strides = array<i32>} : memref<39x128xf32, #tpu.memory_space<vmem>>, vector<16xf32>,
      %slice3A_1503 = vector.extract_strided_slice %get3A_277 {offsets = [2], sizes = [1], strides = [1]} : vector<16xf32> to vector<1xf32>
      %squeeze3A_1504 = vector.extract %slice3A_1503[0] : f32 from vector<1xf32>
      %mul3A_1505 = vector.broadcast %squeeze3A_1504 : f32 to vector<16xf32>
      %mul3A_1506 = arith.mulf %get3A_1502, %mul3A_1505 : vector<16xf32>
      %add3A_1507 = arith.addf %add3A_1498, %mul3A_1506 : vector<16xf32>
      %get3A_1508 = arith.constant 3 : i32
      %get3A_1509 = arith.index_cast %get3A_1508 : i32 to index
      %get3A_1510 = arith.constant 96 : index
      %get3A_1511 = tpu.vector_load %arg7[%get3A_1509, %get3A_1510] {strides = array<i32>} : memref<39x128xf32, #tpu.memory_space<vmem>>, vector<16xf32>,
      %slice3A_1512 = vector.extract_strided_slice %get3A_277 {offsets = [3], sizes = [1], strides = [1]} : vector<16xf32> to vector<1xf32>
      %squeeze3A_1513 = vector.extract %slice3A_1512[0] : f32 from vector<1xf32>
      %mul3A_1514 = vector.broadcast %squeeze3A_1513 : f32 to vector<16xf32>
      %mul3A_1515 = arith.mulf %get3A_1511, %mul3A_1514 : vector<16xf32>
      %add3A_1516 = arith.addf %add3A_1507, %mul3A_1515 : vector<16xf32>
      %get3A_1517 = arith.constant 4 : i32
      %get3A_1518 = arith.index_cast %get3A_1517 : i32 to index
      %get3A_1519 = arith.constant 96 : index
      %get3A_1520 = tpu.vector_load %arg7[%get3A_1518, %get3A_1519] {strides = array<i32>} : memref<39x128xf32, #tpu.memory_space<vmem>>, vector<16xf32>,
      %slice3A_1521 = vector.extract_strided_slice %get3A_277 {offsets = [4], sizes = [1], strides = [1]} : vector<16xf32> to vector<1xf32>
      %squeeze3A_1522 = vector.extract %slice3A_1521[0] : f32 from vector<1xf32>
      %mul3A_1523 = vector.broadcast %squeeze3A_1522 : f32 to vector<16xf32>
      %mul3A_1524 = arith.mulf %get3A_1520, %mul3A_1523 : vector<16xf32>
      %add3A_1525 = arith.addf %add3A_1516, %mul3A_1524 : vector<16xf32>
      %get3A_1526 = arith.constant 5 : i32
      %get3A_1527 = arith.index_cast %get3A_1526 : i32 to index
      %get3A_1528 = arith.constant 96 : index
      %get3A_1529 = tpu.vector_load %arg7[%get3A_1527, %get3A_1528] {strides = array<i32>} : memref<39x128xf32, #tpu.memory_space<vmem>>, vector<16xf32>,
      %slice3A_1530 = vector.extract_strided_slice %get3A_277 {offsets = [5], sizes = [1], strides = [1]} : vector<16xf32> to vector<1xf32>
      %squeeze3A_1531 = vector.extract %slice3A_1530[0] : f32 from vector<1xf32>
      %mul3A_1532 = vector.broadcast %squeeze3A_1531 : f32 to vector<16xf32>
      %mul3A_1533 = arith.mulf %get3A_1529, %mul3A_1532 : vector<16xf32>
      %add3A_1534 = arith.addf %add3A_1525, %mul3A_1533 : vector<16xf32>
      %get3A_1535 = arith.constant 6 : i32
      %get3A_1536 = arith.index_cast %get3A_1535 : i32 to index
      %get3A_1537 = arith.constant 96 : index
      %get3A_1538 = tpu.vector_load %arg7[%get3A_1536, %get3A_1537] {strides = array<i32>} : memref<39x128xf32, #tpu.memory_space<vmem>>, vector<16xf32>,
      %slice3A_1539 = vector.extract_strided_slice %get3A_277 {offsets = [6], sizes = [1], strides = [1]} : vector<16xf32> to vector<1xf32>
      %squeeze3A_1540 = vector.extract %slice3A_1539[0] : f32 from vector<1xf32>
      %mul3A_1541 = vector.broadcast %squeeze3A_1540 : f32 to vector<16xf32>
      %mul3A_1542 = arith.mulf %get3A_1538, %mul3A_1541 : vector<16xf32>
      %add3A_1543 = arith.addf %add3A_1534, %mul3A_1542 : vector<16xf32>
      %get3A_1544 = arith.constant 7 : i32
      %get3A_1545 = arith.index_cast %get3A_1544 : i32 to index
      %get3A_1546 = arith.constant 96 : index
      %get3A_1547 = tpu.vector_load %arg7[%get3A_1545, %get3A_1546] {strides = array<i32>} : memref<39x128xf32, #tpu.memory_space<vmem>>, vector<16xf32>,
      %slice3A_1548 = vector.extract_strided_slice %get3A_277 {offsets = [7], sizes = [1], strides = [1]} : vector<16xf32> to vector<1xf32>
      %squeeze3A_1549 = vector.extract %slice3A_1548[0] : f32 from vector<1xf32>
      %mul3A_1550 = vector.broadcast %squeeze3A_1549 : f32 to vector<16xf32>
      %mul3A_1551 = arith.mulf %get3A_1547, %mul3A_1550 : vector<16xf32>
      %add3A_1552 = arith.addf %add3A_1543, %mul3A_1551 : vector<16xf32>
      %get3A_1553 = arith.constant 8 : i32
      %get3A_1554 = arith.index_cast %get3A_1553 : i32 to index
      %get3A_1555 = arith.constant 96 : index
      %get3A_1556 = tpu.vector_load %arg7[%get3A_1554, %get3A_1555] {strides = array<i32>} : memref<39x128xf32, #tpu.memory_space<vmem>>, vector<16xf32>,
      %slice3A_1557 = vector.extract_strided_slice %get3A_277 {offsets = [8], sizes = [1], strides = [1]} : vector<16xf32> to vector<1xf32>
      %squeeze3A_1558 = vector.extract %slice3A_1557[0] : f32 from vector<1xf32>
      %mul3A_1559 = vector.broadcast %squeeze3A_1558 : f32 to vector<16xf32>
      %mul3A_1560 = arith.mulf %get3A_1556, %mul3A_1559 : vector<16xf32>
      %add3A_1561 = arith.addf %add3A_1552, %mul3A_1560 : vector<16xf32>
      %get3A_1562 = arith.constant 9 : i32
      %get3A_1563 = arith.index_cast %get3A_1562 : i32 to index
      %get3A_1564 = arith.constant 96 : index
      %get3A_1565 = tpu.vector_load %arg7[%get3A_1563, %get3A_1564] {strides = array<i32>} : memref<39x128xf32, #tpu.memory_space<vmem>>, vector<16xf32>,
      %slice3A_1566 = vector.extract_strided_slice %get3A_277 {offsets = [9], sizes = [1], strides = [1]} : vector<16xf32> to vector<1xf32>
      %squeeze3A_1567 = vector.extract %slice3A_1566[0] : f32 from vector<1xf32>
      %mul3A_1568 = vector.broadcast %squeeze3A_1567 : f32 to vector<16xf32>
      %mul3A_1569 = arith.mulf %get3A_1565, %mul3A_1568 : vector<16xf32>
      %add3A_1570 = arith.addf %add3A_1561, %mul3A_1569 : vector<16xf32>
      %get3A_1571 = arith.constant 10 : i32
      %get3A_1572 = arith.index_cast %get3A_1571 : i32 to index
      %get3A_1573 = arith.constant 96 : index
      %get3A_1574 = tpu.vector_load %arg7[%get3A_1572, %get3A_1573] {strides = array<i32>} : memref<39x128xf32, #tpu.memory_space<vmem>>, vector<16xf32>,
      %slice3A_1575 = vector.extract_strided_slice %get3A_277 {offsets = [10], sizes = [1], strides = [1]} : vector<16xf32> to vector<1xf32>
      %squeeze3A_1576 = vector.extract %slice3A_1575[0] : f32 from vector<1xf32>
      %mul3A_1577 = vector.broadcast %squeeze3A_1576 : f32 to vector<16xf32>
      %mul3A_1578 = arith.mulf %get3A_1574, %mul3A_1577 : vector<16xf32>
      %add3A_1579 = arith.addf %add3A_1570, %mul3A_1578 : vector<16xf32>
      %get3A_1580 = arith.constant 11 : i32
      %get3A_1581 = arith.index_cast %get3A_1580 : i32 to index
      %get3A_1582 = arith.constant 96 : index
      %get3A_1583 = tpu.vector_load %arg7[%get3A_1581, %get3A_1582] {strides = array<i32>} : memref<39x128xf32, #tpu.memory_space<vmem>>, vector<16xf32>,
      %slice3A_1584 = vector.extract_strided_slice %get3A_277 {offsets = [11], sizes = [1], strides = [1]} : vector<16xf32> to vector<1xf32>
      %squeeze3A_1585 = vector.extract %slice3A_1584[0] : f32 from vector<1xf32>
      %mul3A_1586 = vector.broadcast %squeeze3A_1585 : f32 to vector<16xf32>
      %mul3A_1587 = arith.mulf %get3A_1583, %mul3A_1586 : vector<16xf32>
      %add3A_1588 = arith.addf %add3A_1579, %mul3A_1587 : vector<16xf32>
      %get3A_1589 = arith.constant 12 : i32
      %get3A_1590 = arith.index_cast %get3A_1589 : i32 to index
      %get3A_1591 = arith.constant 96 : index
      %get3A_1592 = tpu.vector_load %arg7[%get3A_1590, %get3A_1591] {strides = array<i32>} : memref<39x128xf32, #tpu.memory_space<vmem>>, vector<16xf32>,
      %slice3A_1593 = vector.extract_strided_slice %get3A_277 {offsets = [12], sizes = [1], strides = [1]} : vector<16xf32> to vector<1xf32>
      %squeeze3A_1594 = vector.extract %slice3A_1593[0] : f32 from vector<1xf32>
      %mul3A_1595 = vector.broadcast %squeeze3A_1594 : f32 to vector<16xf32>
      %mul3A_1596 = arith.mulf %get3A_1592, %mul3A_1595 : vector<16xf32>
      %add3A_1597 = arith.addf %add3A_1588, %mul3A_1596 : vector<16xf32>
      %slice3A_1598 = vector.extract_strided_slice %get3A_277 {offsets = [13], sizes = [1], strides = [1]} : vector<16xf32> to vector<1xf32>
      %squeeze3A_1599 = vector.extract %slice3A_1598[0] : f32 from vector<1xf32>
      %add3A_1600 = vector.broadcast %squeeze3A_1599 : f32 to vector<16xf32>
      %add3A_1601 = arith.addf %add3A_1597, %add3A_1600 : vector<16xf32>
      %swap3A_1602 = arith.constant 96 : index
      %swap3A_1603 = tpu.vector_load %arg11[%swap3A_1602] {strides = array<i32>} : memref<128xf32, #tpu.memory_space<vmem>>, vector<16xf32>,
      tpu.vector_store %arg11[%swap3A_1602], %add3A_1601 {strides = array<i32>} : memref<128xf32, #tpu.memory_space<vmem>>, vector<16xf32>,
      %broadcast_in_dim3A_1604 = arith.constant 0.000000e+00 : f32
      %broadcast_in_dim3A_1605 = vector.broadcast %broadcast_in_dim3A_1604 : f32 to vector<16xf32>
      %get3A_1606 = arith.constant 0 : i32
      %get3A_1607 = arith.index_cast %get3A_1606 : i32 to index
      %get3A_1608 = arith.constant 112 : index
      %get3A_1609 = tpu.vector_load %arg9[%get3A_1607, %get3A_1608] {strides = array<i32>} : memref<13x128xf32, #tpu.memory_space<vmem>>, vector<16xf32>,
      %add3A_1610 = arith.addf %broadcast_in_dim3A_1605, %get3A_1609 : vector<16xf32>
      %get3A_1611 = arith.constant 1 : i32
      %get3A_1612 = arith.index_cast %get3A_1611 : i32 to index
      %get3A_1613 = arith.constant 112 : index
      %get3A_1614 = tpu.vector_load %arg9[%get3A_1612, %get3A_1613] {strides = array<i32>} : memref<13x128xf32, #tpu.memory_space<vmem>>, vector<16xf32>,
      %add3A_1615 = arith.addf %add3A_1610, %get3A_1614 : vector<16xf32>
      %get3A_1616 = arith.constant 2 : i32
      %get3A_1617 = arith.index_cast %get3A_1616 : i32 to index
      %get3A_1618 = arith.constant 112 : index
      %get3A_1619 = tpu.vector_load %arg9[%get3A_1617, %get3A_1618] {strides = array<i32>} : memref<13x128xf32, #tpu.memory_space<vmem>>, vector<16xf32>,
      %add3A_1620 = arith.addf %add3A_1615, %get3A_1619 : vector<16xf32>
      %get3A_1621 = arith.constant 3 : i32
      %get3A_1622 = arith.index_cast %get3A_1621 : i32 to index
      %get3A_1623 = arith.constant 112 : index
      %get3A_1624 = tpu.vector_load %arg9[%get3A_1622, %get3A_1623] {strides = array<i32>} : memref<13x128xf32, #tpu.memory_space<vmem>>, vector<16xf32>,
      %add3A_1625 = arith.addf %add3A_1620, %get3A_1624 : vector<16xf32>
      %get3A_1626 = arith.constant 4 : i32
      %get3A_1627 = arith.index_cast %get3A_1626 : i32 to index
      %get3A_1628 = arith.constant 112 : index
      %get3A_1629 = tpu.vector_load %arg9[%get3A_1627, %get3A_1628] {strides = array<i32>} : memref<13x128xf32, #tpu.memory_space<vmem>>, vector<16xf32>,
      %add3A_1630 = arith.addf %add3A_1625, %get3A_1629 : vector<16xf32>
      %get3A_1631 = arith.constant 5 : i32
      %get3A_1632 = arith.index_cast %get3A_1631 : i32 to index
      %get3A_1633 = arith.constant 112 : index
      %get3A_1634 = tpu.vector_load %arg9[%get3A_1632, %get3A_1633] {strides = array<i32>} : memref<13x128xf32, #tpu.memory_space<vmem>>, vector<16xf32>,
      %add3A_1635 = arith.addf %add3A_1630, %get3A_1634 : vector<16xf32>
      %get3A_1636 = arith.constant 6 : i32
      %get3A_1637 = arith.index_cast %get3A_1636 : i32 to index
      %get3A_1638 = arith.constant 112 : index
      %get3A_1639 = tpu.vector_load %arg9[%get3A_1637, %get3A_1638] {strides = array<i32>} : memref<13x128xf32, #tpu.memory_space<vmem>>, vector<16xf32>,
      %add3A_1640 = arith.addf %add3A_1635, %get3A_1639 : vector<16xf32>
      %get3A_1641 = arith.constant 7 : i32
      %get3A_1642 = arith.index_cast %get3A_1641 : i32 to index
      %get3A_1643 = arith.constant 112 : index
      %get3A_1644 = tpu.vector_load %arg9[%get3A_1642, %get3A_1643] {strides = array<i32>} : memref<13x128xf32, #tpu.memory_space<vmem>>, vector<16xf32>,
      %add3A_1645 = arith.addf %add3A_1640, %get3A_1644 : vector<16xf32>
      %get3A_1646 = arith.constant 8 : i32
      %get3A_1647 = arith.index_cast %get3A_1646 : i32 to index
      %get3A_1648 = arith.constant 112 : index
      %get3A_1649 = tpu.vector_load %arg9[%get3A_1647, %get3A_1648] {strides = array<i32>} : memref<13x128xf32, #tpu.memory_space<vmem>>, vector<16xf32>,
      %add3A_1650 = arith.addf %add3A_1645, %get3A_1649 : vector<16xf32>
      %get3A_1651 = arith.constant 9 : i32
      %get3A_1652 = arith.index_cast %get3A_1651 : i32 to index
      %get3A_1653 = arith.constant 112 : index
      %get3A_1654 = tpu.vector_load %arg9[%get3A_1652, %get3A_1653] {strides = array<i32>} : memref<13x128xf32, #tpu.memory_space<vmem>>, vector<16xf32>,
      %add3A_1655 = arith.addf %add3A_1650, %get3A_1654 : vector<16xf32>
      %get3A_1656 = arith.constant 10 : i32
      %get3A_1657 = arith.index_cast %get3A_1656 : i32 to index
      %get3A_1658 = arith.constant 112 : index
      %get3A_1659 = tpu.vector_load %arg9[%get3A_1657, %get3A_1658] {strides = array<i32>} : memref<13x128xf32, #tpu.memory_space<vmem>>, vector<16xf32>,
      %add3A_1660 = arith.addf %add3A_1655, %get3A_1659 : vector<16xf32>
      %get3A_1661 = arith.constant 11 : i32
      %get3A_1662 = arith.index_cast %get3A_1661 : i32 to index
      %get3A_1663 = arith.constant 112 : index
      %get3A_1664 = tpu.vector_load %arg9[%get3A_1662, %get3A_1663] {strides = array<i32>} : memref<13x128xf32, #tpu.memory_space<vmem>>, vector<16xf32>,
      %add3A_1665 = arith.addf %add3A_1660, %get3A_1664 : vector<16xf32>
      %get3A_1666 = arith.constant 12 : i32
      %get3A_1667 = arith.index_cast %get3A_1666 : i32 to index
      %get3A_1668 = arith.constant 112 : index
      %get3A_1669 = tpu.vector_load %arg9[%get3A_1667, %get3A_1668] {strides = array<i32>} : memref<13x128xf32, #tpu.memory_space<vmem>>, vector<16xf32>,
      %add3A_1670 = arith.addf %add3A_1665, %get3A_1669 : vector<16xf32>
      %get3A_1671 = arith.constant 0 : i32
      %get3A_1672 = arith.index_cast %get3A_1671 : i32 to index
      %get3A_1673 = arith.constant 112 : index
      %get3A_1674 = tpu.vector_load %arg7[%get3A_1672, %get3A_1673] {strides = array<i32>} : memref<39x128xf32, #tpu.memory_space<vmem>>, vector<16xf32>,
      %slice3A_1675 = vector.extract_strided_slice %get3A_277 {offsets = [0], sizes = [1], strides = [1]} : vector<16xf32> to vector<1xf32>
      %squeeze3A_1676 = vector.extract %slice3A_1675[0] : f32 from vector<1xf32>
      %mul3A_1677 = vector.broadcast %squeeze3A_1676 : f32 to vector<16xf32>
      %mul3A_1678 = arith.mulf %get3A_1674, %mul3A_1677 : vector<16xf32>
      %add3A_1679 = arith.addf %add3A_1670, %mul3A_1678 : vector<16xf32>
      %get3A_1680 = arith.constant 1 : i32
      %get3A_1681 = arith.index_cast %get3A_1680 : i32 to index
      %get3A_1682 = arith.constant 112 : index
      %get3A_1683 = tpu.vector_load %arg7[%get3A_1681, %get3A_1682] {strides = array<i32>} : memref<39x128xf32, #tpu.memory_space<vmem>>, vector<16xf32>,
      %slice3A_1684 = vector.extract_strided_slice %get3A_277 {offsets = [1], sizes = [1], strides = [1]} : vector<16xf32> to vector<1xf32>
      %squeeze3A_1685 = vector.extract %slice3A_1684[0] : f32 from vector<1xf32>
      %mul3A_1686 = vector.broadcast %squeeze3A_1685 : f32 to vector<16xf32>
      %mul3A_1687 = arith.mulf %get3A_1683, %mul3A_1686 : vector<16xf32>
      %add3A_1688 = arith.addf %add3A_1679, %mul3A_1687 : vector<16xf32>
      %get3A_1689 = arith.constant 2 : i32
      %get3A_1690 = arith.index_cast %get3A_1689 : i32 to index
      %get3A_1691 = arith.constant 112 : index
      %get3A_1692 = tpu.vector_load %arg7[%get3A_1690, %get3A_1691] {strides = array<i32>} : memref<39x128xf32, #tpu.memory_space<vmem>>, vector<16xf32>,
      %slice3A_1693 = vector.extract_strided_slice %get3A_277 {offsets = [2], sizes = [1], strides = [1]} : vector<16xf32> to vector<1xf32>
      %squeeze3A_1694 = vector.extract %slice3A_1693[0] : f32 from vector<1xf32>
      %mul3A_1695 = vector.broadcast %squeeze3A_1694 : f32 to vector<16xf32>
      %mul3A_1696 = arith.mulf %get3A_1692, %mul3A_1695 : vector<16xf32>
      %add3A_1697 = arith.addf %add3A_1688, %mul3A_1696 : vector<16xf32>
      %get3A_1698 = arith.constant 3 : i32
      %get3A_1699 = arith.index_cast %get3A_1698 : i32 to index
      %get3A_1700 = arith.constant 112 : index
      %get3A_1701 = tpu.vector_load %arg7[%get3A_1699, %get3A_1700] {strides = array<i32>} : memref<39x128xf32, #tpu.memory_space<vmem>>, vector<16xf32>,
      %slice3A_1702 = vector.extract_strided_slice %get3A_277 {offsets = [3], sizes = [1], strides = [1]} : vector<16xf32> to vector<1xf32>
      %squeeze3A_1703 = vector.extract %slice3A_1702[0] : f32 from vector<1xf32>
      %mul3A_1704 = vector.broadcast %squeeze3A_1703 : f32 to vector<16xf32>
      %mul3A_1705 = arith.mulf %get3A_1701, %mul3A_1704 : vector<16xf32>
      %add3A_1706 = arith.addf %add3A_1697, %mul3A_1705 : vector<16xf32>
      %get3A_1707 = arith.constant 4 : i32
      %get3A_1708 = arith.index_cast %get3A_1707 : i32 to index
      %get3A_1709 = arith.constant 112 : index
      %get3A_1710 = tpu.vector_load %arg7[%get3A_1708, %get3A_1709] {strides = array<i32>} : memref<39x128xf32, #tpu.memory_space<vmem>>, vector<16xf32>,
      %slice3A_1711 = vector.extract_strided_slice %get3A_277 {offsets = [4], sizes = [1], strides = [1]} : vector<16xf32> to vector<1xf32>
      %squeeze3A_1712 = vector.extract %slice3A_1711[0] : f32 from vector<1xf32>
      %mul3A_1713 = vector.broadcast %squeeze3A_1712 : f32 to vector<16xf32>
      %mul3A_1714 = arith.mulf %get3A_1710, %mul3A_1713 : vector<16xf32>
      %add3A_1715 = arith.addf %add3A_1706, %mul3A_1714 : vector<16xf32>
      %get3A_1716 = arith.constant 5 : i32
      %get3A_1717 = arith.index_cast %get3A_1716 : i32 to index
      %get3A_1718 = arith.constant 112 : index
      %get3A_1719 = tpu.vector_load %arg7[%get3A_1717, %get3A_1718] {strides = array<i32>} : memref<39x128xf32, #tpu.memory_space<vmem>>, vector<16xf32>,
      %slice3A_1720 = vector.extract_strided_slice %get3A_277 {offsets = [5], sizes = [1], strides = [1]} : vector<16xf32> to vector<1xf32>
      %squeeze3A_1721 = vector.extract %slice3A_1720[0] : f32 from vector<1xf32>
      %mul3A_1722 = vector.broadcast %squeeze3A_1721 : f32 to vector<16xf32>
      %mul3A_1723 = arith.mulf %get3A_1719, %mul3A_1722 : vector<16xf32>
      %add3A_1724 = arith.addf %add3A_1715, %mul3A_1723 : vector<16xf32>
      %get3A_1725 = arith.constant 6 : i32
      %get3A_1726 = arith.index_cast %get3A_1725 : i32 to index
      %get3A_1727 = arith.constant 112 : index
      %get3A_1728 = tpu.vector_load %arg7[%get3A_1726, %get3A_1727] {strides = array<i32>} : memref<39x128xf32, #tpu.memory_space<vmem>>, vector<16xf32>,
      %slice3A_1729 = vector.extract_strided_slice %get3A_277 {offsets = [6], sizes = [1], strides = [1]} : vector<16xf32> to vector<1xf32>
      %squeeze3A_1730 = vector.extract %slice3A_1729[0] : f32 from vector<1xf32>
      %mul3A_1731 = vector.broadcast %squeeze3A_1730 : f32 to vector<16xf32>
      %mul3A_1732 = arith.mulf %get3A_1728, %mul3A_1731 : vector<16xf32>
      %add3A_1733 = arith.addf %add3A_1724, %mul3A_1732 : vector<16xf32>
      %get3A_1734 = arith.constant 7 : i32
      %get3A_1735 = arith.index_cast %get3A_1734 : i32 to index
      %get3A_1736 = arith.constant 112 : index
      %get3A_1737 = tpu.vector_load %arg7[%get3A_1735, %get3A_1736] {strides = array<i32>} : memref<39x128xf32, #tpu.memory_space<vmem>>, vector<16xf32>,
      %slice3A_1738 = vector.extract_strided_slice %get3A_277 {offsets = [7], sizes = [1], strides = [1]} : vector<16xf32> to vector<1xf32>
      %squeeze3A_1739 = vector.extract %slice3A_1738[0] : f32 from vector<1xf32>
      %mul3A_1740 = vector.broadcast %squeeze3A_1739 : f32 to vector<16xf32>
      %mul3A_1741 = arith.mulf %get3A_1737, %mul3A_1740 : vector<16xf32>
      %add3A_1742 = arith.addf %add3A_1733, %mul3A_1741 : vector<16xf32>
      %get3A_1743 = arith.constant 8 : i32
      %get3A_1744 = arith.index_cast %get3A_1743 : i32 to index
      %get3A_1745 = arith.constant 112 : index
      %get3A_1746 = tpu.vector_load %arg7[%get3A_1744, %get3A_1745] {strides = array<i32>} : memref<39x128xf32, #tpu.memory_space<vmem>>, vector<16xf32>,
      %slice3A_1747 = vector.extract_strided_slice %get3A_277 {offsets = [8], sizes = [1], strides = [1]} : vector<16xf32> to vector<1xf32>
      %squeeze3A_1748 = vector.extract %slice3A_1747[0] : f32 from vector<1xf32>
      %mul3A_1749 = vector.broadcast %squeeze3A_1748 : f32 to vector<16xf32>
      %mul3A_1750 = arith.mulf %get3A_1746, %mul3A_1749 : vector<16xf32>
      %add3A_1751 = arith.addf %add3A_1742, %mul3A_1750 : vector<16xf32>
      %get3A_1752 = arith.constant 9 : i32
      %get3A_1753 = arith.index_cast %get3A_1752 : i32 to index
      %get3A_1754 = arith.constant 112 : index
      %get3A_1755 = tpu.vector_load %arg7[%get3A_1753, %get3A_1754] {strides = array<i32>} : memref<39x128xf32, #tpu.memory_space<vmem>>, vector<16xf32>,
      %slice3A_1756 = vector.extract_strided_slice %get3A_277 {offsets = [9], sizes = [1], strides = [1]} : vector<16xf32> to vector<1xf32>
      %squeeze3A_1757 = vector.extract %slice3A_1756[0] : f32 from vector<1xf32>
      %mul3A_1758 = vector.broadcast %squeeze3A_1757 : f32 to vector<16xf32>
      %mul3A_1759 = arith.mulf %get3A_1755, %mul3A_1758 : vector<16xf32>
      %add3A_1760 = arith.addf %add3A_1751, %mul3A_1759 : vector<16xf32>
      %get3A_1761 = arith.constant 10 : i32
      %get3A_1762 = arith.index_cast %get3A_1761 : i32 to index
      %get3A_1763 = arith.constant 112 : index
      %get3A_1764 = tpu.vector_load %arg7[%get3A_1762, %get3A_1763] {strides = array<i32>} : memref<39x128xf32, #tpu.memory_space<vmem>>, vector<16xf32>,
      %slice3A_1765 = vector.extract_strided_slice %get3A_277 {offsets = [10], sizes = [1], strides = [1]} : vector<16xf32> to vector<1xf32>
      %squeeze3A_1766 = vector.extract %slice3A_1765[0] : f32 from vector<1xf32>
      %mul3A_1767 = vector.broadcast %squeeze3A_1766 : f32 to vector<16xf32>
      %mul3A_1768 = arith.mulf %get3A_1764, %mul3A_1767 : vector<16xf32>
      %add3A_1769 = arith.addf %add3A_1760, %mul3A_1768 : vector<16xf32>
      %get3A_1770 = arith.constant 11 : i32
      %get3A_1771 = arith.index_cast %get3A_1770 : i32 to index
      %get3A_1772 = arith.constant 112 : index
      %get3A_1773 = tpu.vector_load %arg7[%get3A_1771, %get3A_1772] {strides = array<i32>} : memref<39x128xf32, #tpu.memory_space<vmem>>, vector<16xf32>,
      %slice3A_1774 = vector.extract_strided_slice %get3A_277 {offsets = [11], sizes = [1], strides = [1]} : vector<16xf32> to vector<1xf32>
      %squeeze3A_1775 = vector.extract %slice3A_1774[0] : f32 from vector<1xf32>
      %mul3A_1776 = vector.broadcast %squeeze3A_1775 : f32 to vector<16xf32>
      %mul3A_1777 = arith.mulf %get3A_1773, %mul3A_1776 : vector<16xf32>
      %add3A_1778 = arith.addf %add3A_1769, %mul3A_1777 : vector<16xf32>
      %get3A_1779 = arith.constant 12 : i32
      %get3A_1780 = arith.index_cast %get3A_1779 : i32 to index
      %get3A_1781 = arith.constant 112 : index
      %get3A_1782 = tpu.vector_load %arg7[%get3A_1780, %get3A_1781] {strides = array<i32>} : memref<39x128xf32, #tpu.memory_space<vmem>>, vector<16xf32>,
      %slice3A_1783 = vector.extract_strided_slice %get3A_277 {offsets = [12], sizes = [1], strides = [1]} : vector<16xf32> to vector<1xf32>
      %squeeze3A_1784 = vector.extract %slice3A_1783[0] : f32 from vector<1xf32>
      %mul3A_1785 = vector.broadcast %squeeze3A_1784 : f32 to vector<16xf32>
      %mul3A_1786 = arith.mulf %get3A_1782, %mul3A_1785 : vector<16xf32>
      %add3A_1787 = arith.addf %add3A_1778, %mul3A_1786 : vector<16xf32>
      %slice3A_1788 = vector.extract_strided_slice %get3A_277 {offsets = [13], sizes = [1], strides = [1]} : vector<16xf32> to vector<1xf32>
      %squeeze3A_1789 = vector.extract %slice3A_1788[0] : f32 from vector<1xf32>
      %add3A_1790 = vector.broadcast %squeeze3A_1789 : f32 to vector<16xf32>
      %add3A_1791 = arith.addf %add3A_1787, %add3A_1790 : vector<16xf32>
      %swap3A_1792 = arith.constant 112 : index
      %swap3A_1793 = tpu.vector_load %arg11[%swap3A_1792] {strides = array<i32>} : memref<128xf32, #tpu.memory_space<vmem>>, vector<16xf32>,
      tpu.vector_store %arg11[%swap3A_1792], %add3A_1791 {strides = array<i32>} : memref<128xf32, #tpu.memory_space<vmem>>, vector<16xf32>,
      "tpu.region"() ({
        %run_scoped3A = tpu.sem_alloc : memref<!tpu.dma_semaphore, #tpu.memory_space<semaphore_mem>>
        %dma_start3A_1794 = tpu.memref_slice %arg6[%multiple_of3A_12] : memref<16384xf32, #tpu.memory_space<hbm>> -> memref<128xf32, #tpu.memory_space<hbm>>
        %dma_start3A_1795 = tpu.memref_slice %arg6[%multiple_of3A_12] : memref<16384xf32, #tpu.memory_space<hbm>> -> memref<128xf32, #tpu.memory_space<hbm>>
        tpu.enqueue_dma source(%arg11 : memref<128xf32, #tpu.memory_space<vmem>>) target(%dma_start3A_1795 : memref<128xf32, #tpu.memory_space<hbm>>) target_semaphore(%run_scoped3A : memref<!tpu.dma_semaphore, #tpu.memory_space<semaphore_mem>>)
        %dma_wait3A_1796 = tpu.memref_slice %arg6[%multiple_of3A_12] : memref<16384xf32, #tpu.memory_space<hbm>> -> memref<128xf32, #tpu.memory_space<hbm>>
        %dma_wait3A_1797 = tpu.memref_slice %arg6[%multiple_of3A_12] : memref<16384xf32, #tpu.memory_space<hbm>> -> memref<128xf32, #tpu.memory_space<hbm>>
        tpu.wait_dma2 semaphore(%run_scoped3A : memref<!tpu.dma_semaphore, #tpu.memory_space<semaphore_mem>>) src(%arg11 : memref<128xf32, #tpu.memory_space<vmem>>) dst(%dma_wait3A_1797 : memref<128xf32, #tpu.memory_space<hbm>>)
        tpu.yield
      }) : () -> ()
    }
    %scan3A_7 = arith.constant 4 : i32
    return
  }
}

#map = affine_map<(d0, d1) -> (0, 0)>
#map1 = affine_map<(d0, d1) -> (0)>
module attributes {stable_mosaic.version = 14 : i64} {
  func.func @_gather_body(%arg0: i32, %arg1: i32, %arg2: memref<39x16384xf32, #tpu.memory_space<hbm>>, %arg3: memref<1300000xf32, #tpu.memory_space<hbm>>, %arg4: memref<16384xf32, #tpu.memory_space<hbm>>, %arg5: memref<16xf32, #tpu.memory_space<hbm>>, %arg6: memref<16384xf32, #tpu.memory_space<hbm>>, %arg7: memref<39x128xf32, #tpu.memory_space<vmem>>, %arg8: memref<13x128xi32, #tpu.memory_space<vmem>>, %arg9: memref<13x128xf32, #tpu.memory_space<vmem>>, %arg10: memref<16xf32, #tpu.memory_space<vmem>>, %arg11: memref<128xf32, #tpu.memory_space<vmem>>, %arg12: memref<!tpu.dma_semaphore, #tpu.memory_space<semaphore_mem>>) attributes {dimension_semantics = [#tpu.dimension_semantics<core_parallel>, #tpu.dimension_semantics<subcore_parallel>], iteration_bounds = array<i64: 2, 16>, scalar_prefetch = 0 : i64, scratch_operands = 6 : i64, tpu.core_type = #tpu.core_type<sc_vector_subcore>, window_params = [{transform_indices = #map}, {transform_indices = #map1}, {transform_indices = #map1}, {transform_indices = #map1}, {transform_indices = #map1}]} {
    %mul3A = arith.constant 2 : i32
    %mul3A_0 = arith.muli %arg1, %mul3A : i32
    %add3A = arith.addi %mul3A_0, %arg0 : i32
    %mul3A_1 = arith.constant 512 : i32
    %mul3A_2 = arith.muli %add3A, %mul3A_1 : i32
    %multiple_of3A = tpu.assume_multiple %mul3A_2, 512 : i32
    "tpu.region"() ({
      %run_scoped3A = tpu.sem_alloc : memref<!tpu.dma_semaphore, #tpu.memory_space<semaphore_mem>>
      tpu.enqueue_dma source(%arg5 : memref<16xf32, #tpu.memory_space<hbm>>) target(%arg10 : memref<16xf32, #tpu.memory_space<vmem>>) target_semaphore(%run_scoped3A : memref<!tpu.dma_semaphore, #tpu.memory_space<semaphore_mem>>)
      tpu.wait_dma2 semaphore(%run_scoped3A : memref<!tpu.dma_semaphore, #tpu.memory_space<semaphore_mem>>) src(%arg5 : memref<16xf32, #tpu.memory_space<hbm>>) dst(%arg10 : memref<16xf32, #tpu.memory_space<vmem>>)
      tpu.yield
    }) : () -> ()
    %scan3A = arith.constant 0 : i32
    %scan3A_3 = arith.constant 0 : i32
    %scan3A_4 = arith.constant 4 : i32
    %scan3A_5 = arith.addi %scan3A_3, %scan3A_4 : i32
    %scan3A_6 = arith.constant 1 : i32
    scf.for %scan3A_8 = %scan3A_3 to %scan3A_5 step %scan3A_6  : i32 {
      %mul3A_9 = arith.constant 128 : i32
      %mul3A_10 = arith.muli %scan3A_8, %mul3A_9 : i32
      %add3A_11 = arith.addi %multiple_of3A, %mul3A_10 : i32
      %multiple_of3A_12 = tpu.assume_multiple %add3A_11, 128 : i32
      "tpu.region"() ({
        %run_scoped3A = tpu.sem_alloc : memref<!tpu.dma_semaphore, #tpu.memory_space<semaphore_mem>>
        %dma_start3A_852 = arith.constant 0 : i32
        %dma_start3A_853 = tpu.memref_slice %arg2[%dma_start3A_852, %multiple_of3A_12] : memref<39x16384xf32, #tpu.memory_space<hbm>> -> memref<39x128xf32, #tpu.memory_space<hbm>>
        %dma_start3A_854 = arith.constant 0 : i32
        %dma_start3A_855 = tpu.memref_slice %arg2[%dma_start3A_854, %multiple_of3A_12] : memref<39x16384xf32, #tpu.memory_space<hbm>> -> memref<39x128xf32, #tpu.memory_space<hbm>>
        tpu.enqueue_dma source(%dma_start3A_855 : memref<39x128xf32, #tpu.memory_space<hbm>>) target(%arg7 : memref<39x128xf32, #tpu.memory_space<vmem>>) target_semaphore(%run_scoped3A : memref<!tpu.dma_semaphore, #tpu.memory_space<semaphore_mem>>)
        %dma_wait3A_856 = arith.constant 0 : i32
        %dma_wait3A_857 = tpu.memref_slice %arg2[%dma_wait3A_856, %multiple_of3A_12] : memref<39x16384xf32, #tpu.memory_space<hbm>> -> memref<39x128xf32, #tpu.memory_space<hbm>>
        %dma_wait3A_858 = arith.constant 0 : i32
        %dma_wait3A_859 = tpu.memref_slice %arg2[%dma_wait3A_858, %multiple_of3A_12] : memref<39x16384xf32, #tpu.memory_space<hbm>> -> memref<39x128xf32, #tpu.memory_space<hbm>>
        tpu.wait_dma2 semaphore(%run_scoped3A : memref<!tpu.dma_semaphore, #tpu.memory_space<semaphore_mem>>) src(%dma_wait3A_859 : memref<39x128xf32, #tpu.memory_space<hbm>>) dst(%arg7 : memref<39x128xf32, #tpu.memory_space<vmem>>)
        tpu.yield
      }) : () -> ()
      "tpu.region"() ({
        %run_scoped3A = tpu.sem_alloc : memref<!tpu.dma_semaphore, #tpu.memory_space<semaphore_mem>>
        %dma_start3A_852 = tpu.memref_slice %arg4[%multiple_of3A_12] : memref<16384xf32, #tpu.memory_space<hbm>> -> memref<128xf32, #tpu.memory_space<hbm>>
        %dma_start3A_853 = tpu.memref_slice %arg4[%multiple_of3A_12] : memref<16384xf32, #tpu.memory_space<hbm>> -> memref<128xf32, #tpu.memory_space<hbm>>
        tpu.enqueue_dma source(%dma_start3A_853 : memref<128xf32, #tpu.memory_space<hbm>>) target(%arg11 : memref<128xf32, #tpu.memory_space<vmem>>) target_semaphore(%run_scoped3A : memref<!tpu.dma_semaphore, #tpu.memory_space<semaphore_mem>>)
        %dma_wait3A_854 = tpu.memref_slice %arg4[%multiple_of3A_12] : memref<16384xf32, #tpu.memory_space<hbm>> -> memref<128xf32, #tpu.memory_space<hbm>>
        %dma_wait3A_855 = tpu.memref_slice %arg4[%multiple_of3A_12] : memref<16384xf32, #tpu.memory_space<hbm>> -> memref<128xf32, #tpu.memory_space<hbm>>
        tpu.wait_dma2 semaphore(%run_scoped3A : memref<!tpu.dma_semaphore, #tpu.memory_space<semaphore_mem>>) src(%dma_wait3A_855 : memref<128xf32, #tpu.memory_space<hbm>>) dst(%arg11 : memref<128xf32, #tpu.memory_space<vmem>>)
        tpu.yield
      }) : () -> ()
      %scan3A_13 = arith.constant 0 : i32
      %scan3A_14 = arith.constant 0 : i32
      %scan3A_15 = arith.constant 13 : i32
      %scan3A_16 = arith.addi %scan3A_14, %scan3A_15 : i32
      %scan3A_17 = arith.constant 1 : i32
      scf.for %scan3A_852 = %scan3A_14 to %scan3A_16 step %scan3A_17  : i32 {
        %add3A_853 = arith.constant 26 : i32
        %add3A_854 = arith.addi %add3A_853, %scan3A_852 : i32
        %get3A_855 = arith.index_cast %add3A_854 : i32 to index
        %get3A_856 = arith.constant 0 : index
        %get3A_857 = tpu.vector_load %arg7[%get3A_855, %get3A_856] {strides = array<i32>} : memref<39x128xf32, #tpu.memory_space<vmem>>, vector<16xf32>,
        %convert_element_type3A = arith.fptosi %get3A_857 : vector<16xf32> to vector<16xi32>
        %mul3A_858 = arith.constant 100000 : i32
        %mul3A_859 = arith.muli %scan3A_852, %mul3A_858 : i32
        %add3A_860 = vector.broadcast %mul3A_859 : i32 to vector<16xi32>
        %add3A_861 = arith.addi %convert_element_type3A, %add3A_860 : vector<16xi32>
        %swap3A_862 = arith.index_cast %scan3A_852 : i32 to index
        %swap3A_863 = arith.constant 0 : index
        %swap3A_864 = tpu.vector_load %arg8[%swap3A_862, %swap3A_863] {strides = array<i32>} : memref<13x128xi32, #tpu.memory_space<vmem>>, vector<16xi32>,
        tpu.vector_store %arg8[%swap3A_862, %swap3A_863], %add3A_861 {strides = array<i32>} : memref<13x128xi32, #tpu.memory_space<vmem>>, vector<16xi32>,
        %add3A_865 = arith.constant 26 : i32
        %add3A_866 = arith.addi %add3A_865, %scan3A_852 : i32
        %get3A_867 = arith.index_cast %add3A_866 : i32 to index
        %get3A_868 = arith.constant 16 : index
        %get3A_869 = tpu.vector_load %arg7[%get3A_867, %get3A_868] {strides = array<i32>} : memref<39x128xf32, #tpu.memory_space<vmem>>, vector<16xf32>,
        %convert_element_type3A_870 = arith.fptosi %get3A_869 : vector<16xf32> to vector<16xi32>
        %mul3A_871 = arith.constant 100000 : i32
        %mul3A_872 = arith.muli %scan3A_852, %mul3A_871 : i32
        %add3A_873 = vector.broadcast %mul3A_872 : i32 to vector<16xi32>
        %add3A_874 = arith.addi %convert_element_type3A_870, %add3A_873 : vector<16xi32>
        %swap3A_875 = arith.index_cast %scan3A_852 : i32 to index
        %swap3A_876 = arith.constant 16 : index
        %swap3A_877 = tpu.vector_load %arg8[%swap3A_875, %swap3A_876] {strides = array<i32>} : memref<13x128xi32, #tpu.memory_space<vmem>>, vector<16xi32>,
        tpu.vector_store %arg8[%swap3A_875, %swap3A_876], %add3A_874 {strides = array<i32>} : memref<13x128xi32, #tpu.memory_space<vmem>>, vector<16xi32>,
        %add3A_878 = arith.constant 26 : i32
        %add3A_879 = arith.addi %add3A_878, %scan3A_852 : i32
        %get3A_880 = arith.index_cast %add3A_879 : i32 to index
        %get3A_881 = arith.constant 32 : index
        %get3A_882 = tpu.vector_load %arg7[%get3A_880, %get3A_881] {strides = array<i32>} : memref<39x128xf32, #tpu.memory_space<vmem>>, vector<16xf32>,
        %convert_element_type3A_883 = arith.fptosi %get3A_882 : vector<16xf32> to vector<16xi32>
        %mul3A_884 = arith.constant 100000 : i32
        %mul3A_885 = arith.muli %scan3A_852, %mul3A_884 : i32
        %add3A_886 = vector.broadcast %mul3A_885 : i32 to vector<16xi32>
        %add3A_887 = arith.addi %convert_element_type3A_883, %add3A_886 : vector<16xi32>
        %swap3A_888 = arith.index_cast %scan3A_852 : i32 to index
        %swap3A_889 = arith.constant 32 : index
        %swap3A_890 = tpu.vector_load %arg8[%swap3A_888, %swap3A_889] {strides = array<i32>} : memref<13x128xi32, #tpu.memory_space<vmem>>, vector<16xi32>,
        tpu.vector_store %arg8[%swap3A_888, %swap3A_889], %add3A_887 {strides = array<i32>} : memref<13x128xi32, #tpu.memory_space<vmem>>, vector<16xi32>,
        %add3A_891 = arith.constant 26 : i32
        %add3A_892 = arith.addi %add3A_891, %scan3A_852 : i32
        %get3A_893 = arith.index_cast %add3A_892 : i32 to index
        %get3A_894 = arith.constant 48 : index
        %get3A_895 = tpu.vector_load %arg7[%get3A_893, %get3A_894] {strides = array<i32>} : memref<39x128xf32, #tpu.memory_space<vmem>>, vector<16xf32>,
        %convert_element_type3A_896 = arith.fptosi %get3A_895 : vector<16xf32> to vector<16xi32>
        %mul3A_897 = arith.constant 100000 : i32
        %mul3A_898 = arith.muli %scan3A_852, %mul3A_897 : i32
        %add3A_899 = vector.broadcast %mul3A_898 : i32 to vector<16xi32>
        %add3A_900 = arith.addi %convert_element_type3A_896, %add3A_899 : vector<16xi32>
        %swap3A_901 = arith.index_cast %scan3A_852 : i32 to index
        %swap3A_902 = arith.constant 48 : index
        %swap3A_903 = tpu.vector_load %arg8[%swap3A_901, %swap3A_902] {strides = array<i32>} : memref<13x128xi32, #tpu.memory_space<vmem>>, vector<16xi32>,
        tpu.vector_store %arg8[%swap3A_901, %swap3A_902], %add3A_900 {strides = array<i32>} : memref<13x128xi32, #tpu.memory_space<vmem>>, vector<16xi32>,
        %add3A_904 = arith.constant 26 : i32
        %add3A_905 = arith.addi %add3A_904, %scan3A_852 : i32
        %get3A_906 = arith.index_cast %add3A_905 : i32 to index
        %get3A_907 = arith.constant 64 : index
        %get3A_908 = tpu.vector_load %arg7[%get3A_906, %get3A_907] {strides = array<i32>} : memref<39x128xf32, #tpu.memory_space<vmem>>, vector<16xf32>,
        %convert_element_type3A_909 = arith.fptosi %get3A_908 : vector<16xf32> to vector<16xi32>
        %mul3A_910 = arith.constant 100000 : i32
        %mul3A_911 = arith.muli %scan3A_852, %mul3A_910 : i32
        %add3A_912 = vector.broadcast %mul3A_911 : i32 to vector<16xi32>
        %add3A_913 = arith.addi %convert_element_type3A_909, %add3A_912 : vector<16xi32>
        %swap3A_914 = arith.index_cast %scan3A_852 : i32 to index
        %swap3A_915 = arith.constant 64 : index
        %swap3A_916 = tpu.vector_load %arg8[%swap3A_914, %swap3A_915] {strides = array<i32>} : memref<13x128xi32, #tpu.memory_space<vmem>>, vector<16xi32>,
        tpu.vector_store %arg8[%swap3A_914, %swap3A_915], %add3A_913 {strides = array<i32>} : memref<13x128xi32, #tpu.memory_space<vmem>>, vector<16xi32>,
        %add3A_917 = arith.constant 26 : i32
        %add3A_918 = arith.addi %add3A_917, %scan3A_852 : i32
        %get3A_919 = arith.index_cast %add3A_918 : i32 to index
        %get3A_920 = arith.constant 80 : index
        %get3A_921 = tpu.vector_load %arg7[%get3A_919, %get3A_920] {strides = array<i32>} : memref<39x128xf32, #tpu.memory_space<vmem>>, vector<16xf32>,
        %convert_element_type3A_922 = arith.fptosi %get3A_921 : vector<16xf32> to vector<16xi32>
        %mul3A_923 = arith.constant 100000 : i32
        %mul3A_924 = arith.muli %scan3A_852, %mul3A_923 : i32
        %add3A_925 = vector.broadcast %mul3A_924 : i32 to vector<16xi32>
        %add3A_926 = arith.addi %convert_element_type3A_922, %add3A_925 : vector<16xi32>
        %swap3A_927 = arith.index_cast %scan3A_852 : i32 to index
        %swap3A_928 = arith.constant 80 : index
        %swap3A_929 = tpu.vector_load %arg8[%swap3A_927, %swap3A_928] {strides = array<i32>} : memref<13x128xi32, #tpu.memory_space<vmem>>, vector<16xi32>,
        tpu.vector_store %arg8[%swap3A_927, %swap3A_928], %add3A_926 {strides = array<i32>} : memref<13x128xi32, #tpu.memory_space<vmem>>, vector<16xi32>,
        %add3A_930 = arith.constant 26 : i32
        %add3A_931 = arith.addi %add3A_930, %scan3A_852 : i32
        %get3A_932 = arith.index_cast %add3A_931 : i32 to index
        %get3A_933 = arith.constant 96 : index
        %get3A_934 = tpu.vector_load %arg7[%get3A_932, %get3A_933] {strides = array<i32>} : memref<39x128xf32, #tpu.memory_space<vmem>>, vector<16xf32>,
        %convert_element_type3A_935 = arith.fptosi %get3A_934 : vector<16xf32> to vector<16xi32>
        %mul3A_936 = arith.constant 100000 : i32
        %mul3A_937 = arith.muli %scan3A_852, %mul3A_936 : i32
        %add3A_938 = vector.broadcast %mul3A_937 : i32 to vector<16xi32>
        %add3A_939 = arith.addi %convert_element_type3A_935, %add3A_938 : vector<16xi32>
        %swap3A_940 = arith.index_cast %scan3A_852 : i32 to index
        %swap3A_941 = arith.constant 96 : index
        %swap3A_942 = tpu.vector_load %arg8[%swap3A_940, %swap3A_941] {strides = array<i32>} : memref<13x128xi32, #tpu.memory_space<vmem>>, vector<16xi32>,
        tpu.vector_store %arg8[%swap3A_940, %swap3A_941], %add3A_939 {strides = array<i32>} : memref<13x128xi32, #tpu.memory_space<vmem>>, vector<16xi32>,
        %add3A_943 = arith.constant 26 : i32
        %add3A_944 = arith.addi %add3A_943, %scan3A_852 : i32
        %get3A_945 = arith.index_cast %add3A_944 : i32 to index
        %get3A_946 = arith.constant 112 : index
        %get3A_947 = tpu.vector_load %arg7[%get3A_945, %get3A_946] {strides = array<i32>} : memref<39x128xf32, #tpu.memory_space<vmem>>, vector<16xf32>,
        %convert_element_type3A_948 = arith.fptosi %get3A_947 : vector<16xf32> to vector<16xi32>
        %mul3A_949 = arith.constant 100000 : i32
        %mul3A_950 = arith.muli %scan3A_852, %mul3A_949 : i32
        %add3A_951 = vector.broadcast %mul3A_950 : i32 to vector<16xi32>
        %add3A_952 = arith.addi %convert_element_type3A_948, %add3A_951 : vector<16xi32>
        %swap3A_953 = arith.index_cast %scan3A_852 : i32 to index
        %swap3A_954 = arith.constant 112 : index
        %swap3A_955 = tpu.vector_load %arg8[%swap3A_953, %swap3A_954] {strides = array<i32>} : memref<13x128xi32, #tpu.memory_space<vmem>>, vector<16xi32>,
        tpu.vector_store %arg8[%swap3A_953, %swap3A_954], %add3A_952 {strides = array<i32>} : memref<13x128xi32, #tpu.memory_space<vmem>>, vector<16xi32>,
      }
      %scan3A_18 = arith.constant 13 : i32
      %dma_start3A = arith.constant 0 : i32
      %dma_start3A_19 = arith.constant 0 : i32
      %dma_start3A_20 = arith.constant 0 : i32
      %dma_start3A_21 = tpu.memref_slice %arg9[%dma_start3A_19, %dma_start3A_20] : memref<13x128xf32, #tpu.memory_space<vmem>> -> memref<1x128xf32, #tpu.memory_space<vmem>>
      %dma_start3A_22 = tpu.memref_squeeze %dma_start3A_21 : memref<1x128xf32, #tpu.memory_space<vmem>> -> memref<128xf32, #tpu.memory_space<vmem>>
      %dma_start3A_23 = arith.constant 0 : i32
      %dma_start3A_24 = tpu.memref_slice %arg8[%dma_start3A, %dma_start3A_23] : memref<13x128xi32, #tpu.memory_space<vmem>> -> memref<1x128xi32, #tpu.memory_space<vmem>>
      %dma_start3A_25 = tpu.memref_squeeze %dma_start3A_24 : memref<1x128xi32, #tpu.memory_space<vmem>> -> memref<128xi32, #tpu.memory_space<vmem>>
      %dma_start3A_26 = arith.constant 0 : i32
      %dma_start3A_27 = tpu.memref_slice %arg3[%dma_start3A_26] : memref<1300000xf32, #tpu.memory_space<hbm>> -> memref<1300000xf32, #tpu.memory_space<hbm>>
      tpu.enqueue_indirect_dma source(%dma_start3A_27 : memref<1300000xf32, #tpu.memory_space<hbm>>) target(%dma_start3A_22 : memref<128xf32, #tpu.memory_space<vmem>>) offsets(%dma_start3A_25 : memref<128xi32, #tpu.memory_space<vmem>>) semaphore(%arg12 : memref<!tpu.dma_semaphore, #tpu.memory_space<semaphore_mem>>)
      %dma_start3A_28 = arith.constant 1 : i32
      %dma_start3A_29 = arith.constant 1 : i32
      %dma_start3A_30 = arith.constant 0 : i32
      %dma_start3A_31 = tpu.memref_slice %arg9[%dma_start3A_29, %dma_start3A_30] : memref<13x128xf32, #tpu.memory_space<vmem>> -> memref<1x128xf32, #tpu.memory_space<vmem>>
      %dma_start3A_32 = tpu.memref_squeeze %dma_start3A_31 : memref<1x128xf32, #tpu.memory_space<vmem>> -> memref<128xf32, #tpu.memory_space<vmem>>
      %dma_start3A_33 = arith.constant 0 : i32
      %dma_start3A_34 = tpu.memref_slice %arg8[%dma_start3A_28, %dma_start3A_33] : memref<13x128xi32, #tpu.memory_space<vmem>> -> memref<1x128xi32, #tpu.memory_space<vmem>>
      %dma_start3A_35 = tpu.memref_squeeze %dma_start3A_34 : memref<1x128xi32, #tpu.memory_space<vmem>> -> memref<128xi32, #tpu.memory_space<vmem>>
      %dma_start3A_36 = arith.constant 0 : i32
      %dma_start3A_37 = tpu.memref_slice %arg3[%dma_start3A_36] : memref<1300000xf32, #tpu.memory_space<hbm>> -> memref<1300000xf32, #tpu.memory_space<hbm>>
      tpu.enqueue_indirect_dma source(%dma_start3A_37 : memref<1300000xf32, #tpu.memory_space<hbm>>) target(%dma_start3A_32 : memref<128xf32, #tpu.memory_space<vmem>>) offsets(%dma_start3A_35 : memref<128xi32, #tpu.memory_space<vmem>>) semaphore(%arg12 : memref<!tpu.dma_semaphore, #tpu.memory_space<semaphore_mem>>)
      %dma_start3A_38 = arith.constant 2 : i32
      %dma_start3A_39 = arith.constant 2 : i32
      %dma_start3A_40 = arith.constant 0 : i32
      %dma_start3A_41 = tpu.memref_slice %arg9[%dma_start3A_39, %dma_start3A_40] : memref<13x128xf32, #tpu.memory_space<vmem>> -> memref<1x128xf32, #tpu.memory_space<vmem>>
      %dma_start3A_42 = tpu.memref_squeeze %dma_start3A_41 : memref<1x128xf32, #tpu.memory_space<vmem>> -> memref<128xf32, #tpu.memory_space<vmem>>
      %dma_start3A_43 = arith.constant 0 : i32
      %dma_start3A_44 = tpu.memref_slice %arg8[%dma_start3A_38, %dma_start3A_43] : memref<13x128xi32, #tpu.memory_space<vmem>> -> memref<1x128xi32, #tpu.memory_space<vmem>>
      %dma_start3A_45 = tpu.memref_squeeze %dma_start3A_44 : memref<1x128xi32, #tpu.memory_space<vmem>> -> memref<128xi32, #tpu.memory_space<vmem>>
      %dma_start3A_46 = arith.constant 0 : i32
      %dma_start3A_47 = tpu.memref_slice %arg3[%dma_start3A_46] : memref<1300000xf32, #tpu.memory_space<hbm>> -> memref<1300000xf32, #tpu.memory_space<hbm>>
      tpu.enqueue_indirect_dma source(%dma_start3A_47 : memref<1300000xf32, #tpu.memory_space<hbm>>) target(%dma_start3A_42 : memref<128xf32, #tpu.memory_space<vmem>>) offsets(%dma_start3A_45 : memref<128xi32, #tpu.memory_space<vmem>>) semaphore(%arg12 : memref<!tpu.dma_semaphore, #tpu.memory_space<semaphore_mem>>)
      %dma_start3A_48 = arith.constant 3 : i32
      %dma_start3A_49 = arith.constant 3 : i32
      %dma_start3A_50 = arith.constant 0 : i32
      %dma_start3A_51 = tpu.memref_slice %arg9[%dma_start3A_49, %dma_start3A_50] : memref<13x128xf32, #tpu.memory_space<vmem>> -> memref<1x128xf32, #tpu.memory_space<vmem>>
      %dma_start3A_52 = tpu.memref_squeeze %dma_start3A_51 : memref<1x128xf32, #tpu.memory_space<vmem>> -> memref<128xf32, #tpu.memory_space<vmem>>
      %dma_start3A_53 = arith.constant 0 : i32
      %dma_start3A_54 = tpu.memref_slice %arg8[%dma_start3A_48, %dma_start3A_53] : memref<13x128xi32, #tpu.memory_space<vmem>> -> memref<1x128xi32, #tpu.memory_space<vmem>>
      %dma_start3A_55 = tpu.memref_squeeze %dma_start3A_54 : memref<1x128xi32, #tpu.memory_space<vmem>> -> memref<128xi32, #tpu.memory_space<vmem>>
      %dma_start3A_56 = arith.constant 0 : i32
      %dma_start3A_57 = tpu.memref_slice %arg3[%dma_start3A_56] : memref<1300000xf32, #tpu.memory_space<hbm>> -> memref<1300000xf32, #tpu.memory_space<hbm>>
      tpu.enqueue_indirect_dma source(%dma_start3A_57 : memref<1300000xf32, #tpu.memory_space<hbm>>) target(%dma_start3A_52 : memref<128xf32, #tpu.memory_space<vmem>>) offsets(%dma_start3A_55 : memref<128xi32, #tpu.memory_space<vmem>>) semaphore(%arg12 : memref<!tpu.dma_semaphore, #tpu.memory_space<semaphore_mem>>)
      %dma_start3A_58 = arith.constant 4 : i32
      %dma_start3A_59 = arith.constant 4 : i32
      %dma_start3A_60 = arith.constant 0 : i32
      %dma_start3A_61 = tpu.memref_slice %arg9[%dma_start3A_59, %dma_start3A_60] : memref<13x128xf32, #tpu.memory_space<vmem>> -> memref<1x128xf32, #tpu.memory_space<vmem>>
      %dma_start3A_62 = tpu.memref_squeeze %dma_start3A_61 : memref<1x128xf32, #tpu.memory_space<vmem>> -> memref<128xf32, #tpu.memory_space<vmem>>
      %dma_start3A_63 = arith.constant 0 : i32
      %dma_start3A_64 = tpu.memref_slice %arg8[%dma_start3A_58, %dma_start3A_63] : memref<13x128xi32, #tpu.memory_space<vmem>> -> memref<1x128xi32, #tpu.memory_space<vmem>>
      %dma_start3A_65 = tpu.memref_squeeze %dma_start3A_64 : memref<1x128xi32, #tpu.memory_space<vmem>> -> memref<128xi32, #tpu.memory_space<vmem>>
      %dma_start3A_66 = arith.constant 0 : i32
      %dma_start3A_67 = tpu.memref_slice %arg3[%dma_start3A_66] : memref<1300000xf32, #tpu.memory_space<hbm>> -> memref<1300000xf32, #tpu.memory_space<hbm>>
      tpu.enqueue_indirect_dma source(%dma_start3A_67 : memref<1300000xf32, #tpu.memory_space<hbm>>) target(%dma_start3A_62 : memref<128xf32, #tpu.memory_space<vmem>>) offsets(%dma_start3A_65 : memref<128xi32, #tpu.memory_space<vmem>>) semaphore(%arg12 : memref<!tpu.dma_semaphore, #tpu.memory_space<semaphore_mem>>)
      %dma_start3A_68 = arith.constant 5 : i32
      %dma_start3A_69 = arith.constant 5 : i32
      %dma_start3A_70 = arith.constant 0 : i32
      %dma_start3A_71 = tpu.memref_slice %arg9[%dma_start3A_69, %dma_start3A_70] : memref<13x128xf32, #tpu.memory_space<vmem>> -> memref<1x128xf32, #tpu.memory_space<vmem>>
      %dma_start3A_72 = tpu.memref_squeeze %dma_start3A_71 : memref<1x128xf32, #tpu.memory_space<vmem>> -> memref<128xf32, #tpu.memory_space<vmem>>
      %dma_start3A_73 = arith.constant 0 : i32
      %dma_start3A_74 = tpu.memref_slice %arg8[%dma_start3A_68, %dma_start3A_73] : memref<13x128xi32, #tpu.memory_space<vmem>> -> memref<1x128xi32, #tpu.memory_space<vmem>>
      %dma_start3A_75 = tpu.memref_squeeze %dma_start3A_74 : memref<1x128xi32, #tpu.memory_space<vmem>> -> memref<128xi32, #tpu.memory_space<vmem>>
      %dma_start3A_76 = arith.constant 0 : i32
      %dma_start3A_77 = tpu.memref_slice %arg3[%dma_start3A_76] : memref<1300000xf32, #tpu.memory_space<hbm>> -> memref<1300000xf32, #tpu.memory_space<hbm>>
      tpu.enqueue_indirect_dma source(%dma_start3A_77 : memref<1300000xf32, #tpu.memory_space<hbm>>) target(%dma_start3A_72 : memref<128xf32, #tpu.memory_space<vmem>>) offsets(%dma_start3A_75 : memref<128xi32, #tpu.memory_space<vmem>>) semaphore(%arg12 : memref<!tpu.dma_semaphore, #tpu.memory_space<semaphore_mem>>)
      %dma_start3A_78 = arith.constant 6 : i32
      %dma_start3A_79 = arith.constant 6 : i32
      %dma_start3A_80 = arith.constant 0 : i32
      %dma_start3A_81 = tpu.memref_slice %arg9[%dma_start3A_79, %dma_start3A_80] : memref<13x128xf32, #tpu.memory_space<vmem>> -> memref<1x128xf32, #tpu.memory_space<vmem>>
      %dma_start3A_82 = tpu.memref_squeeze %dma_start3A_81 : memref<1x128xf32, #tpu.memory_space<vmem>> -> memref<128xf32, #tpu.memory_space<vmem>>
      %dma_start3A_83 = arith.constant 0 : i32
      %dma_start3A_84 = tpu.memref_slice %arg8[%dma_start3A_78, %dma_start3A_83] : memref<13x128xi32, #tpu.memory_space<vmem>> -> memref<1x128xi32, #tpu.memory_space<vmem>>
      %dma_start3A_85 = tpu.memref_squeeze %dma_start3A_84 : memref<1x128xi32, #tpu.memory_space<vmem>> -> memref<128xi32, #tpu.memory_space<vmem>>
      %dma_start3A_86 = arith.constant 0 : i32
      %dma_start3A_87 = tpu.memref_slice %arg3[%dma_start3A_86] : memref<1300000xf32, #tpu.memory_space<hbm>> -> memref<1300000xf32, #tpu.memory_space<hbm>>
      tpu.enqueue_indirect_dma source(%dma_start3A_87 : memref<1300000xf32, #tpu.memory_space<hbm>>) target(%dma_start3A_82 : memref<128xf32, #tpu.memory_space<vmem>>) offsets(%dma_start3A_85 : memref<128xi32, #tpu.memory_space<vmem>>) semaphore(%arg12 : memref<!tpu.dma_semaphore, #tpu.memory_space<semaphore_mem>>)
      %dma_start3A_88 = arith.constant 7 : i32
      %dma_start3A_89 = arith.constant 7 : i32
      %dma_start3A_90 = arith.constant 0 : i32
      %dma_start3A_91 = tpu.memref_slice %arg9[%dma_start3A_89, %dma_start3A_90] : memref<13x128xf32, #tpu.memory_space<vmem>> -> memref<1x128xf32, #tpu.memory_space<vmem>>
      %dma_start3A_92 = tpu.memref_squeeze %dma_start3A_91 : memref<1x128xf32, #tpu.memory_space<vmem>> -> memref<128xf32, #tpu.memory_space<vmem>>
      %dma_start3A_93 = arith.constant 0 : i32
      %dma_start3A_94 = tpu.memref_slice %arg8[%dma_start3A_88, %dma_start3A_93] : memref<13x128xi32, #tpu.memory_space<vmem>> -> memref<1x128xi32, #tpu.memory_space<vmem>>
      %dma_start3A_95 = tpu.memref_squeeze %dma_start3A_94 : memref<1x128xi32, #tpu.memory_space<vmem>> -> memref<128xi32, #tpu.memory_space<vmem>>
      %dma_start3A_96 = arith.constant 0 : i32
      %dma_start3A_97 = tpu.memref_slice %arg3[%dma_start3A_96] : memref<1300000xf32, #tpu.memory_space<hbm>> -> memref<1300000xf32, #tpu.memory_space<hbm>>
      tpu.enqueue_indirect_dma source(%dma_start3A_97 : memref<1300000xf32, #tpu.memory_space<hbm>>) target(%dma_start3A_92 : memref<128xf32, #tpu.memory_space<vmem>>) offsets(%dma_start3A_95 : memref<128xi32, #tpu.memory_space<vmem>>) semaphore(%arg12 : memref<!tpu.dma_semaphore, #tpu.memory_space<semaphore_mem>>)
      %dma_start3A_98 = arith.constant 8 : i32
      %dma_start3A_99 = arith.constant 8 : i32
      %dma_start3A_100 = arith.constant 0 : i32
      %dma_start3A_101 = tpu.memref_slice %arg9[%dma_start3A_99, %dma_start3A_100] : memref<13x128xf32, #tpu.memory_space<vmem>> -> memref<1x128xf32, #tpu.memory_space<vmem>>
      %dma_start3A_102 = tpu.memref_squeeze %dma_start3A_101 : memref<1x128xf32, #tpu.memory_space<vmem>> -> memref<128xf32, #tpu.memory_space<vmem>>
      %dma_start3A_103 = arith.constant 0 : i32
      %dma_start3A_104 = tpu.memref_slice %arg8[%dma_start3A_98, %dma_start3A_103] : memref<13x128xi32, #tpu.memory_space<vmem>> -> memref<1x128xi32, #tpu.memory_space<vmem>>
      %dma_start3A_105 = tpu.memref_squeeze %dma_start3A_104 : memref<1x128xi32, #tpu.memory_space<vmem>> -> memref<128xi32, #tpu.memory_space<vmem>>
      %dma_start3A_106 = arith.constant 0 : i32
      %dma_start3A_107 = tpu.memref_slice %arg3[%dma_start3A_106] : memref<1300000xf32, #tpu.memory_space<hbm>> -> memref<1300000xf32, #tpu.memory_space<hbm>>
      tpu.enqueue_indirect_dma source(%dma_start3A_107 : memref<1300000xf32, #tpu.memory_space<hbm>>) target(%dma_start3A_102 : memref<128xf32, #tpu.memory_space<vmem>>) offsets(%dma_start3A_105 : memref<128xi32, #tpu.memory_space<vmem>>) semaphore(%arg12 : memref<!tpu.dma_semaphore, #tpu.memory_space<semaphore_mem>>)
      %dma_start3A_108 = arith.constant 9 : i32
      %dma_start3A_109 = arith.constant 9 : i32
      %dma_start3A_110 = arith.constant 0 : i32
      %dma_start3A_111 = tpu.memref_slice %arg9[%dma_start3A_109, %dma_start3A_110] : memref<13x128xf32, #tpu.memory_space<vmem>> -> memref<1x128xf32, #tpu.memory_space<vmem>>
      %dma_start3A_112 = tpu.memref_squeeze %dma_start3A_111 : memref<1x128xf32, #tpu.memory_space<vmem>> -> memref<128xf32, #tpu.memory_space<vmem>>
      %dma_start3A_113 = arith.constant 0 : i32
      %dma_start3A_114 = tpu.memref_slice %arg8[%dma_start3A_108, %dma_start3A_113] : memref<13x128xi32, #tpu.memory_space<vmem>> -> memref<1x128xi32, #tpu.memory_space<vmem>>
      %dma_start3A_115 = tpu.memref_squeeze %dma_start3A_114 : memref<1x128xi32, #tpu.memory_space<vmem>> -> memref<128xi32, #tpu.memory_space<vmem>>
      %dma_start3A_116 = arith.constant 0 : i32
      %dma_start3A_117 = tpu.memref_slice %arg3[%dma_start3A_116] : memref<1300000xf32, #tpu.memory_space<hbm>> -> memref<1300000xf32, #tpu.memory_space<hbm>>
      tpu.enqueue_indirect_dma source(%dma_start3A_117 : memref<1300000xf32, #tpu.memory_space<hbm>>) target(%dma_start3A_112 : memref<128xf32, #tpu.memory_space<vmem>>) offsets(%dma_start3A_115 : memref<128xi32, #tpu.memory_space<vmem>>) semaphore(%arg12 : memref<!tpu.dma_semaphore, #tpu.memory_space<semaphore_mem>>)
      %dma_start3A_118 = arith.constant 10 : i32
      %dma_start3A_119 = arith.constant 10 : i32
      %dma_start3A_120 = arith.constant 0 : i32
      %dma_start3A_121 = tpu.memref_slice %arg9[%dma_start3A_119, %dma_start3A_120] : memref<13x128xf32, #tpu.memory_space<vmem>> -> memref<1x128xf32, #tpu.memory_space<vmem>>
      %dma_start3A_122 = tpu.memref_squeeze %dma_start3A_121 : memref<1x128xf32, #tpu.memory_space<vmem>> -> memref<128xf32, #tpu.memory_space<vmem>>
      %dma_start3A_123 = arith.constant 0 : i32
      %dma_start3A_124 = tpu.memref_slice %arg8[%dma_start3A_118, %dma_start3A_123] : memref<13x128xi32, #tpu.memory_space<vmem>> -> memref<1x128xi32, #tpu.memory_space<vmem>>
      %dma_start3A_125 = tpu.memref_squeeze %dma_start3A_124 : memref<1x128xi32, #tpu.memory_space<vmem>> -> memref<128xi32, #tpu.memory_space<vmem>>
      %dma_start3A_126 = arith.constant 0 : i32
      %dma_start3A_127 = tpu.memref_slice %arg3[%dma_start3A_126] : memref<1300000xf32, #tpu.memory_space<hbm>> -> memref<1300000xf32, #tpu.memory_space<hbm>>
      tpu.enqueue_indirect_dma source(%dma_start3A_127 : memref<1300000xf32, #tpu.memory_space<hbm>>) target(%dma_start3A_122 : memref<128xf32, #tpu.memory_space<vmem>>) offsets(%dma_start3A_125 : memref<128xi32, #tpu.memory_space<vmem>>) semaphore(%arg12 : memref<!tpu.dma_semaphore, #tpu.memory_space<semaphore_mem>>)
      %dma_start3A_128 = arith.constant 11 : i32
      %dma_start3A_129 = arith.constant 11 : i32
      %dma_start3A_130 = arith.constant 0 : i32
      %dma_start3A_131 = tpu.memref_slice %arg9[%dma_start3A_129, %dma_start3A_130] : memref<13x128xf32, #tpu.memory_space<vmem>> -> memref<1x128xf32, #tpu.memory_space<vmem>>
      %dma_start3A_132 = tpu.memref_squeeze %dma_start3A_131 : memref<1x128xf32, #tpu.memory_space<vmem>> -> memref<128xf32, #tpu.memory_space<vmem>>
      %dma_start3A_133 = arith.constant 0 : i32
      %dma_start3A_134 = tpu.memref_slice %arg8[%dma_start3A_128, %dma_start3A_133] : memref<13x128xi32, #tpu.memory_space<vmem>> -> memref<1x128xi32, #tpu.memory_space<vmem>>
      %dma_start3A_135 = tpu.memref_squeeze %dma_start3A_134 : memref<1x128xi32, #tpu.memory_space<vmem>> -> memref<128xi32, #tpu.memory_space<vmem>>
      %dma_start3A_136 = arith.constant 0 : i32
      %dma_start3A_137 = tpu.memref_slice %arg3[%dma_start3A_136] : memref<1300000xf32, #tpu.memory_space<hbm>> -> memref<1300000xf32, #tpu.memory_space<hbm>>
      tpu.enqueue_indirect_dma source(%dma_start3A_137 : memref<1300000xf32, #tpu.memory_space<hbm>>) target(%dma_start3A_132 : memref<128xf32, #tpu.memory_space<vmem>>) offsets(%dma_start3A_135 : memref<128xi32, #tpu.memory_space<vmem>>) semaphore(%arg12 : memref<!tpu.dma_semaphore, #tpu.memory_space<semaphore_mem>>)
      %dma_start3A_138 = arith.constant 12 : i32
      %dma_start3A_139 = arith.constant 12 : i32
      %dma_start3A_140 = arith.constant 0 : i32
      %dma_start3A_141 = tpu.memref_slice %arg9[%dma_start3A_139, %dma_start3A_140] : memref<13x128xf32, #tpu.memory_space<vmem>> -> memref<1x128xf32, #tpu.memory_space<vmem>>
      %dma_start3A_142 = tpu.memref_squeeze %dma_start3A_141 : memref<1x128xf32, #tpu.memory_space<vmem>> -> memref<128xf32, #tpu.memory_space<vmem>>
      %dma_start3A_143 = arith.constant 0 : i32
      %dma_start3A_144 = tpu.memref_slice %arg8[%dma_start3A_138, %dma_start3A_143] : memref<13x128xi32, #tpu.memory_space<vmem>> -> memref<1x128xi32, #tpu.memory_space<vmem>>
      %dma_start3A_145 = tpu.memref_squeeze %dma_start3A_144 : memref<1x128xi32, #tpu.memory_space<vmem>> -> memref<128xi32, #tpu.memory_space<vmem>>
      %dma_start3A_146 = arith.constant 0 : i32
      %dma_start3A_147 = tpu.memref_slice %arg3[%dma_start3A_146] : memref<1300000xf32, #tpu.memory_space<hbm>> -> memref<1300000xf32, #tpu.memory_space<hbm>>
      tpu.enqueue_indirect_dma source(%dma_start3A_147 : memref<1300000xf32, #tpu.memory_space<hbm>>) target(%dma_start3A_142 : memref<128xf32, #tpu.memory_space<vmem>>) offsets(%dma_start3A_145 : memref<128xi32, #tpu.memory_space<vmem>>) semaphore(%arg12 : memref<!tpu.dma_semaphore, #tpu.memory_space<semaphore_mem>>)
      %dma_wait3A = arith.constant 0 : i32
      %dma_wait3A_148 = arith.constant 0 : i32
      %dma_wait3A_149 = arith.constant 0 : i32
      %dma_wait3A_150 = tpu.memref_slice %arg9[%dma_wait3A_148, %dma_wait3A_149] : memref<13x128xf32, #tpu.memory_space<vmem>> -> memref<1x128xf32, #tpu.memory_space<vmem>>
      %dma_wait3A_151 = tpu.memref_squeeze %dma_wait3A_150 : memref<1x128xf32, #tpu.memory_space<vmem>> -> memref<128xf32, #tpu.memory_space<vmem>>
      %dma_wait3A_152 = arith.constant 0 : i32
      %dma_wait3A_153 = tpu.memref_slice %arg8[%dma_wait3A, %dma_wait3A_152] : memref<13x128xi32, #tpu.memory_space<vmem>> -> memref<1x128xi32, #tpu.memory_space<vmem>>
      %dma_wait3A_154 = tpu.memref_squeeze %dma_wait3A_153 : memref<1x128xi32, #tpu.memory_space<vmem>> -> memref<128xi32, #tpu.memory_space<vmem>>
      %dma_wait3A_155 = arith.constant 0 : i32
      %dma_wait3A_156 = tpu.memref_slice %arg3[%dma_wait3A_155] : memref<1300000xf32, #tpu.memory_space<hbm>> -> memref<1300000xf32, #tpu.memory_space<hbm>>
      tpu.wait_indirect_dma semaphore(%arg12 : memref<!tpu.dma_semaphore, #tpu.memory_space<semaphore_mem>>) src(%dma_wait3A_156 : memref<1300000xf32, #tpu.memory_space<hbm>>) dst(%dma_wait3A_151 : memref<128xf32, #tpu.memory_space<vmem>>)
      %dma_wait3A_157 = arith.constant 1 : i32
      %dma_wait3A_158 = arith.constant 1 : i32
      %dma_wait3A_159 = arith.constant 0 : i32
      %dma_wait3A_160 = tpu.memref_slice %arg9[%dma_wait3A_158, %dma_wait3A_159] : memref<13x128xf32, #tpu.memory_space<vmem>> -> memref<1x128xf32, #tpu.memory_space<vmem>>
      %dma_wait3A_161 = tpu.memref_squeeze %dma_wait3A_160 : memref<1x128xf32, #tpu.memory_space<vmem>> -> memref<128xf32, #tpu.memory_space<vmem>>
      %dma_wait3A_162 = arith.constant 0 : i32
      %dma_wait3A_163 = tpu.memref_slice %arg8[%dma_wait3A_157, %dma_wait3A_162] : memref<13x128xi32, #tpu.memory_space<vmem>> -> memref<1x128xi32, #tpu.memory_space<vmem>>
      %dma_wait3A_164 = tpu.memref_squeeze %dma_wait3A_163 : memref<1x128xi32, #tpu.memory_space<vmem>> -> memref<128xi32, #tpu.memory_space<vmem>>
      %dma_wait3A_165 = arith.constant 0 : i32
      %dma_wait3A_166 = tpu.memref_slice %arg3[%dma_wait3A_165] : memref<1300000xf32, #tpu.memory_space<hbm>> -> memref<1300000xf32, #tpu.memory_space<hbm>>
      tpu.wait_indirect_dma semaphore(%arg12 : memref<!tpu.dma_semaphore, #tpu.memory_space<semaphore_mem>>) src(%dma_wait3A_166 : memref<1300000xf32, #tpu.memory_space<hbm>>) dst(%dma_wait3A_161 : memref<128xf32, #tpu.memory_space<vmem>>)
      %dma_wait3A_167 = arith.constant 2 : i32
      %dma_wait3A_168 = arith.constant 2 : i32
      %dma_wait3A_169 = arith.constant 0 : i32
      %dma_wait3A_170 = tpu.memref_slice %arg9[%dma_wait3A_168, %dma_wait3A_169] : memref<13x128xf32, #tpu.memory_space<vmem>> -> memref<1x128xf32, #tpu.memory_space<vmem>>
      %dma_wait3A_171 = tpu.memref_squeeze %dma_wait3A_170 : memref<1x128xf32, #tpu.memory_space<vmem>> -> memref<128xf32, #tpu.memory_space<vmem>>
      %dma_wait3A_172 = arith.constant 0 : i32
      %dma_wait3A_173 = tpu.memref_slice %arg8[%dma_wait3A_167, %dma_wait3A_172] : memref<13x128xi32, #tpu.memory_space<vmem>> -> memref<1x128xi32, #tpu.memory_space<vmem>>
      %dma_wait3A_174 = tpu.memref_squeeze %dma_wait3A_173 : memref<1x128xi32, #tpu.memory_space<vmem>> -> memref<128xi32, #tpu.memory_space<vmem>>
      %dma_wait3A_175 = arith.constant 0 : i32
      %dma_wait3A_176 = tpu.memref_slice %arg3[%dma_wait3A_175] : memref<1300000xf32, #tpu.memory_space<hbm>> -> memref<1300000xf32, #tpu.memory_space<hbm>>
      tpu.wait_indirect_dma semaphore(%arg12 : memref<!tpu.dma_semaphore, #tpu.memory_space<semaphore_mem>>) src(%dma_wait3A_176 : memref<1300000xf32, #tpu.memory_space<hbm>>) dst(%dma_wait3A_171 : memref<128xf32, #tpu.memory_space<vmem>>)
      %dma_wait3A_177 = arith.constant 3 : i32
      %dma_wait3A_178 = arith.constant 3 : i32
      %dma_wait3A_179 = arith.constant 0 : i32
      %dma_wait3A_180 = tpu.memref_slice %arg9[%dma_wait3A_178, %dma_wait3A_179] : memref<13x128xf32, #tpu.memory_space<vmem>> -> memref<1x128xf32, #tpu.memory_space<vmem>>
      %dma_wait3A_181 = tpu.memref_squeeze %dma_wait3A_180 : memref<1x128xf32, #tpu.memory_space<vmem>> -> memref<128xf32, #tpu.memory_space<vmem>>
      %dma_wait3A_182 = arith.constant 0 : i32
      %dma_wait3A_183 = tpu.memref_slice %arg8[%dma_wait3A_177, %dma_wait3A_182] : memref<13x128xi32, #tpu.memory_space<vmem>> -> memref<1x128xi32, #tpu.memory_space<vmem>>
      %dma_wait3A_184 = tpu.memref_squeeze %dma_wait3A_183 : memref<1x128xi32, #tpu.memory_space<vmem>> -> memref<128xi32, #tpu.memory_space<vmem>>
      %dma_wait3A_185 = arith.constant 0 : i32
      %dma_wait3A_186 = tpu.memref_slice %arg3[%dma_wait3A_185] : memref<1300000xf32, #tpu.memory_space<hbm>> -> memref<1300000xf32, #tpu.memory_space<hbm>>
      tpu.wait_indirect_dma semaphore(%arg12 : memref<!tpu.dma_semaphore, #tpu.memory_space<semaphore_mem>>) src(%dma_wait3A_186 : memref<1300000xf32, #tpu.memory_space<hbm>>) dst(%dma_wait3A_181 : memref<128xf32, #tpu.memory_space<vmem>>)
      %dma_wait3A_187 = arith.constant 4 : i32
      %dma_wait3A_188 = arith.constant 4 : i32
      %dma_wait3A_189 = arith.constant 0 : i32
      %dma_wait3A_190 = tpu.memref_slice %arg9[%dma_wait3A_188, %dma_wait3A_189] : memref<13x128xf32, #tpu.memory_space<vmem>> -> memref<1x128xf32, #tpu.memory_space<vmem>>
      %dma_wait3A_191 = tpu.memref_squeeze %dma_wait3A_190 : memref<1x128xf32, #tpu.memory_space<vmem>> -> memref<128xf32, #tpu.memory_space<vmem>>
      %dma_wait3A_192 = arith.constant 0 : i32
      %dma_wait3A_193 = tpu.memref_slice %arg8[%dma_wait3A_187, %dma_wait3A_192] : memref<13x128xi32, #tpu.memory_space<vmem>> -> memref<1x128xi32, #tpu.memory_space<vmem>>
      %dma_wait3A_194 = tpu.memref_squeeze %dma_wait3A_193 : memref<1x128xi32, #tpu.memory_space<vmem>> -> memref<128xi32, #tpu.memory_space<vmem>>
      %dma_wait3A_195 = arith.constant 0 : i32
      %dma_wait3A_196 = tpu.memref_slice %arg3[%dma_wait3A_195] : memref<1300000xf32, #tpu.memory_space<hbm>> -> memref<1300000xf32, #tpu.memory_space<hbm>>
      tpu.wait_indirect_dma semaphore(%arg12 : memref<!tpu.dma_semaphore, #tpu.memory_space<semaphore_mem>>) src(%dma_wait3A_196 : memref<1300000xf32, #tpu.memory_space<hbm>>) dst(%dma_wait3A_191 : memref<128xf32, #tpu.memory_space<vmem>>)
      %dma_wait3A_197 = arith.constant 5 : i32
      %dma_wait3A_198 = arith.constant 5 : i32
      %dma_wait3A_199 = arith.constant 0 : i32
      %dma_wait3A_200 = tpu.memref_slice %arg9[%dma_wait3A_198, %dma_wait3A_199] : memref<13x128xf32, #tpu.memory_space<vmem>> -> memref<1x128xf32, #tpu.memory_space<vmem>>
      %dma_wait3A_201 = tpu.memref_squeeze %dma_wait3A_200 : memref<1x128xf32, #tpu.memory_space<vmem>> -> memref<128xf32, #tpu.memory_space<vmem>>
      %dma_wait3A_202 = arith.constant 0 : i32
      %dma_wait3A_203 = tpu.memref_slice %arg8[%dma_wait3A_197, %dma_wait3A_202] : memref<13x128xi32, #tpu.memory_space<vmem>> -> memref<1x128xi32, #tpu.memory_space<vmem>>
      %dma_wait3A_204 = tpu.memref_squeeze %dma_wait3A_203 : memref<1x128xi32, #tpu.memory_space<vmem>> -> memref<128xi32, #tpu.memory_space<vmem>>
      %dma_wait3A_205 = arith.constant 0 : i32
      %dma_wait3A_206 = tpu.memref_slice %arg3[%dma_wait3A_205] : memref<1300000xf32, #tpu.memory_space<hbm>> -> memref<1300000xf32, #tpu.memory_space<hbm>>
      tpu.wait_indirect_dma semaphore(%arg12 : memref<!tpu.dma_semaphore, #tpu.memory_space<semaphore_mem>>) src(%dma_wait3A_206 : memref<1300000xf32, #tpu.memory_space<hbm>>) dst(%dma_wait3A_201 : memref<128xf32, #tpu.memory_space<vmem>>)
      %dma_wait3A_207 = arith.constant 6 : i32
      %dma_wait3A_208 = arith.constant 6 : i32
      %dma_wait3A_209 = arith.constant 0 : i32
      %dma_wait3A_210 = tpu.memref_slice %arg9[%dma_wait3A_208, %dma_wait3A_209] : memref<13x128xf32, #tpu.memory_space<vmem>> -> memref<1x128xf32, #tpu.memory_space<vmem>>
      %dma_wait3A_211 = tpu.memref_squeeze %dma_wait3A_210 : memref<1x128xf32, #tpu.memory_space<vmem>> -> memref<128xf32, #tpu.memory_space<vmem>>
      %dma_wait3A_212 = arith.constant 0 : i32
      %dma_wait3A_213 = tpu.memref_slice %arg8[%dma_wait3A_207, %dma_wait3A_212] : memref<13x128xi32, #tpu.memory_space<vmem>> -> memref<1x128xi32, #tpu.memory_space<vmem>>
      %dma_wait3A_214 = tpu.memref_squeeze %dma_wait3A_213 : memref<1x128xi32, #tpu.memory_space<vmem>> -> memref<128xi32, #tpu.memory_space<vmem>>
      %dma_wait3A_215 = arith.constant 0 : i32
      %dma_wait3A_216 = tpu.memref_slice %arg3[%dma_wait3A_215] : memref<1300000xf32, #tpu.memory_space<hbm>> -> memref<1300000xf32, #tpu.memory_space<hbm>>
      tpu.wait_indirect_dma semaphore(%arg12 : memref<!tpu.dma_semaphore, #tpu.memory_space<semaphore_mem>>) src(%dma_wait3A_216 : memref<1300000xf32, #tpu.memory_space<hbm>>) dst(%dma_wait3A_211 : memref<128xf32, #tpu.memory_space<vmem>>)
      %dma_wait3A_217 = arith.constant 7 : i32
      %dma_wait3A_218 = arith.constant 7 : i32
      %dma_wait3A_219 = arith.constant 0 : i32
      %dma_wait3A_220 = tpu.memref_slice %arg9[%dma_wait3A_218, %dma_wait3A_219] : memref<13x128xf32, #tpu.memory_space<vmem>> -> memref<1x128xf32, #tpu.memory_space<vmem>>
      %dma_wait3A_221 = tpu.memref_squeeze %dma_wait3A_220 : memref<1x128xf32, #tpu.memory_space<vmem>> -> memref<128xf32, #tpu.memory_space<vmem>>
      %dma_wait3A_222 = arith.constant 0 : i32
      %dma_wait3A_223 = tpu.memref_slice %arg8[%dma_wait3A_217, %dma_wait3A_222] : memref<13x128xi32, #tpu.memory_space<vmem>> -> memref<1x128xi32, #tpu.memory_space<vmem>>
      %dma_wait3A_224 = tpu.memref_squeeze %dma_wait3A_223 : memref<1x128xi32, #tpu.memory_space<vmem>> -> memref<128xi32, #tpu.memory_space<vmem>>
      %dma_wait3A_225 = arith.constant 0 : i32
      %dma_wait3A_226 = tpu.memref_slice %arg3[%dma_wait3A_225] : memref<1300000xf32, #tpu.memory_space<hbm>> -> memref<1300000xf32, #tpu.memory_space<hbm>>
      tpu.wait_indirect_dma semaphore(%arg12 : memref<!tpu.dma_semaphore, #tpu.memory_space<semaphore_mem>>) src(%dma_wait3A_226 : memref<1300000xf32, #tpu.memory_space<hbm>>) dst(%dma_wait3A_221 : memref<128xf32, #tpu.memory_space<vmem>>)
      %dma_wait3A_227 = arith.constant 8 : i32
      %dma_wait3A_228 = arith.constant 8 : i32
      %dma_wait3A_229 = arith.constant 0 : i32
      %dma_wait3A_230 = tpu.memref_slice %arg9[%dma_wait3A_228, %dma_wait3A_229] : memref<13x128xf32, #tpu.memory_space<vmem>> -> memref<1x128xf32, #tpu.memory_space<vmem>>
      %dma_wait3A_231 = tpu.memref_squeeze %dma_wait3A_230 : memref<1x128xf32, #tpu.memory_space<vmem>> -> memref<128xf32, #tpu.memory_space<vmem>>
      %dma_wait3A_232 = arith.constant 0 : i32
      %dma_wait3A_233 = tpu.memref_slice %arg8[%dma_wait3A_227, %dma_wait3A_232] : memref<13x128xi32, #tpu.memory_space<vmem>> -> memref<1x128xi32, #tpu.memory_space<vmem>>
      %dma_wait3A_234 = tpu.memref_squeeze %dma_wait3A_233 : memref<1x128xi32, #tpu.memory_space<vmem>> -> memref<128xi32, #tpu.memory_space<vmem>>
      %dma_wait3A_235 = arith.constant 0 : i32
      %dma_wait3A_236 = tpu.memref_slice %arg3[%dma_wait3A_235] : memref<1300000xf32, #tpu.memory_space<hbm>> -> memref<1300000xf32, #tpu.memory_space<hbm>>
      tpu.wait_indirect_dma semaphore(%arg12 : memref<!tpu.dma_semaphore, #tpu.memory_space<semaphore_mem>>) src(%dma_wait3A_236 : memref<1300000xf32, #tpu.memory_space<hbm>>) dst(%dma_wait3A_231 : memref<128xf32, #tpu.memory_space<vmem>>)
      %dma_wait3A_237 = arith.constant 9 : i32
      %dma_wait3A_238 = arith.constant 9 : i32
      %dma_wait3A_239 = arith.constant 0 : i32
      %dma_wait3A_240 = tpu.memref_slice %arg9[%dma_wait3A_238, %dma_wait3A_239] : memref<13x128xf32, #tpu.memory_space<vmem>> -> memref<1x128xf32, #tpu.memory_space<vmem>>
      %dma_wait3A_241 = tpu.memref_squeeze %dma_wait3A_240 : memref<1x128xf32, #tpu.memory_space<vmem>> -> memref<128xf32, #tpu.memory_space<vmem>>
      %dma_wait3A_242 = arith.constant 0 : i32
      %dma_wait3A_243 = tpu.memref_slice %arg8[%dma_wait3A_237, %dma_wait3A_242] : memref<13x128xi32, #tpu.memory_space<vmem>> -> memref<1x128xi32, #tpu.memory_space<vmem>>
      %dma_wait3A_244 = tpu.memref_squeeze %dma_wait3A_243 : memref<1x128xi32, #tpu.memory_space<vmem>> -> memref<128xi32, #tpu.memory_space<vmem>>
      %dma_wait3A_245 = arith.constant 0 : i32
      %dma_wait3A_246 = tpu.memref_slice %arg3[%dma_wait3A_245] : memref<1300000xf32, #tpu.memory_space<hbm>> -> memref<1300000xf32, #tpu.memory_space<hbm>>
      tpu.wait_indirect_dma semaphore(%arg12 : memref<!tpu.dma_semaphore, #tpu.memory_space<semaphore_mem>>) src(%dma_wait3A_246 : memref<1300000xf32, #tpu.memory_space<hbm>>) dst(%dma_wait3A_241 : memref<128xf32, #tpu.memory_space<vmem>>)
      %dma_wait3A_247 = arith.constant 10 : i32
      %dma_wait3A_248 = arith.constant 10 : i32
      %dma_wait3A_249 = arith.constant 0 : i32
      %dma_wait3A_250 = tpu.memref_slice %arg9[%dma_wait3A_248, %dma_wait3A_249] : memref<13x128xf32, #tpu.memory_space<vmem>> -> memref<1x128xf32, #tpu.memory_space<vmem>>
      %dma_wait3A_251 = tpu.memref_squeeze %dma_wait3A_250 : memref<1x128xf32, #tpu.memory_space<vmem>> -> memref<128xf32, #tpu.memory_space<vmem>>
      %dma_wait3A_252 = arith.constant 0 : i32
      %dma_wait3A_253 = tpu.memref_slice %arg8[%dma_wait3A_247, %dma_wait3A_252] : memref<13x128xi32, #tpu.memory_space<vmem>> -> memref<1x128xi32, #tpu.memory_space<vmem>>
      %dma_wait3A_254 = tpu.memref_squeeze %dma_wait3A_253 : memref<1x128xi32, #tpu.memory_space<vmem>> -> memref<128xi32, #tpu.memory_space<vmem>>
      %dma_wait3A_255 = arith.constant 0 : i32
      %dma_wait3A_256 = tpu.memref_slice %arg3[%dma_wait3A_255] : memref<1300000xf32, #tpu.memory_space<hbm>> -> memref<1300000xf32, #tpu.memory_space<hbm>>
      tpu.wait_indirect_dma semaphore(%arg12 : memref<!tpu.dma_semaphore, #tpu.memory_space<semaphore_mem>>) src(%dma_wait3A_256 : memref<1300000xf32, #tpu.memory_space<hbm>>) dst(%dma_wait3A_251 : memref<128xf32, #tpu.memory_space<vmem>>)
      %dma_wait3A_257 = arith.constant 11 : i32
      %dma_wait3A_258 = arith.constant 11 : i32
      %dma_wait3A_259 = arith.constant 0 : i32
      %dma_wait3A_260 = tpu.memref_slice %arg9[%dma_wait3A_258, %dma_wait3A_259] : memref<13x128xf32, #tpu.memory_space<vmem>> -> memref<1x128xf32, #tpu.memory_space<vmem>>
      %dma_wait3A_261 = tpu.memref_squeeze %dma_wait3A_260 : memref<1x128xf32, #tpu.memory_space<vmem>> -> memref<128xf32, #tpu.memory_space<vmem>>
      %dma_wait3A_262 = arith.constant 0 : i32
      %dma_wait3A_263 = tpu.memref_slice %arg8[%dma_wait3A_257, %dma_wait3A_262] : memref<13x128xi32, #tpu.memory_space<vmem>> -> memref<1x128xi32, #tpu.memory_space<vmem>>
      %dma_wait3A_264 = tpu.memref_squeeze %dma_wait3A_263 : memref<1x128xi32, #tpu.memory_space<vmem>> -> memref<128xi32, #tpu.memory_space<vmem>>
      %dma_wait3A_265 = arith.constant 0 : i32
      %dma_wait3A_266 = tpu.memref_slice %arg3[%dma_wait3A_265] : memref<1300000xf32, #tpu.memory_space<hbm>> -> memref<1300000xf32, #tpu.memory_space<hbm>>
      tpu.wait_indirect_dma semaphore(%arg12 : memref<!tpu.dma_semaphore, #tpu.memory_space<semaphore_mem>>) src(%dma_wait3A_266 : memref<1300000xf32, #tpu.memory_space<hbm>>) dst(%dma_wait3A_261 : memref<128xf32, #tpu.memory_space<vmem>>)
      %dma_wait3A_267 = arith.constant 12 : i32
      %dma_wait3A_268 = arith.constant 12 : i32
      %dma_wait3A_269 = arith.constant 0 : i32
      %dma_wait3A_270 = tpu.memref_slice %arg9[%dma_wait3A_268, %dma_wait3A_269] : memref<13x128xf32, #tpu.memory_space<vmem>> -> memref<1x128xf32, #tpu.memory_space<vmem>>
      %dma_wait3A_271 = tpu.memref_squeeze %dma_wait3A_270 : memref<1x128xf32, #tpu.memory_space<vmem>> -> memref<128xf32, #tpu.memory_space<vmem>>
      %dma_wait3A_272 = arith.constant 0 : i32
      %dma_wait3A_273 = tpu.memref_slice %arg8[%dma_wait3A_267, %dma_wait3A_272] : memref<13x128xi32, #tpu.memory_space<vmem>> -> memref<1x128xi32, #tpu.memory_space<vmem>>
      %dma_wait3A_274 = tpu.memref_squeeze %dma_wait3A_273 : memref<1x128xi32, #tpu.memory_space<vmem>> -> memref<128xi32, #tpu.memory_space<vmem>>
      %dma_wait3A_275 = arith.constant 0 : i32
      %dma_wait3A_276 = tpu.memref_slice %arg3[%dma_wait3A_275] : memref<1300000xf32, #tpu.memory_space<hbm>> -> memref<1300000xf32, #tpu.memory_space<hbm>>
      tpu.wait_indirect_dma semaphore(%arg12 : memref<!tpu.dma_semaphore, #tpu.memory_space<semaphore_mem>>) src(%dma_wait3A_276 : memref<1300000xf32, #tpu.memory_space<hbm>>) dst(%dma_wait3A_271 : memref<128xf32, #tpu.memory_space<vmem>>)
      %get3A = arith.constant 0 : index
      %get3A_277 = tpu.vector_load %arg10[%get3A] {strides = array<i32>} : memref<16xf32, #tpu.memory_space<vmem>>, vector<16xf32>,
      %broadcast_in_dim3A = arith.constant 0.000000e+00 : f32
      %broadcast_in_dim3A_278 = vector.broadcast %broadcast_in_dim3A : f32 to vector<16xf32>
      %get3A_279 = arith.constant 0 : i32
      %get3A_280 = arith.index_cast %get3A_279 : i32 to index
      %get3A_281 = arith.constant 0 : index
      %get3A_282 = tpu.vector_load %arg9[%get3A_280, %get3A_281] {strides = array<i32>} : memref<13x128xf32, #tpu.memory_space<vmem>>, vector<16xf32>,
      %add3A_283 = arith.addf %broadcast_in_dim3A_278, %get3A_282 : vector<16xf32>
      %get3A_284 = arith.constant 1 : i32
      %get3A_285 = arith.index_cast %get3A_284 : i32 to index
      %get3A_286 = arith.constant 0 : index
      %get3A_287 = tpu.vector_load %arg9[%get3A_285, %get3A_286] {strides = array<i32>} : memref<13x128xf32, #tpu.memory_space<vmem>>, vector<16xf32>,
      %add3A_288 = arith.addf %add3A_283, %get3A_287 : vector<16xf32>
      %get3A_289 = arith.constant 2 : i32
      %get3A_290 = arith.index_cast %get3A_289 : i32 to index
      %get3A_291 = arith.constant 0 : index
      %get3A_292 = tpu.vector_load %arg9[%get3A_290, %get3A_291] {strides = array<i32>} : memref<13x128xf32, #tpu.memory_space<vmem>>, vector<16xf32>,
      %add3A_293 = arith.addf %add3A_288, %get3A_292 : vector<16xf32>
      %get3A_294 = arith.constant 3 : i32
      %get3A_295 = arith.index_cast %get3A_294 : i32 to index
      %get3A_296 = arith.constant 0 : index
      %get3A_297 = tpu.vector_load %arg9[%get3A_295, %get3A_296] {strides = array<i32>} : memref<13x128xf32, #tpu.memory_space<vmem>>, vector<16xf32>,
      %add3A_298 = arith.addf %add3A_293, %get3A_297 : vector<16xf32>
      %get3A_299 = arith.constant 4 : i32
      %get3A_300 = arith.index_cast %get3A_299 : i32 to index
      %get3A_301 = arith.constant 0 : index
      %get3A_302 = tpu.vector_load %arg9[%get3A_300, %get3A_301] {strides = array<i32>} : memref<13x128xf32, #tpu.memory_space<vmem>>, vector<16xf32>,
      %add3A_303 = arith.addf %add3A_298, %get3A_302 : vector<16xf32>
      %get3A_304 = arith.constant 5 : i32
      %get3A_305 = arith.index_cast %get3A_304 : i32 to index
      %get3A_306 = arith.constant 0 : index
      %get3A_307 = tpu.vector_load %arg9[%get3A_305, %get3A_306] {strides = array<i32>} : memref<13x128xf32, #tpu.memory_space<vmem>>, vector<16xf32>,
      %add3A_308 = arith.addf %add3A_303, %get3A_307 : vector<16xf32>
      %get3A_309 = arith.constant 6 : i32
      %get3A_310 = arith.index_cast %get3A_309 : i32 to index
      %get3A_311 = arith.constant 0 : index
      %get3A_312 = tpu.vector_load %arg9[%get3A_310, %get3A_311] {strides = array<i32>} : memref<13x128xf32, #tpu.memory_space<vmem>>, vector<16xf32>,
      %add3A_313 = arith.addf %add3A_308, %get3A_312 : vector<16xf32>
      %get3A_314 = arith.constant 7 : i32
      %get3A_315 = arith.index_cast %get3A_314 : i32 to index
      %get3A_316 = arith.constant 0 : index
      %get3A_317 = tpu.vector_load %arg9[%get3A_315, %get3A_316] {strides = array<i32>} : memref<13x128xf32, #tpu.memory_space<vmem>>, vector<16xf32>,
      %add3A_318 = arith.addf %add3A_313, %get3A_317 : vector<16xf32>
      %get3A_319 = arith.constant 8 : i32
      %get3A_320 = arith.index_cast %get3A_319 : i32 to index
      %get3A_321 = arith.constant 0 : index
      %get3A_322 = tpu.vector_load %arg9[%get3A_320, %get3A_321] {strides = array<i32>} : memref<13x128xf32, #tpu.memory_space<vmem>>, vector<16xf32>,
      %add3A_323 = arith.addf %add3A_318, %get3A_322 : vector<16xf32>
      %get3A_324 = arith.constant 9 : i32
      %get3A_325 = arith.index_cast %get3A_324 : i32 to index
      %get3A_326 = arith.constant 0 : index
      %get3A_327 = tpu.vector_load %arg9[%get3A_325, %get3A_326] {strides = array<i32>} : memref<13x128xf32, #tpu.memory_space<vmem>>, vector<16xf32>,
      %add3A_328 = arith.addf %add3A_323, %get3A_327 : vector<16xf32>
      %get3A_329 = arith.constant 10 : i32
      %get3A_330 = arith.index_cast %get3A_329 : i32 to index
      %get3A_331 = arith.constant 0 : index
      %get3A_332 = tpu.vector_load %arg9[%get3A_330, %get3A_331] {strides = array<i32>} : memref<13x128xf32, #tpu.memory_space<vmem>>, vector<16xf32>,
      %add3A_333 = arith.addf %add3A_328, %get3A_332 : vector<16xf32>
      %get3A_334 = arith.constant 11 : i32
      %get3A_335 = arith.index_cast %get3A_334 : i32 to index
      %get3A_336 = arith.constant 0 : index
      %get3A_337 = tpu.vector_load %arg9[%get3A_335, %get3A_336] {strides = array<i32>} : memref<13x128xf32, #tpu.memory_space<vmem>>, vector<16xf32>,
      %add3A_338 = arith.addf %add3A_333, %get3A_337 : vector<16xf32>
      %get3A_339 = arith.constant 12 : i32
      %get3A_340 = arith.index_cast %get3A_339 : i32 to index
      %get3A_341 = arith.constant 0 : index
      %get3A_342 = tpu.vector_load %arg9[%get3A_340, %get3A_341] {strides = array<i32>} : memref<13x128xf32, #tpu.memory_space<vmem>>, vector<16xf32>,
      %add3A_343 = arith.addf %add3A_338, %get3A_342 : vector<16xf32>
      %get3A_344 = arith.constant 0 : index
      %get3A_345 = tpu.vector_load %arg11[%get3A_344] {strides = array<i32>} : memref<128xf32, #tpu.memory_space<vmem>>, vector<16xf32>,
      %add3A_346 = arith.addf %get3A_345, %add3A_343 : vector<16xf32>
      %swap3A = arith.constant 0 : index
      %swap3A_347 = tpu.vector_load %arg11[%swap3A] {strides = array<i32>} : memref<128xf32, #tpu.memory_space<vmem>>, vector<16xf32>,
      tpu.vector_store %arg11[%swap3A], %add3A_346 {strides = array<i32>} : memref<128xf32, #tpu.memory_space<vmem>>, vector<16xf32>,
      %broadcast_in_dim3A_348 = arith.constant 0.000000e+00 : f32
      %broadcast_in_dim3A_349 = vector.broadcast %broadcast_in_dim3A_348 : f32 to vector<16xf32>
      %get3A_350 = arith.constant 0 : i32
      %get3A_351 = arith.index_cast %get3A_350 : i32 to index
      %get3A_352 = arith.constant 16 : index
      %get3A_353 = tpu.vector_load %arg9[%get3A_351, %get3A_352] {strides = array<i32>} : memref<13x128xf32, #tpu.memory_space<vmem>>, vector<16xf32>,
      %add3A_354 = arith.addf %broadcast_in_dim3A_349, %get3A_353 : vector<16xf32>
      %get3A_355 = arith.constant 1 : i32
      %get3A_356 = arith.index_cast %get3A_355 : i32 to index
      %get3A_357 = arith.constant 16 : index
      %get3A_358 = tpu.vector_load %arg9[%get3A_356, %get3A_357] {strides = array<i32>} : memref<13x128xf32, #tpu.memory_space<vmem>>, vector<16xf32>,
      %add3A_359 = arith.addf %add3A_354, %get3A_358 : vector<16xf32>
      %get3A_360 = arith.constant 2 : i32
      %get3A_361 = arith.index_cast %get3A_360 : i32 to index
      %get3A_362 = arith.constant 16 : index
      %get3A_363 = tpu.vector_load %arg9[%get3A_361, %get3A_362] {strides = array<i32>} : memref<13x128xf32, #tpu.memory_space<vmem>>, vector<16xf32>,
      %add3A_364 = arith.addf %add3A_359, %get3A_363 : vector<16xf32>
      %get3A_365 = arith.constant 3 : i32
      %get3A_366 = arith.index_cast %get3A_365 : i32 to index
      %get3A_367 = arith.constant 16 : index
      %get3A_368 = tpu.vector_load %arg9[%get3A_366, %get3A_367] {strides = array<i32>} : memref<13x128xf32, #tpu.memory_space<vmem>>, vector<16xf32>,
      %add3A_369 = arith.addf %add3A_364, %get3A_368 : vector<16xf32>
      %get3A_370 = arith.constant 4 : i32
      %get3A_371 = arith.index_cast %get3A_370 : i32 to index
      %get3A_372 = arith.constant 16 : index
      %get3A_373 = tpu.vector_load %arg9[%get3A_371, %get3A_372] {strides = array<i32>} : memref<13x128xf32, #tpu.memory_space<vmem>>, vector<16xf32>,
      %add3A_374 = arith.addf %add3A_369, %get3A_373 : vector<16xf32>
      %get3A_375 = arith.constant 5 : i32
      %get3A_376 = arith.index_cast %get3A_375 : i32 to index
      %get3A_377 = arith.constant 16 : index
      %get3A_378 = tpu.vector_load %arg9[%get3A_376, %get3A_377] {strides = array<i32>} : memref<13x128xf32, #tpu.memory_space<vmem>>, vector<16xf32>,
      %add3A_379 = arith.addf %add3A_374, %get3A_378 : vector<16xf32>
      %get3A_380 = arith.constant 6 : i32
      %get3A_381 = arith.index_cast %get3A_380 : i32 to index
      %get3A_382 = arith.constant 16 : index
      %get3A_383 = tpu.vector_load %arg9[%get3A_381, %get3A_382] {strides = array<i32>} : memref<13x128xf32, #tpu.memory_space<vmem>>, vector<16xf32>,
      %add3A_384 = arith.addf %add3A_379, %get3A_383 : vector<16xf32>
      %get3A_385 = arith.constant 7 : i32
      %get3A_386 = arith.index_cast %get3A_385 : i32 to index
      %get3A_387 = arith.constant 16 : index
      %get3A_388 = tpu.vector_load %arg9[%get3A_386, %get3A_387] {strides = array<i32>} : memref<13x128xf32, #tpu.memory_space<vmem>>, vector<16xf32>,
      %add3A_389 = arith.addf %add3A_384, %get3A_388 : vector<16xf32>
      %get3A_390 = arith.constant 8 : i32
      %get3A_391 = arith.index_cast %get3A_390 : i32 to index
      %get3A_392 = arith.constant 16 : index
      %get3A_393 = tpu.vector_load %arg9[%get3A_391, %get3A_392] {strides = array<i32>} : memref<13x128xf32, #tpu.memory_space<vmem>>, vector<16xf32>,
      %add3A_394 = arith.addf %add3A_389, %get3A_393 : vector<16xf32>
      %get3A_395 = arith.constant 9 : i32
      %get3A_396 = arith.index_cast %get3A_395 : i32 to index
      %get3A_397 = arith.constant 16 : index
      %get3A_398 = tpu.vector_load %arg9[%get3A_396, %get3A_397] {strides = array<i32>} : memref<13x128xf32, #tpu.memory_space<vmem>>, vector<16xf32>,
      %add3A_399 = arith.addf %add3A_394, %get3A_398 : vector<16xf32>
      %get3A_400 = arith.constant 10 : i32
      %get3A_401 = arith.index_cast %get3A_400 : i32 to index
      %get3A_402 = arith.constant 16 : index
      %get3A_403 = tpu.vector_load %arg9[%get3A_401, %get3A_402] {strides = array<i32>} : memref<13x128xf32, #tpu.memory_space<vmem>>, vector<16xf32>,
      %add3A_404 = arith.addf %add3A_399, %get3A_403 : vector<16xf32>
      %get3A_405 = arith.constant 11 : i32
      %get3A_406 = arith.index_cast %get3A_405 : i32 to index
      %get3A_407 = arith.constant 16 : index
      %get3A_408 = tpu.vector_load %arg9[%get3A_406, %get3A_407] {strides = array<i32>} : memref<13x128xf32, #tpu.memory_space<vmem>>, vector<16xf32>,
      %add3A_409 = arith.addf %add3A_404, %get3A_408 : vector<16xf32>
      %get3A_410 = arith.constant 12 : i32
      %get3A_411 = arith.index_cast %get3A_410 : i32 to index
      %get3A_412 = arith.constant 16 : index
      %get3A_413 = tpu.vector_load %arg9[%get3A_411, %get3A_412] {strides = array<i32>} : memref<13x128xf32, #tpu.memory_space<vmem>>, vector<16xf32>,
      %add3A_414 = arith.addf %add3A_409, %get3A_413 : vector<16xf32>
      %get3A_415 = arith.constant 16 : index
      %get3A_416 = tpu.vector_load %arg11[%get3A_415] {strides = array<i32>} : memref<128xf32, #tpu.memory_space<vmem>>, vector<16xf32>,
      %add3A_417 = arith.addf %get3A_416, %add3A_414 : vector<16xf32>
      %swap3A_418 = arith.constant 16 : index
      %swap3A_419 = tpu.vector_load %arg11[%swap3A_418] {strides = array<i32>} : memref<128xf32, #tpu.memory_space<vmem>>, vector<16xf32>,
      tpu.vector_store %arg11[%swap3A_418], %add3A_417 {strides = array<i32>} : memref<128xf32, #tpu.memory_space<vmem>>, vector<16xf32>,
      %broadcast_in_dim3A_420 = arith.constant 0.000000e+00 : f32
      %broadcast_in_dim3A_421 = vector.broadcast %broadcast_in_dim3A_420 : f32 to vector<16xf32>
      %get3A_422 = arith.constant 0 : i32
      %get3A_423 = arith.index_cast %get3A_422 : i32 to index
      %get3A_424 = arith.constant 32 : index
      %get3A_425 = tpu.vector_load %arg9[%get3A_423, %get3A_424] {strides = array<i32>} : memref<13x128xf32, #tpu.memory_space<vmem>>, vector<16xf32>,
      %add3A_426 = arith.addf %broadcast_in_dim3A_421, %get3A_425 : vector<16xf32>
      %get3A_427 = arith.constant 1 : i32
      %get3A_428 = arith.index_cast %get3A_427 : i32 to index
      %get3A_429 = arith.constant 32 : index
      %get3A_430 = tpu.vector_load %arg9[%get3A_428, %get3A_429] {strides = array<i32>} : memref<13x128xf32, #tpu.memory_space<vmem>>, vector<16xf32>,
      %add3A_431 = arith.addf %add3A_426, %get3A_430 : vector<16xf32>
      %get3A_432 = arith.constant 2 : i32
      %get3A_433 = arith.index_cast %get3A_432 : i32 to index
      %get3A_434 = arith.constant 32 : index
      %get3A_435 = tpu.vector_load %arg9[%get3A_433, %get3A_434] {strides = array<i32>} : memref<13x128xf32, #tpu.memory_space<vmem>>, vector<16xf32>,
      %add3A_436 = arith.addf %add3A_431, %get3A_435 : vector<16xf32>
      %get3A_437 = arith.constant 3 : i32
      %get3A_438 = arith.index_cast %get3A_437 : i32 to index
      %get3A_439 = arith.constant 32 : index
      %get3A_440 = tpu.vector_load %arg9[%get3A_438, %get3A_439] {strides = array<i32>} : memref<13x128xf32, #tpu.memory_space<vmem>>, vector<16xf32>,
      %add3A_441 = arith.addf %add3A_436, %get3A_440 : vector<16xf32>
      %get3A_442 = arith.constant 4 : i32
      %get3A_443 = arith.index_cast %get3A_442 : i32 to index
      %get3A_444 = arith.constant 32 : index
      %get3A_445 = tpu.vector_load %arg9[%get3A_443, %get3A_444] {strides = array<i32>} : memref<13x128xf32, #tpu.memory_space<vmem>>, vector<16xf32>,
      %add3A_446 = arith.addf %add3A_441, %get3A_445 : vector<16xf32>
      %get3A_447 = arith.constant 5 : i32
      %get3A_448 = arith.index_cast %get3A_447 : i32 to index
      %get3A_449 = arith.constant 32 : index
      %get3A_450 = tpu.vector_load %arg9[%get3A_448, %get3A_449] {strides = array<i32>} : memref<13x128xf32, #tpu.memory_space<vmem>>, vector<16xf32>,
      %add3A_451 = arith.addf %add3A_446, %get3A_450 : vector<16xf32>
      %get3A_452 = arith.constant 6 : i32
      %get3A_453 = arith.index_cast %get3A_452 : i32 to index
      %get3A_454 = arith.constant 32 : index
      %get3A_455 = tpu.vector_load %arg9[%get3A_453, %get3A_454] {strides = array<i32>} : memref<13x128xf32, #tpu.memory_space<vmem>>, vector<16xf32>,
      %add3A_456 = arith.addf %add3A_451, %get3A_455 : vector<16xf32>
      %get3A_457 = arith.constant 7 : i32
      %get3A_458 = arith.index_cast %get3A_457 : i32 to index
      %get3A_459 = arith.constant 32 : index
      %get3A_460 = tpu.vector_load %arg9[%get3A_458, %get3A_459] {strides = array<i32>} : memref<13x128xf32, #tpu.memory_space<vmem>>, vector<16xf32>,
      %add3A_461 = arith.addf %add3A_456, %get3A_460 : vector<16xf32>
      %get3A_462 = arith.constant 8 : i32
      %get3A_463 = arith.index_cast %get3A_462 : i32 to index
      %get3A_464 = arith.constant 32 : index
      %get3A_465 = tpu.vector_load %arg9[%get3A_463, %get3A_464] {strides = array<i32>} : memref<13x128xf32, #tpu.memory_space<vmem>>, vector<16xf32>,
      %add3A_466 = arith.addf %add3A_461, %get3A_465 : vector<16xf32>
      %get3A_467 = arith.constant 9 : i32
      %get3A_468 = arith.index_cast %get3A_467 : i32 to index
      %get3A_469 = arith.constant 32 : index
      %get3A_470 = tpu.vector_load %arg9[%get3A_468, %get3A_469] {strides = array<i32>} : memref<13x128xf32, #tpu.memory_space<vmem>>, vector<16xf32>,
      %add3A_471 = arith.addf %add3A_466, %get3A_470 : vector<16xf32>
      %get3A_472 = arith.constant 10 : i32
      %get3A_473 = arith.index_cast %get3A_472 : i32 to index
      %get3A_474 = arith.constant 32 : index
      %get3A_475 = tpu.vector_load %arg9[%get3A_473, %get3A_474] {strides = array<i32>} : memref<13x128xf32, #tpu.memory_space<vmem>>, vector<16xf32>,
      %add3A_476 = arith.addf %add3A_471, %get3A_475 : vector<16xf32>
      %get3A_477 = arith.constant 11 : i32
      %get3A_478 = arith.index_cast %get3A_477 : i32 to index
      %get3A_479 = arith.constant 32 : index
      %get3A_480 = tpu.vector_load %arg9[%get3A_478, %get3A_479] {strides = array<i32>} : memref<13x128xf32, #tpu.memory_space<vmem>>, vector<16xf32>,
      %add3A_481 = arith.addf %add3A_476, %get3A_480 : vector<16xf32>
      %get3A_482 = arith.constant 12 : i32
      %get3A_483 = arith.index_cast %get3A_482 : i32 to index
      %get3A_484 = arith.constant 32 : index
      %get3A_485 = tpu.vector_load %arg9[%get3A_483, %get3A_484] {strides = array<i32>} : memref<13x128xf32, #tpu.memory_space<vmem>>, vector<16xf32>,
      %add3A_486 = arith.addf %add3A_481, %get3A_485 : vector<16xf32>
      %get3A_487 = arith.constant 32 : index
      %get3A_488 = tpu.vector_load %arg11[%get3A_487] {strides = array<i32>} : memref<128xf32, #tpu.memory_space<vmem>>, vector<16xf32>,
      %add3A_489 = arith.addf %get3A_488, %add3A_486 : vector<16xf32>
      %swap3A_490 = arith.constant 32 : index
      %swap3A_491 = tpu.vector_load %arg11[%swap3A_490] {strides = array<i32>} : memref<128xf32, #tpu.memory_space<vmem>>, vector<16xf32>,
      tpu.vector_store %arg11[%swap3A_490], %add3A_489 {strides = array<i32>} : memref<128xf32, #tpu.memory_space<vmem>>, vector<16xf32>,
      %broadcast_in_dim3A_492 = arith.constant 0.000000e+00 : f32
      %broadcast_in_dim3A_493 = vector.broadcast %broadcast_in_dim3A_492 : f32 to vector<16xf32>
      %get3A_494 = arith.constant 0 : i32
      %get3A_495 = arith.index_cast %get3A_494 : i32 to index
      %get3A_496 = arith.constant 48 : index
      %get3A_497 = tpu.vector_load %arg9[%get3A_495, %get3A_496] {strides = array<i32>} : memref<13x128xf32, #tpu.memory_space<vmem>>, vector<16xf32>,
      %add3A_498 = arith.addf %broadcast_in_dim3A_493, %get3A_497 : vector<16xf32>
      %get3A_499 = arith.constant 1 : i32
      %get3A_500 = arith.index_cast %get3A_499 : i32 to index
      %get3A_501 = arith.constant 48 : index
      %get3A_502 = tpu.vector_load %arg9[%get3A_500, %get3A_501] {strides = array<i32>} : memref<13x128xf32, #tpu.memory_space<vmem>>, vector<16xf32>,
      %add3A_503 = arith.addf %add3A_498, %get3A_502 : vector<16xf32>
      %get3A_504 = arith.constant 2 : i32
      %get3A_505 = arith.index_cast %get3A_504 : i32 to index
      %get3A_506 = arith.constant 48 : index
      %get3A_507 = tpu.vector_load %arg9[%get3A_505, %get3A_506] {strides = array<i32>} : memref<13x128xf32, #tpu.memory_space<vmem>>, vector<16xf32>,
      %add3A_508 = arith.addf %add3A_503, %get3A_507 : vector<16xf32>
      %get3A_509 = arith.constant 3 : i32
      %get3A_510 = arith.index_cast %get3A_509 : i32 to index
      %get3A_511 = arith.constant 48 : index
      %get3A_512 = tpu.vector_load %arg9[%get3A_510, %get3A_511] {strides = array<i32>} : memref<13x128xf32, #tpu.memory_space<vmem>>, vector<16xf32>,
      %add3A_513 = arith.addf %add3A_508, %get3A_512 : vector<16xf32>
      %get3A_514 = arith.constant 4 : i32
      %get3A_515 = arith.index_cast %get3A_514 : i32 to index
      %get3A_516 = arith.constant 48 : index
      %get3A_517 = tpu.vector_load %arg9[%get3A_515, %get3A_516] {strides = array<i32>} : memref<13x128xf32, #tpu.memory_space<vmem>>, vector<16xf32>,
      %add3A_518 = arith.addf %add3A_513, %get3A_517 : vector<16xf32>
      %get3A_519 = arith.constant 5 : i32
      %get3A_520 = arith.index_cast %get3A_519 : i32 to index
      %get3A_521 = arith.constant 48 : index
      %get3A_522 = tpu.vector_load %arg9[%get3A_520, %get3A_521] {strides = array<i32>} : memref<13x128xf32, #tpu.memory_space<vmem>>, vector<16xf32>,
      %add3A_523 = arith.addf %add3A_518, %get3A_522 : vector<16xf32>
      %get3A_524 = arith.constant 6 : i32
      %get3A_525 = arith.index_cast %get3A_524 : i32 to index
      %get3A_526 = arith.constant 48 : index
      %get3A_527 = tpu.vector_load %arg9[%get3A_525, %get3A_526] {strides = array<i32>} : memref<13x128xf32, #tpu.memory_space<vmem>>, vector<16xf32>,
      %add3A_528 = arith.addf %add3A_523, %get3A_527 : vector<16xf32>
      %get3A_529 = arith.constant 7 : i32
      %get3A_530 = arith.index_cast %get3A_529 : i32 to index
      %get3A_531 = arith.constant 48 : index
      %get3A_532 = tpu.vector_load %arg9[%get3A_530, %get3A_531] {strides = array<i32>} : memref<13x128xf32, #tpu.memory_space<vmem>>, vector<16xf32>,
      %add3A_533 = arith.addf %add3A_528, %get3A_532 : vector<16xf32>
      %get3A_534 = arith.constant 8 : i32
      %get3A_535 = arith.index_cast %get3A_534 : i32 to index
      %get3A_536 = arith.constant 48 : index
      %get3A_537 = tpu.vector_load %arg9[%get3A_535, %get3A_536] {strides = array<i32>} : memref<13x128xf32, #tpu.memory_space<vmem>>, vector<16xf32>,
      %add3A_538 = arith.addf %add3A_533, %get3A_537 : vector<16xf32>
      %get3A_539 = arith.constant 9 : i32
      %get3A_540 = arith.index_cast %get3A_539 : i32 to index
      %get3A_541 = arith.constant 48 : index
      %get3A_542 = tpu.vector_load %arg9[%get3A_540, %get3A_541] {strides = array<i32>} : memref<13x128xf32, #tpu.memory_space<vmem>>, vector<16xf32>,
      %add3A_543 = arith.addf %add3A_538, %get3A_542 : vector<16xf32>
      %get3A_544 = arith.constant 10 : i32
      %get3A_545 = arith.index_cast %get3A_544 : i32 to index
      %get3A_546 = arith.constant 48 : index
      %get3A_547 = tpu.vector_load %arg9[%get3A_545, %get3A_546] {strides = array<i32>} : memref<13x128xf32, #tpu.memory_space<vmem>>, vector<16xf32>,
      %add3A_548 = arith.addf %add3A_543, %get3A_547 : vector<16xf32>
      %get3A_549 = arith.constant 11 : i32
      %get3A_550 = arith.index_cast %get3A_549 : i32 to index
      %get3A_551 = arith.constant 48 : index
      %get3A_552 = tpu.vector_load %arg9[%get3A_550, %get3A_551] {strides = array<i32>} : memref<13x128xf32, #tpu.memory_space<vmem>>, vector<16xf32>,
      %add3A_553 = arith.addf %add3A_548, %get3A_552 : vector<16xf32>
      %get3A_554 = arith.constant 12 : i32
      %get3A_555 = arith.index_cast %get3A_554 : i32 to index
      %get3A_556 = arith.constant 48 : index
      %get3A_557 = tpu.vector_load %arg9[%get3A_555, %get3A_556] {strides = array<i32>} : memref<13x128xf32, #tpu.memory_space<vmem>>, vector<16xf32>,
      %add3A_558 = arith.addf %add3A_553, %get3A_557 : vector<16xf32>
      %get3A_559 = arith.constant 48 : index
      %get3A_560 = tpu.vector_load %arg11[%get3A_559] {strides = array<i32>} : memref<128xf32, #tpu.memory_space<vmem>>, vector<16xf32>,
      %add3A_561 = arith.addf %get3A_560, %add3A_558 : vector<16xf32>
      %swap3A_562 = arith.constant 48 : index
      %swap3A_563 = tpu.vector_load %arg11[%swap3A_562] {strides = array<i32>} : memref<128xf32, #tpu.memory_space<vmem>>, vector<16xf32>,
      tpu.vector_store %arg11[%swap3A_562], %add3A_561 {strides = array<i32>} : memref<128xf32, #tpu.memory_space<vmem>>, vector<16xf32>,
      %broadcast_in_dim3A_564 = arith.constant 0.000000e+00 : f32
      %broadcast_in_dim3A_565 = vector.broadcast %broadcast_in_dim3A_564 : f32 to vector<16xf32>
      %get3A_566 = arith.constant 0 : i32
      %get3A_567 = arith.index_cast %get3A_566 : i32 to index
      %get3A_568 = arith.constant 64 : index
      %get3A_569 = tpu.vector_load %arg9[%get3A_567, %get3A_568] {strides = array<i32>} : memref<13x128xf32, #tpu.memory_space<vmem>>, vector<16xf32>,
      %add3A_570 = arith.addf %broadcast_in_dim3A_565, %get3A_569 : vector<16xf32>
      %get3A_571 = arith.constant 1 : i32
      %get3A_572 = arith.index_cast %get3A_571 : i32 to index
      %get3A_573 = arith.constant 64 : index
      %get3A_574 = tpu.vector_load %arg9[%get3A_572, %get3A_573] {strides = array<i32>} : memref<13x128xf32, #tpu.memory_space<vmem>>, vector<16xf32>,
      %add3A_575 = arith.addf %add3A_570, %get3A_574 : vector<16xf32>
      %get3A_576 = arith.constant 2 : i32
      %get3A_577 = arith.index_cast %get3A_576 : i32 to index
      %get3A_578 = arith.constant 64 : index
      %get3A_579 = tpu.vector_load %arg9[%get3A_577, %get3A_578] {strides = array<i32>} : memref<13x128xf32, #tpu.memory_space<vmem>>, vector<16xf32>,
      %add3A_580 = arith.addf %add3A_575, %get3A_579 : vector<16xf32>
      %get3A_581 = arith.constant 3 : i32
      %get3A_582 = arith.index_cast %get3A_581 : i32 to index
      %get3A_583 = arith.constant 64 : index
      %get3A_584 = tpu.vector_load %arg9[%get3A_582, %get3A_583] {strides = array<i32>} : memref<13x128xf32, #tpu.memory_space<vmem>>, vector<16xf32>,
      %add3A_585 = arith.addf %add3A_580, %get3A_584 : vector<16xf32>
      %get3A_586 = arith.constant 4 : i32
      %get3A_587 = arith.index_cast %get3A_586 : i32 to index
      %get3A_588 = arith.constant 64 : index
      %get3A_589 = tpu.vector_load %arg9[%get3A_587, %get3A_588] {strides = array<i32>} : memref<13x128xf32, #tpu.memory_space<vmem>>, vector<16xf32>,
      %add3A_590 = arith.addf %add3A_585, %get3A_589 : vector<16xf32>
      %get3A_591 = arith.constant 5 : i32
      %get3A_592 = arith.index_cast %get3A_591 : i32 to index
      %get3A_593 = arith.constant 64 : index
      %get3A_594 = tpu.vector_load %arg9[%get3A_592, %get3A_593] {strides = array<i32>} : memref<13x128xf32, #tpu.memory_space<vmem>>, vector<16xf32>,
      %add3A_595 = arith.addf %add3A_590, %get3A_594 : vector<16xf32>
      %get3A_596 = arith.constant 6 : i32
      %get3A_597 = arith.index_cast %get3A_596 : i32 to index
      %get3A_598 = arith.constant 64 : index
      %get3A_599 = tpu.vector_load %arg9[%get3A_597, %get3A_598] {strides = array<i32>} : memref<13x128xf32, #tpu.memory_space<vmem>>, vector<16xf32>,
      %add3A_600 = arith.addf %add3A_595, %get3A_599 : vector<16xf32>
      %get3A_601 = arith.constant 7 : i32
      %get3A_602 = arith.index_cast %get3A_601 : i32 to index
      %get3A_603 = arith.constant 64 : index
      %get3A_604 = tpu.vector_load %arg9[%get3A_602, %get3A_603] {strides = array<i32>} : memref<13x128xf32, #tpu.memory_space<vmem>>, vector<16xf32>,
      %add3A_605 = arith.addf %add3A_600, %get3A_604 : vector<16xf32>
      %get3A_606 = arith.constant 8 : i32
      %get3A_607 = arith.index_cast %get3A_606 : i32 to index
      %get3A_608 = arith.constant 64 : index
      %get3A_609 = tpu.vector_load %arg9[%get3A_607, %get3A_608] {strides = array<i32>} : memref<13x128xf32, #tpu.memory_space<vmem>>, vector<16xf32>,
      %add3A_610 = arith.addf %add3A_605, %get3A_609 : vector<16xf32>
      %get3A_611 = arith.constant 9 : i32
      %get3A_612 = arith.index_cast %get3A_611 : i32 to index
      %get3A_613 = arith.constant 64 : index
      %get3A_614 = tpu.vector_load %arg9[%get3A_612, %get3A_613] {strides = array<i32>} : memref<13x128xf32, #tpu.memory_space<vmem>>, vector<16xf32>,
      %add3A_615 = arith.addf %add3A_610, %get3A_614 : vector<16xf32>
      %get3A_616 = arith.constant 10 : i32
      %get3A_617 = arith.index_cast %get3A_616 : i32 to index
      %get3A_618 = arith.constant 64 : index
      %get3A_619 = tpu.vector_load %arg9[%get3A_617, %get3A_618] {strides = array<i32>} : memref<13x128xf32, #tpu.memory_space<vmem>>, vector<16xf32>,
      %add3A_620 = arith.addf %add3A_615, %get3A_619 : vector<16xf32>
      %get3A_621 = arith.constant 11 : i32
      %get3A_622 = arith.index_cast %get3A_621 : i32 to index
      %get3A_623 = arith.constant 64 : index
      %get3A_624 = tpu.vector_load %arg9[%get3A_622, %get3A_623] {strides = array<i32>} : memref<13x128xf32, #tpu.memory_space<vmem>>, vector<16xf32>,
      %add3A_625 = arith.addf %add3A_620, %get3A_624 : vector<16xf32>
      %get3A_626 = arith.constant 12 : i32
      %get3A_627 = arith.index_cast %get3A_626 : i32 to index
      %get3A_628 = arith.constant 64 : index
      %get3A_629 = tpu.vector_load %arg9[%get3A_627, %get3A_628] {strides = array<i32>} : memref<13x128xf32, #tpu.memory_space<vmem>>, vector<16xf32>,
      %add3A_630 = arith.addf %add3A_625, %get3A_629 : vector<16xf32>
      %get3A_631 = arith.constant 64 : index
      %get3A_632 = tpu.vector_load %arg11[%get3A_631] {strides = array<i32>} : memref<128xf32, #tpu.memory_space<vmem>>, vector<16xf32>,
      %add3A_633 = arith.addf %get3A_632, %add3A_630 : vector<16xf32>
      %swap3A_634 = arith.constant 64 : index
      %swap3A_635 = tpu.vector_load %arg11[%swap3A_634] {strides = array<i32>} : memref<128xf32, #tpu.memory_space<vmem>>, vector<16xf32>,
      tpu.vector_store %arg11[%swap3A_634], %add3A_633 {strides = array<i32>} : memref<128xf32, #tpu.memory_space<vmem>>, vector<16xf32>,
      %broadcast_in_dim3A_636 = arith.constant 0.000000e+00 : f32
      %broadcast_in_dim3A_637 = vector.broadcast %broadcast_in_dim3A_636 : f32 to vector<16xf32>
      %get3A_638 = arith.constant 0 : i32
      %get3A_639 = arith.index_cast %get3A_638 : i32 to index
      %get3A_640 = arith.constant 80 : index
      %get3A_641 = tpu.vector_load %arg9[%get3A_639, %get3A_640] {strides = array<i32>} : memref<13x128xf32, #tpu.memory_space<vmem>>, vector<16xf32>,
      %add3A_642 = arith.addf %broadcast_in_dim3A_637, %get3A_641 : vector<16xf32>
      %get3A_643 = arith.constant 1 : i32
      %get3A_644 = arith.index_cast %get3A_643 : i32 to index
      %get3A_645 = arith.constant 80 : index
      %get3A_646 = tpu.vector_load %arg9[%get3A_644, %get3A_645] {strides = array<i32>} : memref<13x128xf32, #tpu.memory_space<vmem>>, vector<16xf32>,
      %add3A_647 = arith.addf %add3A_642, %get3A_646 : vector<16xf32>
      %get3A_648 = arith.constant 2 : i32
      %get3A_649 = arith.index_cast %get3A_648 : i32 to index
      %get3A_650 = arith.constant 80 : index
      %get3A_651 = tpu.vector_load %arg9[%get3A_649, %get3A_650] {strides = array<i32>} : memref<13x128xf32, #tpu.memory_space<vmem>>, vector<16xf32>,
      %add3A_652 = arith.addf %add3A_647, %get3A_651 : vector<16xf32>
      %get3A_653 = arith.constant 3 : i32
      %get3A_654 = arith.index_cast %get3A_653 : i32 to index
      %get3A_655 = arith.constant 80 : index
      %get3A_656 = tpu.vector_load %arg9[%get3A_654, %get3A_655] {strides = array<i32>} : memref<13x128xf32, #tpu.memory_space<vmem>>, vector<16xf32>,
      %add3A_657 = arith.addf %add3A_652, %get3A_656 : vector<16xf32>
      %get3A_658 = arith.constant 4 : i32
      %get3A_659 = arith.index_cast %get3A_658 : i32 to index
      %get3A_660 = arith.constant 80 : index
      %get3A_661 = tpu.vector_load %arg9[%get3A_659, %get3A_660] {strides = array<i32>} : memref<13x128xf32, #tpu.memory_space<vmem>>, vector<16xf32>,
      %add3A_662 = arith.addf %add3A_657, %get3A_661 : vector<16xf32>
      %get3A_663 = arith.constant 5 : i32
      %get3A_664 = arith.index_cast %get3A_663 : i32 to index
      %get3A_665 = arith.constant 80 : index
      %get3A_666 = tpu.vector_load %arg9[%get3A_664, %get3A_665] {strides = array<i32>} : memref<13x128xf32, #tpu.memory_space<vmem>>, vector<16xf32>,
      %add3A_667 = arith.addf %add3A_662, %get3A_666 : vector<16xf32>
      %get3A_668 = arith.constant 6 : i32
      %get3A_669 = arith.index_cast %get3A_668 : i32 to index
      %get3A_670 = arith.constant 80 : index
      %get3A_671 = tpu.vector_load %arg9[%get3A_669, %get3A_670] {strides = array<i32>} : memref<13x128xf32, #tpu.memory_space<vmem>>, vector<16xf32>,
      %add3A_672 = arith.addf %add3A_667, %get3A_671 : vector<16xf32>
      %get3A_673 = arith.constant 7 : i32
      %get3A_674 = arith.index_cast %get3A_673 : i32 to index
      %get3A_675 = arith.constant 80 : index
      %get3A_676 = tpu.vector_load %arg9[%get3A_674, %get3A_675] {strides = array<i32>} : memref<13x128xf32, #tpu.memory_space<vmem>>, vector<16xf32>,
      %add3A_677 = arith.addf %add3A_672, %get3A_676 : vector<16xf32>
      %get3A_678 = arith.constant 8 : i32
      %get3A_679 = arith.index_cast %get3A_678 : i32 to index
      %get3A_680 = arith.constant 80 : index
      %get3A_681 = tpu.vector_load %arg9[%get3A_679, %get3A_680] {strides = array<i32>} : memref<13x128xf32, #tpu.memory_space<vmem>>, vector<16xf32>,
      %add3A_682 = arith.addf %add3A_677, %get3A_681 : vector<16xf32>
      %get3A_683 = arith.constant 9 : i32
      %get3A_684 = arith.index_cast %get3A_683 : i32 to index
      %get3A_685 = arith.constant 80 : index
      %get3A_686 = tpu.vector_load %arg9[%get3A_684, %get3A_685] {strides = array<i32>} : memref<13x128xf32, #tpu.memory_space<vmem>>, vector<16xf32>,
      %add3A_687 = arith.addf %add3A_682, %get3A_686 : vector<16xf32>
      %get3A_688 = arith.constant 10 : i32
      %get3A_689 = arith.index_cast %get3A_688 : i32 to index
      %get3A_690 = arith.constant 80 : index
      %get3A_691 = tpu.vector_load %arg9[%get3A_689, %get3A_690] {strides = array<i32>} : memref<13x128xf32, #tpu.memory_space<vmem>>, vector<16xf32>,
      %add3A_692 = arith.addf %add3A_687, %get3A_691 : vector<16xf32>
      %get3A_693 = arith.constant 11 : i32
      %get3A_694 = arith.index_cast %get3A_693 : i32 to index
      %get3A_695 = arith.constant 80 : index
      %get3A_696 = tpu.vector_load %arg9[%get3A_694, %get3A_695] {strides = array<i32>} : memref<13x128xf32, #tpu.memory_space<vmem>>, vector<16xf32>,
      %add3A_697 = arith.addf %add3A_692, %get3A_696 : vector<16xf32>
      %get3A_698 = arith.constant 12 : i32
      %get3A_699 = arith.index_cast %get3A_698 : i32 to index
      %get3A_700 = arith.constant 80 : index
      %get3A_701 = tpu.vector_load %arg9[%get3A_699, %get3A_700] {strides = array<i32>} : memref<13x128xf32, #tpu.memory_space<vmem>>, vector<16xf32>,
      %add3A_702 = arith.addf %add3A_697, %get3A_701 : vector<16xf32>
      %get3A_703 = arith.constant 80 : index
      %get3A_704 = tpu.vector_load %arg11[%get3A_703] {strides = array<i32>} : memref<128xf32, #tpu.memory_space<vmem>>, vector<16xf32>,
      %add3A_705 = arith.addf %get3A_704, %add3A_702 : vector<16xf32>
      %swap3A_706 = arith.constant 80 : index
      %swap3A_707 = tpu.vector_load %arg11[%swap3A_706] {strides = array<i32>} : memref<128xf32, #tpu.memory_space<vmem>>, vector<16xf32>,
      tpu.vector_store %arg11[%swap3A_706], %add3A_705 {strides = array<i32>} : memref<128xf32, #tpu.memory_space<vmem>>, vector<16xf32>,
      %broadcast_in_dim3A_708 = arith.constant 0.000000e+00 : f32
      %broadcast_in_dim3A_709 = vector.broadcast %broadcast_in_dim3A_708 : f32 to vector<16xf32>
      %get3A_710 = arith.constant 0 : i32
      %get3A_711 = arith.index_cast %get3A_710 : i32 to index
      %get3A_712 = arith.constant 96 : index
      %get3A_713 = tpu.vector_load %arg9[%get3A_711, %get3A_712] {strides = array<i32>} : memref<13x128xf32, #tpu.memory_space<vmem>>, vector<16xf32>,
      %add3A_714 = arith.addf %broadcast_in_dim3A_709, %get3A_713 : vector<16xf32>
      %get3A_715 = arith.constant 1 : i32
      %get3A_716 = arith.index_cast %get3A_715 : i32 to index
      %get3A_717 = arith.constant 96 : index
      %get3A_718 = tpu.vector_load %arg9[%get3A_716, %get3A_717] {strides = array<i32>} : memref<13x128xf32, #tpu.memory_space<vmem>>, vector<16xf32>,
      %add3A_719 = arith.addf %add3A_714, %get3A_718 : vector<16xf32>
      %get3A_720 = arith.constant 2 : i32
      %get3A_721 = arith.index_cast %get3A_720 : i32 to index
      %get3A_722 = arith.constant 96 : index
      %get3A_723 = tpu.vector_load %arg9[%get3A_721, %get3A_722] {strides = array<i32>} : memref<13x128xf32, #tpu.memory_space<vmem>>, vector<16xf32>,
      %add3A_724 = arith.addf %add3A_719, %get3A_723 : vector<16xf32>
      %get3A_725 = arith.constant 3 : i32
      %get3A_726 = arith.index_cast %get3A_725 : i32 to index
      %get3A_727 = arith.constant 96 : index
      %get3A_728 = tpu.vector_load %arg9[%get3A_726, %get3A_727] {strides = array<i32>} : memref<13x128xf32, #tpu.memory_space<vmem>>, vector<16xf32>,
      %add3A_729 = arith.addf %add3A_724, %get3A_728 : vector<16xf32>
      %get3A_730 = arith.constant 4 : i32
      %get3A_731 = arith.index_cast %get3A_730 : i32 to index
      %get3A_732 = arith.constant 96 : index
      %get3A_733 = tpu.vector_load %arg9[%get3A_731, %get3A_732] {strides = array<i32>} : memref<13x128xf32, #tpu.memory_space<vmem>>, vector<16xf32>,
      %add3A_734 = arith.addf %add3A_729, %get3A_733 : vector<16xf32>
      %get3A_735 = arith.constant 5 : i32
      %get3A_736 = arith.index_cast %get3A_735 : i32 to index
      %get3A_737 = arith.constant 96 : index
      %get3A_738 = tpu.vector_load %arg9[%get3A_736, %get3A_737] {strides = array<i32>} : memref<13x128xf32, #tpu.memory_space<vmem>>, vector<16xf32>,
      %add3A_739 = arith.addf %add3A_734, %get3A_738 : vector<16xf32>
      %get3A_740 = arith.constant 6 : i32
      %get3A_741 = arith.index_cast %get3A_740 : i32 to index
      %get3A_742 = arith.constant 96 : index
      %get3A_743 = tpu.vector_load %arg9[%get3A_741, %get3A_742] {strides = array<i32>} : memref<13x128xf32, #tpu.memory_space<vmem>>, vector<16xf32>,
      %add3A_744 = arith.addf %add3A_739, %get3A_743 : vector<16xf32>
      %get3A_745 = arith.constant 7 : i32
      %get3A_746 = arith.index_cast %get3A_745 : i32 to index
      %get3A_747 = arith.constant 96 : index
      %get3A_748 = tpu.vector_load %arg9[%get3A_746, %get3A_747] {strides = array<i32>} : memref<13x128xf32, #tpu.memory_space<vmem>>, vector<16xf32>,
      %add3A_749 = arith.addf %add3A_744, %get3A_748 : vector<16xf32>
      %get3A_750 = arith.constant 8 : i32
      %get3A_751 = arith.index_cast %get3A_750 : i32 to index
      %get3A_752 = arith.constant 96 : index
      %get3A_753 = tpu.vector_load %arg9[%get3A_751, %get3A_752] {strides = array<i32>} : memref<13x128xf32, #tpu.memory_space<vmem>>, vector<16xf32>,
      %add3A_754 = arith.addf %add3A_749, %get3A_753 : vector<16xf32>
      %get3A_755 = arith.constant 9 : i32
      %get3A_756 = arith.index_cast %get3A_755 : i32 to index
      %get3A_757 = arith.constant 96 : index
      %get3A_758 = tpu.vector_load %arg9[%get3A_756, %get3A_757] {strides = array<i32>} : memref<13x128xf32, #tpu.memory_space<vmem>>, vector<16xf32>,
      %add3A_759 = arith.addf %add3A_754, %get3A_758 : vector<16xf32>
      %get3A_760 = arith.constant 10 : i32
      %get3A_761 = arith.index_cast %get3A_760 : i32 to index
      %get3A_762 = arith.constant 96 : index
      %get3A_763 = tpu.vector_load %arg9[%get3A_761, %get3A_762] {strides = array<i32>} : memref<13x128xf32, #tpu.memory_space<vmem>>, vector<16xf32>,
      %add3A_764 = arith.addf %add3A_759, %get3A_763 : vector<16xf32>
      %get3A_765 = arith.constant 11 : i32
      %get3A_766 = arith.index_cast %get3A_765 : i32 to index
      %get3A_767 = arith.constant 96 : index
      %get3A_768 = tpu.vector_load %arg9[%get3A_766, %get3A_767] {strides = array<i32>} : memref<13x128xf32, #tpu.memory_space<vmem>>, vector<16xf32>,
      %add3A_769 = arith.addf %add3A_764, %get3A_768 : vector<16xf32>
      %get3A_770 = arith.constant 12 : i32
      %get3A_771 = arith.index_cast %get3A_770 : i32 to index
      %get3A_772 = arith.constant 96 : index
      %get3A_773 = tpu.vector_load %arg9[%get3A_771, %get3A_772] {strides = array<i32>} : memref<13x128xf32, #tpu.memory_space<vmem>>, vector<16xf32>,
      %add3A_774 = arith.addf %add3A_769, %get3A_773 : vector<16xf32>
      %get3A_775 = arith.constant 96 : index
      %get3A_776 = tpu.vector_load %arg11[%get3A_775] {strides = array<i32>} : memref<128xf32, #tpu.memory_space<vmem>>, vector<16xf32>,
      %add3A_777 = arith.addf %get3A_776, %add3A_774 : vector<16xf32>
      %swap3A_778 = arith.constant 96 : index
      %swap3A_779 = tpu.vector_load %arg11[%swap3A_778] {strides = array<i32>} : memref<128xf32, #tpu.memory_space<vmem>>, vector<16xf32>,
      tpu.vector_store %arg11[%swap3A_778], %add3A_777 {strides = array<i32>} : memref<128xf32, #tpu.memory_space<vmem>>, vector<16xf32>,
      %broadcast_in_dim3A_780 = arith.constant 0.000000e+00 : f32
      %broadcast_in_dim3A_781 = vector.broadcast %broadcast_in_dim3A_780 : f32 to vector<16xf32>
      %get3A_782 = arith.constant 0 : i32
      %get3A_783 = arith.index_cast %get3A_782 : i32 to index
      %get3A_784 = arith.constant 112 : index
      %get3A_785 = tpu.vector_load %arg9[%get3A_783, %get3A_784] {strides = array<i32>} : memref<13x128xf32, #tpu.memory_space<vmem>>, vector<16xf32>,
      %add3A_786 = arith.addf %broadcast_in_dim3A_781, %get3A_785 : vector<16xf32>
      %get3A_787 = arith.constant 1 : i32
      %get3A_788 = arith.index_cast %get3A_787 : i32 to index
      %get3A_789 = arith.constant 112 : index
      %get3A_790 = tpu.vector_load %arg9[%get3A_788, %get3A_789] {strides = array<i32>} : memref<13x128xf32, #tpu.memory_space<vmem>>, vector<16xf32>,
      %add3A_791 = arith.addf %add3A_786, %get3A_790 : vector<16xf32>
      %get3A_792 = arith.constant 2 : i32
      %get3A_793 = arith.index_cast %get3A_792 : i32 to index
      %get3A_794 = arith.constant 112 : index
      %get3A_795 = tpu.vector_load %arg9[%get3A_793, %get3A_794] {strides = array<i32>} : memref<13x128xf32, #tpu.memory_space<vmem>>, vector<16xf32>,
      %add3A_796 = arith.addf %add3A_791, %get3A_795 : vector<16xf32>
      %get3A_797 = arith.constant 3 : i32
      %get3A_798 = arith.index_cast %get3A_797 : i32 to index
      %get3A_799 = arith.constant 112 : index
      %get3A_800 = tpu.vector_load %arg9[%get3A_798, %get3A_799] {strides = array<i32>} : memref<13x128xf32, #tpu.memory_space<vmem>>, vector<16xf32>,
      %add3A_801 = arith.addf %add3A_796, %get3A_800 : vector<16xf32>
      %get3A_802 = arith.constant 4 : i32
      %get3A_803 = arith.index_cast %get3A_802 : i32 to index
      %get3A_804 = arith.constant 112 : index
      %get3A_805 = tpu.vector_load %arg9[%get3A_803, %get3A_804] {strides = array<i32>} : memref<13x128xf32, #tpu.memory_space<vmem>>, vector<16xf32>,
      %add3A_806 = arith.addf %add3A_801, %get3A_805 : vector<16xf32>
      %get3A_807 = arith.constant 5 : i32
      %get3A_808 = arith.index_cast %get3A_807 : i32 to index
      %get3A_809 = arith.constant 112 : index
      %get3A_810 = tpu.vector_load %arg9[%get3A_808, %get3A_809] {strides = array<i32>} : memref<13x128xf32, #tpu.memory_space<vmem>>, vector<16xf32>,
      %add3A_811 = arith.addf %add3A_806, %get3A_810 : vector<16xf32>
      %get3A_812 = arith.constant 6 : i32
      %get3A_813 = arith.index_cast %get3A_812 : i32 to index
      %get3A_814 = arith.constant 112 : index
      %get3A_815 = tpu.vector_load %arg9[%get3A_813, %get3A_814] {strides = array<i32>} : memref<13x128xf32, #tpu.memory_space<vmem>>, vector<16xf32>,
      %add3A_816 = arith.addf %add3A_811, %get3A_815 : vector<16xf32>
      %get3A_817 = arith.constant 7 : i32
      %get3A_818 = arith.index_cast %get3A_817 : i32 to index
      %get3A_819 = arith.constant 112 : index
      %get3A_820 = tpu.vector_load %arg9[%get3A_818, %get3A_819] {strides = array<i32>} : memref<13x128xf32, #tpu.memory_space<vmem>>, vector<16xf32>,
      %add3A_821 = arith.addf %add3A_816, %get3A_820 : vector<16xf32>
      %get3A_822 = arith.constant 8 : i32
      %get3A_823 = arith.index_cast %get3A_822 : i32 to index
      %get3A_824 = arith.constant 112 : index
      %get3A_825 = tpu.vector_load %arg9[%get3A_823, %get3A_824] {strides = array<i32>} : memref<13x128xf32, #tpu.memory_space<vmem>>, vector<16xf32>,
      %add3A_826 = arith.addf %add3A_821, %get3A_825 : vector<16xf32>
      %get3A_827 = arith.constant 9 : i32
      %get3A_828 = arith.index_cast %get3A_827 : i32 to index
      %get3A_829 = arith.constant 112 : index
      %get3A_830 = tpu.vector_load %arg9[%get3A_828, %get3A_829] {strides = array<i32>} : memref<13x128xf32, #tpu.memory_space<vmem>>, vector<16xf32>,
      %add3A_831 = arith.addf %add3A_826, %get3A_830 : vector<16xf32>
      %get3A_832 = arith.constant 10 : i32
      %get3A_833 = arith.index_cast %get3A_832 : i32 to index
      %get3A_834 = arith.constant 112 : index
      %get3A_835 = tpu.vector_load %arg9[%get3A_833, %get3A_834] {strides = array<i32>} : memref<13x128xf32, #tpu.memory_space<vmem>>, vector<16xf32>,
      %add3A_836 = arith.addf %add3A_831, %get3A_835 : vector<16xf32>
      %get3A_837 = arith.constant 11 : i32
      %get3A_838 = arith.index_cast %get3A_837 : i32 to index
      %get3A_839 = arith.constant 112 : index
      %get3A_840 = tpu.vector_load %arg9[%get3A_838, %get3A_839] {strides = array<i32>} : memref<13x128xf32, #tpu.memory_space<vmem>>, vector<16xf32>,
      %add3A_841 = arith.addf %add3A_836, %get3A_840 : vector<16xf32>
      %get3A_842 = arith.constant 12 : i32
      %get3A_843 = arith.index_cast %get3A_842 : i32 to index
      %get3A_844 = arith.constant 112 : index
      %get3A_845 = tpu.vector_load %arg9[%get3A_843, %get3A_844] {strides = array<i32>} : memref<13x128xf32, #tpu.memory_space<vmem>>, vector<16xf32>,
      %add3A_846 = arith.addf %add3A_841, %get3A_845 : vector<16xf32>
      %get3A_847 = arith.constant 112 : index
      %get3A_848 = tpu.vector_load %arg11[%get3A_847] {strides = array<i32>} : memref<128xf32, #tpu.memory_space<vmem>>, vector<16xf32>,
      %add3A_849 = arith.addf %get3A_848, %add3A_846 : vector<16xf32>
      %swap3A_850 = arith.constant 112 : index
      %swap3A_851 = tpu.vector_load %arg11[%swap3A_850] {strides = array<i32>} : memref<128xf32, #tpu.memory_space<vmem>>, vector<16xf32>,
      tpu.vector_store %arg11[%swap3A_850], %add3A_849 {strides = array<i32>} : memref<128xf32, #tpu.memory_space<vmem>>, vector<16xf32>,
      "tpu.region"() ({
        %run_scoped3A = tpu.sem_alloc : memref<!tpu.dma_semaphore, #tpu.memory_space<semaphore_mem>>
        %dma_start3A_852 = tpu.memref_slice %arg6[%multiple_of3A_12] : memref<16384xf32, #tpu.memory_space<hbm>> -> memref<128xf32, #tpu.memory_space<hbm>>
        %dma_start3A_853 = tpu.memref_slice %arg6[%multiple_of3A_12] : memref<16384xf32, #tpu.memory_space<hbm>> -> memref<128xf32, #tpu.memory_space<hbm>>
        tpu.enqueue_dma source(%arg11 : memref<128xf32, #tpu.memory_space<vmem>>) target(%dma_start3A_853 : memref<128xf32, #tpu.memory_space<hbm>>) target_semaphore(%run_scoped3A : memref<!tpu.dma_semaphore, #tpu.memory_space<semaphore_mem>>)
        %dma_wait3A_854 = tpu.memref_slice %arg6[%multiple_of3A_12] : memref<16384xf32, #tpu.memory_space<hbm>> -> memref<128xf32, #tpu.memory_space<hbm>>
        %dma_wait3A_855 = tpu.memref_slice %arg6[%multiple_of3A_12] : memref<16384xf32, #tpu.memory_space<hbm>> -> memref<128xf32, #tpu.memory_space<hbm>>
        tpu.wait_dma2 semaphore(%run_scoped3A : memref<!tpu.dma_semaphore, #tpu.memory_space<semaphore_mem>>) src(%arg11 : memref<128xf32, #tpu.memory_space<vmem>>) dst(%dma_wait3A_855 : memref<128xf32, #tpu.memory_space<hbm>>)
        tpu.yield
      }) : () -> ()
    }
    %scan3A_7 = arith.constant 4 : i32
    return
  }
}

module attributes {stable_mosaic.version = 14 : i64} {
  func.func @_project_body(%arg0: i32, %arg1: memref<13x416xf32, #tpu.memory_space<vmem>>, %arg2: memref<416x8192xf32, #tpu.memory_space<vmem>>, %arg3: memref<13x8192xf32, #tpu.memory_space<vmem>>) attributes {dimension_semantics = [#tpu.dimension_semantics<arbitrary>], iteration_bounds = array<i64: 13>, scalar_prefetch = 0 : i64, scratch_operands = 0 : i64, tpu.core_type = #tpu.core_type<tc>, window_params = [{pipeline_mode = #tpu.pipeline_mode<synchronous>, transform_indices = @transform_0, window_bounds = array<i64: 13, 416>}, {transform_indices = @transform_1, window_bounds = array<i64: 416, 8192>}, {transform_indices = @transform_2, window_bounds = array<i64: 13, 8192>}]} {
    %get3A = arith.constant 0 : index
    %get3A_0 = arith.constant 0 : index
    %get3A_1 = vector.load %arg1[%get3A, %get3A_0] : memref<13x416xf32, #tpu.memory_space<vmem>>, vector<13x416xf32>
    %get3A_2 = arith.constant 0 : index
    %get3A_3 = arith.constant 0 : index
    %get3A_4 = vector.load %arg2[%get3A_2, %get3A_3] : memref<416x8192xf32, #tpu.memory_space<vmem>>, vector<416x8192xf32>
    %dot_general3A = arith.constant dense<0.000000e+00> : vector<13x8192xf32>
    %dot_general3A_5 = tpu.matmul %get3A_1, %get3A_4, %dot_general3A {dimension_numbers = #tpu.dot_dimension_numbers<[1], [0], [0], [1], [0, 0, 1, 1], [], []>, transpose_lhs_hint = false} : vector<13x416xf32>, vector<416x8192xf32>, vector<13x8192xf32> -> vector<13x8192xf32>
    %swap3A = arith.constant 0 : index
    %swap3A_6 = arith.constant 0 : index
    %swap3A_7 = vector.load %arg3[%swap3A, %swap3A_6] : memref<13x8192xf32, #tpu.memory_space<vmem>>, vector<13x8192xf32>
    tpu.vector_store %arg3[%swap3A, %swap3A_6], %dot_general3A_5 {strides = array<i32>} : memref<13x8192xf32, #tpu.memory_space<vmem>>, vector<13x8192xf32>,
    return
  }
  func.func @transform_0(%arg0: i32) -> (i32, i32) {
    %c0_i32 = arith.constant 0 : i32
    %c0_i32_0 = arith.constant 0 : i32
    %c0_i32_1 = arith.constant 0 : i32
    return %c0_i32, %c0_i32_0 : i32, i32
  }
  func.func @transform_1(%arg0: i32) -> (i32, i32) {
    %c0_i32 = arith.constant 0 : i32
    %c0_i32_0 = arith.constant 0 : i32
    return %c0_i32, %arg0 : i32, i32
  }
  func.func @transform_2(%arg0: i32) -> (i32, i32) {
    %c0_i32 = arith.constant 0 : i32
    %c0_i32_0 = arith.constant 0 : i32
    return %c0_i32, %arg0 : i32, i32
  }
}

module attributes {stable_mosaic.version = 14 : i64} {
  func.func @_project_body(%arg0: i32, %arg1: memref<13x416xf32, #tpu.memory_space<vmem>>, %arg2: memref<416x8192xf32, #tpu.memory_space<vmem>>, %arg3: memref<13x8192xf32, #tpu.memory_space<vmem>>) attributes {dimension_semantics = [#tpu.dimension_semantics<arbitrary>], iteration_bounds = array<i64: 13>, scalar_prefetch = 0 : i64, scratch_operands = 0 : i64, tpu.core_type = #tpu.core_type<tc>, window_params = [{pipeline_mode = #tpu.pipeline_mode<synchronous>, transform_indices = @transform_0, window_bounds = array<i64: 13, 416>}, {transform_indices = @transform_1, window_bounds = array<i64: 416, 8192>}, {transform_indices = @transform_2, window_bounds = array<i64: 13, 8192>}]} {
    %get3A = arith.constant 0 : index
    %get3A_0 = arith.constant 0 : index
    %get3A_1 = vector.load %arg1[%get3A, %get3A_0] : memref<13x416xf32, #tpu.memory_space<vmem>>, vector<13x416xf32>
    %get3A_2 = arith.constant 0 : index
    %get3A_3 = arith.constant 0 : index
    %get3A_4 = vector.load %arg2[%get3A_2, %get3A_3] : memref<416x8192xf32, #tpu.memory_space<vmem>>, vector<416x8192xf32>
    %dot_general3A = arith.constant dense<0.000000e+00> : vector<13x8192xf32>
    %dot_general3A_5 = tpu.matmul %get3A_1, %get3A_4, %dot_general3A {dimension_numbers = #tpu.dot_dimension_numbers<[1], [0], [0], [1], [0, 0, 1, 1], [], []>, transpose_lhs_hint = false} : vector<13x416xf32>, vector<416x8192xf32>, vector<13x8192xf32> -> vector<13x8192xf32>
    %swap3A = arith.constant 0 : index
    %swap3A_6 = arith.constant 0 : index
    %swap3A_7 = vector.load %arg3[%swap3A, %swap3A_6] : memref<13x8192xf32, #tpu.memory_space<vmem>>, vector<13x8192xf32>
    tpu.vector_store %arg3[%swap3A, %swap3A_6], %dot_general3A_5 {strides = array<i32>} : memref<13x8192xf32, #tpu.memory_space<vmem>>, vector<13x8192xf32>,
    return
  }
  func.func @transform_0(%arg0: i32) -> (i32, i32) {
    %c0_i32 = arith.constant 0 : i32
    %c0_i32_0 = arith.constant 0 : i32
    %c0_i32_1 = arith.constant 0 : i32
    return %c0_i32, %c0_i32_0 : i32, i32
  }
  func.func @transform_1(%arg0: i32) -> (i32, i32) {
    %c1_i32 = arith.constant 1 : i32
    %c0_i32 = arith.constant 0 : i32
    return %c1_i32, %arg0 : i32, i32
  }
  func.func @transform_2(%arg0: i32) -> (i32, i32) {
    %c0_i32 = arith.constant 0 : i32
    %c0_i32_0 = arith.constant 0 : i32
    return %c0_i32, %arg0 : i32, i32
  }
}

</mosaic_0001>

<sc_bundles>
// kernel: kernel.6.cloned.1.call-start
scs
__scs_entry_jumppad:
0x0: {  	(pc) =	sbr.rel $0x88, $3  }
0x1: {  	(tag) =	ssettag $0x0;
	lr =	simm.s32 $0x1  }
0x2: {  	[smem:$0x3F9D] =	sst lr;
	_ =	strace $0xD0000000  }
0x3: {  	_ = 	snop  }
0x4: {  	_ = 	snop  }
0x5: {  	_ = 	snop  }
0x6: {  	_ = 	snop  }
0x7: {  	_ = 	snop  }
__scs_overlays_trampoline_lowered:
0x8: {  	[smem:$0x3FAC] =	sst s0  }
0x9: {  	[smem:$0x3FAD] =	sst s1  }
0xa: {  	[smem:$0x3FAE] =	sst s2  }
0xb: {  	[smem:$0x3FAF] =	sst s3  }
0xc: {  	[smem:$0x3FB0] =	sst s4  }
0xd: {  	[smem:$0x3FB1] =	sst s5  }
0xe: {  	[smem:$0x3FB2] =	sst s6  }
0xf: {  	[smem:$0x3FB3] =	sst s7  }
0x10: {  	[smem:$0x3FB4] =	sst s8  }
0x11: {  	[smem:$0x3FB5] =	sst s9;
	s0 =	simm.s32 @!p0 $0x0  }
0x12: {  	s1 =	sld [smem:$0x3F9B];
	s0 =	simm.s32 @p0 $0x1  }
0x13: {  	[smem:$0x3FB6] =	sst s0;
	s0 =	simm.s32 @!p1 $0x0  }
0x14: {  	s2 =	sld [smem:$0x3F9A];
	s0 =	simm.s32 @p1 $0x1  }
0x15: {  	[smem:$0x3FB7] =	sst s0;
	s0 =	simm.s32 @!p2 $0x0  }
0x16: {  	s3 =	sld [smem:$0x3FDB];
	s0 =	simm.s32 @p2 $0x1  }
0x17: {  	s4 =	simm.s32 $0x1BF5;
	[smem:$0x3FB9] =	sst s0  }
0x18: {  	s0 =	sld [smem:$0x3F9C];
	_ =	swait.ge [sflag:s4], $0x0  }
0x19: {  	s7 =	sld [smem:$0x3F9D]  }
0x1a: {  	s8 =	sadd.s32 $0xFFFFE003, lr  }
0x1b: {  	s9 =	sadd.s32 $0xFFFFFEF7, lr;
	s5 =	simm.s32 $0xFFFFFFFF;
	p2 =	slt.u32 s8, $0xFFFFF086  }
0x1c: {  	p1 =	slt.u32 s9, $0xF7A;
	s5 =	simm.s32 @!p2 $0x0  }
0x1d: {  	s5 =	simm.s32 @p1 $0x1;
	p0 =	seq.s32 s7, s2  }
0x1e: {  	s7 =	smul.u32 @!p0 $0xF7A, s2;
	p2 =	seq.s32 @!p0 s5, $0x0  }
0x1f: {  	s9 =	smul.u32 $0xF7A, s1;
	s8 =	simm.s32 @!p0 $0x1BF5;
	p2 =	por !p2, p0  }
0x20: {  	[sflag:s8] =	ssyncset.s32 @!p0 $0xFFFFF086;
	s6 =	sadd.s32 @!p0 s3, s7;
	s7 =	simm.s32 @!p0 $0x108  }
0x21: {  	s3 =	sadd.s32 s3, s9;
	s6 =	sadd.s32 @!p0 $0x88, s6;
	s7 =	simm.s32 @p2 $0x1082  }
0x22: {  	[simem:s7], [sflag:s8] =	dma.local @!p0 [hbm:s6], $0xF7A  }
0x23: {  	s9 =	sor.u32 $0xD0000000, s2;
	s6 =	simm.s32 $0x108;
	_ =	swait.ge @!p0 [sflag:s8], $0x0  }
0x24: {  	s3 =	sadd.s32 $0x88, s3;
	s6 =	simm.s32 @!p1 $0x1082;
	[sflag:s4] =	ssyncset.s32 $0xFFFFF086  }
0x25: {  	[simem:s6], [sflag:s4] =	dma.local [hbm:s3], $0xF7A  }
0x26: {  	[smem:$0x3F9D] =	sst s1;
	(tag) =	ssettag s2;
	_ =	strace s9  }
0x27: {  	s1 =	sld [smem:$0x3FAD]  }
0x28: {  	s2 =	sld [smem:$0x3FAE]  }
0x29: {  	s4 =	sld [smem:$0x3FB0]  }
0x2a: {  	p0 =	seq.s32 s5, $0x0;
	s5 =	sld [smem:$0x3FB1]  }
0x2b: {  	s6 =	sld [smem:$0x3FB2]  }
0x2c: {  	s7 =	sld [smem:$0x3FB3]  }
0x2d: {  	s3 =	simm.s32 $0x108;
	s8 =	sld [smem:$0x3FB4]  }
0x2e: {  	s3 =	simm.s32 @!p0 $0x1082;
	s9 =	sld [smem:$0x3FB5]  }
0x2f: {  	lr =	sadd.s32 s0, s3;
	s0 =	sld [smem:$0x3FAC]  }
0x30: {  	s3 =	sld [smem:$0x3FAF]  }
0x31: {  	[smem:$0x3FB8] =	sst s10  }
0x32: {  	s10 =	sld [smem:$0x3FB6];
	_ =	sdelay $0x3  }
0x33: {  	p0 =	seq.s32 s10, $0x1;
	s10 =	sld [smem:$0x3FB8];
	_ =	sdelay $0x3  }
0x34: {  	[smem:$0x3FB8] =	sst s10  }
0x35: {  	s10 =	sld [smem:$0x3FB7];
	_ =	sdelay $0x3  }
0x36: {  	p1 =	seq.s32 s10, $0x1;
	s10 =	sld [smem:$0x3FB8];
	_ =	sdelay $0x3  }
0x37: {  	[smem:$0x3FB8] =	sst s10  }
0x38: {  	s10 =	sld [smem:$0x3FB9]  }
0x39: {  	_ = 	snop;
	(pc) =	sbr.ind lr, $3  }
0x3a: {  	_ = 	snop  }
0x3b: {  	_ = 	snop  }
0x3c: {  	p2 =	seq.s32 s10, $0x1;
	s10 =	sld [smem:$0x3FB8]  }
0x3d: {  	_ =	shalt  }
0x3e: {  	_ =	shalt  }
0x3f: {  	_ =	shalt  }
0x40: {  	_ =	shalt  }
0x41: {  	_ =	shalt  }
0x42: {  	_ =	shalt  }
0x43: {  	_ =	shalt  }
0x44: {  	_ =	shalt  }
0x45: {  	_ =	shalt  }
0x46: {  	_ =	shalt  }
0x47: {  	_ =	shalt  }
0x48: {  	_ =	shalt  }
0x49: {  	_ =	shalt  }
0x4a: {  	_ =	shalt  }
0x4b: {  	_ =	shalt  }
0x4c: {  	_ =	shalt  }
0x4d: {  	_ =	shalt  }
0x4e: {  	_ =	shalt  }
0x4f: {  	_ =	shalt  }
0x50: {  	_ =	shalt  }
0x51: {  	_ =	shalt  }
0x52: {  	_ =	shalt  }
0x53: {  	_ =	shalt  }
0x54: {  	_ =	shalt  }
0x55: {  	_ =	shalt  }
0x56: {  	_ =	shalt  }
0x57: {  	_ =	shalt  }
0x58: {  	_ =	shalt  }
0x59: {  	_ =	shalt  }
0x5a: {  	_ =	shalt  }
0x5b: {  	_ =	shalt  }
0x5c: {  	_ =	shalt  }
0x5d: {  	_ =	shalt  }
0x5e: {  	_ =	shalt  }
0x5f: {  	_ =	shalt  }
0x60: {  	_ =	shalt  }
0x61: {  	_ =	shalt  }
0x62: {  	_ =	shalt  }
0x63: {  	_ =	shalt  }
0x64: {  	_ =	shalt  }
0x65: {  	_ =	shalt  }
0x66: {  	_ =	shalt  }
0x67: {  	_ =	shalt  }
0x68: {  	_ =	shalt  }
0x69: {  	_ =	shalt  }
0x6a: {  	_ =	shalt  }
0x6b: {  	_ =	shalt  }
0x6c: {  	_ =	shalt  }
0x6d: {  	_ =	shalt  }
0x6e: {  	_ =	shalt  }
0x6f: {  	_ =	shalt  }
0x70: {  	_ =	shalt  }
0x71: {  	_ =	shalt  }
0x72: {  	_ =	shalt  }
0x73: {  	_ =	shalt  }
0x74: {  	_ =	shalt  }
0x75: {  	_ =	shalt  }
0x76: {  	_ =	shalt  }
0x77: {  	_ =	shalt  }
0x78: {  	_ =	shalt  }
0x79: {  	_ =	shalt  }
0x7a: {  	_ =	shalt  }
0x7b: {  	_ =	shalt  }
0x7c: {  	_ =	shalt  }
0x7d: {  	_ =	shalt  }
0x7e: {  	_ =	shalt  }
0x7f: {  	_ =	shalt  }
0x80: {  	_ =	shalt  }
0x81: {  	_ =	shalt  }
0x82: {  	_ =	shalt  }
0x83: {  	_ =	shalt  }
0x84: {  	_ =	shalt  }
0x85: {  	_ =	shalt  }
0x86: {  	_ =	shalt  }
0x87: {  	_ =	shalt  }
.Lfunc_end0:
.L_simem_size_0:
called_computation_lowered:
.L_overlay_start_0:
0x88: {  	s2 =	sld [smem:$0x3FD9]  }
0x89: {  	s3 =	sld [smem:$0x3FFE];
	_ =	sdelay $0x1  }
0x8a: {  	s1 =	srdreg.scid  }
0x8b: {  	s0 =	sand.u32 $0x1, s1  }
0x8c: {  	s16 =	sshll.u32 s0, $0xA;
	s2 =	sadd.s32 s3, s2  }
0x8d: {  	s2 =	sadd.s32 s2, s16  }
0x8e: {  	[smem:$0x3FC4] =	sst s2  }
0x8f: {  	_ = 	snop  }
0x90: {  	(tm) =	ssettm $0x1  }
0x91: {  	s17 =	sld [smem:$0x3FFB];
	_ =	sdelay $0x3  }
0x92: {  	_ =	strace s17  }
0x93: {  	s2 =	sld [smem:$0x3FFC];
	_ =	sdelay $0x3  }
0x94: {  	_ =	strace s2  }
0x95: {  	s2 =	sld [smem:$0x3FFD];
	_ =	sdelay $0x3  }
0x96: {  	_ =	strace s2  }
0x97: {  	_ =	strace $0x8FFFFFFF  }
0x98: {  	s18 =	sld [smem:$0x3FDB];
	_ =	sdelay $0x1  }
0x99: {  	s19 =	simm.s32 $_scs_section_size  }
0x9a: {  	s4 =	simm.s32 $_size__tile_overlayer_lowered;
	s5 =	simm.s32 $_tile_overlayer_lowered  }
0x9b: {  	s22 =	simm.s32 $0x1BFF;
	s21 =	sshll.u32 s5, $0x1;
	s2 =	sadd.s32 s19, s18  }
0x9c: {  	s6 =	simm.s32 $0x0;
	s20 =	sshll.u32 s4, $0x1;
	s4 =	sadd.s32 s21, s2  }
0x9d: {  	[timem:s6], [sflag:s22] =	dma.local [hbm:s4], s20  }
0x9e: {  	_ =	swait.ge [sflag:s22], s20  }
0x9f: {  	s3 =	ssub.s32 $0x0, s20;
	[sflag:s22] =	ssyncset.done $0x0  }
0xa0: {  	[sflag:s22] =	ssyncadd.s32 s3;
	_ =	sdelay $0x1  }
0xa1: {  	s23 =	simm.s32 $0x1B8B  }
0xa2: {  	_ =	swait.ge [sflag:s23], $0x1  }
0xa3: {  	[sflag:s23] =	ssyncset.done $0x0  }
0xa4: {  	s25 =	simm.s32 $0x1B8E;
	s24 =	sld [smem:$0x3FFE];
	[sflag:s23] =	ssyncadd.s32 $0xFFFFFFFF  }
0xa5: {  	s26 =	simm.s32 $execute0_lowered;
	[smem:$0x3FD2] =	sst s25  }
0xa6: {  	s4 =	sshll.u32 s26, $0x1;
	_ =	strace $0x80000046;
	[dreg:$0x1] =	wrdreg $0xFFFFFFFF  }
0xa7: {  	s28 =	simm.s32 $_size_execute0_lowered;
	s2 =	sadd.s32 s2, s4;
	[dreg:$0x0] =	wrdreg $0x0  }
0xa8: {  	s4 =	sshll.u32 s28, $0x1;
	[dreg:$0x2] =	wrdreg s2  }
0xa9: {  	[dreg:$0x3] =	wrdreg s4  }
0xaa: {  	[dreg:$0x4] =	wrdreg $0xC0  }
0xab: {  	_ =	task [dreg:s6], $0x5FFFF  }
0xac: {  	[dreg:$0x1] =	wrdreg $0xFFFFFFFF  }
0xad: {  	[dreg:$0x0] =	wrdreg $0x60  }
0xae: {  	[dreg:$0x2] =	wrdreg s24  }
0xaf: {  	[dreg:$0x3] =	wrdreg $0x9  }
0xb0: {  	_ =	task.clear_ibuf [dreg:s6], $0x4FFFF;
	_ =	strace $0x90000046  }
0xb1: {  	s29 =	simm.s32 $0x9;
	_ =	strace $0x80000048  }
0xb2: {  	_ =	swait.ge [sflag:s29], $0x1  }
0xb3: {  	[sflag:s29] =	ssyncadd.s32 $0xFFFFFFFF  }
0xb4: {  	_ =	strace $0x90000048  }
0xb5: {  	_ =	sfence  }
0xb6: {  	s30 =	sld [smem:$0x0];
	_ =	sdelay $0x2  }
0xb7: {  	s31 =	sshll.u32 s1, $0xD;
	s1 =	sshrl.u32 s1, $0x2  }
0xb8: {  	s3 =	sand.u32 $0x4000, s31;
	s1 =	sadd.s32 s1, s30  }
0xb9: {  	s0 =	sor.u32 s3, s0;
	s1 =	sshll.u32 s1, $0x11  }
0xba: {  	s0 =	sor.u32 s1, s0  }
0xbb: {  	s0 =	sadd.s32 $0x8F2B, s0  }
0xbc: {  	[sflag:s0] =	ssyncadd.remote.s32 $0x1  }
0xbd: {  	_ =	sfence.sel $0xFFFF  }
0xbe: {  	[dreg:$0x0] =	wrdreg $0xFFFFFFFF;
	(pc) =	sbr.abs _section_cstart, $3  }
0xbf: {  	[dreg:$0x1] =	wrdreg $0xFFFFFFFF  }
0xc0: {  	_ =	task.clear_ibuf [dreg:s6], $0x2FFFF;
	_ =	strace $0x9FFFFFFF  }
0xc1: {  	(tm) =	ssettm $0x7FFFFFFF  }
tec
execute0_lowered:
.L_overlay_start_1:
0x0: {  	(tag) =	ssettag $0x1  }
0x1: {  	s0 =	rddreg [dreg:$0x0];
	s1 =	simm.s32 $0x0;
	s23 =	srdreg.scid  }
0x2: {  	s6 =	stileid.u32;
	s10 =	simm.s32 $0x2;
	s11 =	simm.s32 $0x80  }
0x3: {  	s22 =	simm.s32 $0x1C00;
	s28 =	simm.s32 $0x1700;
	s29 =	simm.s32 $0x1D80  }
0x4: {  	s30 =	simm.s32 $0x1780;
	s31 =	simm.s32 $0x1E00;
	s9 =	simm.s32 $0x1880  }
0x5: {  	s8 =	simm.s32 $0x1900;
	s12 =	simm.s32 $0x1F80;
	s13 =	simm.s32 $0x1980  }
0x6: {  	s14 =	simm.s32 $0x2000;
	s15 =	simm.s32 $0x1;
	s16 =	simm.s32 $0x2090  }
0x7: {  	s17 =	simm.s32 $0x0;
	[smem:$0x7FF] =	sst s1;
	s1 =	sand.u32 $0x1, s23  }
0x8: {  	s3 =	sadd.s32 $0x28000, s0;
	s4 =	sadd.s32 $0x400, s0;
	s5 =	sadd.s32 $0x3B800, s0  }
0x9: {  	s25 =	sshll.u32 s6, $0x7;
	s6 =	sadd.s32 $0x3BA00, s0;
	s23 =	simm.s32 $0x1600  }
0xa: {  	s0 =	simm.s32 $0x1800;
	_ =	strace $0x80000047;
	s2 =	ssub.s32 $0x2, s1  }
0xb: {  	[dreg:$0x2] =	wrdreg s5;
	s1 =	sshll.u32 s1, $0x6;
	s24 =	sshrl.u32 s2, $0x1  }
0xc: {  	s5 =	simm.s32 $0x1F00;
	s7 =	sor.u32 s1, s25;
	s2 =	ssub.s32 s2, s24  }
0xd: {  	s25 =	simm.s32 $0x1680;
	s24 =	simm.s32 $0x1C80;
	s26 =	smax.u32 s2, $0x1  }
0xe: {  	s2 =	simm.s32 $0x1E80;
	[dreg:$0x3] =	wrdreg s26;
	s26 =	simm.s32 $0x1D00  }
.LBB2_1:
0xf: {  	[dreg:$0x4] =	wrdreg s17  }
0x10: {  	s1 =	simm.s32 $0x0;
	s21 =	rddreg [dreg:$0x2];
	s18 =	simm.s32 $0x2080  }
0x11: {  	[tilespmem:s18], [sflag:$0x2] =	stream.linear.gather [hbm4b:s21+s1], $0x10, $0x38;
	[tilespmem:$0x2110] =	vst v63  }
0x12: {  	_ =	swait.ge [sflag:s10], $0x10  }
0x13: {  	[sflag:s10] =	ssyncset.done $0x0  }
0x14: {  	s17 =	simm.s32 $0x0;
	[sflag:s10] =	ssyncadd.s32 $0xFFFFFFF0  }
.LBB2_2:
0x15: {  	s1 =	sshll.u32 s17, $0x4  }
0x16: {  	s18 =	sadd.s32 s7, s1  }
0x17: {  	s20 =	simm.s32 $0x0;
	s19 =	simm.s32 $0x4000;
	s1 =	sadd.s32 s3, s18  }
0x18: {  	[tilespmem:s20], [sflag:$0x2] =	stream.strided.gather [hbm4b:s1+s11], $0x1380, s19, s11, $0x38;
	[tilespmem:$0x2110] =	vst v63  }
0x19: {  	_ =	swait.ge [sflag:s10], $0x1380  }
0x1a: {  	[sflag:s10] =	ssyncset.done $0x0  }
0x1b: {  	s21 =	simm.s32 $0x6F0;
	[sflag:s10] =	ssyncadd.s32 $0xFFFFEC80  }
0x1c: {  	v0 =	vld [tilespmem:s21+$0xFFFFFF90];
	_ =	sdelay $0x4  }
0x1d: {  	v0 =	vtrunc.f32 v0  }
0x1e: {  	v0 =	vcvt.f32.s32 v0;
	_ =	sdelay $0x1  }
0x1f: {  	s19 =	simm.s32 $0x13C0;
	v0 =	vadd.s32 s20, v0  }
0x20: {  	[tilespmem:s19+$0xFFFFFFC0] =	vst v0  }
0x21: {  	v0 =	vld [tilespmem:s21+$0xFFFFFFA0];
	_ =	sdelay $0x4  }
0x22: {  	v0 =	vtrunc.f32 v0  }
0x23: {  	v0 =	vcvt.f32.s32 v0;
	_ =	sdelay $0x1  }
0x24: {  	v0 =	vadd.s32 s20, v0  }
0x25: {  	[tilespmem:s19+$0xFFFFFFD0] =	vst v0  }
0x26: {  	v0 =	vld [tilespmem:s21+$0xFFFFFFB0];
	_ =	sdelay $0x4  }
0x27: {  	v0 =	vtrunc.f32 v0  }
0x28: {  	v0 =	vcvt.f32.s32 v0;
	_ =	sdelay $0x1  }
0x29: {  	v0 =	vadd.s32 s20, v0  }
0x2a: {  	[tilespmem:s19+$0xFFFFFFE0] =	vst v0  }
0x2b: {  	v0 =	vld [tilespmem:s21+$0xFFFFFFC0];
	_ =	sdelay $0x4  }
0x2c: {  	v0 =	vtrunc.f32 v0  }
0x2d: {  	v0 =	vcvt.f32.s32 v0;
	_ =	sdelay $0x1  }
0x2e: {  	v0 =	vadd.s32 s20, v0  }
0x2f: {  	[tilespmem:s19+$0xFFFFFFF0] =	vst v0  }
0x30: {  	v0 =	vld [tilespmem:s21+$0xFFFFFFD0];
	_ =	sdelay $0x4  }
0x31: {  	v0 =	vtrunc.f32 v0  }
0x32: {  	v0 =	vcvt.f32.s32 v0;
	_ =	sdelay $0x1  }
0x33: {  	v0 =	vadd.s32 s20, v0  }
0x34: {  	[tilespmem:s19+$0x0] =	vst v0  }
0x35: {  	v0 =	vld [tilespmem:s21+$0xFFFFFFE0];
	_ =	sdelay $0x4  }
0x36: {  	v0 =	vtrunc.f32 v0  }
0x37: {  	v0 =	vcvt.f32.s32 v0;
	_ =	sdelay $0x1  }
0x38: {  	v0 =	vadd.s32 s20, v0  }
0x39: {  	[tilespmem:s19+$0x10] =	vst v0  }
0x3a: {  	v0 =	vld [tilespmem:s21+$0xFFFFFFF0];
	_ =	sdelay $0x4  }
0x3b: {  	v0 =	vtrunc.f32 v0  }
0x3c: {  	v0 =	vcvt.f32.s32 v0;
	_ =	sdelay $0x1  }
0x3d: {  	v0 =	vadd.s32 s20, v0  }
0x3e: {  	[tilespmem:s19+$0x20] =	vst v0  }
0x3f: {  	v0 =	vld [tilespmem:s21+$0x0];
	_ =	sdelay $0x4  }
0x40: {  	v0 =	vtrunc.f32 v0  }
0x41: {  	v0 =	vcvt.f32.s32 v0;
	_ =	sdelay $0x1  }
0x42: {  	v0 =	vadd.s32 s20, v0  }
0x43: {  	s1 =	simm.s32 $0x770;
	[tilespmem:s19+$0x30] =	vst v0  }
0x44: {  	s21 =	simm.s32 $0x30D40;
	s20 =	simm.s32 $0x186A0;
	v0 =	vld [tilespmem:s1+$0xFFFFFF90]  }
.LBB2_3:
0x45: {  	p0 =	sne.s32 s21, $0x124F80;
	_ =	sdelay $0x3  }
0x46: {  	v0 =	vtrunc.f32 v0  }
0x47: {  	v0 =	vcvt.f32.s32 v0;
	_ =	sdelay $0x1  }
0x48: {  	s19 =	sadd.s32 $0x80, s19;
	v0 =	vadd.s32 s20, v0  }
0x49: {  	[tilespmem:s19+$0xFFFFFFC0] =	vst v0  }
0x4a: {  	v0 =	vld [tilespmem:s1+$0xFFFFFFA0];
	_ =	sdelay $0x4  }
0x4b: {  	v0 =	vtrunc.f32 v0  }
0x4c: {  	v0 =	vcvt.f32.s32 v0;
	_ =	sdelay $0x1  }
0x4d: {  	v0 =	vadd.s32 s20, v0  }
0x4e: {  	[tilespmem:s19+$0xFFFFFFD0] =	vst v0  }
0x4f: {  	v0 =	vld [tilespmem:s1+$0xFFFFFFB0];
	_ =	sdelay $0x4  }
0x50: {  	v0 =	vtrunc.f32 v0  }
0x51: {  	v0 =	vcvt.f32.s32 v0;
	_ =	sdelay $0x1  }
0x52: {  	v0 =	vadd.s32 s20, v0  }
0x53: {  	[tilespmem:s19+$0xFFFFFFE0] =	vst v0  }
0x54: {  	v0 =	vld [tilespmem:s1+$0xFFFFFFC0];
	_ =	sdelay $0x4  }
0x55: {  	v0 =	vtrunc.f32 v0  }
0x56: {  	v0 =	vcvt.f32.s32 v0;
	_ =	sdelay $0x1  }
0x57: {  	v0 =	vadd.s32 s20, v0  }
0x58: {  	[tilespmem:s19+$0xFFFFFFF0] =	vst v0  }
0x59: {  	v0 =	vld [tilespmem:s1+$0xFFFFFFD0];
	_ =	sdelay $0x4  }
0x5a: {  	v0 =	vtrunc.f32 v0  }
0x5b: {  	v0 =	vcvt.f32.s32 v0;
	_ =	sdelay $0x1  }
0x5c: {  	v0 =	vadd.s32 s20, v0  }
0x5d: {  	[tilespmem:s19+$0x0] =	vst v0  }
0x5e: {  	v0 =	vld [tilespmem:s1+$0xFFFFFFE0];
	_ =	sdelay $0x4  }
0x5f: {  	v0 =	vtrunc.f32 v0  }
0x60: {  	v0 =	vcvt.f32.s32 v0;
	_ =	sdelay $0x1  }
0x61: {  	v0 =	vadd.s32 s20, v0  }
0x62: {  	[tilespmem:s19+$0x10] =	vst v0  }
0x63: {  	v0 =	vld [tilespmem:s1+$0xFFFFFFF0];
	_ =	sdelay $0x4  }
0x64: {  	v0 =	vtrunc.f32 v0  }
0x65: {  	v0 =	vcvt.f32.s32 v0;
	_ =	sdelay $0x1  }
0x66: {  	v0 =	vadd.s32 s20, v0  }
0x67: {  	[tilespmem:s19+$0x20] =	vst v0  }
0x68: {  	v0 =	vld [tilespmem:s1+$0x0];
	_ =	sdelay $0x4  }
0x69: {  	v0 =	vtrunc.f32 v0  }
.Ltmp0:
0x6a: {  	v0 =	vcvt.f32.s32 v0;
	(pc) =	sbr.rel @p0 .LBB2_3-.Ltmp0, $4  }
0x6b: {  	_ = 	snop  }
0x6c: {  	v0 =	vadd.s32 s20, v0;
	s20 =	smov.u32 s21  }
0x6d: {  	s1 =	sadd.s32 $0x80, s1;
	[tilespmem:s19+$0x30] =	vst v0  }
0x6e: {  	s21 =	sadd.s32 $0x186A0, s21;
	v0 =	vld [tilespmem:s1+$0xFFFFFF90]  }
0x6f: {  	_ =	sdelay $0x3  }
0x70: {  	v0 =	vtrunc.f32 v0  }
0x71: {  	v0 =	vcvt.f32.s32 v0;
	_ =	sdelay $0x1  }
0x72: {  	s19 =	sadd.s32 $0x80, s19;
	v0 =	vadd.s32 s20, v0  }
0x73: {  	[tilespmem:s19+$0xFFFFFFC0] =	vst v0  }
0x74: {  	v0 =	vld [tilespmem:s1+$0xFFFFFFA0];
	_ =	sdelay $0x4  }
0x75: {  	v0 =	vtrunc.f32 v0  }
0x76: {  	v0 =	vcvt.f32.s32 v0;
	_ =	sdelay $0x1  }
0x77: {  	v0 =	vadd.s32 s20, v0  }
0x78: {  	[tilespmem:s19+$0xFFFFFFD0] =	vst v0  }
0x79: {  	v0 =	vld [tilespmem:s1+$0xFFFFFFB0];
	_ =	sdelay $0x4  }
0x7a: {  	v0 =	vtrunc.f32 v0  }
0x7b: {  	v0 =	vcvt.f32.s32 v0;
	_ =	sdelay $0x1  }
0x7c: {  	v0 =	vadd.s32 s20, v0  }
0x7d: {  	[tilespmem:s19+$0xFFFFFFE0] =	vst v0  }
0x7e: {  	v0 =	vld [tilespmem:s1+$0xFFFFFFC0];
	_ =	sdelay $0x4  }
0x7f: {  	v0 =	vtrunc.f32 v0  }
0x80: {  	v0 =	vcvt.f32.s32 v0;
	_ =	sdelay $0x1  }
0x81: {  	v0 =	vadd.s32 s20, v0  }
0x82: {  	[tilespmem:s19+$0xFFFFFFF0] =	vst v0  }
0x83: {  	v0 =	vld [tilespmem:s1+$0xFFFFFFD0];
	_ =	sdelay $0x4  }
0x84: {  	v0 =	vtrunc.f32 v0  }
0x85: {  	v0 =	vcvt.f32.s32 v0;
	_ =	sdelay $0x1  }
0x86: {  	v0 =	vadd.s32 s20, v0  }
0x87: {  	[tilespmem:s19+$0x0] =	vst v0  }
0x88: {  	v0 =	vld [tilespmem:s1+$0xFFFFFFE0];
	_ =	sdelay $0x4  }
0x89: {  	v0 =	vtrunc.f32 v0  }
0x8a: {  	v0 =	vcvt.f32.s32 v0;
	_ =	sdelay $0x1  }
0x8b: {  	v0 =	vadd.s32 s20, v0  }
0x8c: {  	[tilespmem:s19+$0x10] =	vst v0  }
0x8d: {  	v0 =	vld [tilespmem:s1+$0xFFFFFFF0];
	_ =	sdelay $0x4  }
0x8e: {  	v0 =	vtrunc.f32 v0  }
0x8f: {  	v0 =	vcvt.f32.s32 v0;
	_ =	sdelay $0x1  }
0x90: {  	v0 =	vadd.s32 s20, v0  }
0x91: {  	[tilespmem:s19+$0x20] =	vst v0  }
0x92: {  	v0 =	vld [tilespmem:s1+$0x0];
	_ =	sdelay $0x4  }
0x93: {  	v0 =	vtrunc.f32 v0  }
0x94: {  	v0 =	vcvt.f32.s32 v0;
	_ =	sdelay $0x1  }
0x95: {  	v0 =	vadd.s32 s20, v0  }
0x96: {  	s21 =	simm.s32 $0x1A00;
	s20 =	simm.s32 $0x1380;
	[tilespmem:s19+$0x30] =	vst v0  }
0x97: {  	[tilespmem:s21], [sflag:$0x1] =	stream.indirect.gather [hbm4b:s4+s11], $0x1, s20, s11, $0xb8;
	[tilespmem:$0x2110] =	vst v63  }
0x98: {  	s20 =	simm.s32 $0x1400;
	s21 =	simm.s32 $0x1A80  }
0x99: {  	[tilespmem:s21], [sflag:$0x1] =	stream.indirect.gather [hbm4b:s4+s11], $0x1, s20, s11, $0xb8;
	[tilespmem:$0x2110] =	vst v63  }
0x9a: {  	s20 =	simm.s32 $0x1480;
	s21 =	simm.s32 $0x1B00  }
0x9b: {  	[tilespmem:s21], [sflag:$0x1] =	stream.indirect.gather [hbm4b:s4+s11], $0x1, s20, s11, $0xb8;
	[tilespmem:$0x2110] =	vst v63  }
0x9c: {  	s20 =	simm.s32 $0x1500;
	s21 =	simm.s32 $0x1B80  }
0x9d: {  	[tilespmem:s21], [sflag:$0x1] =	stream.indirect.gather [hbm4b:s4+s11], $0x1, s20, s11, $0xb8;
	[tilespmem:$0x2110] =	vst v63  }
0x9e: {  	s19 =	simm.s32 $0x1580  }
0x9f: {  	[tilespmem:s22], [sflag:$0x1] =	stream.indirect.gather [hbm4b:s4+s11], $0x1, s19, s11, $0xb8;
	[tilespmem:$0x2110] =	vst v63  }
0xa0: {  	_ = 	snop  }
0xa1: {  	[tilespmem:s24], [sflag:$0x1] =	stream.indirect.gather [hbm4b:s4+s11], $0x1, s23, s11, $0xb8;
	[tilespmem:$0x2110] =	vst v63  }
0xa2: {  	_ = 	snop  }
0xa3: {  	[tilespmem:s26], [sflag:$0x1] =	stream.indirect.gather [hbm4b:s4+s11], $0x1, s25, s11, $0xb8;
	[tilespmem:$0x2110] =	vst v63  }
0xa4: {  	_ = 	snop  }
0xa5: {  	[tilespmem:s29], [sflag:$0x1] =	stream.indirect.gather [hbm4b:s4+s11], $0x1, s28, s11, $0xb8;
	[tilespmem:$0x2110] =	vst v63  }
0xa6: {  	_ = 	snop  }
0xa7: {  	[tilespmem:s31], [sflag:$0x1] =	stream.indirect.gather [hbm4b:s4+s11], $0x1, s30, s11, $0xb8;
	[tilespmem:$0x2110] =	vst v63  }
0xa8: {  	_ = 	snop  }
0xa9: {  	[tilespmem:s2], [sflag:$0x1] =	stream.indirect.gather [hbm4b:s4+s11], $0x1, s0, s11, $0xb8;
	[tilespmem:$0x2110] =	vst v63  }
0xaa: {  	_ = 	snop  }
0xab: {  	[tilespmem:s5], [sflag:$0x1] =	stream.indirect.gather [hbm4b:s4+s11], $0x1, s9, s11, $0xb8;
	[tilespmem:$0x2110] =	vst v63  }
0xac: {  	_ = 	snop  }
0xad: {  	[tilespmem:s12], [sflag:$0x1] =	stream.indirect.gather [hbm4b:s4+s11], $0x1, s8, s11, $0xb8;
	[tilespmem:$0x2110] =	vst v63  }
0xae: {  	_ = 	snop  }
0xaf: {  	[tilespmem:s14], [sflag:$0x1] =	stream.indirect.gather [hbm4b:s4+s11], $0x1, s13, s11, $0xb8;
	[tilespmem:$0x2110] =	vst v63  }
0xb0: {  	_ =	swait.ge [sflag:s15], $0x80  }
0xb1: {  	[sflag:s15] =	ssyncset.done $0x0  }
0xb2: {  	[sflag:s15] =	ssyncadd.s32 $0xFFFFFF80  }
0xb3: {  	_ =	swait.ge [sflag:s15], $0x80  }
0xb4: {  	[sflag:s15] =	ssyncset.done $0x0  }
0xb5: {  	[sflag:s15] =	ssyncadd.s32 $0xFFFFFF80  }
0xb6: {  	_ =	swait.ge [sflag:s15], $0x80  }
0xb7: {  	[sflag:s15] =	ssyncset.done $0x0  }
0xb8: {  	[sflag:s15] =	ssyncadd.s32 $0xFFFFFF80  }
0xb9: {  	_ =	swait.ge [sflag:s15], $0x80  }
0xba: {  	[sflag:s15] =	ssyncset.done $0x0  }
0xbb: {  	[sflag:s15] =	ssyncadd.s32 $0xFFFFFF80  }
0xbc: {  	_ =	swait.ge [sflag:s15], $0x80  }
0xbd: {  	[sflag:s15] =	ssyncset.done $0x0  }
0xbe: {  	[sflag:s15] =	ssyncadd.s32 $0xFFFFFF80  }
0xbf: {  	_ =	swait.ge [sflag:s15], $0x80  }
0xc0: {  	[sflag:s15] =	ssyncset.done $0x0  }
0xc1: {  	[sflag:s15] =	ssyncadd.s32 $0xFFFFFF80  }
0xc2: {  	_ =	swait.ge [sflag:s15], $0x80  }
0xc3: {  	[sflag:s15] =	ssyncset.done $0x0  }
0xc4: {  	[sflag:s15] =	ssyncadd.s32 $0xFFFFFF80  }
0xc5: {  	_ =	swait.ge [sflag:s15], $0x80  }
0xc6: {  	[sflag:s15] =	ssyncset.done $0x0  }
0xc7: {  	[sflag:s15] =	ssyncadd.s32 $0xFFFFFF80  }
0xc8: {  	_ =	swait.ge [sflag:s15], $0x80  }
0xc9: {  	[sflag:s15] =	ssyncset.done $0x0  }
0xca: {  	[sflag:s15] =	ssyncadd.s32 $0xFFFFFF80  }
0xcb: {  	_ =	swait.ge [sflag:s15], $0x80  }
0xcc: {  	[sflag:s15] =	ssyncset.done $0x0  }
0xcd: {  	[sflag:s15] =	ssyncadd.s32 $0xFFFFFF80  }
0xce: {  	_ =	swait.ge [sflag:s15], $0x80  }
0xcf: {  	[sflag:s15] =	ssyncset.done $0x0  }
0xd0: {  	[sflag:s15] =	ssyncadd.s32 $0xFFFFFF80  }
0xd1: {  	_ =	swait.ge [sflag:s15], $0x80  }
0xd2: {  	[sflag:s15] =	ssyncset.done $0x0  }
0xd3: {  	[sflag:s15] =	ssyncadd.s32 $0xFFFFFF80  }
0xd4: {  	_ =	swait.ge [sflag:s15], $0x80  }
0xd5: {  	[sflag:s15] =	ssyncset.done $0x0  }
0xd6: {  	[sflag:s15] =	ssyncadd.s32 $0xFFFFFF80  }
0xd7: {  	v0 =	vld [tilespmem:$0x2080]  }
0xd8: {  	v1 =	vld [tilespmem:$0x1A00]  }
0xd9: {  	v2 =	vld [tilespmem:$0x1A80]  }
0xda: {  	v3 =	vld [tilespmem:$0x1B00]  }
0xdb: {  	v4 =	vld [tilespmem:$0x1B80]  }
0xdc: {  	v5 =	vld [tilespmem:$0x1C00]  }
0xdd: {  	v12 =	vld [tilespmem:$0x1C80]  }
0xde: {  	v13 =	vld [tilespmem:$0x1D00]  }
0xdf: {  	v14 =	vld [tilespmem:$0x1D80]  }
0xe0: {  	v18 =	vld [tilespmem:$0x1E00]  }
0xe1: {  	v21 =	vld [tilespmem:$0x1E80]  }
0xe2: {  	v27 =	vld [tilespmem:$0x1F00]  }
0xe3: {  	v37 =	vld [tilespmem:$0x1F80]  }
0xe4: {  	v38 =	vld [tilespmem:$0x2000]  }
0xe5: {  	v40 =	vld [tilespmem:$0x0]  }
0xe6: {  	v62 =	vld [tilespmem:$0x80]  }
0xe7: {  	v59 =	vld [tilespmem:$0x100]  }
0xe8: {  	v45 =	vld [tilespmem:$0x180]  }
0xe9: {  	v35 =	vld [tilespmem:$0x200]  }
0xea: {  	v51 =	vld [tilespmem:$0x280]  }
0xeb: {  	v56 =	vld [tilespmem:$0x300]  }
0xec: {  	v6 =	vld [tilespmem:$0x380]  }
0xed: {  	v48 =	vld [tilespmem:$0x400]  }
0xee: {  	v49 =	vld [tilespmem:$0x480]  }
0xef: {  	v50 =	vld [tilespmem:$0x500]  }
0xf0: {  	v52 =	vld [tilespmem:$0x580]  }
0xf1: {  	v53 =	vld [tilespmem:$0x600]  }
0xf2: {  	v15 =	vld [tilespmem:$0x1A10]  }
0xf3: {  	v16 =	vld [tilespmem:$0x1A90]  }
0xf4: {  	v19 =	vld [tilespmem:$0x1B10]  }
0xf5: {  	v30 =	vld [tilespmem:$0x1B90]  }
0xf6: {  	v44 =	vld [tilespmem:$0x1C10]  }
0xf7: {  	v46 =	vld [tilespmem:$0x1C90]  }
0xf8: {  	v55 =	vld [tilespmem:$0x1E90]  }
0xf9: {  	v23 =	vld [tilespmem:$0x1F10]  }
0xfa: {  	v25 =	vld [tilespmem:$0x1F90]  }
0xfb: {  	v29 =	vld [tilespmem:$0x2010]  }
0xfc: {  	v31 =	vld [tilespmem:$0x10]  }
0xfd: {  	v36 =	vld [tilespmem:$0x90]  }
0xfe: {  	v39 =	vld [tilespmem:$0x110]  }
0xff: {  	v47 =	vld [tilespmem:$0x190]  }
0x100: {  	v57 =	vld [tilespmem:$0x290]  }
0x101: {  	v61 =	vld [tilespmem:$0x310]  }
0x102: {  	v54 =	vld [tilespmem:$0x390]  }
0x103: {  	v58 =	vld [tilespmem:$0x410]  }
0x104: {  	v60 =	vld [tilespmem:$0x490]  }
0x105: {  	v63 =	vld [tilespmem:$0x510]  }
0x106: {  	v9 =	vld [tilespmem:$0x590]  }
0x107: {  	v10 =	vld [tilespmem:$0x610]  }
0x108: {  	v42 =	vld [tilespmem:$0x1A20]  }
0x109: {  	v41 =	vld [tilespmem:$0x1AA0]  }
0x10a: {  	v17 =	vld [tilespmem:$0x1B20]  }
0x10b: {  	v22 =	vld [tilespmem:$0x1BA0]  }
0x10c: {  	v26 =	vld [tilespmem:$0x1C20]  }
0x10d: {  	v32 =	vld [tilespmem:$0x1CA0]  }
0x10e: {  	v33 =	vld [tilespmem:$0x1D20]  }
0x10f: {  	v43 =	vld [tilespmem:$0x1DA0]  }
0x110: {  	v11 =	vld [tilespmem:$0x2020]  }
0x111: {  	v20 =	vld [tilespmem:$0x20]  }
0x112: {  	v24 =	vld [tilespmem:$0xA0]  }
0x113: {  	v28 =	vld [tilespmem:$0x120]  }
0x114: {  	v34 =	vld [tilespmem:$0x1A0]  }
0x115: {  	v7 =	vld [tilespmem:$0x1AB0]  }
0x116: {  	v8 =	vld [tilespmem:$0x1B30]  }
0x117: {  	[tilespmem:$0x1FDE0] =	vst v49;
	v49 =	vld [tilespmem:$0x1D10]  }
0x118: {  	[tilespmem:$0x1FE00] =	vst v50;
	v50 =	vld [tilespmem:$0x1D90]  }
0x119: {  	[tilespmem:$0x1FEC0] =	vst v53;
	v53 =	vld [tilespmem:$0x1E10]  }
0x11a: {  	[tilespmem:$0x1FE60] =	vst v52;
	v52 =	vld [tilespmem:$0x210]  }
0x11b: {  	[tilespmem:$0x1FDD0] =	vst v48;
	v48 =	vld [tilespmem:$0x1E20]  }
0x11c: {  	[tilespmem:$0x1FDF0] =	vst v54;
	v54 =	vld [tilespmem:$0x1EA0]  }
0x11d: {  	[tilespmem:$0x1FE10] =	vst v58;
	v58 =	vld [tilespmem:$0x1F20]  }
0x11e: {  	[tilespmem:$0x1FE70] =	vst v63;
	v63 =	vld [tilespmem:$0x1FA0]  }
0x11f: {  	[tilespmem:$0x1FE30] =	vst v60;
	v60 =	vld [tilespmem:$0x220]  }
0x120: {  	[tilespmem:$0x1FEA0] =	vst v9;
	v9 =	vld [tilespmem:$0x2A0]  }
0x121: {  	[tilespmem:$0x1FEE0] =	vst v10;
	v10 =	vld [tilespmem:$0x320]  }
0x122: {  	[tilespmem:$0x1FE20] =	vst v11;
	v11 =	vld [tilespmem:$0x3A0]  }
0x123: {  	[tilespmem:$0x1FE40] =	vst v20;
	v20 =	vld [tilespmem:$0x420]  }
0x124: {  	[tilespmem:$0x1FE50] =	vst v24;
	v24 =	vld [tilespmem:$0x4A0]  }
0x125: {  	[tilespmem:$0x1FE80] =	vst v28;
	v28 =	vld [tilespmem:$0x520];
	v42 =	vadd.f32 $0.0e+00, v42  }
0x126: {  	[tilespmem:$0x1FE90] =	vst v34;
	v34 =	vld [tilespmem:$0x5A0]  }
0x127: {  	[tilespmem:$0x1FDC0] =	vst v6;
	v6 =	vld [tilespmem:$0x1A30];
	v42 =	vadd.f32 v41, v42  }
0x128: {  	v41 =	vld [tilespmem:$0x1E40]  }
0x129: {  	v17 =	vadd.f32 v17, v42;
	v42 =	vld [tilespmem:$0x1F40]  }
0x12a: {  	v1 =	vadd.f32 $0.0e+00, v1;
	[tilespmem:$0x1FEB0] =	vst v60;
	v60 =	vld [tilespmem:$0x620]  }
0x12b: {  	[tilespmem:$0x1FED0] =	vst v9;
	v9 =	vld [tilespmem:$0x1BB0]  }
0x12c: {  	v1 =	vadd.f32 v2, v1;
	[tilespmem:$0x1FEF0] =	vst v10;
	v10 =	vld [tilespmem:$0x1C30]  }
0x12d: {  	[tilespmem:$0x1FF10] =	vst v11;
	v11 =	vld [tilespmem:$0x1CB0]  }
0x12e: {  	v1 =	vadd.f32 v3, v1;
	[tilespmem:$0x1FF20] =	vst v20;
	v20 =	vld [tilespmem:$0x1D30]  }
0x12f: {  	[tilespmem:$0x1FF30] =	vst v24;
	v24 =	vld [tilespmem:$0x1DB0]  }
0x130: {  	[tilespmem:$0x1FF40] =	vst v28;
	v28 =	vld [tilespmem:$0x1E30];
	v1 =	vadd.f32 v4, v1  }
0x131: {  	[tilespmem:$0x1FF50] =	vst v34;
	v34 =	vld [tilespmem:$0x1F30];
	v17 =	vadd.f32 v22, v17  }
0x132: {  	v1 =	vadd.f32 v5, v1;
	v5 =	vadd.f32 $0.0e+00, v15;
	v15 =	vld [tilespmem:$0x2030]  }
0x133: {  	v17 =	vadd.f32 v26, v17;
	v26 =	vld [tilespmem:$0x2C0]  }
0x134: {  	v6 =	vadd.f32 $0.0e+00, v6;
	v1 =	vadd.f32 v12, v1;
	v12 =	vld [tilespmem:$0x1EB0]  }
0x135: {  	v2 =	vadd.f32 v16, v5;
	v16 =	vld [tilespmem:$0xB0]  }
0x136: {  	v7 =	vadd.f32 v7, v6;
	[tilespmem:$0x1FF70] =	vst v60;
	v60 =	vld [tilespmem:$0x230]  }
0x137: {  	v17 =	vadd.f32 v32, v17;
	v32 =	vld [tilespmem:$0x1A50]  }
0x138: {  	v8 =	vadd.f32 v8, v7;
	v1 =	vadd.f32 v13, v1;
	v13 =	vld [tilespmem:$0x1FB0]  }
0x139: {  	v2 =	vadd.f32 v19, v2;
	v19 =	vld [tilespmem:$0x1B0]  }
0x13a: {  	v8 =	vadd.f32 v9, v8;
	v17 =	vadd.f32 v33, v17;
	v33 =	vld [tilespmem:$0x1FDC0]  }
0x13b: {  	v1 =	vadd.f32 v14, v1;
	v14 =	vld [tilespmem:$0x30]  }
0x13c: {  	v10 =	vadd.f32 v10, v8;
	v2 =	vadd.f32 v30, v2;
	v30 =	vld [tilespmem:$0x2B0]  }
0x13d: {  	v17 =	vadd.f32 v43, v17;
	v1 =	vadd.f32 v18, v1;
	v18 =	vld [tilespmem:$0x130]  }
0x13e: {  	v2 =	vadd.f32 v44, v2;
	v44 =	vld [tilespmem:$0x3B0]  }
0x13f: {  	v10 =	vadd.f32 v11, v10;
	v17 =	vadd.f32 v48, v17;
	v48 =	vld [tilespmem:$0x440]  }
0x140: {  	v4 =	vbroadcast v0, $0x0;
	v1 =	vadd.f32 v21, v1;
	v21 =	vld [tilespmem:$0x330]  }
0x141: {  	v10 =	vadd.f32 v20, v10;
	v2 =	vadd.f32 v46, v2;
	v46 =	vld [tilespmem:$0x4B0]  }
0x142: {  	v17 =	vadd.f32 v54, v17;
	v1 =	vadd.f32 v27, v1;
	v27 =	vmul.f32 v40, v4;
	v40 =	vld [tilespmem:$0x5B0]  }
0x143: {  	v43 =	vadd.f32 v24, v10;
	v2 =	vadd.f32 v49, v2;
	v49 =	vld [tilespmem:$0x630]  }
0x144: {  	v17 =	vadd.f32 v58, v17;
	v58 =	vld [tilespmem:$0x1FE60]  }
0x145: {  	v20 =	vadd.f32 v28, v43;
	v28 =	vld [tilespmem:$0x1FDF0];
	v1 =	vadd.f32 v37, v1  }
0x146: {  	v43 =	vld [tilespmem:$0x1FE10]  }
0x147: {  	v5 =	vbroadcast v0, $0x1;
	[tilespmem:$0x1FFB0] =	vst v48;
	v48 =	vld [tilespmem:$0x1FE30];
	v2 =	vadd.f32 v50, v2;
	v1 =	vadd.f32 v38, v1  }
0x148: {  	v3 =	vbroadcast v0, $0x2;
	v37 =	vld [tilespmem:$0x430]  }
0x149: {  	v50 =	vmul.f32 v62, v5;
	v62 =	vld [tilespmem:$0x1B40];
	[tilespmem:$0x1FF60] =	vst v40;
	v40 =	vadd.f32 v53, v2;
	v1 =	vadd.f32 v27, v1  }
0x14a: {  	v17 =	vadd.f32 v63, v17;
	v63 =	vld [tilespmem:$0x1FE80];
	v2 =	vbroadcast v0, $0x3  }
0x14b: {  	[tilespmem:$0x1FF00] =	vst v21;
	v21 =	vld [tilespmem:$0x1A40];
	v53 =	vmul.f32 v59, v3;
	v40 =	vadd.f32 v55, v40;
	v1 =	vadd.f32 v50, v1  }
0x14c: {  	v12 =	vadd.f32 v12, v20;
	v38 =	vld [tilespmem:$0x530];
	v45 =	vmul.f32 v45, v2  }
0x14d: {  	[tilespmem:$0x1FF80] =	vst v49;
	v59 =	vld [tilespmem:$0x1BC0];
	v23 =	vadd.f32 v23, v40;
	v49 =	vadd.f32 v53, v1;
	v1 =	vbroadcast v0, $0x4  }
0x14e: {  	v12 =	vadd.f32 v34, v12;
	v34 =	vld [tilespmem:$0x1BD0]  }
0x14f: {  	v27 =	vld [tilespmem:$0x1AC0];
	v23 =	vadd.f32 v25, v23;
	v45 =	vadd.f32 v45, v49;
	v35 =	vmul.f32 v35, v1  }
0x150: {  	v55 =	vld [tilespmem:$0x1C40];
	v12 =	vadd.f32 v13, v12  }
0x151: {  	v50 =	vld [tilespmem:$0x1D40];
	v23 =	vadd.f32 v29, v23;
	v25 =	vadd.f32 v35, v45;
	v35 =	vmul.f32 v31, v4  }
0x152: {  	v14 =	vmul.f32 v14, v4;
	v13 =	vbroadcast v0, $0xB;
	v40 =	vld [tilespmem:$0x1FC0];
	v12 =	vadd.f32 v15, v12  }
0x153: {  	v6 =	vbroadcast v0, $0x5;
	v53 =	vld [tilespmem:$0x1CC0];
	v29 =	vmul.f32 v36, v5;
	v23 =	vadd.f32 v35, v23  }
0x154: {  	v7 =	vbroadcast v0, $0x6;
	v12 =	vadd.f32 v14, v12;
	v14 =	vmul.f32 v58, v13;
	v58 =	vld [tilespmem:$0x1FEA0]  }
0x155: {  	v39 =	vmul.f32 v39, v3;
	v51 =	vmul.f32 v51, v6;
	v49 =	vld [tilespmem:$0x1DC0];
	v9 =	vadd.f32 v29, v23  }
0x156: {  	v36 =	vld [tilespmem:$0x2040];
	v31 =	vmul.f32 v56, v7  }
0x157: {  	v45 =	vld [tilespmem:$0x1EC0];
	v56 =	vmul.f32 v47, v2;
	v22 =	vadd.f32 v51, v25;
	v51 =	vadd.f32 v39, v9  }
0x158: {  	v47 =	vld [tilespmem:$0x240]  }
0x159: {  	v16 =	vmul.f32 v16, v5;
	v11 =	vadd.f32 v56, v51;
	v51 =	vmul.f32 v52, v1;
	v52 =	vld [tilespmem:$0x1FDD0]  }
0x15a: {  	v8 =	vbroadcast v0, $0x7;
	v35 =	vld [tilespmem:$0x40]  }
0x15b: {  	v12 =	vadd.f32 v16, v12;
	v25 =	vld [tilespmem:$0x3C0];
	v16 =	vmul.f32 v58, v13  }
0x15c: {  	v58 =	vld [tilespmem:$0x50];
	v22 =	vadd.f32 v31, v22;
	v39 =	vmul.f32 v33, v8;
	v9 =	vbroadcast v0, $0x8  }
0x15d: {  	v23 =	vld [tilespmem:$0xC0]  }
0x15e: {  	v29 =	vld [tilespmem:$0x140];
	v22 =	vadd.f32 v39, v22;
	v56 =	vmul.f32 v52, v9  }
0x15f: {  	v31 =	vld [tilespmem:$0x1C0]  }
0x160: {  	v22 =	vadd.f32 v56, v22;
	v56 =	vld [tilespmem:$0x1FDE0]  }
0x161: {  	v52 =	vld [tilespmem:$0x4C0]  }
0x162: {  	[tilespmem:$0x1FF90] =	vst v47;
	v47 =	vmul.f32 v57, v6;
	v33 =	vld [tilespmem:$0x5C0];
	v11 =	vadd.f32 v51, v11  }
0x163: {  	v10 =	vbroadcast v0, $0x9;
	v39 =	vld [tilespmem:$0x340]  }
0x164: {  	v51 =	vmul.f32 v61, v7;
	v61 =	vld [tilespmem:$0x540];
	v24 =	vadd.f32 v47, v11  }
0x165: {  	v47 =	vld [tilespmem:$0x1FE20];
	v57 =	vmul.f32 v56, v10  }
0x166: {  	v20 =	vmul.f32 v28, v8;
	v24 =	vadd.f32 v51, v24;
	[tilespmem:$0x1FFC0] =	vst v52;
	v52 =	vld [tilespmem:$0x1FE40]  }
0x167: {  	v22 =	vadd.f32 v57, v22;
	v57 =	vld [tilespmem:$0x1FE50]  }
0x168: {  	[tilespmem:$0x1FFE0] =	vst v33;
	v33 =	vld [tilespmem:$0x1AD0];
	v20 =	vadd.f32 v20, v24;
	v24 =	vmul.f32 v43, v9  }
0x169: {  	[tilespmem:$0x1FFA0] =	vst v39;
	v39 =	vld [tilespmem:$0x1FE00]  }
0x16a: {  	v51 =	vmul.f32 v48, v10;
	[tilespmem:$0x1FFD0] =	vst v61;
	v61 =	vld [tilespmem:$0x1FE70];
	v20 =	vadd.f32 v24, v20  }
0x16b: {  	v48 =	vld [tilespmem:$0x1DD0];
	v17 =	vadd.f32 v47, v17;
	v54 =	vmul.f32 v52, v4  }
0x16c: {  	v56 =	vadd.f32 v51, v20;
	v20 =	vmul.f32 v57, v5;
	v57 =	vld [tilespmem:$0x1FE90]  }
0x16d: {  	v11 =	vbroadcast v0, $0xA;
	v43 =	vld [tilespmem:$0x1C50];
	v17 =	vadd.f32 v54, v17  }
0x16e: {  	v47 =	vld [tilespmem:$0x1CD0]  }
0x16f: {  	v24 =	vmul.f32 v63, v3;
	v17 =	vadd.f32 v20, v17;
	v20 =	vmul.f32 v61, v11;
	v61 =	vld [tilespmem:$0x1FEB0]  }
0x170: {  	v28 =	vmul.f32 v39, v11;
	v39 =	vld [tilespmem:$0x1D50]  }
0x171: {  	v51 =	vld [tilespmem:$0x1E50];
	v24 =	vadd.f32 v24, v17;
	v17 =	vmul.f32 v57, v2  }
0x172: {  	v52 =	vld [tilespmem:$0x1ED0];
	v22 =	vadd.f32 v28, v22  }
0x173: {  	v17 =	vadd.f32 v17, v24;
	v24 =	vmul.f32 v60, v1;
	v60 =	vld [tilespmem:$0x1FEC0]  }
0x174: {  	v28 =	vld [tilespmem:$0x1B50];
	v14 =	vadd.f32 v14, v22;
	v22 =	vmul.f32 v18, v3;
	v63 =	vmul.f32 v61, v1  }
0x175: {  	v19 =	vmul.f32 v19, v2;
	v61 =	vld [tilespmem:$0x1FED0]  }
0x176: {  	v15 =	vbroadcast v0, $0xC;
	v12 =	vadd.f32 v22, v12;
	v17 =	vadd.f32 v63, v17;
	v63 =	vld [tilespmem:$0x1FEE0]  }
0x177: {  	v54 =	vld [tilespmem:$0x1F50]  }
0x178: {  	v12 =	vadd.f32 v19, v12;
	v18 =	vadd.f32 v20, v56;
	v56 =	vld [tilespmem:$0x1FD0];
	v19 =	vmul.f32 v60, v15  }
0x179: {  	v57 =	vld [tilespmem:$0x2050]  }
0x17a: {  	v16 =	vadd.f32 v16, v18;
	v18 =	vld [tilespmem:$0x2D0];
	v20 =	vmul.f32 v61, v6;
	v14 =	vadd.f32 v19, v14  }
0x17b: {  	v12 =	vadd.f32 v24, v12;
	v24 =	vmul.f32 v30, v6;
	v30 =	vld [tilespmem:$0x150];
	v22 =	vmul.f32 v63, v15  }
0x17c: {  	[tilespmem:$0x1FFF0] =	vst v14;
	v14 =	vadd.f32 v20, v17;
	v20 =	vld [tilespmem:$0x1FEF0]  }
0x17d: {  	v19 =	vadd.f32 v22, v16;
	v22 =	vld [tilespmem:$0x1FF00]  }
0x17e: {  	v12 =	vadd.f32 v24, v12;
	v24 =	vld [tilespmem:$0x1FF10]  }
0x17f: {  	v60 =	vld [tilespmem:$0xD0]  }
0x180: {  	v61 =	vld [tilespmem:$0x1D0]  }
0x181: {  	v63 =	vld [tilespmem:$0x250];
	v17 =	vmul.f32 v20, v7  }
0x182: {  	v16 =	vmul.f32 v22, v7;
	v20 =	vadd.f32 $0.0e+00, v21;
	v22 =	vld [tilespmem:$0x350]  }
0x183: {  	v14 =	vadd.f32 v17, v14;
	v17 =	vmul.f32 v24, v8;
	v24 =	vadd.f32 $0.0e+00, v32;
	v32 =	vld [tilespmem:$0x1FF20]  }
0x184: {  	v21 =	vmul.f32 v44, v8;
	v12 =	vadd.f32 v16, v12;
	v20 =	vadd.f32 v27, v20;
	v16 =	vld [tilespmem:$0x3D0]  }
0x185: {  	v17 =	vadd.f32 v17, v14;
	v24 =	vadd.f32 v33, v24;
	v14 =	vld [tilespmem:$0x450]  }
0x186: {  	v21 =	vadd.f32 v21, v12;
	v20 =	vadd.f32 v62, v20;
	v12 =	vld [tilespmem:$0x4D0]  }
0x187: {  	v37 =	vmul.f32 v37, v9;
	v28 =	vadd.f32 v28, v24;
	v24 =	vld [tilespmem:$0x550]  }
0x188: {  	v20 =	vadd.f32 v59, v20;
	v59 =	vmul.f32 v38, v11;
	v38 =	vld [tilespmem:$0x1FF50];
	v44 =	vmul.f32 v32, v9  }
0x189: {  	v32 =	vadd.f32 v37, v21;
	v21 =	vld [tilespmem:$0x5D0]  }
0x18a: {  	v37 =	vmul.f32 v46, v10;
	v28 =	vadd.f32 v34, v28;
	v17 =	vadd.f32 v44, v17;
	v44 =	vld [tilespmem:$0x1FF30]  }
0x18b: {  	v20 =	vadd.f32 v55, v20;
	v55 =	vld [tilespmem:$0x1AF0]  }
0x18c: {  	v32 =	vadd.f32 v37, v32;
	v37 =	vld [tilespmem:$0x1AE0];
	v28 =	vadd.f32 v43, v28  }
0x18d: {  	v43 =	vld [tilespmem:$0x1A70]  }
0x18e: {  	v27 =	vmul.f32 v38, v13;
	v38 =	vld [tilespmem:$0x1B60];
	v28 =	vadd.f32 v47, v28  }
0x18f: {  	v20 =	vadd.f32 v53, v20;
	v62 =	vmul.f32 v44, v10;
	v44 =	vld [tilespmem:$0x1FF40]  }
0x190: {  	v47 =	vld [tilespmem:$0x1FF80];
	v28 =	vadd.f32 v39, v28  }
0x191: {  	v53 =	vadd.f32 v50, v20;
	v50 =	vld [tilespmem:$0x1D60]  }
0x192: {  	v17 =	vadd.f32 v62, v17;
	v62 =	vld [tilespmem:$0x1A60];
	v28 =	vadd.f32 v48, v28  }
0x193: {  	v48 =	vld [tilespmem:$0x1BF0]  }
0x194: {  	v28 =	vadd.f32 v51, v28;
	v46 =	vmul.f32 v44, v11;
	v44 =	vld [tilespmem:$0x1FF60]  }
0x195: {  	v51 =	vld [tilespmem:$0x1C70]  }
0x196: {  	v28 =	vadd.f32 v52, v28;
	v17 =	vadd.f32 v46, v17;
	v46 =	vld [tilespmem:$0x1FF70]  }
0x197: {  	v32 =	vadd.f32 v59, v32;
	v59 =	vadd.f32 $0.0e+00, v62;
	v62 =	vld [tilespmem:$0x1B70]  }
0x198: {  	v28 =	vadd.f32 v54, v28;
	v54 =	vld [tilespmem:$0x2060]  }
0x199: {  	v33 =	vmul.f32 v44, v13;
	v44 =	vld [tilespmem:$0x1BE0]  }
0x19a: {  	v28 =	vadd.f32 v56, v28;
	v56 =	vld [tilespmem:$0x1F70]  }
0x19b: {  	v32 =	vadd.f32 v33, v32;
	v33 =	vmul.f32 v47, v15;
	v47 =	vld [tilespmem:$0x1CE0]  }
0x19c: {  	v17 =	vadd.f32 v27, v17;
	v27 =	vmul.f32 v46, v15;
	v46 =	vmul.f32 v58, v4;
	v58 =	vld [tilespmem:$0x60]  }
0x19d: {  	v43 =	vadd.f32 $0.0e+00, v43;
	v20 =	vadd.f32 v33, v32;
	v32 =	vld [tilespmem:$0x1C60]  }
0x19e: {  	v17 =	vadd.f32 v27, v17;
	v27 =	vadd.f32 v49, v53;
	v53 =	vld [tilespmem:$0x1DE0]  }
0x19f: {  	v49 =	vadd.f32 v55, v43;
	v55 =	vld [tilespmem:$0x1CF0]  }
0x1a0: {  	v28 =	vadd.f32 v57, v28;
	v33 =	vadd.f32 v37, v59;
	v59 =	vld [tilespmem:$0x1E60]  }
0x1a1: {  	v43 =	vld [tilespmem:$0x1FFA0]  }
0x1a2: {  	v28 =	vadd.f32 v46, v28;
	v46 =	vld [tilespmem:$0x170];
	v33 =	vadd.f32 v38, v33  }
0x1a3: {  	v37 =	vld [tilespmem:$0x4F0];
	v27 =	vadd.f32 v41, v27  }
0x1a4: {  	v34 =	vadd.f32 v62, v49;
	v62 =	vld [tilespmem:$0x1D70];
	v33 =	vadd.f32 v44, v33  }
0x1a5: {  	v49 =	vmul.f32 v60, v5;
	v60 =	vld [tilespmem:$0x1FF0];
	v27 =	vadd.f32 v45, v27  }
0x1a6: {  	v38 =	vld [tilespmem:$0x70];
	v34 =	vadd.f32 v48, v34;
	v32 =	vadd.f32 v32, v33  }
0x1a7: {  	v44 =	vld [tilespmem:$0x1EE0];
	v27 =	vadd.f32 v42, v27  }
0x1a8: {  	v26 =	vmul.f32 v26, v6;
	v45 =	vld [tilespmem:$0x1DF0];
	v34 =	vadd.f32 v51, v34;
	v32 =	vadd.f32 v47, v32  }
0x1a9: {  	v30 =	vmul.f32 v30, v3;
	v48 =	vld [tilespmem:$0x1E70];
	v28 =	vadd.f32 v49, v28;
	v27 =	vadd.f32 v40, v27  }
0x1aa: {  	v35 =	vmul.f32 v35, v4;
	v42 =	vld [tilespmem:$0xF0];
	v34 =	vadd.f32 v55, v34;
	v32 =	vadd.f32 v50, v32  }
0x1ab: {  	v57 =	vmul.f32 v61, v2;
	v28 =	vadd.f32 v30, v28;
	v47 =	vld [tilespmem:$0x1F60];
	v27 =	vadd.f32 v36, v27  }
0x1ac: {  	v23 =	vmul.f32 v23, v5;
	v40 =	vld [tilespmem:$0xE0];
	v33 =	vadd.f32 v62, v34;
	v52 =	vadd.f32 v53, v32  }
0x1ad: {  	v61 =	vmul.f32 v63, v1;
	v28 =	vadd.f32 v57, v28;
	v27 =	vadd.f32 v35, v27;
	v53 =	vld [tilespmem:$0x1EF0]  }
0x1ae: {  	v51 =	vmul.f32 v29, v3;
	v33 =	vadd.f32 v45, v33;
	v29 =	vadd.f32 v59, v52;
	v59 =	vld [tilespmem:$0x1FF90]  }
0x1af: {  	v25 =	vmul.f32 v25, v8;
	v55 =	vmul.f32 v31, v2;
	v31 =	vld [tilespmem:$0x460];
	v23 =	vadd.f32 v23, v27  }
0x1b0: {  	v18 =	vmul.f32 v18, v6;
	v50 =	vld [tilespmem:$0x1FE0];
	v28 =	vadd.f32 v61, v28;
	v33 =	vadd.f32 v48, v33  }
0x1b1: {  	v22 =	vmul.f32 v22, v7;
	v62 =	vld [tilespmem:$0x2070];
	v23 =	vadd.f32 v51, v23;
	v29 =	vadd.f32 v44, v29  }
0x1b2: {  	v18 =	vadd.f32 v18, v28;
	v45 =	vmul.f32 v58, v4;
	v58 =	vld [tilespmem:$0x2F0];
	v32 =	vadd.f32 v53, v33  }
0x1b3: {  	v35 =	vld [tilespmem:$0x4E0];
	v23 =	vadd.f32 v55, v23;
	v63 =	vadd.f32 v47, v29;
	v27 =	vmul.f32 v59, v1  }
0x1b4: {  	v16 =	vmul.f32 v16, v8;
	v48 =	vld [tilespmem:$0x1E0];
	v18 =	vadd.f32 v22, v18;
	v39 =	vadd.f32 v56, v32  }
0x1b5: {  	v0 =	vbroadcast v0, $0xD;
	v52 =	vld [tilespmem:$0x260];
	v41 =	vadd.f32 v50, v63;
	v23 =	vadd.f32 v27, v23  }
0x1b6: {  	v14 =	vmul.f32 v14, v9;
	v44 =	vld [tilespmem:$0x160];
	v16 =	vadd.f32 v16, v18;
	v30 =	vadd.f32 v60, v39  }
0x1b7: {  	v12 =	vmul.f32 v12, v10;
	v51 =	vld [tilespmem:$0x1F0];
	v23 =	vadd.f32 v26, v23;
	v26 =	vadd.f32 v54, v41  }
0x1b8: {  	v28 =	vmul.f32 v43, v7;
	v4 =	vmul.f32 v38, v4;
	v33 =	vld [tilespmem:$0x470];
	v47 =	vadd.f32 v62, v30  }
0x1b9: {  	v55 =	vld [tilespmem:$0x2E0];
	v14 =	vadd.f32 v14, v16;
	v50 =	vmul.f32 v40, v5;
	v49 =	vadd.f32 v45, v26  }
0x1ba: {  	v57 =	vmul.f32 v48, v2;
	v59 =	vld [tilespmem:$0x1FFB0];
	v5 =	vmul.f32 v42, v5;
	v4 =	vadd.f32 v4, v47  }
0x1bb: {  	v61 =	vmul.f32 v52, v1;
	v53 =	vmul.f32 v44, v3;
	v54 =	vld [tilespmem:$0x270];
	v22 =	vadd.f32 v50, v49  }
0x1bc: {  	v48 =	vmul.f32 v37, v10;
	v42 =	vld [tilespmem:$0x570];
	v3 =	vmul.f32 v46, v3;
	v4 =	vadd.f32 v5, v4  }
0x1bd: {  	v36 =	vadd.f32 v12, v14;
	v40 =	vmul.f32 v24, v11;
	v60 =	vld [tilespmem:$0x360];
	v56 =	vadd.f32 v53, v22  }
0x1be: {  	v2 =	vmul.f32 v51, v2;
	v39 =	vld [tilespmem:$0x560];
	v43 =	vmul.f32 v33, v9;
	v3 =	vadd.f32 v3, v4  }
0x1bf: {  	v62 =	vld [tilespmem:$0x370];
	v41 =	vmul.f32 v31, v9;
	v23 =	vadd.f32 v28, v23;
	v18 =	vadd.f32 v57, v56  }
0x1c0: {  	v63 =	vld [tilespmem:$0x3E0];
	v45 =	vmul.f32 v35, v10;
	v1 =	vmul.f32 v54, v1;
	v2 =	vadd.f32 v2, v3  }
0x1c1: {  	v29 =	vld [tilespmem:$0x3F0];
	v52 =	vmul.f32 v42, v11;
	v5 =	vmul.f32 v55, v6;
	v28 =	vadd.f32 v61, v18  }
0x1c2: {  	v30 =	vld [tilespmem:$0x1FFC0];
	v32 =	vmul.f32 v60, v7;
	v6 =	vmul.f32 v58, v6;
	v1 =	vadd.f32 v1, v2  }
0x1c3: {  	v38 =	vld [tilespmem:$0x1FFD0];
	v14 =	vmul.f32 v39, v11;
	v23 =	vadd.f32 v25, v23;
	v5 =	vadd.f32 v5, v28  }
0x1c4: {  	v44 =	vld [tilespmem:$0x5E0];
	v58 =	vadd.f32 v17, v0;
	v34 =	vmul.f32 v62, v7;
	v1 =	vadd.f32 v6, v1  }
0x1c5: {  	v46 =	vld [tilespmem:$0x5F0];
	v4 =	vmul.f32 v59, v9;
	v3 =	vmul.f32 v63, v8;
	v5 =	vadd.f32 v32, v5  }
0x1c6: {  	v47 =	vld [tilespmem:$0x1FFE0];
	v7 =	vadd.f32 v40, v36;
	v8 =	vmul.f32 v29, v8;
	v1 =	vadd.f32 v34, v1  }
0x1c7: {  	v49 =	vld [tilespmem:$0x640];
	v4 =	vadd.f32 v4, v23;
	v2 =	vmul.f32 v30, v10;
	v3 =	vadd.f32 v3, v5  }
0x1c8: {  	v51 =	vld [tilespmem:$0x650];
	v50 =	vmul.f32 v21, v13;
	v59 =	vadd.f32 v20, v0;
	v1 =	vadd.f32 v8, v1  }
0x1c9: {  	v56 =	vld [tilespmem:$0x1FFF0];
	v2 =	vadd.f32 v2, v4;
	v4 =	vmul.f32 v38, v11;
	v3 =	vadd.f32 v41, v3  }
0x1ca: {  	v55 =	vmul.f32 v44, v13;
	v53 =	vld [tilespmem:$0x660];
	v7 =	vadd.f32 v50, v7;
	v1 =	vadd.f32 v43, v1  }
0x1cb: {  	v54 =	vld [tilespmem:$0x670];
	v2 =	vadd.f32 v4, v2;
	v4 =	vmul.f32 v47, v13;
	v3 =	vadd.f32 v45, v3  }
0x1cc: {  	v57 =	vadd.f32 v19, v0;
	v10 =	vmul.f32 v49, v15;
	v1 =	vadd.f32 v48, v1  }
0x1cd: {  	v6 =	vmul.f32 v46, v13;
	v2 =	vadd.f32 v4, v2;
	v3 =	vadd.f32 v14, v3  }
0x1ce: {  	v8 =	vadd.f32 v56, v0;
	v5 =	vmul.f32 v51, v15;
	v1 =	vadd.f32 v52, v1  }
0x1cf: {  	[tilespmem:$0x20B0] =	vst v58;
	v60 =	vmul.f32 v53, v15;
	v2 =	vadd.f32 v10, v2;
	v3 =	vadd.f32 v55, v3  }
0x1d0: {  	[tilespmem:$0x20C0] =	vst v59;
	v61 =	vmul.f32 v54, v15;
	v5 =	vadd.f32 v5, v7;
	v1 =	vadd.f32 v6, v1  }
0x1d1: {  	[tilespmem:$0x20A0] =	vst v57;
	v2 =	vadd.f32 v2, v0;
	v3 =	vadd.f32 v60, v3  }
0x1d2: {  	[tilespmem:$0x2090] =	vst v8;
	v62 =	vadd.f32 v5, v0;
	v1 =	vadd.f32 v61, v1  }
0x1d3: {  	[tilespmem:$0x20D0] =	vst v2;
	v63 =	vadd.f32 v3, v0  }
0x1d4: {  	s17 =	sadd.s32 $0x1, s17;
	[tilespmem:$0x20E0] =	vst v62;
	v0 =	vadd.f32 v1, v0  }
0x1d5: {  	p0 =	sne.s32 s17, $0x4;
	[tilespmem:$0x20F0] =	vst v63  }
.Ltmp1:
0x1d6: {  	s20 =	sadd.s32 s6, s18;
	s21 =	simm.s32 $0x0;
	[tilespmem:$0x2100] =	vst v0;
	(pc) =	sbr.rel @p0 .LBB2_2-.Ltmp1, $4  }
0x1d7: {  	[hbm4b:s20+s21] =	stream.linear.scatter [tilespmem:s16], [sflag:$0x2], $0x80, $0x38;
	[tilespmem:$0x2110] =	vst v63  }
0x1d8: {  	_ =	swait.ge [sflag:s10], $0x80  }
0x1d9: {  	[sflag:s10] =	ssyncset.done $0x0  }
0x1da: {  	[sflag:s10] =	ssyncadd.s32 $0xFFFFFF80  }
0x1db: {  	s17 =	rddreg [dreg:$0x4]  }
0x1dc: {  	s1 =	rddreg [dreg:$0x3];
	s17 =	sadd.s32 $0x1, s17  }
0x1dd: {  	p0 =	sne.s32 s17, s1  }
.Ltmp2:
0x1de: {  	_ = 	snop;
	(pc) =	sbr.rel @p0 .LBB2_1-.Ltmp2, $1  }
0x1df: {  	_ =	sdelay $0x3  }
0x1e0: {  	_ =	sfence.sel $0x180000  }
0x1e1: {  	[bflag:$0x0] =	sbarrier.arrive $0xFFFF  }
0x1e2: {  	_ =	strace $0x90000047  }
0x1e3: {  	s0 =	stileid.u32;
	[bflag:$0x2] =	sbarrier.arrive $0xFFFF  }
0x1e4: {  	p0 =	sne.s32 s0, $0x0;
	s0 =	rddreg [dreg:$0x1]  }
0x1e5: {  	s0 =	sadd.s32 @!p0 $0x100000, s0  }
0x1e6: {  	[sflag:s0] =	ssyncadd.tile.s32 @!p0 $0x1;
	_ =	shalt  }
.Lfunc_end2:
_tile_overlayer_lowered:
.L_overlay_start_2:
0x1e7: {  	(tag) =	ssettag $0x2  }
0x1e8: {  	s0 =	rddreg [dreg:$0x0];
	s2 =	stileid.u32  }
0x1e9: {  	s1 =	rddreg [dreg:$0x1];
	p0 =	sne.s32 s2, $0x0  }
0x1ea: {  	s3 =	rddreg [dreg:$0x2];
	[bflag:$0x3] =	sbarrier.arrive $0xFFFF;
	s2 =	simm.s32 @!p0 $0x1C02  }
0x1eb: {  	[timem:s3], [sflag:s2] =	dma.local @!p0 [hbm:s0], s1  }
0x1ec: {  	s0 =	simm.s32 @!p0 $0x2  }
0x1ed: {  	_ =	swait.ge @!p0 [sflag:s0], s1  }
0x1ee: {  	s1 =	ssub.s32 @!p0 $0x0, s1;
	[sflag:s0] =	ssyncset.done @!p0 $0x0  }
0x1ef: {  	[sflag:s0] =	ssyncadd.s32 @!p0 s1  }
0x1f0: {  	[bflag:$0x3] =	sbarrier.arrive $0xFFFF  }
0x1f1: {  	_ =	shalt  }

// kernel: kernel.9.cloned.1.call-start
scs
__scs_entry_jumppad:
0x0: {  	(pc) =	sbr.rel $0x88, $3  }
0x1: {  	(tag) =	ssettag $0x0;
	lr =	simm.s32 $0x1  }
0x2: {  	[smem:$0x3F9D] =	sst lr;
	_ =	strace $0xD0000000  }
0x3: {  	_ = 	snop  }
0x4: {  	_ = 	snop  }
0x5: {  	_ = 	snop  }
0x6: {  	_ = 	snop  }
0x7: {  	_ = 	snop  }
__scs_overlays_trampoline_lowered:
0x8: {  	[smem:$0x3FAC] =	sst s0  }
0x9: {  	[smem:$0x3FAD] =	sst s1  }
0xa: {  	[smem:$0x3FAE] =	sst s2  }
0xb: {  	[smem:$0x3FAF] =	sst s3  }
0xc: {  	[smem:$0x3FB0] =	sst s4  }
0xd: {  	[smem:$0x3FB1] =	sst s5  }
0xe: {  	[smem:$0x3FB2] =	sst s6  }
0xf: {  	[smem:$0x3FB3] =	sst s7  }
0x10: {  	[smem:$0x3FB4] =	sst s8  }
0x11: {  	[smem:$0x3FB5] =	sst s9;
	s0 =	simm.s32 @!p0 $0x0  }
0x12: {  	s1 =	sld [smem:$0x3F9B];
	s0 =	simm.s32 @p0 $0x1  }
0x13: {  	[smem:$0x3FB6] =	sst s0;
	s0 =	simm.s32 @!p1 $0x0  }
0x14: {  	s2 =	sld [smem:$0x3F9A];
	s0 =	simm.s32 @p1 $0x1  }
0x15: {  	[smem:$0x3FB7] =	sst s0;
	s0 =	simm.s32 @!p2 $0x0  }
0x16: {  	s3 =	sld [smem:$0x3FDB];
	s0 =	simm.s32 @p2 $0x1  }
0x17: {  	s4 =	simm.s32 $0x1BF5;
	[smem:$0x3FB9] =	sst s0  }
0x18: {  	s0 =	sld [smem:$0x3F9C];
	_ =	swait.ge [sflag:s4], $0x0  }
0x19: {  	s7 =	sld [smem:$0x3F9D]  }
0x1a: {  	s8 =	sadd.s32 $0xFFFFE003, lr  }
0x1b: {  	s9 =	sadd.s32 $0xFFFFFEF7, lr;
	s5 =	simm.s32 $0xFFFFFFFF;
	p2 =	slt.u32 s8, $0xFFFFF086  }
0x1c: {  	p1 =	slt.u32 s9, $0xF7A;
	s5 =	simm.s32 @!p2 $0x0  }
0x1d: {  	s5 =	simm.s32 @p1 $0x1;
	p0 =	seq.s32 s7, s2  }
0x1e: {  	s7 =	smul.u32 @!p0 $0xF7A, s2;
	p2 =	seq.s32 @!p0 s5, $0x0  }
0x1f: {  	s9 =	smul.u32 $0xF7A, s1;
	s8 =	simm.s32 @!p0 $0x1BF5;
	p2 =	por !p2, p0  }
0x20: {  	[sflag:s8] =	ssyncset.s32 @!p0 $0xFFFFF086;
	s6 =	sadd.s32 @!p0 s3, s7;
	s7 =	simm.s32 @!p0 $0x108  }
0x21: {  	s3 =	sadd.s32 s3, s9;
	s6 =	sadd.s32 @!p0 $0x88, s6;
	s7 =	simm.s32 @p2 $0x1082  }
0x22: {  	[simem:s7], [sflag:s8] =	dma.local @!p0 [hbm:s6], $0xF7A  }
0x23: {  	s9 =	sor.u32 $0xD0000000, s2;
	s6 =	simm.s32 $0x108;
	_ =	swait.ge @!p0 [sflag:s8], $0x0  }
0x24: {  	s3 =	sadd.s32 $0x88, s3;
	s6 =	simm.s32 @!p1 $0x1082;
	[sflag:s4] =	ssyncset.s32 $0xFFFFF086  }
0x25: {  	[simem:s6], [sflag:s4] =	dma.local [hbm:s3], $0xF7A  }
0x26: {  	[smem:$0x3F9D] =	sst s1;
	(tag) =	ssettag s2;
	_ =	strace s9  }
0x27: {  	s1 =	sld [smem:$0x3FAD]  }
0x28: {  	s2 =	sld [smem:$0x3FAE]  }
0x29: {  	s4 =	sld [smem:$0x3FB0]  }
0x2a: {  	p0 =	seq.s32 s5, $0x0;
	s5 =	sld [smem:$0x3FB1]  }
0x2b: {  	s6 =	sld [smem:$0x3FB2]  }
0x2c: {  	s7 =	sld [smem:$0x3FB3]  }
0x2d: {  	s3 =	simm.s32 $0x108;
	s8 =	sld [smem:$0x3FB4]  }
0x2e: {  	s3 =	simm.s32 @!p0 $0x1082;
	s9 =	sld [smem:$0x3FB5]  }
0x2f: {  	lr =	sadd.s32 s0, s3;
	s0 =	sld [smem:$0x3FAC]  }
0x30: {  	s3 =	sld [smem:$0x3FAF]  }
0x31: {  	[smem:$0x3FB8] =	sst s10  }
0x32: {  	s10 =	sld [smem:$0x3FB6];
	_ =	sdelay $0x3  }
0x33: {  	p0 =	seq.s32 s10, $0x1;
	s10 =	sld [smem:$0x3FB8];
	_ =	sdelay $0x3  }
0x34: {  	[smem:$0x3FB8] =	sst s10  }
0x35: {  	s10 =	sld [smem:$0x3FB7];
	_ =	sdelay $0x3  }
0x36: {  	p1 =	seq.s32 s10, $0x1;
	s10 =	sld [smem:$0x3FB8];
	_ =	sdelay $0x3  }
0x37: {  	[smem:$0x3FB8] =	sst s10  }
0x38: {  	s10 =	sld [smem:$0x3FB9]  }
0x39: {  	_ = 	snop;
	(pc) =	sbr.ind lr, $3  }
0x3a: {  	_ = 	snop  }
0x3b: {  	_ = 	snop  }
0x3c: {  	p2 =	seq.s32 s10, $0x1;
	s10 =	sld [smem:$0x3FB8]  }
0x3d: {  	_ =	shalt  }
0x3e: {  	_ =	shalt  }
0x3f: {  	_ =	shalt  }
0x40: {  	_ =	shalt  }
0x41: {  	_ =	shalt  }
0x42: {  	_ =	shalt  }
0x43: {  	_ =	shalt  }
0x44: {  	_ =	shalt  }
0x45: {  	_ =	shalt  }
0x46: {  	_ =	shalt  }
0x47: {  	_ =	shalt  }
0x48: {  	_ =	shalt  }
0x49: {  	_ =	shalt  }
0x4a: {  	_ =	shalt  }
0x4b: {  	_ =	shalt  }
0x4c: {  	_ =	shalt  }
0x4d: {  	_ =	shalt  }
0x4e: {  	_ =	shalt  }
0x4f: {  	_ =	shalt  }
0x50: {  	_ =	shalt  }
0x51: {  	_ =	shalt  }
0x52: {  	_ =	shalt  }
0x53: {  	_ =	shalt  }
0x54: {  	_ =	shalt  }
0x55: {  	_ =	shalt  }
0x56: {  	_ =	shalt  }
0x57: {  	_ =	shalt  }
0x58: {  	_ =	shalt  }
0x59: {  	_ =	shalt  }
0x5a: {  	_ =	shalt  }
0x5b: {  	_ =	shalt  }
0x5c: {  	_ =	shalt  }
0x5d: {  	_ =	shalt  }
0x5e: {  	_ =	shalt  }
0x5f: {  	_ =	shalt  }
0x60: {  	_ =	shalt  }
0x61: {  	_ =	shalt  }
0x62: {  	_ =	shalt  }
0x63: {  	_ =	shalt  }
0x64: {  	_ =	shalt  }
0x65: {  	_ =	shalt  }
0x66: {  	_ =	shalt  }
0x67: {  	_ =	shalt  }
0x68: {  	_ =	shalt  }
0x69: {  	_ =	shalt  }
0x6a: {  	_ =	shalt  }
0x6b: {  	_ =	shalt  }
0x6c: {  	_ =	shalt  }
0x6d: {  	_ =	shalt  }
0x6e: {  	_ =	shalt  }
0x6f: {  	_ =	shalt  }
0x70: {  	_ =	shalt  }
0x71: {  	_ =	shalt  }
0x72: {  	_ =	shalt  }
0x73: {  	_ =	shalt  }
0x74: {  	_ =	shalt  }
0x75: {  	_ =	shalt  }
0x76: {  	_ =	shalt  }
0x77: {  	_ =	shalt  }
0x78: {  	_ =	shalt  }
0x79: {  	_ =	shalt  }
0x7a: {  	_ =	shalt  }
0x7b: {  	_ =	shalt  }
0x7c: {  	_ =	shalt  }
0x7d: {  	_ =	shalt  }
0x7e: {  	_ =	shalt  }
0x7f: {  	_ =	shalt  }
0x80: {  	_ =	shalt  }
0x81: {  	_ =	shalt  }
0x82: {  	_ =	shalt  }
0x83: {  	_ =	shalt  }
0x84: {  	_ =	shalt  }
0x85: {  	_ =	shalt  }
0x86: {  	_ =	shalt  }
0x87: {  	_ =	shalt  }
.Lfunc_end0:
.L_simem_size_0:
called_computation.1_lowered:
.L_overlay_start_0:
0x88: {  	s2 =	sld [smem:$0x3FD9]  }
0x89: {  	s3 =	sld [smem:$0x3FFE];
	_ =	sdelay $0x1  }
0x8a: {  	s1 =	srdreg.scid  }
0x8b: {  	s0 =	sand.u32 $0x1, s1  }
0x8c: {  	s17 =	sshll.u32 s0, $0xA;
	s2 =	sadd.s32 s3, s2  }
0x8d: {  	s2 =	sadd.s32 s2, s17  }
0x8e: {  	[smem:$0x3FC4] =	sst s2  }
0x8f: {  	_ = 	snop  }
0x90: {  	s2 =	sld [smem:$0x3FD0];
	(tm) =	ssettm $0x1  }
0x91: {  	s18 =	sld [smem:$0x3FFB];
	_ =	sdelay $0x3  }
0x92: {  	_ =	strace s18  }
0x93: {  	s3 =	sld [smem:$0x3FFC];
	_ =	sdelay $0x3  }
0x94: {  	_ =	strace s3  }
0x95: {  	s3 =	sld [smem:$0x3FFD];
	_ =	sdelay $0x3  }
0x96: {  	_ =	strace s3  }
0x97: {  	_ =	strace $0x8FFFFFFF  }
0x98: {  	s19 =	sld [smem:$0x3FDB];
	_ =	sdelay $0x1  }
0x99: {  	s4 =	simm.s32 $_scs_section_size  }
0x9a: {  	s5 =	simm.s32 $_size__tile_overlayer_lowered;
	s6 =	simm.s32 $_tile_overlayer_lowered  }
0x9b: {  	s22 =	simm.s32 $0x1BFF;
	s21 =	sshll.u32 s6, $0x1;
	s3 =	sadd.s32 s4, s19  }
0x9c: {  	s7 =	simm.s32 $0x0;
	s20 =	sshll.u32 s5, $0x1;
	s5 =	sadd.s32 s21, s3  }
0x9d: {  	[timem:s7], [sflag:s22] =	dma.local [hbm:s5], s20  }
0x9e: {  	_ =	swait.ge [sflag:s22], s20  }
0x9f: {  	s4 =	ssub.s32 $0x0, s20;
	[sflag:s22] =	ssyncset.done $0x0  }
0xa0: {  	[sflag:s22] =	ssyncadd.s32 s4;
	_ =	sdelay $0x1  }
0xa1: {  	s23 =	simm.s32 $0x1B8B  }
0xa2: {  	_ =	swait.ge [sflag:s23], $0x1  }
0xa3: {  	[sflag:s23] =	ssyncset.done $0x0  }
0xa4: {  	s25 =	simm.s32 $0x1B8E;
	s24 =	sld [smem:$0x3FFE];
	[sflag:s23] =	ssyncadd.s32 $0xFFFFFFFF  }
0xa5: {  	s26 =	simm.s32 $execute0_lowered;
	[smem:$0x3FD2] =	sst s25  }
0xa6: {  	s5 =	sshll.u32 s26, $0x1;
	_ =	strace $0x80000049;
	[dreg:$0x1] =	wrdreg $0xFFFFFFFF  }
0xa7: {  	s28 =	simm.s32 $_size_execute0_lowered;
	s3 =	sadd.s32 s3, s5;
	[dreg:$0x0] =	wrdreg $0x0  }
0xa8: {  	s5 =	sshll.u32 s28, $0x1;
	[dreg:$0x2] =	wrdreg s3  }
0xa9: {  	[dreg:$0x3] =	wrdreg s5  }
0xaa: {  	[dreg:$0x4] =	wrdreg $0xC0  }
0xab: {  	_ =	task [dreg:s7], $0x5FFFF  }
0xac: {  	[dreg:$0x1] =	wrdreg $0xFFFFFFFF  }
0xad: {  	[dreg:$0x0] =	wrdreg $0x60  }
0xae: {  	[dreg:$0x2] =	wrdreg s24  }
0xaf: {  	[dreg:$0x3] =	wrdreg s2  }
0xb0: {  	[dreg:$0x4] =	wrdreg $0x9  }
0xb1: {  	_ =	task.clear_ibuf [dreg:s7], $0x5FFFF;
	_ =	strace $0x90000049  }
0xb2: {  	s29 =	simm.s32 $0x9;
	_ =	strace $0x8000004B  }
0xb3: {  	_ =	swait.ge [sflag:s29], $0x1  }
0xb4: {  	[sflag:s29] =	ssyncadd.s32 $0xFFFFFFFF  }
0xb5: {  	_ =	strace $0x9000004B  }
0xb6: {  	_ =	sfence  }
0xb7: {  	s30 =	sld [smem:$0x0];
	_ =	sdelay $0x2  }
0xb8: {  	s31 =	sshll.u32 s1, $0xD;
	s1 =	sshrl.u32 s1, $0x2  }
0xb9: {  	s3 =	sand.u32 $0x4000, s31;
	s1 =	sadd.s32 s1, s30  }
0xba: {  	s0 =	sor.u32 s3, s0;
	s1 =	sshll.u32 s1, $0x11  }
0xbb: {  	s0 =	sor.u32 s1, s0  }
0xbc: {  	s0 =	sadd.s32 $0x8F2B, s0  }
0xbd: {  	[sflag:s0] =	ssyncadd.remote.s32 $0x1  }
0xbe: {  	_ =	sfence.sel $0xFFFF  }
0xbf: {  	[dreg:$0x0] =	wrdreg $0xFFFFFFFF;
	(pc) =	sbr.abs _section_cstart, $3  }
0xc0: {  	[dreg:$0x1] =	wrdreg $0xFFFFFFFF  }
0xc1: {  	_ =	task.clear_ibuf [dreg:s7], $0x2FFFF;
	_ =	strace $0x9FFFFFFF  }
0xc2: {  	(tm) =	ssettm $0x7FFFFFFF  }
0xc3: {  	_ =	shalt  }
tec
execute0_lowered:
.L_overlay_start_1:
0x0: {  	(tag) =	ssettag $0x1  }
0x1: {  	s0 =	rddreg [dreg:$0x0];
	s1 =	simm.s32 $0x0;
	s24 =	srdreg.scid  }
0x2: {  	s7 =	stileid.u32;
	s11 =	simm.s32 $0x2;
	s12 =	simm.s32 $0x80  }
0x3: {  	s14 =	simm.s32 $0x2090;
	s28 =	simm.s32 $0x1680;
	s29 =	simm.s32 $0x1D00  }
0x4: {  	s30 =	simm.s32 $0x1700;
	s31 =	simm.s32 $0x1D80;
	s10 =	simm.s32 $0x1800  }
0x5: {  	s9 =	simm.s32 $0x1880;
	s13 =	simm.s32 $0x1F80;
	s15 =	simm.s32 $0x1980  }
0x6: {  	s16 =	simm.s32 $0x2000;
	s17 =	simm.s32 $0x1;
	s19 =	simm.s32 $0x0  }
0x7: {  	[smem:$0x7FF] =	sst s1;
	s1 =	sand.u32 $0x1, s24;
	s4 =	sadd.s32 $0x28000, s0  }
0x8: {  	s5 =	sadd.s32 $0x3C200, s0;
	s6 =	sadd.s32 $0x3BA00, s0;
	s25 =	sshll.u32 s7, $0x7  }
0x9: {  	s0 =	sadd.s32 $0x3B800, s0;
	s24 =	simm.s32 $0x1C00;
	s7 =	simm.s32 $0x1E80  }
0xa: {  	_ =	strace $0x8000004A;
	s2 =	ssub.s32 $0x2, s1;
	s1 =	sshll.u32 s1, $0x6  }
0xb: {  	[dreg:$0x3] =	wrdreg s0;
	s0 =	simm.s32 $0x1780;
	s3 =	sshrl.u32 s2, $0x1  }
0xc: {  	s8 =	sor.u32 s1, s25;
	s25 =	simm.s32 $0x1600;
	s2 =	ssub.s32 s2, s3  }
0xd: {  	s1 =	simm.s32 $0x1F00;
	s3 =	simm.s32 $0x1E00;
	s26 =	smax.u32 s2, $0x1  }
0xe: {  	s2 =	simm.s32 $0x1900;
	[dreg:$0x4] =	wrdreg s26;
	s26 =	simm.s32 $0x1C80  }
.LBB2_1:
0xf: {  	[dreg:$0x5] =	wrdreg s19  }
0x10: {  	s18 =	simm.s32 $0x0;
	s23 =	rddreg [dreg:$0x3];
	s20 =	simm.s32 $0x2080  }
0x11: {  	[tilespmem:s20], [sflag:$0x2] =	stream.linear.gather [hbm4b:s23+s18], $0x10, $0x38;
	[tilespmem:$0x2110] =	vst v63  }
0x12: {  	_ =	swait.ge [sflag:s11], $0x10  }
0x13: {  	[sflag:s11] =	ssyncset.done $0x0  }
0x14: {  	s18 =	simm.s32 $0x0;
	[sflag:s11] =	ssyncadd.s32 $0xFFFFFFF0  }
.LBB2_2:
0x15: {  	s19 =	sshll.u32 s18, $0x4  }
0x16: {  	s19 =	sadd.s32 s8, s19  }
0x17: {  	s21 =	simm.s32 $0x0;
	s22 =	simm.s32 $0x4000;
	s20 =	sadd.s32 s4, s19  }
0x18: {  	[tilespmem:s21], [sflag:$0x2] =	stream.strided.gather [hbm4b:s20+s12], $0x1380, s22, s12, $0x38;
	[tilespmem:$0x2110] =	vst v63  }
0x19: {  	_ =	swait.ge [sflag:s11], $0x1380  }
0x1a: {  	[sflag:s11] =	ssyncset.done $0x0  }
0x1b: {  	s22 =	sadd.s32 s6, s19;
	[sflag:s11] =	ssyncadd.s32 $0xFFFFEC80  }
0x1c: {  	[tilespmem:s14], [sflag:$0x2] =	stream.linear.gather [hbm4b:s22+s21], $0x80, $0x38;
	[tilespmem:$0x2110] =	vst v63  }
0x1d: {  	_ =	swait.ge [sflag:s11], $0x80  }
0x1e: {  	[sflag:s11] =	ssyncset.done $0x0  }
0x1f: {  	s23 =	simm.s32 $0xD70;
	[sflag:s11] =	ssyncadd.s32 $0xFFFFFF80  }
0x20: {  	v0 =	vld [tilespmem:s23+$0xFFFFFF90];
	_ =	sdelay $0x4  }
0x21: {  	v0 =	vtrunc.f32 v0  }
0x22: {  	v0 =	vcvt.f32.s32 v0;
	_ =	sdelay $0x1  }
0x23: {  	s20 =	simm.s32 $0x13C0;
	v0 =	vadd.s32 s21, v0  }
0x24: {  	[tilespmem:s20+$0xFFFFFFC0] =	vst v0  }
0x25: {  	v0 =	vld [tilespmem:s23+$0xFFFFFFA0];
	_ =	sdelay $0x4  }
0x26: {  	v0 =	vtrunc.f32 v0  }
0x27: {  	v0 =	vcvt.f32.s32 v0;
	_ =	sdelay $0x1  }
0x28: {  	v0 =	vadd.s32 s21, v0  }
0x29: {  	[tilespmem:s20+$0xFFFFFFD0] =	vst v0  }
0x2a: {  	v0 =	vld [tilespmem:s23+$0xFFFFFFB0];
	_ =	sdelay $0x4  }
0x2b: {  	v0 =	vtrunc.f32 v0  }
0x2c: {  	v0 =	vcvt.f32.s32 v0;
	_ =	sdelay $0x1  }
0x2d: {  	v0 =	vadd.s32 s21, v0  }
0x2e: {  	[tilespmem:s20+$0xFFFFFFE0] =	vst v0  }
0x2f: {  	v0 =	vld [tilespmem:s23+$0xFFFFFFC0];
	_ =	sdelay $0x4  }
0x30: {  	v0 =	vtrunc.f32 v0  }
0x31: {  	v0 =	vcvt.f32.s32 v0;
	_ =	sdelay $0x1  }
0x32: {  	v0 =	vadd.s32 s21, v0  }
0x33: {  	[tilespmem:s20+$0xFFFFFFF0] =	vst v0  }
0x34: {  	v0 =	vld [tilespmem:s23+$0xFFFFFFD0];
	_ =	sdelay $0x4  }
0x35: {  	v0 =	vtrunc.f32 v0  }
0x36: {  	v0 =	vcvt.f32.s32 v0;
	_ =	sdelay $0x1  }
0x37: {  	v0 =	vadd.s32 s21, v0  }
0x38: {  	[tilespmem:s20+$0x0] =	vst v0  }
0x39: {  	v0 =	vld [tilespmem:s23+$0xFFFFFFE0];
	_ =	sdelay $0x4  }
0x3a: {  	v0 =	vtrunc.f32 v0  }
0x3b: {  	v0 =	vcvt.f32.s32 v0;
	_ =	sdelay $0x1  }
0x3c: {  	v0 =	vadd.s32 s21, v0  }
0x3d: {  	[tilespmem:s20+$0x10] =	vst v0  }
0x3e: {  	v0 =	vld [tilespmem:s23+$0xFFFFFFF0];
	_ =	sdelay $0x4  }
0x3f: {  	v0 =	vtrunc.f32 v0  }
0x40: {  	v0 =	vcvt.f32.s32 v0;
	_ =	sdelay $0x1  }
0x41: {  	v0 =	vadd.s32 s21, v0  }
0x42: {  	[tilespmem:s20+$0x20] =	vst v0  }
0x43: {  	v0 =	vld [tilespmem:s23+$0x0];
	_ =	sdelay $0x4  }
0x44: {  	v0 =	vtrunc.f32 v0  }
0x45: {  	v0 =	vcvt.f32.s32 v0;
	_ =	sdelay $0x1  }
0x46: {  	v0 =	vadd.s32 s21, v0  }
0x47: {  	s22 =	simm.s32 $0xDF0;
	[tilespmem:s20+$0x30] =	vst v0  }
0x48: {  	s23 =	simm.s32 $0x30D40;
	s21 =	simm.s32 $0x186A0;
	v0 =	vld [tilespmem:s22+$0xFFFFFF90]  }
.LBB2_3:
0x49: {  	p0 =	sne.s32 s23, $0x124F80;
	_ =	sdelay $0x3  }
0x4a: {  	v0 =	vtrunc.f32 v0  }
0x4b: {  	v0 =	vcvt.f32.s32 v0;
	_ =	sdelay $0x1  }
0x4c: {  	s20 =	sadd.s32 $0x80, s20;
	v0 =	vadd.s32 s21, v0  }
0x4d: {  	[tilespmem:s20+$0xFFFFFFC0] =	vst v0  }
0x4e: {  	v0 =	vld [tilespmem:s22+$0xFFFFFFA0];
	_ =	sdelay $0x4  }
0x4f: {  	v0 =	vtrunc.f32 v0  }
0x50: {  	v0 =	vcvt.f32.s32 v0;
	_ =	sdelay $0x1  }
0x51: {  	v0 =	vadd.s32 s21, v0  }
0x52: {  	[tilespmem:s20+$0xFFFFFFD0] =	vst v0  }
0x53: {  	v0 =	vld [tilespmem:s22+$0xFFFFFFB0];
	_ =	sdelay $0x4  }
0x54: {  	v0 =	vtrunc.f32 v0  }
0x55: {  	v0 =	vcvt.f32.s32 v0;
	_ =	sdelay $0x1  }
0x56: {  	v0 =	vadd.s32 s21, v0  }
0x57: {  	[tilespmem:s20+$0xFFFFFFE0] =	vst v0  }
0x58: {  	v0 =	vld [tilespmem:s22+$0xFFFFFFC0];
	_ =	sdelay $0x4  }
0x59: {  	v0 =	vtrunc.f32 v0  }
0x5a: {  	v0 =	vcvt.f32.s32 v0;
	_ =	sdelay $0x1  }
0x5b: {  	v0 =	vadd.s32 s21, v0  }
0x5c: {  	[tilespmem:s20+$0xFFFFFFF0] =	vst v0  }
0x5d: {  	v0 =	vld [tilespmem:s22+$0xFFFFFFD0];
	_ =	sdelay $0x4  }
0x5e: {  	v0 =	vtrunc.f32 v0  }
0x5f: {  	v0 =	vcvt.f32.s32 v0;
	_ =	sdelay $0x1  }
0x60: {  	v0 =	vadd.s32 s21, v0  }
0x61: {  	[tilespmem:s20+$0x0] =	vst v0  }
0x62: {  	v0 =	vld [tilespmem:s22+$0xFFFFFFE0];
	_ =	sdelay $0x4  }
0x63: {  	v0 =	vtrunc.f32 v0  }
0x64: {  	v0 =	vcvt.f32.s32 v0;
	_ =	sdelay $0x1  }
0x65: {  	v0 =	vadd.s32 s21, v0  }
0x66: {  	[tilespmem:s20+$0x10] =	vst v0  }
0x67: {  	v0 =	vld [tilespmem:s22+$0xFFFFFFF0];
	_ =	sdelay $0x4  }
0x68: {  	v0 =	vtrunc.f32 v0  }
0x69: {  	v0 =	vcvt.f32.s32 v0;
	_ =	sdelay $0x1  }
0x6a: {  	v0 =	vadd.s32 s21, v0  }
0x6b: {  	[tilespmem:s20+$0x20] =	vst v0  }
0x6c: {  	v0 =	vld [tilespmem:s22+$0x0];
	_ =	sdelay $0x4  }
0x6d: {  	v0 =	vtrunc.f32 v0  }
.Ltmp0:
0x6e: {  	v0 =	vcvt.f32.s32 v0;
	(pc) =	sbr.rel @p0 .LBB2_3-.Ltmp0, $4  }
0x6f: {  	_ = 	snop  }
0x70: {  	v0 =	vadd.s32 s21, v0;
	s21 =	smov.u32 s23  }
0x71: {  	s22 =	sadd.s32 $0x80, s22;
	[tilespmem:s20+$0x30] =	vst v0  }
0x72: {  	s23 =	sadd.s32 $0x186A0, s23;
	v0 =	vld [tilespmem:s22+$0xFFFFFF90]  }
0x73: {  	_ =	sdelay $0x3  }
0x74: {  	v0 =	vtrunc.f32 v0  }
0x75: {  	v0 =	vcvt.f32.s32 v0;
	_ =	sdelay $0x1  }
0x76: {  	s20 =	sadd.s32 $0x80, s20;
	v0 =	vadd.s32 s21, v0  }
0x77: {  	[tilespmem:s20+$0xFFFFFFC0] =	vst v0  }
0x78: {  	v0 =	vld [tilespmem:s22+$0xFFFFFFA0];
	_ =	sdelay $0x4  }
0x79: {  	v0 =	vtrunc.f32 v0  }
0x7a: {  	v0 =	vcvt.f32.s32 v0;
	_ =	sdelay $0x1  }
0x7b: {  	v0 =	vadd.s32 s21, v0  }
0x7c: {  	[tilespmem:s20+$0xFFFFFFD0] =	vst v0  }
0x7d: {  	v0 =	vld [tilespmem:s22+$0xFFFFFFB0];
	_ =	sdelay $0x4  }
0x7e: {  	v0 =	vtrunc.f32 v0  }
0x7f: {  	v0 =	vcvt.f32.s32 v0;
	_ =	sdelay $0x1  }
0x80: {  	v0 =	vadd.s32 s21, v0  }
0x81: {  	[tilespmem:s20+$0xFFFFFFE0] =	vst v0  }
0x82: {  	v0 =	vld [tilespmem:s22+$0xFFFFFFC0];
	_ =	sdelay $0x4  }
0x83: {  	v0 =	vtrunc.f32 v0  }
0x84: {  	v0 =	vcvt.f32.s32 v0;
	_ =	sdelay $0x1  }
0x85: {  	v0 =	vadd.s32 s21, v0  }
0x86: {  	[tilespmem:s20+$0xFFFFFFF0] =	vst v0  }
0x87: {  	v0 =	vld [tilespmem:s22+$0xFFFFFFD0];
	_ =	sdelay $0x4  }
0x88: {  	v0 =	vtrunc.f32 v0  }
0x89: {  	v0 =	vcvt.f32.s32 v0;
	_ =	sdelay $0x1  }
0x8a: {  	v0 =	vadd.s32 s21, v0  }
0x8b: {  	[tilespmem:s20+$0x0] =	vst v0  }
0x8c: {  	v0 =	vld [tilespmem:s22+$0xFFFFFFE0];
	_ =	sdelay $0x4  }
0x8d: {  	v0 =	vtrunc.f32 v0  }
0x8e: {  	v0 =	vcvt.f32.s32 v0;
	_ =	sdelay $0x1  }
0x8f: {  	v0 =	vadd.s32 s21, v0  }
0x90: {  	[tilespmem:s20+$0x10] =	vst v0  }
0x91: {  	v0 =	vld [tilespmem:s22+$0xFFFFFFF0];
	_ =	sdelay $0x4  }
0x92: {  	v0 =	vtrunc.f32 v0  }
0x93: {  	v0 =	vcvt.f32.s32 v0;
	_ =	sdelay $0x1  }
0x94: {  	v0 =	vadd.s32 s21, v0  }
0x95: {  	[tilespmem:s20+$0x20] =	vst v0  }
0x96: {  	v0 =	vld [tilespmem:s22+$0x0];
	_ =	sdelay $0x4  }
0x97: {  	v0 =	vtrunc.f32 v0  }
0x98: {  	v0 =	vcvt.f32.s32 v0;
	_ =	sdelay $0x1  }
0x99: {  	v0 =	vadd.s32 s21, v0  }
0x9a: {  	s23 =	simm.s32 $0x1A00;
	s22 =	simm.s32 $0x1380;
	[tilespmem:s20+$0x30] =	vst v0  }
0x9b: {  	[tilespmem:s23], [sflag:$0x1] =	stream.indirect.gather [hbm4b:s5+s12], $0x1, s22, s12, $0xb8;
	[tilespmem:$0x2110] =	vst v63  }
0x9c: {  	s22 =	simm.s32 $0x1400;
	s23 =	simm.s32 $0x1A80  }
0x9d: {  	[tilespmem:s23], [sflag:$0x1] =	stream.indirect.gather [hbm4b:s5+s12], $0x1, s22, s12, $0xb8;
	[tilespmem:$0x2110] =	vst v63  }
0x9e: {  	s22 =	simm.s32 $0x1480;
	s23 =	simm.s32 $0x1B00  }
0x9f: {  	[tilespmem:s23], [sflag:$0x1] =	stream.indirect.gather [hbm4b:s5+s12], $0x1, s22, s12, $0xb8;
	[tilespmem:$0x2110] =	vst v63  }
0xa0: {  	s22 =	simm.s32 $0x1500;
	s23 =	simm.s32 $0x1B80  }
0xa1: {  	[tilespmem:s23], [sflag:$0x1] =	stream.indirect.gather [hbm4b:s5+s12], $0x1, s22, s12, $0xb8;
	[tilespmem:$0x2110] =	vst v63  }
0xa2: {  	s21 =	simm.s32 $0x1580  }
0xa3: {  	[tilespmem:s24], [sflag:$0x1] =	stream.indirect.gather [hbm4b:s5+s12], $0x1, s21, s12, $0xb8;
	[tilespmem:$0x2110] =	vst v63  }
0xa4: {  	_ = 	snop  }
0xa5: {  	[tilespmem:s26], [sflag:$0x1] =	stream.indirect.gather [hbm4b:s5+s12], $0x1, s25, s12, $0xb8;
	[tilespmem:$0x2110] =	vst v63  }
0xa6: {  	_ = 	snop  }
0xa7: {  	[tilespmem:s29], [sflag:$0x1] =	stream.indirect.gather [hbm4b:s5+s12], $0x1, s28, s12, $0xb8;
	[tilespmem:$0x2110] =	vst v63  }
0xa8: {  	_ = 	snop  }
0xa9: {  	[tilespmem:s31], [sflag:$0x1] =	stream.indirect.gather [hbm4b:s5+s12], $0x1, s30, s12, $0xb8;
	[tilespmem:$0x2110] =	vst v63  }
0xaa: {  	_ = 	snop  }
0xab: {  	[tilespmem:s3], [sflag:$0x1] =	stream.indirect.gather [hbm4b:s5+s12], $0x1, s0, s12, $0xb8;
	[tilespmem:$0x2110] =	vst v63  }
0xac: {  	_ = 	snop  }
0xad: {  	[tilespmem:s7], [sflag:$0x1] =	stream.indirect.gather [hbm4b:s5+s12], $0x1, s10, s12, $0xb8;
	[tilespmem:$0x2110] =	vst v63  }
0xae: {  	_ = 	snop  }
0xaf: {  	[tilespmem:s1], [sflag:$0x1] =	stream.indirect.gather [hbm4b:s5+s12], $0x1, s9, s12, $0xb8;
	[tilespmem:$0x2110] =	vst v63  }
0xb0: {  	_ = 	snop  }
0xb1: {  	[tilespmem:s13], [sflag:$0x1] =	stream.indirect.gather [hbm4b:s5+s12], $0x1, s2, s12, $0xb8;
	[tilespmem:$0x2110] =	vst v63  }
0xb2: {  	_ = 	snop  }
0xb3: {  	[tilespmem:s16], [sflag:$0x1] =	stream.indirect.gather [hbm4b:s5+s12], $0x1, s15, s12, $0xb8;
	[tilespmem:$0x2110] =	vst v63  }
0xb4: {  	_ =	swait.ge [sflag:s17], $0x80  }
0xb5: {  	[sflag:s17] =	ssyncset.done $0x0  }
0xb6: {  	[sflag:s17] =	ssyncadd.s32 $0xFFFFFF80  }
0xb7: {  	_ =	swait.ge [sflag:s17], $0x80  }
0xb8: {  	[sflag:s17] =	ssyncset.done $0x0  }
0xb9: {  	[sflag:s17] =	ssyncadd.s32 $0xFFFFFF80  }
0xba: {  	_ =	swait.ge [sflag:s17], $0x80  }
0xbb: {  	[sflag:s17] =	ssyncset.done $0x0  }
0xbc: {  	[sflag:s17] =	ssyncadd.s32 $0xFFFFFF80  }
0xbd: {  	_ =	swait.ge [sflag:s17], $0x80  }
0xbe: {  	[sflag:s17] =	ssyncset.done $0x0  }
0xbf: {  	[sflag:s17] =	ssyncadd.s32 $0xFFFFFF80  }
0xc0: {  	_ =	swait.ge [sflag:s17], $0x80  }
0xc1: {  	[sflag:s17] =	ssyncset.done $0x0  }
0xc2: {  	[sflag:s17] =	ssyncadd.s32 $0xFFFFFF80  }
0xc3: {  	_ =	swait.ge [sflag:s17], $0x80  }
0xc4: {  	[sflag:s17] =	ssyncset.done $0x0  }
0xc5: {  	[sflag:s17] =	ssyncadd.s32 $0xFFFFFF80  }
0xc6: {  	_ =	swait.ge [sflag:s17], $0x80  }
0xc7: {  	[sflag:s17] =	ssyncset.done $0x0  }
0xc8: {  	[sflag:s17] =	ssyncadd.s32 $0xFFFFFF80  }
0xc9: {  	_ =	swait.ge [sflag:s17], $0x80  }
0xca: {  	[sflag:s17] =	ssyncset.done $0x0  }
0xcb: {  	[sflag:s17] =	ssyncadd.s32 $0xFFFFFF80  }
0xcc: {  	_ =	swait.ge [sflag:s17], $0x80  }
0xcd: {  	[sflag:s17] =	ssyncset.done $0x0  }
0xce: {  	[sflag:s17] =	ssyncadd.s32 $0xFFFFFF80  }
0xcf: {  	_ =	swait.ge [sflag:s17], $0x80  }
0xd0: {  	[sflag:s17] =	ssyncset.done $0x0  }
0xd1: {  	[sflag:s17] =	ssyncadd.s32 $0xFFFFFF80  }
0xd2: {  	_ =	swait.ge [sflag:s17], $0x80  }
0xd3: {  	[sflag:s17] =	ssyncset.done $0x0  }
0xd4: {  	[sflag:s17] =	ssyncadd.s32 $0xFFFFFF80  }
0xd5: {  	_ =	swait.ge [sflag:s17], $0x80  }
0xd6: {  	[sflag:s17] =	ssyncset.done $0x0  }
0xd7: {  	[sflag:s17] =	ssyncadd.s32 $0xFFFFFF80  }
0xd8: {  	_ =	swait.ge [sflag:s17], $0x80  }
0xd9: {  	[sflag:s17] =	ssyncset.done $0x0  }
0xda: {  	[sflag:s17] =	ssyncadd.s32 $0xFFFFFF80  }
0xdb: {  	v60 =	vld [tilespmem:$0x1A00]  }
0xdc: {  	v1 =	vld [tilespmem:$0x1A80]  }
0xdd: {  	v2 =	vld [tilespmem:$0x1B00]  }
0xde: {  	v3 =	vld [tilespmem:$0x1B80]  }
0xdf: {  	v4 =	vld [tilespmem:$0x1C00]  }
0xe0: {  	v5 =	vld [tilespmem:$0x1C80]  }
0xe1: {  	v6 =	vld [tilespmem:$0x1D00]  }
0xe2: {  	v7 =	vld [tilespmem:$0x1D80]  }
0xe3: {  	v8 =	vld [tilespmem:$0x1E00]  }
0xe4: {  	v9 =	vld [tilespmem:$0x1E80]  }
0xe5: {  	v10 =	vld [tilespmem:$0x1F00]  }
0xe6: {  	v11 =	vld [tilespmem:$0x1F80]  }
0xe7: {  	v12 =	vld [tilespmem:$0x2000]  }
0xe8: {  	v13 =	vld [tilespmem:$0x2090]  }
0xe9: {  	v14 =	vld [tilespmem:$0x1A10]  }
0xea: {  	v15 =	vld [tilespmem:$0x1A90]  }
0xeb: {  	v16 =	vld [tilespmem:$0x1B10]  }
0xec: {  	v17 =	vld [tilespmem:$0x1B90]  }
0xed: {  	v18 =	vld [tilespmem:$0x1C10]  }
0xee: {  	v19 =	vld [tilespmem:$0x1C90]  }
0xef: {  	v20 =	vld [tilespmem:$0x1D10]  }
0xf0: {  	v21 =	vld [tilespmem:$0x1D90]  }
0xf1: {  	v22 =	vld [tilespmem:$0x1E10]  }
0xf2: {  	v23 =	vld [tilespmem:$0x1E90]  }
0xf3: {  	v24 =	vld [tilespmem:$0x1F10]  }
0xf4: {  	v25 =	vld [tilespmem:$0x1F90]  }
0xf5: {  	v26 =	vld [tilespmem:$0x2010]  }
0xf6: {  	v27 =	vld [tilespmem:$0x20A0]  }
0xf7: {  	v28 =	vld [tilespmem:$0x1A20]  }
0xf8: {  	v29 =	vld [tilespmem:$0x1AA0]  }
0xf9: {  	v30 =	vld [tilespmem:$0x1B20]  }
0xfa: {  	v31 =	vld [tilespmem:$0x1BA0]  }
0xfb: {  	v32 =	vld [tilespmem:$0x1C20]  }
0xfc: {  	v33 =	vld [tilespmem:$0x1CA0]  }
0xfd: {  	v34 =	vld [tilespmem:$0x1D20]  }
0xfe: {  	v35 =	vld [tilespmem:$0x1DA0]  }
0xff: {  	v36 =	vld [tilespmem:$0x1E20]  }
0x100: {  	v37 =	vld [tilespmem:$0x1EA0]  }
0x101: {  	v38 =	vld [tilespmem:$0x1F20]  }
0x102: {  	v39 =	vld [tilespmem:$0x1FA0]  }
0x103: {  	v40 =	vld [tilespmem:$0x2020]  }
0x104: {  	v41 =	vld [tilespmem:$0x20B0]  }
0x105: {  	v42 =	vld [tilespmem:$0x1A30]  }
0x106: {  	v43 =	vld [tilespmem:$0x1AB0]  }
0x107: {  	v44 =	vld [tilespmem:$0x1B30]  }
0x108: {  	v45 =	vld [tilespmem:$0x1BB0]  }
0x109: {  	v46 =	vld [tilespmem:$0x1C30]  }
0x10a: {  	v47 =	vld [tilespmem:$0x1CB0]  }
0x10b: {  	v48 =	vld [tilespmem:$0x1D30]  }
0x10c: {  	v49 =	vld [tilespmem:$0x1DB0]  }
0x10d: {  	v50 =	vld [tilespmem:$0x1E30]  }
0x10e: {  	v51 =	vld [tilespmem:$0x1EB0]  }
0x10f: {  	v52 =	vld [tilespmem:$0x1F30]  }
0x110: {  	v53 =	vld [tilespmem:$0x1FB0]  }
0x111: {  	v54 =	vld [tilespmem:$0x2030]  }
0x112: {  	v55 =	vld [tilespmem:$0x20C0]  }
0x113: {  	v56 =	vld [tilespmem:$0x1A40]  }
0x114: {  	v57 =	vld [tilespmem:$0x1AC0]  }
0x115: {  	v58 =	vld [tilespmem:$0x1B40]  }
0x116: {  	v59 =	vld [tilespmem:$0x1BC0]  }
0x117: {  	v63 =	vld [tilespmem:$0x1A50];
	v0 =	vadd.f32 $0.0e+00, v60;
	v14 =	vadd.f32 $0.0e+00, v14  }
0x118: {  	v60 =	vld [tilespmem:$0x1C40];
	v61 =	vadd.f32 $0.0e+00, v28;
	v62 =	vadd.f32 $0.0e+00, v42  }
0x119: {  	v28 =	vld [tilespmem:$0x1CC0];
	v56 =	vadd.f32 $0.0e+00, v56;
	v0 =	vadd.f32 v1, v0  }
0x11a: {  	v42 =	vld [tilespmem:$0x1D40];
	v14 =	vadd.f32 v15, v14;
	v1 =	vadd.f32 v29, v61  }
0x11b: {  	v15 =	vadd.f32 v43, v62;
	v43 =	vld [tilespmem:$0x1AD0];
	v29 =	vadd.f32 v57, v56  }
0x11c: {  	v61 =	vld [tilespmem:$0x1AF0];
	v0 =	vadd.f32 v2, v0;
	v14 =	vadd.f32 v16, v14  }
0x11d: {  	v62 =	vld [tilespmem:$0x1B60];
	v1 =	vadd.f32 v30, v1;
	v15 =	vadd.f32 v44, v15  }
0x11e: {  	v56 =	vld [tilespmem:$0x2070];
	v29 =	vadd.f32 v58, v29;
	v0 =	vadd.f32 v3, v0  }
0x11f: {  	v2 =	vld [tilespmem:$0x1DC0];
	v14 =	vadd.f32 v17, v14;
	v15 =	vadd.f32 v45, v15  }
0x120: {  	v16 =	vld [tilespmem:$0x1E40];
	v1 =	vadd.f32 v31, v1;
	v29 =	vadd.f32 v59, v29  }
0x121: {  	v44 =	vld [tilespmem:$0x1B50];
	v0 =	vadd.f32 v4, v0;
	v15 =	vadd.f32 v46, v15  }
0x122: {  	v3 =	vld [tilespmem:$0x1EC0];
	v14 =	vadd.f32 v18, v14;
	v1 =	vadd.f32 v32, v1  }
0x123: {  	v17 =	vld [tilespmem:$0x1F40];
	v29 =	vadd.f32 v60, v29;
	v15 =	vadd.f32 v47, v15  }
0x124: {  	v45 =	vld [tilespmem:$0x1BD0];
	v5 =	vadd.f32 v5, v0;
	v14 =	vadd.f32 v19, v14  }
0x125: {  	v4 =	vld [tilespmem:$0x1FC0];
	v1 =	vadd.f32 v33, v1;
	v15 =	vadd.f32 v48, v15  }
0x126: {  	v18 =	vld [tilespmem:$0x2040];
	v19 =	vadd.f32 $0.0e+00, v63;
	v5 =	vadd.f32 v6, v5  }
0x127: {  	v46 =	vld [tilespmem:$0x1C50];
	v14 =	vadd.f32 v20, v14;
	v15 =	vadd.f32 v49, v15  }
0x128: {  	v47 =	vld [tilespmem:$0x1CD0];
	v1 =	vadd.f32 v34, v1;
	v6 =	vadd.f32 v43, v19  }
0x129: {  	v63 =	vld [tilespmem:$0x1B70];
	v5 =	vadd.f32 v7, v5;
	v15 =	vadd.f32 v50, v15  }
0x12a: {  	v33 =	vld [tilespmem:$0x1BE0];
	v14 =	vadd.f32 v21, v14;
	v1 =	vadd.f32 v35, v1  }
0x12b: {  	v48 =	vld [tilespmem:$0x1D50];
	v5 =	vadd.f32 v8, v5;
	v15 =	vadd.f32 v51, v15  }
0x12c: {  	v34 =	vld [tilespmem:$0x1BF0];
	v6 =	vadd.f32 v44, v6;
	v14 =	vadd.f32 v22, v14  }
0x12d: {  	v43 =	vld [tilespmem:$0x1D70];
	v5 =	vadd.f32 v9, v5;
	v15 =	vadd.f32 v52, v15  }
0x12e: {  	v49 =	vld [tilespmem:$0x1DD0];
	v1 =	vadd.f32 v36, v1;
	v14 =	vadd.f32 v23, v14  }
0x12f: {  	v5 =	vadd.f32 v10, v5;
	v52 =	vld [tilespmem:$0x1A60];
	v15 =	vadd.f32 v53, v15  }
0x130: {  	v6 =	vadd.f32 v45, v6;
	v14 =	vadd.f32 v24, v14;
	v53 =	vld [tilespmem:$0x1A70]  }
0x131: {  	v5 =	vadd.f32 v11, v5;
	v15 =	vadd.f32 v54, v15;
	v54 =	vld [tilespmem:$0x1AE0]  }
0x132: {  	v35 =	vld [tilespmem:$0x1C60];
	v1 =	vadd.f32 v37, v1;
	v14 =	vadd.f32 v25, v14  }
0x133: {  	v44 =	vld [tilespmem:$0x1DE0];
	v6 =	vadd.f32 v46, v6;
	v5 =	vadd.f32 v12, v5  }
0x134: {  	v50 =	vld [tilespmem:$0x1E50];
	v14 =	vadd.f32 v26, v14;
	v26 =	vadd.f32 $0.0e+00, v52  }
0x135: {  	v36 =	vld [tilespmem:$0x1C70];
	v5 =	vadd.f32 v5, v13;
	v13 =	vadd.f32 $0.0e+00, v53  }
0x136: {  	v45 =	vld [tilespmem:$0x1DF0];
	v1 =	vadd.f32 v38, v1;
	v26 =	vadd.f32 v54, v26  }
0x137: {  	v46 =	vld [tilespmem:$0x1E60];
	v6 =	vadd.f32 v47, v6;
	v13 =	vadd.f32 v61, v13  }
0x138: {  	v10 =	vld [tilespmem:$0x1ED0];
	v1 =	vadd.f32 v39, v1;
	v26 =	vadd.f32 v62, v26  }
0x139: {  	v38 =	vld [tilespmem:$0x1CE0];
	v6 =	vadd.f32 v48, v6;
	v37 =	vadd.f32 v63, v13  }
0x13a: {  	v39 =	vld [tilespmem:$0x1CF0];
	v1 =	vadd.f32 v40, v1;
	v19 =	vadd.f32 v33, v26  }
0x13b: {  	v40 =	vld [tilespmem:$0x1D60];
	v6 =	vadd.f32 v49, v6;
	v7 =	vadd.f32 v34, v37  }
0x13c: {  	v24 =	vld [tilespmem:$0x1F50];
	v1 =	vadd.f32 v1, v41;
	v19 =	vadd.f32 v35, v19  }
0x13d: {  	v47 =	vld [tilespmem:$0x1E70];
	v41 =	vadd.f32 v28, v29;
	v7 =	vadd.f32 v36, v7  }
0x13e: {  	v11 =	vld [tilespmem:$0x1FD0];
	v14 =	vadd.f32 v14, v27;
	v13 =	vadd.f32 v38, v19  }
0x13f: {  	v25 =	vld [tilespmem:$0x2050];
	v27 =	vadd.f32 v42, v41;
	v7 =	vadd.f32 v39, v7  }
0x140: {  	v48 =	vld [tilespmem:$0x1EE0];
	v15 =	vadd.f32 v15, v55;
	v13 =	vadd.f32 v40, v13  }
0x141: {  	v12 =	vld [tilespmem:$0x20E0];
	v2 =	vadd.f32 v2, v27;
	v7 =	vadd.f32 v43, v7  }
0x142: {  	v49 =	vld [tilespmem:$0x1EF0];
	v6 =	vadd.f32 v50, v6;
	v8 =	vadd.f32 v44, v13  }
0x143: {  	v50 =	vld [tilespmem:$0x1F60];
	v2 =	vadd.f32 v16, v2;
	v7 =	vadd.f32 v45, v7  }
0x144: {  	v52 =	vld [tilespmem:$0x1F70];
	v6 =	vadd.f32 v10, v6;
	v51 =	vadd.f32 v46, v8  }
0x145: {  	v53 =	vld [tilespmem:$0x1FE0];
	v2 =	vadd.f32 v3, v2;
	v7 =	vadd.f32 v47, v7  }
0x146: {  	v54 =	vld [tilespmem:$0x1FF0];
	v6 =	vadd.f32 v24, v6;
	v3 =	vadd.f32 v48, v51  }
0x147: {  	v55 =	vld [tilespmem:$0x2060];
	v2 =	vadd.f32 v17, v2;
	v7 =	vadd.f32 v49, v7  }
0x148: {  	v0 =	vld [tilespmem:$0x20D0];
	v6 =	vadd.f32 v11, v6;
	v3 =	vadd.f32 v50, v3  }
0x149: {  	v57 =	vld [tilespmem:$0x20F0];
	v2 =	vadd.f32 v4, v2;
	v7 =	vadd.f32 v52, v7  }
0x14a: {  	v58 =	vld [tilespmem:$0x2100];
	[tilespmem:$0x2090] =	vst v5;
	v6 =	vadd.f32 v25, v6;
	v3 =	vadd.f32 v53, v3  }
0x14b: {  	[tilespmem:$0x20A0] =	vst v14;
	v2 =	vadd.f32 v18, v2;
	v7 =	vadd.f32 v54, v7  }
0x14c: {  	[tilespmem:$0x20B0] =	vst v1;
	v60 =	vadd.f32 v6, v12;
	v59 =	vadd.f32 v55, v3  }
0x14d: {  	[tilespmem:$0x20C0] =	vst v15;
	v0 =	vadd.f32 v2, v0;
	v61 =	vadd.f32 v56, v7  }
0x14e: {  	[tilespmem:$0x20E0] =	vst v60;
	v62 =	vadd.f32 v59, v57  }
0x14f: {  	s18 =	sadd.s32 $0x1, s18;
	[tilespmem:$0x20D0] =	vst v0;
	v63 =	vadd.f32 v61, v58  }
0x150: {  	p0 =	sne.s32 s18, $0x4;
	s22 =	rddreg [dreg:$0x1];
	[tilespmem:$0x20F0] =	vst v62  }
.Ltmp1:
0x151: {  	s23 =	simm.s32 $0x0;
	s19 =	sadd.s32 s22, s19;
	[tilespmem:$0x2100] =	vst v63;
	(pc) =	sbr.rel @p0 .LBB2_2-.Ltmp1, $4  }
0x152: {  	[hbm4b:s19+s23] =	stream.linear.scatter [tilespmem:s14], [sflag:$0x2], $0x80, $0x38;
	[tilespmem:$0x2110] =	vst v63  }
0x153: {  	_ =	swait.ge [sflag:s11], $0x80  }
0x154: {  	[sflag:s11] =	ssyncset.done $0x0  }
0x155: {  	[sflag:s11] =	ssyncadd.s32 $0xFFFFFF80  }
0x156: {  	s19 =	rddreg [dreg:$0x5]  }
0x157: {  	s18 =	rddreg [dreg:$0x4];
	s19 =	sadd.s32 $0x1, s19  }
0x158: {  	p0 =	sne.s32 s19, s18  }
.Ltmp2:
0x159: {  	_ = 	snop;
	(pc) =	sbr.rel @p0 .LBB2_1-.Ltmp2, $1  }
0x15a: {  	_ =	sdelay $0x3  }
0x15b: {  	_ =	sfence.sel $0x180000  }
0x15c: {  	[bflag:$0x0] =	sbarrier.arrive $0xFFFF  }
0x15d: {  	_ =	strace $0x9000004A  }
0x15e: {  	s0 =	stileid.u32;
	[bflag:$0x2] =	sbarrier.arrive $0xFFFF  }
0x15f: {  	p0 =	sne.s32 s0, $0x0;
	s0 =	rddreg [dreg:$0x2]  }
0x160: {  	s0 =	sadd.s32 @!p0 $0x100000, s0  }
0x161: {  	[sflag:s0] =	ssyncadd.tile.s32 @!p0 $0x1;
	_ =	shalt  }
.Lfunc_end2:
_tile_overlayer_lowered:
.L_overlay_start_2:
0x162: {  	(tag) =	ssettag $0x2  }
0x163: {  	s0 =	rddreg [dreg:$0x0];
	s2 =	stileid.u32  }
0x164: {  	s1 =	rddreg [dreg:$0x1];
	p0 =	sne.s32 s2, $0x0  }
0x165: {  	s3 =	rddreg [dreg:$0x2];
	[bflag:$0x3] =	sbarrier.arrive $0xFFFF;
	s2 =	simm.s32 @!p0 $0x1C02  }
0x166: {  	[timem:s3], [sflag:s2] =	dma.local @!p0 [hbm:s0], s1  }
0x167: {  	s0 =	simm.s32 @!p0 $0x2  }
0x168: {  	_ =	swait.ge @!p0 [sflag:s0], s1  }
0x169: {  	s1 =	ssub.s32 @!p0 $0x0, s1;
	[sflag:s0] =	ssyncset.done @!p0 $0x0  }
0x16a: {  	[sflag:s0] =	ssyncadd.s32 @!p0 s1  }
0x16b: {  	[bflag:$0x3] =	sbarrier.arrive $0xFFFF  }
0x16c: {  	_ =	shalt  }

</sc_bundles>
